<compile_context>
chip_gen: v7x
topology: tpu7x:2x2x1
jax: 0.10.2.dev20260603
libtpu: 0.0.44.dev20260713+nightly
codegen_flags: <defaults>
</compile_context>

<pallas_src>
import functools

import jax
import jax.numpy as jnp
from jax import lax
from jax.experimental import pallas as pl
from jax.experimental.pallas import tpu as pltpu
from jax.experimental.pallas import tpu_sc as plsc

N_BATCH = 2048
N_REL = 3
DEG = 16
FEAT_DIM = 512
EMBED_DIM = 512

NC = 2
NS = 16
NW = NC * NS
ROWS_PER_NODE = N_REL * DEG
IDX_PER_CHUNK = ROWS_PER_NODE
LANES = 16
COLS = FEAT_DIM // LANES

_SC_MESH = plsc.VectorSubcoreMesh(
    core_axis_name="c", subcore_axis_name="s", num_cores=NC, num_subcores=NS
)


def _make_sc(n_batch):
    b_per_w = n_batch // NW
    chunks = b_per_w

    @functools.partial(
        pl.kernel,
        out_type=jax.ShapeDtypeStruct((n_batch, FEAT_DIM), jnp.float32),
        mesh=_SC_MESH,
        scratch_types=[
            pltpu.VMEM((b_per_w,), jnp.int32),
            pltpu.VMEM((chunks, IDX_PER_CHUNK), jnp.int32),
            pltpu.VMEM((IDX_PER_CHUNK, FEAT_DIM), jnp.float32),
            pltpu.VMEM((IDX_PER_CHUNK, FEAT_DIM), jnp.float32),
            pltpu.VMEM((IDX_PER_CHUNK, FEAT_DIM), jnp.float32),
            pltpu.VMEM((b_per_w, FEAT_DIM), jnp.float32),
            pltpu.SemaphoreType.DMA,
            pltpu.SemaphoreType.DMA,
            pltpu.SemaphoreType.DMA,
            pltpu.SemaphoreType.DMA,
        ],
    )
    def sc_gather_agg(
        feats_hbm, self_idx_hbm, idx_hbm, agg_hbm, sidx_v, idx_v,
        buf0, buf1, buf2, out_v, ssem, sem0, sem1, sem2
    ):
        wid = lax.axis_index("s") * NC + lax.axis_index("c")
        pltpu.sync_copy(self_idx_hbm.at[pl.ds(wid * b_per_w, b_per_w)], sidx_v)
        pltpu.sync_copy(idx_hbm.at[wid], idx_v)
        self_cp = pltpu.async_copy(feats_hbm.at[sidx_v], out_v, ssem)

        inv_deg = jnp.float32(1.0 / DEG)

        def _start(ci, buf, sem):
            pltpu.async_copy(feats_hbm.at[idx_v.at[ci]], buf, sem)

        def _wait(ci, buf, sem):
            pltpu.make_async_copy(feats_hbm.at[idx_v.at[ci]], buf, sem).wait()

        def _accum(node, buf):
            def acc_body(k, acc):
                return tuple(
                    acc[c] + buf[k, pl.ds(c * LANES, LANES)]
                    for c in range(COLS)
                )

            acc0 = tuple(
                jnp.zeros((LANES,), jnp.float32) for _ in range(COLS)
            )
            acc = lax.fori_loop(0, ROWS_PER_NODE, acc_body, acc0)
            for c in range(COLS):
                sl = pl.ds(c * LANES, LANES)
                out_v[node, sl] = out_v[node, sl] + acc[c] * inv_deg

        ring = ((buf1, sem1), (buf2, sem2), (buf0, sem0))

        _start(0, buf0, sem0)
        _start(1, buf1, sem1)
        _start(2, buf2, sem2)
        self_cp.wait()
        _wait(0, buf0, sem0)
        _accum(0, buf0)
        _start(3, buf0, sem0)

        def tri_body(i, _):
            c = 3 * i
            for off, (b, s) in enumerate(ring, start=1):
                ci = c + off
                _wait(ci, b, s)
                _accum(ci, b)

                @pl.when(ci + 3 < chunks)
                def _prefetch():
                    _start(ci + 3, b, s)

            return _

        ntri = (chunks - 1) // 3
        lax.fori_loop(0, ntri, tri_body, None)
        for r in range((chunks - 1) % 3):
            ci = 1 + 3 * ntri + r
            b, s = ring[r]
            _wait(ci, b, s)
            _accum(ci, b)
        pltpu.sync_copy(out_v, agg_hbm.at[pl.ds(wid * b_per_w, b_per_w)])

    return sc_gather_agg


def _mm_body(agg_ref, w_ref, o_ref):
    o_ref[...] = jnp.maximum(
        jnp.dot(
            agg_ref[...].astype(jnp.bfloat16),
            w_ref[...].astype(jnp.bfloat16),
            preferred_element_type=jnp.float32,
        )
        * 0.25,
        0.0,
    )


def _make_mm(n_batch, grid):
    return pl.pallas_call(
        _mm_body,
        out_shape=jax.ShapeDtypeStruct((n_batch, EMBED_DIM), jnp.float32),
        grid=(grid,),
        in_specs=[
            pl.BlockSpec((n_batch // grid, FEAT_DIM), lambda i: (i, 0)),
            pl.BlockSpec((FEAT_DIM, EMBED_DIM), lambda i: (0, 0)),
        ],
        out_specs=pl.BlockSpec((n_batch // grid, EMBED_DIM), lambda i: (i, 0)),
    )


_sc_full = _make_sc(N_BATCH)
_mm_full = _make_mm(N_BATCH, 2)


@jax.jit
def kernel(features, weight, nodes, neigh_idx):
    nodes = nodes.astype(jnp.int32)
    neigh_idx = neigh_idx.astype(jnp.int32)
    idx_all = neigh_idx.transpose(1, 0, 2).reshape(
        NW, N_BATCH // NW, IDX_PER_CHUNK
    )
    agg = _sc_full(features, nodes, idx_all)
    return _mm_full(agg, weight)

# --- scband reference (transcript-rebuilt; emitter-appended) ---
"""Pipeline reference for scband-gnninter-agg-43250320670865 (READ-ONLY COPY).

The authoritative reference and input builder live on the scoring server;
editing this copy changes nothing except your own understanding.
"""

import jax, jax.numpy as jnp
import numpy as np

N_TOTAL = 50000
N_BATCH = 2048
N_REL = 3
DEG = 16
FEAT_DIM = 512
EMBED_DIM = 512


def setup_inputs(seed: int = 0) -> dict:
    key = jax.random.key(seed)
    k1, k2, k3, k4 = jax.random.split(key, 4)
    features = jax.random.normal(k1, (N_TOTAL, FEAT_DIM), dtype=jnp.float32)
    nodes = jax.random.randint(k2, (N_BATCH,), 0, N_TOTAL, dtype=jnp.int64 if jax.config.jax_enable_x64 else jnp.int32)
    neigh_idx = jax.random.randint(k3, (N_REL, N_BATCH, DEG), 0, N_TOTAL, dtype=jnp.int64 if jax.config.jax_enable_x64 else jnp.int32)
    # xavier_uniform init for weight [feat_dim, embed_dim]
    bound = float(np.sqrt(6.0 / (FEAT_DIM + EMBED_DIM)))
    weight = jax.random.uniform(k4, (FEAT_DIM, EMBED_DIM), dtype=jnp.float32, minval=-bound, maxval=bound)
    return {"features": features, "weight": weight, "nodes": nodes, "neigh_idx": neigh_idx}


def reference(features, weight, nodes, neigh_idx):
    # Intra-relation aggregation: mean over sampled neighbors per relation
    # neigh_idx: [R, n, deg] -> gather features -> [R, n, deg, F]
    neigh_gathered = jnp.take(features, neigh_idx, axis=0)
    relation_feats = jnp.mean(neigh_gathered, axis=2)  # [R, n, F]
    n = nodes.shape[0]
    neigh_feats = relation_feats.reshape(N_REL * n, FEAT_DIM)  # cat over relations, dim=0
    # self features lookup
    self_feats = jnp.take(features, nodes, axis=0)  # [n, F]
    # mean_inter_agg (inter='GNN' -> 'Mean')
    center_h = self_feats @ weight            # [n, D]
    neigh_h = neigh_feats @ weight            # [R*n, D]
    aggregated = jnp.zeros((n, EMBED_DIM), dtype=jnp.float32)
    for r in range(N_REL):
        aggregated = aggregated + neigh_h[r * n:(r + 1) * n, :]
    combined = jax.nn.relu((center_h + aggregated) / 4.0)
    return combined

if __name__ == "__main__":
    import jax
    _d = setup_inputs()
    print(jax.jit(kernel)(*tuple(_d.values())))

</pallas_src>

<mosaic_0001>
#map = affine_map<(d0, d1) -> (0, 0)>
#map1 = affine_map<(d0, d1) -> (0)>
#map2 = affine_map<(d0, d1) -> (0, 0, 0)>
module attributes {stable_mosaic.version = 14 : i64} {
  func.func @sc_gather_agg(%arg0: i32, %arg1: i32, %arg2: memref<50000x512xf32, #tpu.memory_space<hbm>>, %arg3: memref<2048xi32, #tpu.memory_space<hbm>>, %arg4: memref<32x64x48xi32, #tpu.memory_space<hbm>>, %arg5: memref<2048x512xf32, #tpu.memory_space<hbm>>, %arg6: memref<64xi32, #tpu.memory_space<vmem>>, %arg7: memref<64x48xi32, #tpu.memory_space<vmem>>, %arg8: memref<48x512xf32, #tpu.memory_space<vmem>>, %arg9: memref<48x512xf32, #tpu.memory_space<vmem>>, %arg10: memref<48x512xf32, #tpu.memory_space<vmem>>, %arg11: memref<64x512xf32, #tpu.memory_space<vmem>>, %arg12: memref<!tpu.dma_semaphore, #tpu.memory_space<semaphore_mem>>, %arg13: memref<!tpu.dma_semaphore, #tpu.memory_space<semaphore_mem>>, %arg14: memref<!tpu.dma_semaphore, #tpu.memory_space<semaphore_mem>>, %arg15: memref<!tpu.dma_semaphore, #tpu.memory_space<semaphore_mem>>) attributes {dimension_semantics = [#tpu.dimension_semantics<core_parallel>, #tpu.dimension_semantics<subcore_parallel>], iteration_bounds = array<i64: 2, 16>, scalar_prefetch = 0 : i64, scratch_operands = 10 : i64, tpu.core_type = #tpu.core_type<sc_vector_subcore>, window_params = [{transform_indices = #map}, {transform_indices = #map1}, {transform_indices = #map2}, {transform_indices = #map}]} {
    %mul3A = arith.constant 2 : i32
    %mul3A_0 = arith.muli %arg1, %mul3A : i32
    %add3A = arith.addi %mul3A_0, %arg0 : i32
    %mul3A_1 = arith.constant 64 : i32
    %mul3A_2 = arith.muli %add3A, %mul3A_1 : i32
    "tpu.region"() ({
      %run_scoped3A = tpu.sem_alloc : memref<!tpu.dma_semaphore, #tpu.memory_space<semaphore_mem>>
      %dma_start3A_596 = tpu.memref_slice %arg3[%mul3A_2] : memref<2048xi32, #tpu.memory_space<hbm>> -> memref<64xi32, #tpu.memory_space<hbm>>
      %dma_start3A_597 = tpu.memref_slice %arg3[%mul3A_2] : memref<2048xi32, #tpu.memory_space<hbm>> -> memref<64xi32, #tpu.memory_space<hbm>>
      tpu.enqueue_dma source(%dma_start3A_597 : memref<64xi32, #tpu.memory_space<hbm>>) target(%arg6 : memref<64xi32, #tpu.memory_space<vmem>>) target_semaphore(%run_scoped3A : memref<!tpu.dma_semaphore, #tpu.memory_space<semaphore_mem>>)
      %dma_wait3A_598 = tpu.memref_slice %arg3[%mul3A_2] : memref<2048xi32, #tpu.memory_space<hbm>> -> memref<64xi32, #tpu.memory_space<hbm>>
      %dma_wait3A_599 = tpu.memref_slice %arg3[%mul3A_2] : memref<2048xi32, #tpu.memory_space<hbm>> -> memref<64xi32, #tpu.memory_space<hbm>>
      tpu.wait_dma2 semaphore(%run_scoped3A : memref<!tpu.dma_semaphore, #tpu.memory_space<semaphore_mem>>) src(%dma_wait3A_599 : memref<64xi32, #tpu.memory_space<hbm>>) dst(%arg6 : memref<64xi32, #tpu.memory_space<vmem>>)
      tpu.yield
    }) : () -> ()
    "tpu.region"() ({
      %run_scoped3A = tpu.sem_alloc : memref<!tpu.dma_semaphore, #tpu.memory_space<semaphore_mem>>
      %dma_start3A_596 = arith.constant 0 : i32
      %dma_start3A_597 = arith.constant 0 : i32
      %dma_start3A_598 = tpu.memref_slice %arg4[%add3A, %dma_start3A_596, %dma_start3A_597] : memref<32x64x48xi32, #tpu.memory_space<hbm>> -> memref<1x64x48xi32, #tpu.memory_space<hbm>>
      %dma_start3A_599 = tpu.memref_squeeze %dma_start3A_598 : memref<1x64x48xi32, #tpu.memory_space<hbm>> -> memref<64x48xi32, #tpu.memory_space<hbm>>
      %dma_start3A_600 = arith.constant 0 : i32
      %dma_start3A_601 = arith.constant 0 : i32
      %dma_start3A_602 = tpu.memref_slice %arg4[%add3A, %dma_start3A_600, %dma_start3A_601] : memref<32x64x48xi32, #tpu.memory_space<hbm>> -> memref<1x64x48xi32, #tpu.memory_space<hbm>>
      %dma_start3A_603 = tpu.memref_squeeze %dma_start3A_602 : memref<1x64x48xi32, #tpu.memory_space<hbm>> -> memref<64x48xi32, #tpu.memory_space<hbm>>
      tpu.enqueue_dma source(%dma_start3A_603 : memref<64x48xi32, #tpu.memory_space<hbm>>) target(%arg7 : memref<64x48xi32, #tpu.memory_space<vmem>>) target_semaphore(%run_scoped3A : memref<!tpu.dma_semaphore, #tpu.memory_space<semaphore_mem>>)
      %dma_wait3A_604 = arith.constant 0 : i32
      %dma_wait3A_605 = arith.constant 0 : i32
      %dma_wait3A_606 = tpu.memref_slice %arg4[%add3A, %dma_wait3A_604, %dma_wait3A_605] : memref<32x64x48xi32, #tpu.memory_space<hbm>> -> memref<1x64x48xi32, #tpu.memory_space<hbm>>
      %dma_wait3A_607 = tpu.memref_squeeze %dma_wait3A_606 : memref<1x64x48xi32, #tpu.memory_space<hbm>> -> memref<64x48xi32, #tpu.memory_space<hbm>>
      %dma_wait3A_608 = arith.constant 0 : i32
      %dma_wait3A_609 = arith.constant 0 : i32
      %dma_wait3A_610 = tpu.memref_slice %arg4[%add3A, %dma_wait3A_608, %dma_wait3A_609] : memref<32x64x48xi32, #tpu.memory_space<hbm>> -> memref<1x64x48xi32, #tpu.memory_space<hbm>>
      %dma_wait3A_611 = tpu.memref_squeeze %dma_wait3A_610 : memref<1x64x48xi32, #tpu.memory_space<hbm>> -> memref<64x48xi32, #tpu.memory_space<hbm>>
      tpu.wait_dma2 semaphore(%run_scoped3A : memref<!tpu.dma_semaphore, #tpu.memory_space<semaphore_mem>>) src(%dma_wait3A_611 : memref<64x48xi32, #tpu.memory_space<hbm>>) dst(%arg7 : memref<64x48xi32, #tpu.memory_space<vmem>>)
      tpu.yield
    }) : () -> ()
    %dma_start3A = arith.constant 0 : i32
    %dma_start3A_3 = arith.constant 0 : i32
    %dma_start3A_4 = tpu.memref_slice %arg2[%dma_start3A, %dma_start3A_3] : memref<50000x512xf32, #tpu.memory_space<hbm>> -> memref<50000x512xf32, #tpu.memory_space<hbm>>
    tpu.enqueue_indirect_dma source(%dma_start3A_4 : memref<50000x512xf32, #tpu.memory_space<hbm>>) target(%arg11 : memref<64x512xf32, #tpu.memory_space<vmem>>) offsets(%arg6 : memref<64xi32, #tpu.memory_space<vmem>>) semaphore(%arg12 : memref<!tpu.dma_semaphore, #tpu.memory_space<semaphore_mem>>)
    %dma_start3A_5 = arith.constant 0 : i32
    %dma_start3A_6 = arith.constant 0 : i32
    %dma_start3A_7 = tpu.memref_slice %arg7[%dma_start3A_5, %dma_start3A_6] : memref<64x48xi32, #tpu.memory_space<vmem>> -> memref<1x48xi32, #tpu.memory_space<vmem>>
    %dma_start3A_8 = tpu.memref_squeeze %dma_start3A_7 : memref<1x48xi32, #tpu.memory_space<vmem>> -> memref<48xi32, #tpu.memory_space<vmem>>
    %dma_start3A_9 = arith.constant 0 : i32
    %dma_start3A_10 = arith.constant 0 : i32
    %dma_start3A_11 = tpu.memref_slice %arg2[%dma_start3A_9, %dma_start3A_10] : memref<50000x512xf32, #tpu.memory_space<hbm>> -> memref<50000x512xf32, #tpu.memory_space<hbm>>
    tpu.enqueue_indirect_dma source(%dma_start3A_11 : memref<50000x512xf32, #tpu.memory_space<hbm>>) target(%arg8 : memref<48x512xf32, #tpu.memory_space<vmem>>) offsets(%dma_start3A_8 : memref<48xi32, #tpu.memory_space<vmem>>) semaphore(%arg13 : memref<!tpu.dma_semaphore, #tpu.memory_space<semaphore_mem>>)
    %dma_start3A_12 = arith.constant 1 : i32
    %dma_start3A_13 = arith.constant 0 : i32
    %dma_start3A_14 = tpu.memref_slice %arg7[%dma_start3A_12, %dma_start3A_13] : memref<64x48xi32, #tpu.memory_space<vmem>> -> memref<1x48xi32, #tpu.memory_space<vmem>>
    %dma_start3A_15 = tpu.memref_squeeze %dma_start3A_14 : memref<1x48xi32, #tpu.memory_space<vmem>> -> memref<48xi32, #tpu.memory_space<vmem>>
    %dma_start3A_16 = arith.constant 0 : i32
    %dma_start3A_17 = arith.constant 0 : i32
    %dma_start3A_18 = tpu.memref_slice %arg2[%dma_start3A_16, %dma_start3A_17] : memref<50000x512xf32, #tpu.memory_space<hbm>> -> memref<50000x512xf32, #tpu.memory_space<hbm>>
    tpu.enqueue_indirect_dma source(%dma_start3A_18 : memref<50000x512xf32, #tpu.memory_space<hbm>>) target(%arg9 : memref<48x512xf32, #tpu.memory_space<vmem>>) offsets(%dma_start3A_15 : memref<48xi32, #tpu.memory_space<vmem>>) semaphore(%arg14 : memref<!tpu.dma_semaphore, #tpu.memory_space<semaphore_mem>>)
    %dma_start3A_19 = arith.constant 2 : i32
    %dma_start3A_20 = arith.constant 0 : i32
    %dma_start3A_21 = tpu.memref_slice %arg7[%dma_start3A_19, %dma_start3A_20] : memref<64x48xi32, #tpu.memory_space<vmem>> -> memref<1x48xi32, #tpu.memory_space<vmem>>
    %dma_start3A_22 = tpu.memref_squeeze %dma_start3A_21 : memref<1x48xi32, #tpu.memory_space<vmem>> -> memref<48xi32, #tpu.memory_space<vmem>>
    %dma_start3A_23 = arith.constant 0 : i32
    %dma_start3A_24 = arith.constant 0 : i32
    %dma_start3A_25 = tpu.memref_slice %arg2[%dma_start3A_23, %dma_start3A_24] : memref<50000x512xf32, #tpu.memory_space<hbm>> -> memref<50000x512xf32, #tpu.memory_space<hbm>>
    tpu.enqueue_indirect_dma source(%dma_start3A_25 : memref<50000x512xf32, #tpu.memory_space<hbm>>) target(%arg10 : memref<48x512xf32, #tpu.memory_space<vmem>>) offsets(%dma_start3A_22 : memref<48xi32, #tpu.memory_space<vmem>>) semaphore(%arg15 : memref<!tpu.dma_semaphore, #tpu.memory_space<semaphore_mem>>)
    %dma_wait3A = arith.constant 0 : i32
    %dma_wait3A_26 = arith.constant 0 : i32
    %dma_wait3A_27 = tpu.memref_slice %arg2[%dma_wait3A, %dma_wait3A_26] : memref<50000x512xf32, #tpu.memory_space<hbm>> -> memref<50000x512xf32, #tpu.memory_space<hbm>>
    tpu.wait_indirect_dma semaphore(%arg12 : memref<!tpu.dma_semaphore, #tpu.memory_space<semaphore_mem>>) src(%dma_wait3A_27 : memref<50000x512xf32, #tpu.memory_space<hbm>>) dst(%arg11 : memref<64x512xf32, #tpu.memory_space<vmem>>)
    %dma_wait3A_28 = arith.constant 0 : i32
    %dma_wait3A_29 = arith.constant 0 : i32
    %dma_wait3A_30 = tpu.memref_slice %arg7[%dma_wait3A_28, %dma_wait3A_29] : memref<64x48xi32, #tpu.memory_space<vmem>> -> memref<1x48xi32, #tpu.memory_space<vmem>>
    %dma_wait3A_31 = tpu.memref_squeeze %dma_wait3A_30 : memref<1x48xi32, #tpu.memory_space<vmem>> -> memref<48xi32, #tpu.memory_space<vmem>>
    %dma_wait3A_32 = arith.constant 0 : i32
    %dma_wait3A_33 = arith.constant 0 : i32
    %dma_wait3A_34 = tpu.memref_slice %arg2[%dma_wait3A_32, %dma_wait3A_33] : memref<50000x512xf32, #tpu.memory_space<hbm>> -> memref<50000x512xf32, #tpu.memory_space<hbm>>
    tpu.wait_indirect_dma semaphore(%arg13 : memref<!tpu.dma_semaphore, #tpu.memory_space<semaphore_mem>>) src(%dma_wait3A_34 : memref<50000x512xf32, #tpu.memory_space<hbm>>) dst(%arg8 : memref<48x512xf32, #tpu.memory_space<vmem>>)
    %broadcast_in_dim3A = arith.constant 0.000000e+00 : f32
    %broadcast_in_dim3A_35 = vector.broadcast %broadcast_in_dim3A : f32 to vector<16xf32>
    %broadcast_in_dim3A_36 = arith.constant 0.000000e+00 : f32
    %broadcast_in_dim3A_37 = vector.broadcast %broadcast_in_dim3A_36 : f32 to vector<16xf32>
    %broadcast_in_dim3A_38 = arith.constant 0.000000e+00 : f32
    %broadcast_in_dim3A_39 = vector.broadcast %broadcast_in_dim3A_38 : f32 to vector<16xf32>
    %broadcast_in_dim3A_40 = arith.constant 0.000000e+00 : f32
    %broadcast_in_dim3A_41 = vector.broadcast %broadcast_in_dim3A_40 : f32 to vector<16xf32>
    %broadcast_in_dim3A_42 = arith.constant 0.000000e+00 : f32
    %broadcast_in_dim3A_43 = vector.broadcast %broadcast_in_dim3A_42 : f32 to vector<16xf32>
    %broadcast_in_dim3A_44 = arith.constant 0.000000e+00 : f32
    %broadcast_in_dim3A_45 = vector.broadcast %broadcast_in_dim3A_44 : f32 to vector<16xf32>
    %broadcast_in_dim3A_46 = arith.constant 0.000000e+00 : f32
    %broadcast_in_dim3A_47 = vector.broadcast %broadcast_in_dim3A_46 : f32 to vector<16xf32>
    %broadcast_in_dim3A_48 = arith.constant 0.000000e+00 : f32
    %broadcast_in_dim3A_49 = vector.broadcast %broadcast_in_dim3A_48 : f32 to vector<16xf32>
    %broadcast_in_dim3A_50 = arith.constant 0.000000e+00 : f32
    %broadcast_in_dim3A_51 = vector.broadcast %broadcast_in_dim3A_50 : f32 to vector<16xf32>
    %broadcast_in_dim3A_52 = arith.constant 0.000000e+00 : f32
    %broadcast_in_dim3A_53 = vector.broadcast %broadcast_in_dim3A_52 : f32 to vector<16xf32>
    %broadcast_in_dim3A_54 = arith.constant 0.000000e+00 : f32
    %broadcast_in_dim3A_55 = vector.broadcast %broadcast_in_dim3A_54 : f32 to vector<16xf32>
    %broadcast_in_dim3A_56 = arith.constant 0.000000e+00 : f32
    %broadcast_in_dim3A_57 = vector.broadcast %broadcast_in_dim3A_56 : f32 to vector<16xf32>
    %broadcast_in_dim3A_58 = arith.constant 0.000000e+00 : f32
    %broadcast_in_dim3A_59 = vector.broadcast %broadcast_in_dim3A_58 : f32 to vector<16xf32>
    %broadcast_in_dim3A_60 = arith.constant 0.000000e+00 : f32
    %broadcast_in_dim3A_61 = vector.broadcast %broadcast_in_dim3A_60 : f32 to vector<16xf32>
    %broadcast_in_dim3A_62 = arith.constant 0.000000e+00 : f32
    %broadcast_in_dim3A_63 = vector.broadcast %broadcast_in_dim3A_62 : f32 to vector<16xf32>
    %broadcast_in_dim3A_64 = arith.constant 0.000000e+00 : f32
    %broadcast_in_dim3A_65 = vector.broadcast %broadcast_in_dim3A_64 : f32 to vector<16xf32>
    %broadcast_in_dim3A_66 = arith.constant 0.000000e+00 : f32
    %broadcast_in_dim3A_67 = vector.broadcast %broadcast_in_dim3A_66 : f32 to vector<16xf32>
    %broadcast_in_dim3A_68 = arith.constant 0.000000e+00 : f32
    %broadcast_in_dim3A_69 = vector.broadcast %broadcast_in_dim3A_68 : f32 to vector<16xf32>
    %broadcast_in_dim3A_70 = arith.constant 0.000000e+00 : f32
    %broadcast_in_dim3A_71 = vector.broadcast %broadcast_in_dim3A_70 : f32 to vector<16xf32>
    %broadcast_in_dim3A_72 = arith.constant 0.000000e+00 : f32
    %broadcast_in_dim3A_73 = vector.broadcast %broadcast_in_dim3A_72 : f32 to vector<16xf32>
    %broadcast_in_dim3A_74 = arith.constant 0.000000e+00 : f32
    %broadcast_in_dim3A_75 = vector.broadcast %broadcast_in_dim3A_74 : f32 to vector<16xf32>
    %broadcast_in_dim3A_76 = arith.constant 0.000000e+00 : f32
    %broadcast_in_dim3A_77 = vector.broadcast %broadcast_in_dim3A_76 : f32 to vector<16xf32>
    %broadcast_in_dim3A_78 = arith.constant 0.000000e+00 : f32
    %broadcast_in_dim3A_79 = vector.broadcast %broadcast_in_dim3A_78 : f32 to vector<16xf32>
    %broadcast_in_dim3A_80 = arith.constant 0.000000e+00 : f32
    %broadcast_in_dim3A_81 = vector.broadcast %broadcast_in_dim3A_80 : f32 to vector<16xf32>
    %broadcast_in_dim3A_82 = arith.constant 0.000000e+00 : f32
    %broadcast_in_dim3A_83 = vector.broadcast %broadcast_in_dim3A_82 : f32 to vector<16xf32>
    %broadcast_in_dim3A_84 = arith.constant 0.000000e+00 : f32
    %broadcast_in_dim3A_85 = vector.broadcast %broadcast_in_dim3A_84 : f32 to vector<16xf32>
    %broadcast_in_dim3A_86 = arith.constant 0.000000e+00 : f32
    %broadcast_in_dim3A_87 = vector.broadcast %broadcast_in_dim3A_86 : f32 to vector<16xf32>
    %broadcast_in_dim3A_88 = arith.constant 0.000000e+00 : f32
    %broadcast_in_dim3A_89 = vector.broadcast %broadcast_in_dim3A_88 : f32 to vector<16xf32>
    %broadcast_in_dim3A_90 = arith.constant 0.000000e+00 : f32
    %broadcast_in_dim3A_91 = vector.broadcast %broadcast_in_dim3A_90 : f32 to vector<16xf32>
    %broadcast_in_dim3A_92 = arith.constant 0.000000e+00 : f32
    %broadcast_in_dim3A_93 = vector.broadcast %broadcast_in_dim3A_92 : f32 to vector<16xf32>
    %broadcast_in_dim3A_94 = arith.constant 0.000000e+00 : f32
    %broadcast_in_dim3A_95 = vector.broadcast %broadcast_in_dim3A_94 : f32 to vector<16xf32>
    %broadcast_in_dim3A_96 = arith.constant 0.000000e+00 : f32
    %broadcast_in_dim3A_97 = vector.broadcast %broadcast_in_dim3A_96 : f32 to vector<16xf32>
    %scan3A = arith.constant 0 : i32
    %scan3A_98 = arith.constant 48 : i32
    %scan3A_99 = arith.addi %scan3A, %scan3A_98 : i32
    %scan3A_100 = arith.constant 1 : i32
    %scan3A_101:32 = scf.for %scan3A_596 = %scan3A to %scan3A_99 step %scan3A_100 iter_args(%scan3A_597 = %broadcast_in_dim3A_35, %scan3A_598 = %broadcast_in_dim3A_37, %scan3A_599 = %broadcast_in_dim3A_39, %scan3A_600 = %broadcast_in_dim3A_41, %scan3A_601 = %broadcast_in_dim3A_43, %scan3A_602 = %broadcast_in_dim3A_45, %scan3A_603 = %broadcast_in_dim3A_47, %scan3A_604 = %broadcast_in_dim3A_49, %scan3A_605 = %broadcast_in_dim3A_51, %scan3A_606 = %broadcast_in_dim3A_53, %scan3A_607 = %broadcast_in_dim3A_55, %scan3A_608 = %broadcast_in_dim3A_57, %scan3A_609 = %broadcast_in_dim3A_59, %scan3A_610 = %broadcast_in_dim3A_61, %scan3A_611 = %broadcast_in_dim3A_63, %scan3A_612 = %broadcast_in_dim3A_65, %scan3A_613 = %broadcast_in_dim3A_67, %scan3A_614 = %broadcast_in_dim3A_69, %scan3A_615 = %broadcast_in_dim3A_71, %scan3A_616 = %broadcast_in_dim3A_73, %scan3A_617 = %broadcast_in_dim3A_75, %scan3A_618 = %broadcast_in_dim3A_77, %scan3A_619 = %broadcast_in_dim3A_79, %scan3A_620 = %broadcast_in_dim3A_81, %scan3A_621 = %broadcast_in_dim3A_83, %scan3A_622 = %broadcast_in_dim3A_85, %scan3A_623 = %broadcast_in_dim3A_87, %scan3A_624 = %broadcast_in_dim3A_89, %scan3A_625 = %broadcast_in_dim3A_91, %scan3A_626 = %broadcast_in_dim3A_93, %scan3A_627 = %broadcast_in_dim3A_95, %scan3A_628 = %broadcast_in_dim3A_97) -> (vector<16xf32>, vector<16xf32>, vector<16xf32>, vector<16xf32>, vector<16xf32>, vector<16xf32>, vector<16xf32>, vector<16xf32>, vector<16xf32>, vector<16xf32>, vector<16xf32>, vector<16xf32>, vector<16xf32>, vector<16xf32>, vector<16xf32>, vector<16xf32>, vector<16xf32>, vector<16xf32>, vector<16xf32>, vector<16xf32>, vector<16xf32>, vector<16xf32>, vector<16xf32>, vector<16xf32>, vector<16xf32>, vector<16xf32>, vector<16xf32>, vector<16xf32>, vector<16xf32>, vector<16xf32>, vector<16xf32>, vector<16xf32>)  : i32 {
      %get3A_629 = arith.index_cast %scan3A_596 : i32 to index
      %get3A_630 = arith.constant 0 : index
      %get3A_631 = tpu.vector_load %arg8[%get3A_629, %get3A_630] {strides = array<i32>} : memref<48x512xf32, #tpu.memory_space<vmem>>, vector<1x16xf32>,
      %get3A_632 = vector.shape_cast %get3A_631 : vector<1x16xf32> to vector<16xf32>
      %add3A_633 = arith.addf %scan3A_597, %get3A_632 : vector<16xf32>
      %get3A_634 = arith.index_cast %scan3A_596 : i32 to index
      %get3A_635 = arith.constant 16 : index
      %get3A_636 = tpu.vector_load %arg8[%get3A_634, %get3A_635] {strides = array<i32>} : memref<48x512xf32, #tpu.memory_space<vmem>>, vector<1x16xf32>,
      %get3A_637 = vector.shape_cast %get3A_636 : vector<1x16xf32> to vector<16xf32>
      %add3A_638 = arith.addf %scan3A_598, %get3A_637 : vector<16xf32>
      %get3A_639 = arith.index_cast %scan3A_596 : i32 to index
      %get3A_640 = arith.constant 32 : index
      %get3A_641 = tpu.vector_load %arg8[%get3A_639, %get3A_640] {strides = array<i32>} : memref<48x512xf32, #tpu.memory_space<vmem>>, vector<1x16xf32>,
      %get3A_642 = vector.shape_cast %get3A_641 : vector<1x16xf32> to vector<16xf32>
      %add3A_643 = arith.addf %scan3A_599, %get3A_642 : vector<16xf32>
      %get3A_644 = arith.index_cast %scan3A_596 : i32 to index
      %get3A_645 = arith.constant 48 : index
      %get3A_646 = tpu.vector_load %arg8[%get3A_644, %get3A_645] {strides = array<i32>} : memref<48x512xf32, #tpu.memory_space<vmem>>, vector<1x16xf32>,
      %get3A_647 = vector.shape_cast %get3A_646 : vector<1x16xf32> to vector<16xf32>
      %add3A_648 = arith.addf %scan3A_600, %get3A_647 : vector<16xf32>
      %get3A_649 = arith.index_cast %scan3A_596 : i32 to index
      %get3A_650 = arith.constant 64 : index
      %get3A_651 = tpu.vector_load %arg8[%get3A_649, %get3A_650] {strides = array<i32>} : memref<48x512xf32, #tpu.memory_space<vmem>>, vector<1x16xf32>,
      %get3A_652 = vector.shape_cast %get3A_651 : vector<1x16xf32> to vector<16xf32>
      %add3A_653 = arith.addf %scan3A_601, %get3A_652 : vector<16xf32>
      %get3A_654 = arith.index_cast %scan3A_596 : i32 to index
      %get3A_655 = arith.constant 80 : index
      %get3A_656 = tpu.vector_load %arg8[%get3A_654, %get3A_655] {strides = array<i32>} : memref<48x512xf32, #tpu.memory_space<vmem>>, vector<1x16xf32>,
      %get3A_657 = vector.shape_cast %get3A_656 : vector<1x16xf32> to vector<16xf32>
      %add3A_658 = arith.addf %scan3A_602, %get3A_657 : vector<16xf32>
      %get3A_659 = arith.index_cast %scan3A_596 : i32 to index
      %get3A_660 = arith.constant 96 : index
      %get3A_661 = tpu.vector_load %arg8[%get3A_659, %get3A_660] {strides = array<i32>} : memref<48x512xf32, #tpu.memory_space<vmem>>, vector<1x16xf32>,
      %get3A_662 = vector.shape_cast %get3A_661 : vector<1x16xf32> to vector<16xf32>
      %add3A_663 = arith.addf %scan3A_603, %get3A_662 : vector<16xf32>
      %get3A_664 = arith.index_cast %scan3A_596 : i32 to index
      %get3A_665 = arith.constant 112 : index
      %get3A_666 = tpu.vector_load %arg8[%get3A_664, %get3A_665] {strides = array<i32>} : memref<48x512xf32, #tpu.memory_space<vmem>>, vector<1x16xf32>,
      %get3A_667 = vector.shape_cast %get3A_666 : vector<1x16xf32> to vector<16xf32>
      %add3A_668 = arith.addf %scan3A_604, %get3A_667 : vector<16xf32>
      %get3A_669 = arith.index_cast %scan3A_596 : i32 to index
      %get3A_670 = arith.constant 128 : index
      %get3A_671 = tpu.vector_load %arg8[%get3A_669, %get3A_670] {strides = array<i32>} : memref<48x512xf32, #tpu.memory_space<vmem>>, vector<1x16xf32>,
      %get3A_672 = vector.shape_cast %get3A_671 : vector<1x16xf32> to vector<16xf32>
      %add3A_673 = arith.addf %scan3A_605, %get3A_672 : vector<16xf32>
      %get3A_674 = arith.index_cast %scan3A_596 : i32 to index
      %get3A_675 = arith.constant 144 : index
      %get3A_676 = tpu.vector_load %arg8[%get3A_674, %get3A_675] {strides = array<i32>} : memref<48x512xf32, #tpu.memory_space<vmem>>, vector<1x16xf32>,
      %get3A_677 = vector.shape_cast %get3A_676 : vector<1x16xf32> to vector<16xf32>
      %add3A_678 = arith.addf %scan3A_606, %get3A_677 : vector<16xf32>
      %get3A_679 = arith.index_cast %scan3A_596 : i32 to index
      %get3A_680 = arith.constant 160 : index
      %get3A_681 = tpu.vector_load %arg8[%get3A_679, %get3A_680] {strides = array<i32>} : memref<48x512xf32, #tpu.memory_space<vmem>>, vector<1x16xf32>,
      %get3A_682 = vector.shape_cast %get3A_681 : vector<1x16xf32> to vector<16xf32>
      %add3A_683 = arith.addf %scan3A_607, %get3A_682 : vector<16xf32>
      %get3A_684 = arith.index_cast %scan3A_596 : i32 to index
      %get3A_685 = arith.constant 176 : index
      %get3A_686 = tpu.vector_load %arg8[%get3A_684, %get3A_685] {strides = array<i32>} : memref<48x512xf32, #tpu.memory_space<vmem>>, vector<1x16xf32>,
      %get3A_687 = vector.shape_cast %get3A_686 : vector<1x16xf32> to vector<16xf32>
      %add3A_688 = arith.addf %scan3A_608, %get3A_687 : vector<16xf32>
      %get3A_689 = arith.index_cast %scan3A_596 : i32 to index
      %get3A_690 = arith.constant 192 : index
      %get3A_691 = tpu.vector_load %arg8[%get3A_689, %get3A_690] {strides = array<i32>} : memref<48x512xf32, #tpu.memory_space<vmem>>, vector<1x16xf32>,
      %get3A_692 = vector.shape_cast %get3A_691 : vector<1x16xf32> to vector<16xf32>
      %add3A_693 = arith.addf %scan3A_609, %get3A_692 : vector<16xf32>
      %get3A_694 = arith.index_cast %scan3A_596 : i32 to index
      %get3A_695 = arith.constant 208 : index
      %get3A_696 = tpu.vector_load %arg8[%get3A_694, %get3A_695] {strides = array<i32>} : memref<48x512xf32, #tpu.memory_space<vmem>>, vector<1x16xf32>,
      %get3A_697 = vector.shape_cast %get3A_696 : vector<1x16xf32> to vector<16xf32>
      %add3A_698 = arith.addf %scan3A_610, %get3A_697 : vector<16xf32>
      %get3A_699 = arith.index_cast %scan3A_596 : i32 to index
      %get3A_700 = arith.constant 224 : index
      %get3A_701 = tpu.vector_load %arg8[%get3A_699, %get3A_700] {strides = array<i32>} : memref<48x512xf32, #tpu.memory_space<vmem>>, vector<1x16xf32>,
      %get3A_702 = vector.shape_cast %get3A_701 : vector<1x16xf32> to vector<16xf32>
      %add3A_703 = arith.addf %scan3A_611, %get3A_702 : vector<16xf32>
      %get3A_704 = arith.index_cast %scan3A_596 : i32 to index
      %get3A_705 = arith.constant 240 : index
      %get3A_706 = tpu.vector_load %arg8[%get3A_704, %get3A_705] {strides = array<i32>} : memref<48x512xf32, #tpu.memory_space<vmem>>, vector<1x16xf32>,
      %get3A_707 = vector.shape_cast %get3A_706 : vector<1x16xf32> to vector<16xf32>
      %add3A_708 = arith.addf %scan3A_612, %get3A_707 : vector<16xf32>
      %get3A_709 = arith.index_cast %scan3A_596 : i32 to index
      %get3A_710 = arith.constant 256 : index
      %get3A_711 = tpu.vector_load %arg8[%get3A_709, %get3A_710] {strides = array<i32>} : memref<48x512xf32, #tpu.memory_space<vmem>>, vector<1x16xf32>,
      %get3A_712 = vector.shape_cast %get3A_711 : vector<1x16xf32> to vector<16xf32>
      %add3A_713 = arith.addf %scan3A_613, %get3A_712 : vector<16xf32>
      %get3A_714 = arith.index_cast %scan3A_596 : i32 to index
      %get3A_715 = arith.constant 272 : index
      %get3A_716 = tpu.vector_load %arg8[%get3A_714, %get3A_715] {strides = array<i32>} : memref<48x512xf32, #tpu.memory_space<vmem>>, vector<1x16xf32>,
      %get3A_717 = vector.shape_cast %get3A_716 : vector<1x16xf32> to vector<16xf32>
      %add3A_718 = arith.addf %scan3A_614, %get3A_717 : vector<16xf32>
      %get3A_719 = arith.index_cast %scan3A_596 : i32 to index
      %get3A_720 = arith.constant 288 : index
      %get3A_721 = tpu.vector_load %arg8[%get3A_719, %get3A_720] {strides = array<i32>} : memref<48x512xf32, #tpu.memory_space<vmem>>, vector<1x16xf32>,
      %get3A_722 = vector.shape_cast %get3A_721 : vector<1x16xf32> to vector<16xf32>
      %add3A_723 = arith.addf %scan3A_615, %get3A_722 : vector<16xf32>
      %get3A_724 = arith.index_cast %scan3A_596 : i32 to index
      %get3A_725 = arith.constant 304 : index
      %get3A_726 = tpu.vector_load %arg8[%get3A_724, %get3A_725] {strides = array<i32>} : memref<48x512xf32, #tpu.memory_space<vmem>>, vector<1x16xf32>,
      %get3A_727 = vector.shape_cast %get3A_726 : vector<1x16xf32> to vector<16xf32>
      %add3A_728 = arith.addf %scan3A_616, %get3A_727 : vector<16xf32>
      %get3A_729 = arith.index_cast %scan3A_596 : i32 to index
      %get3A_730 = arith.constant 320 : index
      %get3A_731 = tpu.vector_load %arg8[%get3A_729, %get3A_730] {strides = array<i32>} : memref<48x512xf32, #tpu.memory_space<vmem>>, vector<1x16xf32>,
      %get3A_732 = vector.shape_cast %get3A_731 : vector<1x16xf32> to vector<16xf32>
      %add3A_733 = arith.addf %scan3A_617, %get3A_732 : vector<16xf32>
      %get3A_734 = arith.index_cast %scan3A_596 : i32 to index
      %get3A_735 = arith.constant 336 : index
      %get3A_736 = tpu.vector_load %arg8[%get3A_734, %get3A_735] {strides = array<i32>} : memref<48x512xf32, #tpu.memory_space<vmem>>, vector<1x16xf32>,
      %get3A_737 = vector.shape_cast %get3A_736 : vector<1x16xf32> to vector<16xf32>
      %add3A_738 = arith.addf %scan3A_618, %get3A_737 : vector<16xf32>
      %get3A_739 = arith.index_cast %scan3A_596 : i32 to index
      %get3A_740 = arith.constant 352 : index
      %get3A_741 = tpu.vector_load %arg8[%get3A_739, %get3A_740] {strides = array<i32>} : memref<48x512xf32, #tpu.memory_space<vmem>>, vector<1x16xf32>,
      %get3A_742 = vector.shape_cast %get3A_741 : vector<1x16xf32> to vector<16xf32>
      %add3A_743 = arith.addf %scan3A_619, %get3A_742 : vector<16xf32>
      %get3A_744 = arith.index_cast %scan3A_596 : i32 to index
      %get3A_745 = arith.constant 368 : index
      %get3A_746 = tpu.vector_load %arg8[%get3A_744, %get3A_745] {strides = array<i32>} : memref<48x512xf32, #tpu.memory_space<vmem>>, vector<1x16xf32>,
      %get3A_747 = vector.shape_cast %get3A_746 : vector<1x16xf32> to vector<16xf32>
      %add3A_748 = arith.addf %scan3A_620, %get3A_747 : vector<16xf32>
      %get3A_749 = arith.index_cast %scan3A_596 : i32 to index
      %get3A_750 = arith.constant 384 : index
      %get3A_751 = tpu.vector_load %arg8[%get3A_749, %get3A_750] {strides = array<i32>} : memref<48x512xf32, #tpu.memory_space<vmem>>, vector<1x16xf32>,
      %get3A_752 = vector.shape_cast %get3A_751 : vector<1x16xf32> to vector<16xf32>
      %add3A_753 = arith.addf %scan3A_621, %get3A_752 : vector<16xf32>
      %get3A_754 = arith.index_cast %scan3A_596 : i32 to index
      %get3A_755 = arith.constant 400 : index
      %get3A_756 = tpu.vector_load %arg8[%get3A_754, %get3A_755] {strides = array<i32>} : memref<48x512xf32, #tpu.memory_space<vmem>>, vector<1x16xf32>,
      %get3A_757 = vector.shape_cast %get3A_756 : vector<1x16xf32> to vector<16xf32>
      %add3A_758 = arith.addf %scan3A_622, %get3A_757 : vector<16xf32>
      %get3A_759 = arith.index_cast %scan3A_596 : i32 to index
      %get3A_760 = arith.constant 416 : index
      %get3A_761 = tpu.vector_load %arg8[%get3A_759, %get3A_760] {strides = array<i32>} : memref<48x512xf32, #tpu.memory_space<vmem>>, vector<1x16xf32>,
      %get3A_762 = vector.shape_cast %get3A_761 : vector<1x16xf32> to vector<16xf32>
      %add3A_763 = arith.addf %scan3A_623, %get3A_762 : vector<16xf32>
      %get3A_764 = arith.index_cast %scan3A_596 : i32 to index
      %get3A_765 = arith.constant 432 : index
      %get3A_766 = tpu.vector_load %arg8[%get3A_764, %get3A_765] {strides = array<i32>} : memref<48x512xf32, #tpu.memory_space<vmem>>, vector<1x16xf32>,
      %get3A_767 = vector.shape_cast %get3A_766 : vector<1x16xf32> to vector<16xf32>
      %add3A_768 = arith.addf %scan3A_624, %get3A_767 : vector<16xf32>
      %get3A_769 = arith.index_cast %scan3A_596 : i32 to index
      %get3A_770 = arith.constant 448 : index
      %get3A_771 = tpu.vector_load %arg8[%get3A_769, %get3A_770] {strides = array<i32>} : memref<48x512xf32, #tpu.memory_space<vmem>>, vector<1x16xf32>,
      %get3A_772 = vector.shape_cast %get3A_771 : vector<1x16xf32> to vector<16xf32>
      %add3A_773 = arith.addf %scan3A_625, %get3A_772 : vector<16xf32>
      %get3A_774 = arith.index_cast %scan3A_596 : i32 to index
      %get3A_775 = arith.constant 464 : index
      %get3A_776 = tpu.vector_load %arg8[%get3A_774, %get3A_775] {strides = array<i32>} : memref<48x512xf32, #tpu.memory_space<vmem>>, vector<1x16xf32>,
      %get3A_777 = vector.shape_cast %get3A_776 : vector<1x16xf32> to vector<16xf32>
      %add3A_778 = arith.addf %scan3A_626, %get3A_777 : vector<16xf32>
      %get3A_779 = arith.index_cast %scan3A_596 : i32 to index
      %get3A_780 = arith.constant 480 : index
      %get3A_781 = tpu.vector_load %arg8[%get3A_779, %get3A_780] {strides = array<i32>} : memref<48x512xf32, #tpu.memory_space<vmem>>, vector<1x16xf32>,
      %get3A_782 = vector.shape_cast %get3A_781 : vector<1x16xf32> to vector<16xf32>
      %add3A_783 = arith.addf %scan3A_627, %get3A_782 : vector<16xf32>
      %get3A_784 = arith.index_cast %scan3A_596 : i32 to index
      %get3A_785 = arith.constant 496 : index
      %get3A_786 = tpu.vector_load %arg8[%get3A_784, %get3A_785] {strides = array<i32>} : memref<48x512xf32, #tpu.memory_space<vmem>>, vector<1x16xf32>,
      %get3A_787 = vector.shape_cast %get3A_786 : vector<1x16xf32> to vector<16xf32>
      %add3A_788 = arith.addf %scan3A_628, %get3A_787 : vector<16xf32>
      scf.yield %add3A_633, %add3A_638, %add3A_643, %add3A_648, %add3A_653, %add3A_658, %add3A_663, %add3A_668, %add3A_673, %add3A_678, %add3A_683, %add3A_688, %add3A_693, %add3A_698, %add3A_703, %add3A_708, %add3A_713, %add3A_718, %add3A_723, %add3A_728, %add3A_733, %add3A_738, %add3A_743, %add3A_748, %add3A_753, %add3A_758, %add3A_763, %add3A_768, %add3A_773, %add3A_778, %add3A_783, %add3A_788 : vector<16xf32>, vector<16xf32>, vector<16xf32>, vector<16xf32>, vector<16xf32>, vector<16xf32>, vector<16xf32>, vector<16xf32>, vector<16xf32>, vector<16xf32>, vector<16xf32>, vector<16xf32>, vector<16xf32>, vector<16xf32>, vector<16xf32>, vector<16xf32>, vector<16xf32>, vector<16xf32>, vector<16xf32>, vector<16xf32>, vector<16xf32>, vector<16xf32>, vector<16xf32>, vector<16xf32>, vector<16xf32>, vector<16xf32>, vector<16xf32>, vector<16xf32>, vector<16xf32>, vector<16xf32>, vector<16xf32>, vector<16xf32>
    }
    %scan3A_102 = arith.constant 48 : i32
    %get3A = arith.constant 0 : i32
    %get3A_103 = arith.index_cast %get3A : i32 to index
    %get3A_104 = arith.constant 0 : index
    %get3A_105 = tpu.vector_load %arg11[%get3A_103, %get3A_104] {strides = array<i32>} : memref<64x512xf32, #tpu.memory_space<vmem>>, vector<1x16xf32>,
    %get3A_106 = vector.shape_cast %get3A_105 : vector<1x16xf32> to vector<16xf32>
    %mul3A_107 = arith.constant 6.250000e-02 : f32
    %mul3A_108 = vector.broadcast %mul3A_107 : f32 to vector<16xf32>
    %mul3A_109 = arith.mulf %scan3A_101#0, %mul3A_108 : vector<16xf32>
    %add3A_110 = arith.addf %get3A_106, %mul3A_109 : vector<16xf32>
    %swap3A = arith.constant 0 : i32
    %swap3A_111 = arith.index_cast %swap3A : i32 to index
    %swap3A_112 = arith.constant 0 : index
    %swap3A_113 = tpu.vector_load %arg11[%swap3A_111, %swap3A_112] {strides = array<i32>} : memref<64x512xf32, #tpu.memory_space<vmem>>, vector<1x16xf32>,
    %swap3A_114 = vector.shape_cast %swap3A_113 : vector<1x16xf32> to vector<16xf32>
    %swap3A_115 = vector.shape_cast %add3A_110 : vector<16xf32> to vector<1x16xf32>
    tpu.vector_store %arg11[%swap3A_111, %swap3A_112], %swap3A_115 {strides = array<i32>} : memref<64x512xf32, #tpu.memory_space<vmem>>, vector<1x16xf32>,
    %get3A_116 = arith.constant 0 : i32
    %get3A_117 = arith.index_cast %get3A_116 : i32 to index
    %get3A_118 = arith.constant 16 : index
    %get3A_119 = tpu.vector_load %arg11[%get3A_117, %get3A_118] {strides = array<i32>} : memref<64x512xf32, #tpu.memory_space<vmem>>, vector<1x16xf32>,
    %get3A_120 = vector.shape_cast %get3A_119 : vector<1x16xf32> to vector<16xf32>
    %mul3A_121 = arith.constant 6.250000e-02 : f32
    %mul3A_122 = vector.broadcast %mul3A_121 : f32 to vector<16xf32>
    %mul3A_123 = arith.mulf %scan3A_101#1, %mul3A_122 : vector<16xf32>
    %add3A_124 = arith.addf %get3A_120, %mul3A_123 : vector<16xf32>
    %swap3A_125 = arith.constant 0 : i32
    %swap3A_126 = arith.index_cast %swap3A_125 : i32 to index
    %swap3A_127 = arith.constant 16 : index
    %swap3A_128 = tpu.vector_load %arg11[%swap3A_126, %swap3A_127] {strides = array<i32>} : memref<64x512xf32, #tpu.memory_space<vmem>>, vector<1x16xf32>,
    %swap3A_129 = vector.shape_cast %swap3A_128 : vector<1x16xf32> to vector<16xf32>
    %swap3A_130 = vector.shape_cast %add3A_124 : vector<16xf32> to vector<1x16xf32>
    tpu.vector_store %arg11[%swap3A_126, %swap3A_127], %swap3A_130 {strides = array<i32>} : memref<64x512xf32, #tpu.memory_space<vmem>>, vector<1x16xf32>,
    %get3A_131 = arith.constant 0 : i32
    %get3A_132 = arith.index_cast %get3A_131 : i32 to index
    %get3A_133 = arith.constant 32 : index
    %get3A_134 = tpu.vector_load %arg11[%get3A_132, %get3A_133] {strides = array<i32>} : memref<64x512xf32, #tpu.memory_space<vmem>>, vector<1x16xf32>,
    %get3A_135 = vector.shape_cast %get3A_134 : vector<1x16xf32> to vector<16xf32>
    %mul3A_136 = arith.constant 6.250000e-02 : f32
    %mul3A_137 = vector.broadcast %mul3A_136 : f32 to vector<16xf32>
    %mul3A_138 = arith.mulf %scan3A_101#2, %mul3A_137 : vector<16xf32>
    %add3A_139 = arith.addf %get3A_135, %mul3A_138 : vector<16xf32>
    %swap3A_140 = arith.constant 0 : i32
    %swap3A_141 = arith.index_cast %swap3A_140 : i32 to index
    %swap3A_142 = arith.constant 32 : index
    %swap3A_143 = tpu.vector_load %arg11[%swap3A_141, %swap3A_142] {strides = array<i32>} : memref<64x512xf32, #tpu.memory_space<vmem>>, vector<1x16xf32>,
    %swap3A_144 = vector.shape_cast %swap3A_143 : vector<1x16xf32> to vector<16xf32>
    %swap3A_145 = vector.shape_cast %add3A_139 : vector<16xf32> to vector<1x16xf32>
    tpu.vector_store %arg11[%swap3A_141, %swap3A_142], %swap3A_145 {strides = array<i32>} : memref<64x512xf32, #tpu.memory_space<vmem>>, vector<1x16xf32>,
    %get3A_146 = arith.constant 0 : i32
    %get3A_147 = arith.index_cast %get3A_146 : i32 to index
    %get3A_148 = arith.constant 48 : index
    %get3A_149 = tpu.vector_load %arg11[%get3A_147, %get3A_148] {strides = array<i32>} : memref<64x512xf32, #tpu.memory_space<vmem>>, vector<1x16xf32>,
    %get3A_150 = vector.shape_cast %get3A_149 : vector<1x16xf32> to vector<16xf32>
    %mul3A_151 = arith.constant 6.250000e-02 : f32
    %mul3A_152 = vector.broadcast %mul3A_151 : f32 to vector<16xf32>
    %mul3A_153 = arith.mulf %scan3A_101#3, %mul3A_152 : vector<16xf32>
    %add3A_154 = arith.addf %get3A_150, %mul3A_153 : vector<16xf32>
    %swap3A_155 = arith.constant 0 : i32
    %swap3A_156 = arith.index_cast %swap3A_155 : i32 to index
    %swap3A_157 = arith.constant 48 : index
    %swap3A_158 = tpu.vector_load %arg11[%swap3A_156, %swap3A_157] {strides = array<i32>} : memref<64x512xf32, #tpu.memory_space<vmem>>, vector<1x16xf32>,
    %swap3A_159 = vector.shape_cast %swap3A_158 : vector<1x16xf32> to vector<16xf32>
    %swap3A_160 = vector.shape_cast %add3A_154 : vector<16xf32> to vector<1x16xf32>
    tpu.vector_store %arg11[%swap3A_156, %swap3A_157], %swap3A_160 {strides = array<i32>} : memref<64x512xf32, #tpu.memory_space<vmem>>, vector<1x16xf32>,
    %get3A_161 = arith.constant 0 : i32
    %get3A_162 = arith.index_cast %get3A_161 : i32 to index
    %get3A_163 = arith.constant 64 : index
    %get3A_164 = tpu.vector_load %arg11[%get3A_162, %get3A_163] {strides = array<i32>} : memref<64x512xf32, #tpu.memory_space<vmem>>, vector<1x16xf32>,
    %get3A_165 = vector.shape_cast %get3A_164 : vector<1x16xf32> to vector<16xf32>
    %mul3A_166 = arith.constant 6.250000e-02 : f32
    %mul3A_167 = vector.broadcast %mul3A_166 : f32 to vector<16xf32>
    %mul3A_168 = arith.mulf %scan3A_101#4, %mul3A_167 : vector<16xf32>
    %add3A_169 = arith.addf %get3A_165, %mul3A_168 : vector<16xf32>
    %swap3A_170 = arith.constant 0 : i32
    %swap3A_171 = arith.index_cast %swap3A_170 : i32 to index
    %swap3A_172 = arith.constant 64 : index
    %swap3A_173 = tpu.vector_load %arg11[%swap3A_171, %swap3A_172] {strides = array<i32>} : memref<64x512xf32, #tpu.memory_space<vmem>>, vector<1x16xf32>,
    %swap3A_174 = vector.shape_cast %swap3A_173 : vector<1x16xf32> to vector<16xf32>
    %swap3A_175 = vector.shape_cast %add3A_169 : vector<16xf32> to vector<1x16xf32>
    tpu.vector_store %arg11[%swap3A_171, %swap3A_172], %swap3A_175 {strides = array<i32>} : memref<64x512xf32, #tpu.memory_space<vmem>>, vector<1x16xf32>,
    %get3A_176 = arith.constant 0 : i32
    %get3A_177 = arith.index_cast %get3A_176 : i32 to index
    %get3A_178 = arith.constant 80 : index
    %get3A_179 = tpu.vector_load %arg11[%get3A_177, %get3A_178] {strides = array<i32>} : memref<64x512xf32, #tpu.memory_space<vmem>>, vector<1x16xf32>,
    %get3A_180 = vector.shape_cast %get3A_179 : vector<1x16xf32> to vector<16xf32>
    %mul3A_181 = arith.constant 6.250000e-02 : f32
    %mul3A_182 = vector.broadcast %mul3A_181 : f32 to vector<16xf32>
    %mul3A_183 = arith.mulf %scan3A_101#5, %mul3A_182 : vector<16xf32>
    %add3A_184 = arith.addf %get3A_180, %mul3A_183 : vector<16xf32>
    %swap3A_185 = arith.constant 0 : i32
    %swap3A_186 = arith.index_cast %swap3A_185 : i32 to index
    %swap3A_187 = arith.constant 80 : index
    %swap3A_188 = tpu.vector_load %arg11[%swap3A_186, %swap3A_187] {strides = array<i32>} : memref<64x512xf32, #tpu.memory_space<vmem>>, vector<1x16xf32>,
    %swap3A_189 = vector.shape_cast %swap3A_188 : vector<1x16xf32> to vector<16xf32>
    %swap3A_190 = vector.shape_cast %add3A_184 : vector<16xf32> to vector<1x16xf32>
    tpu.vector_store %arg11[%swap3A_186, %swap3A_187], %swap3A_190 {strides = array<i32>} : memref<64x512xf32, #tpu.memory_space<vmem>>, vector<1x16xf32>,
    %get3A_191 = arith.constant 0 : i32
    %get3A_192 = arith.index_cast %get3A_191 : i32 to index
    %get3A_193 = arith.constant 96 : index
    %get3A_194 = tpu.vector_load %arg11[%get3A_192, %get3A_193] {strides = array<i32>} : memref<64x512xf32, #tpu.memory_space<vmem>>, vector<1x16xf32>,
    %get3A_195 = vector.shape_cast %get3A_194 : vector<1x16xf32> to vector<16xf32>
    %mul3A_196 = arith.constant 6.250000e-02 : f32
    %mul3A_197 = vector.broadcast %mul3A_196 : f32 to vector<16xf32>
    %mul3A_198 = arith.mulf %scan3A_101#6, %mul3A_197 : vector<16xf32>
    %add3A_199 = arith.addf %get3A_195, %mul3A_198 : vector<16xf32>
    %swap3A_200 = arith.constant 0 : i32
    %swap3A_201 = arith.index_cast %swap3A_200 : i32 to index
    %swap3A_202 = arith.constant 96 : index
    %swap3A_203 = tpu.vector_load %arg11[%swap3A_201, %swap3A_202] {strides = array<i32>} : memref<64x512xf32, #tpu.memory_space<vmem>>, vector<1x16xf32>,
    %swap3A_204 = vector.shape_cast %swap3A_203 : vector<1x16xf32> to vector<16xf32>
    %swap3A_205 = vector.shape_cast %add3A_199 : vector<16xf32> to vector<1x16xf32>
    tpu.vector_store %arg11[%swap3A_201, %swap3A_202], %swap3A_205 {strides = array<i32>} : memref<64x512xf32, #tpu.memory_space<vmem>>, vector<1x16xf32>,
    %get3A_206 = arith.constant 0 : i32
    %get3A_207 = arith.index_cast %get3A_206 : i32 to index
    %get3A_208 = arith.constant 112 : index
    %get3A_209 = tpu.vector_load %arg11[%get3A_207, %get3A_208] {strides = array<i32>} : memref<64x512xf32, #tpu.memory_space<vmem>>, vector<1x16xf32>,
    %get3A_210 = vector.shape_cast %get3A_209 : vector<1x16xf32> to vector<16xf32>
    %mul3A_211 = arith.constant 6.250000e-02 : f32
    %mul3A_212 = vector.broadcast %mul3A_211 : f32 to vector<16xf32>
    %mul3A_213 = arith.mulf %scan3A_101#7, %mul3A_212 : vector<16xf32>
    %add3A_214 = arith.addf %get3A_210, %mul3A_213 : vector<16xf32>
    %swap3A_215 = arith.constant 0 : i32
    %swap3A_216 = arith.index_cast %swap3A_215 : i32 to index
    %swap3A_217 = arith.constant 112 : index
    %swap3A_218 = tpu.vector_load %arg11[%swap3A_216, %swap3A_217] {strides = array<i32>} : memref<64x512xf32, #tpu.memory_space<vmem>>, vector<1x16xf32>,
    %swap3A_219 = vector.shape_cast %swap3A_218 : vector<1x16xf32> to vector<16xf32>
    %swap3A_220 = vector.shape_cast %add3A_214 : vector<16xf32> to vector<1x16xf32>
    tpu.vector_store %arg11[%swap3A_216, %swap3A_217], %swap3A_220 {strides = array<i32>} : memref<64x512xf32, #tpu.memory_space<vmem>>, vector<1x16xf32>,
    %get3A_221 = arith.constant 0 : i32
    %get3A_222 = arith.index_cast %get3A_221 : i32 to index
    %get3A_223 = arith.constant 128 : index
    %get3A_224 = tpu.vector_load %arg11[%get3A_222, %get3A_223] {strides = array<i32>} : memref<64x512xf32, #tpu.memory_space<vmem>>, vector<1x16xf32>,
    %get3A_225 = vector.shape_cast %get3A_224 : vector<1x16xf32> to vector<16xf32>
    %mul3A_226 = arith.constant 6.250000e-02 : f32
    %mul3A_227 = vector.broadcast %mul3A_226 : f32 to vector<16xf32>
    %mul3A_228 = arith.mulf %scan3A_101#8, %mul3A_227 : vector<16xf32>
    %add3A_229 = arith.addf %get3A_225, %mul3A_228 : vector<16xf32>
    %swap3A_230 = arith.constant 0 : i32
    %swap3A_231 = arith.index_cast %swap3A_230 : i32 to index
    %swap3A_232 = arith.constant 128 : index
    %swap3A_233 = tpu.vector_load %arg11[%swap3A_231, %swap3A_232] {strides = array<i32>} : memref<64x512xf32, #tpu.memory_space<vmem>>, vector<1x16xf32>,
    %swap3A_234 = vector.shape_cast %swap3A_233 : vector<1x16xf32> to vector<16xf32>
    %swap3A_235 = vector.shape_cast %add3A_229 : vector<16xf32> to vector<1x16xf32>
    tpu.vector_store %arg11[%swap3A_231, %swap3A_232], %swap3A_235 {strides = array<i32>} : memref<64x512xf32, #tpu.memory_space<vmem>>, vector<1x16xf32>,
    %get3A_236 = arith.constant 0 : i32
    %get3A_237 = arith.index_cast %get3A_236 : i32 to index
    %get3A_238 = arith.constant 144 : index
    %get3A_239 = tpu.vector_load %arg11[%get3A_237, %get3A_238] {strides = array<i32>} : memref<64x512xf32, #tpu.memory_space<vmem>>, vector<1x16xf32>,
    %get3A_240 = vector.shape_cast %get3A_239 : vector<1x16xf32> to vector<16xf32>
    %mul3A_241 = arith.constant 6.250000e-02 : f32
    %mul3A_242 = vector.broadcast %mul3A_241 : f32 to vector<16xf32>
    %mul3A_243 = arith.mulf %scan3A_101#9, %mul3A_242 : vector<16xf32>
    %add3A_244 = arith.addf %get3A_240, %mul3A_243 : vector<16xf32>
    %swap3A_245 = arith.constant 0 : i32
    %swap3A_246 = arith.index_cast %swap3A_245 : i32 to index
    %swap3A_247 = arith.constant 144 : index
    %swap3A_248 = tpu.vector_load %arg11[%swap3A_246, %swap3A_247] {strides = array<i32>} : memref<64x512xf32, #tpu.memory_space<vmem>>, vector<1x16xf32>,
    %swap3A_249 = vector.shape_cast %swap3A_248 : vector<1x16xf32> to vector<16xf32>
    %swap3A_250 = vector.shape_cast %add3A_244 : vector<16xf32> to vector<1x16xf32>
    tpu.vector_store %arg11[%swap3A_246, %swap3A_247], %swap3A_250 {strides = array<i32>} : memref<64x512xf32, #tpu.memory_space<vmem>>, vector<1x16xf32>,
    %get3A_251 = arith.constant 0 : i32
    %get3A_252 = arith.index_cast %get3A_251 : i32 to index
    %get3A_253 = arith.constant 160 : index
    %get3A_254 = tpu.vector_load %arg11[%get3A_252, %get3A_253] {strides = array<i32>} : memref<64x512xf32, #tpu.memory_space<vmem>>, vector<1x16xf32>,
    %get3A_255 = vector.shape_cast %get3A_254 : vector<1x16xf32> to vector<16xf32>
    %mul3A_256 = arith.constant 6.250000e-02 : f32
    %mul3A_257 = vector.broadcast %mul3A_256 : f32 to vector<16xf32>
    %mul3A_258 = arith.mulf %scan3A_101#10, %mul3A_257 : vector<16xf32>
    %add3A_259 = arith.addf %get3A_255, %mul3A_258 : vector<16xf32>
    %swap3A_260 = arith.constant 0 : i32
    %swap3A_261 = arith.index_cast %swap3A_260 : i32 to index
    %swap3A_262 = arith.constant 160 : index
    %swap3A_263 = tpu.vector_load %arg11[%swap3A_261, %swap3A_262] {strides = array<i32>} : memref<64x512xf32, #tpu.memory_space<vmem>>, vector<1x16xf32>,
    %swap3A_264 = vector.shape_cast %swap3A_263 : vector<1x16xf32> to vector<16xf32>
    %swap3A_265 = vector.shape_cast %add3A_259 : vector<16xf32> to vector<1x16xf32>
    tpu.vector_store %arg11[%swap3A_261, %swap3A_262], %swap3A_265 {strides = array<i32>} : memref<64x512xf32, #tpu.memory_space<vmem>>, vector<1x16xf32>,
    %get3A_266 = arith.constant 0 : i32
    %get3A_267 = arith.index_cast %get3A_266 : i32 to index
    %get3A_268 = arith.constant 176 : index
    %get3A_269 = tpu.vector_load %arg11[%get3A_267, %get3A_268] {strides = array<i32>} : memref<64x512xf32, #tpu.memory_space<vmem>>, vector<1x16xf32>,
    %get3A_270 = vector.shape_cast %get3A_269 : vector<1x16xf32> to vector<16xf32>
    %mul3A_271 = arith.constant 6.250000e-02 : f32
    %mul3A_272 = vector.broadcast %mul3A_271 : f32 to vector<16xf32>
    %mul3A_273 = arith.mulf %scan3A_101#11, %mul3A_272 : vector<16xf32>
    %add3A_274 = arith.addf %get3A_270, %mul3A_273 : vector<16xf32>
    %swap3A_275 = arith.constant 0 : i32
    %swap3A_276 = arith.index_cast %swap3A_275 : i32 to index
    %swap3A_277 = arith.constant 176 : index
    %swap3A_278 = tpu.vector_load %arg11[%swap3A_276, %swap3A_277] {strides = array<i32>} : memref<64x512xf32, #tpu.memory_space<vmem>>, vector<1x16xf32>,
    %swap3A_279 = vector.shape_cast %swap3A_278 : vector<1x16xf32> to vector<16xf32>
    %swap3A_280 = vector.shape_cast %add3A_274 : vector<16xf32> to vector<1x16xf32>
    tpu.vector_store %arg11[%swap3A_276, %swap3A_277], %swap3A_280 {strides = array<i32>} : memref<64x512xf32, #tpu.memory_space<vmem>>, vector<1x16xf32>,
    %get3A_281 = arith.constant 0 : i32
    %get3A_282 = arith.index_cast %get3A_281 : i32 to index
    %get3A_283 = arith.constant 192 : index
    %get3A_284 = tpu.vector_load %arg11[%get3A_282, %get3A_283] {strides = array<i32>} : memref<64x512xf32, #tpu.memory_space<vmem>>, vector<1x16xf32>,
    %get3A_285 = vector.shape_cast %get3A_284 : vector<1x16xf32> to vector<16xf32>
    %mul3A_286 = arith.constant 6.250000e-02 : f32
    %mul3A_287 = vector.broadcast %mul3A_286 : f32 to vector<16xf32>
    %mul3A_288 = arith.mulf %scan3A_101#12, %mul3A_287 : vector<16xf32>
    %add3A_289 = arith.addf %get3A_285, %mul3A_288 : vector<16xf32>
    %swap3A_290 = arith.constant 0 : i32
    %swap3A_291 = arith.index_cast %swap3A_290 : i32 to index
    %swap3A_292 = arith.constant 192 : index
    %swap3A_293 = tpu.vector_load %arg11[%swap3A_291, %swap3A_292] {strides = array<i32>} : memref<64x512xf32, #tpu.memory_space<vmem>>, vector<1x16xf32>,
    %swap3A_294 = vector.shape_cast %swap3A_293 : vector<1x16xf32> to vector<16xf32>
    %swap3A_295 = vector.shape_cast %add3A_289 : vector<16xf32> to vector<1x16xf32>
    tpu.vector_store %arg11[%swap3A_291, %swap3A_292], %swap3A_295 {strides = array<i32>} : memref<64x512xf32, #tpu.memory_space<vmem>>, vector<1x16xf32>,
    %get3A_296 = arith.constant 0 : i32
    %get3A_297 = arith.index_cast %get3A_296 : i32 to index
    %get3A_298 = arith.constant 208 : index
    %get3A_299 = tpu.vector_load %arg11[%get3A_297, %get3A_298] {strides = array<i32>} : memref<64x512xf32, #tpu.memory_space<vmem>>, vector<1x16xf32>,
    %get3A_300 = vector.shape_cast %get3A_299 : vector<1x16xf32> to vector<16xf32>
    %mul3A_301 = arith.constant 6.250000e-02 : f32
    %mul3A_302 = vector.broadcast %mul3A_301 : f32 to vector<16xf32>
    %mul3A_303 = arith.mulf %scan3A_101#13, %mul3A_302 : vector<16xf32>
    %add3A_304 = arith.addf %get3A_300, %mul3A_303 : vector<16xf32>
    %swap3A_305 = arith.constant 0 : i32
    %swap3A_306 = arith.index_cast %swap3A_305 : i32 to index
    %swap3A_307 = arith.constant 208 : index
    %swap3A_308 = tpu.vector_load %arg11[%swap3A_306, %swap3A_307] {strides = array<i32>} : memref<64x512xf32, #tpu.memory_space<vmem>>, vector<1x16xf32>,
    %swap3A_309 = vector.shape_cast %swap3A_308 : vector<1x16xf32> to vector<16xf32>
    %swap3A_310 = vector.shape_cast %add3A_304 : vector<16xf32> to vector<1x16xf32>
    tpu.vector_store %arg11[%swap3A_306, %swap3A_307], %swap3A_310 {strides = array<i32>} : memref<64x512xf32, #tpu.memory_space<vmem>>, vector<1x16xf32>,
    %get3A_311 = arith.constant 0 : i32
    %get3A_312 = arith.index_cast %get3A_311 : i32 to index
    %get3A_313 = arith.constant 224 : index
    %get3A_314 = tpu.vector_load %arg11[%get3A_312, %get3A_313] {strides = array<i32>} : memref<64x512xf32, #tpu.memory_space<vmem>>, vector<1x16xf32>,
    %get3A_315 = vector.shape_cast %get3A_314 : vector<1x16xf32> to vector<16xf32>
    %mul3A_316 = arith.constant 6.250000e-02 : f32
    %mul3A_317 = vector.broadcast %mul3A_316 : f32 to vector<16xf32>
    %mul3A_318 = arith.mulf %scan3A_101#14, %mul3A_317 : vector<16xf32>
    %add3A_319 = arith.addf %get3A_315, %mul3A_318 : vector<16xf32>
    %swap3A_320 = arith.constant 0 : i32
    %swap3A_321 = arith.index_cast %swap3A_320 : i32 to index
    %swap3A_322 = arith.constant 224 : index
    %swap3A_323 = tpu.vector_load %arg11[%swap3A_321, %swap3A_322] {strides = array<i32>} : memref<64x512xf32, #tpu.memory_space<vmem>>, vector<1x16xf32>,
    %swap3A_324 = vector.shape_cast %swap3A_323 : vector<1x16xf32> to vector<16xf32>
    %swap3A_325 = vector.shape_cast %add3A_319 : vector<16xf32> to vector<1x16xf32>
    tpu.vector_store %arg11[%swap3A_321, %swap3A_322], %swap3A_325 {strides = array<i32>} : memref<64x512xf32, #tpu.memory_space<vmem>>, vector<1x16xf32>,
    %get3A_326 = arith.constant 0 : i32
    %get3A_327 = arith.index_cast %get3A_326 : i32 to index
    %get3A_328 = arith.constant 240 : index
    %get3A_329 = tpu.vector_load %arg11[%get3A_327, %get3A_328] {strides = array<i32>} : memref<64x512xf32, #tpu.memory_space<vmem>>, vector<1x16xf32>,
    %get3A_330 = vector.shape_cast %get3A_329 : vector<1x16xf32> to vector<16xf32>
    %mul3A_331 = arith.constant 6.250000e-02 : f32
    %mul3A_332 = vector.broadcast %mul3A_331 : f32 to vector<16xf32>
    %mul3A_333 = arith.mulf %scan3A_101#15, %mul3A_332 : vector<16xf32>
    %add3A_334 = arith.addf %get3A_330, %mul3A_333 : vector<16xf32>
    %swap3A_335 = arith.constant 0 : i32
    %swap3A_336 = arith.index_cast %swap3A_335 : i32 to index
    %swap3A_337 = arith.constant 240 : index
    %swap3A_338 = tpu.vector_load %arg11[%swap3A_336, %swap3A_337] {strides = array<i32>} : memref<64x512xf32, #tpu.memory_space<vmem>>, vector<1x16xf32>,
    %swap3A_339 = vector.shape_cast %swap3A_338 : vector<1x16xf32> to vector<16xf32>
    %swap3A_340 = vector.shape_cast %add3A_334 : vector<16xf32> to vector<1x16xf32>
    tpu.vector_store %arg11[%swap3A_336, %swap3A_337], %swap3A_340 {strides = array<i32>} : memref<64x512xf32, #tpu.memory_space<vmem>>, vector<1x16xf32>,
    %get3A_341 = arith.constant 0 : i32
    %get3A_342 = arith.index_cast %get3A_341 : i32 to index
    %get3A_343 = arith.constant 256 : index
    %get3A_344 = tpu.vector_load %arg11[%get3A_342, %get3A_343] {strides = array<i32>} : memref<64x512xf32, #tpu.memory_space<vmem>>, vector<1x16xf32>,
    %get3A_345 = vector.shape_cast %get3A_344 : vector<1x16xf32> to vector<16xf32>
    %mul3A_346 = arith.constant 6.250000e-02 : f32
    %mul3A_347 = vector.broadcast %mul3A_346 : f32 to vector<16xf32>
    %mul3A_348 = arith.mulf %scan3A_101#16, %mul3A_347 : vector<16xf32>
    %add3A_349 = arith.addf %get3A_345, %mul3A_348 : vector<16xf32>
    %swap3A_350 = arith.constant 0 : i32
    %swap3A_351 = arith.index_cast %swap3A_350 : i32 to index
    %swap3A_352 = arith.constant 256 : index
    %swap3A_353 = tpu.vector_load %arg11[%swap3A_351, %swap3A_352] {strides = array<i32>} : memref<64x512xf32, #tpu.memory_space<vmem>>, vector<1x16xf32>,
    %swap3A_354 = vector.shape_cast %swap3A_353 : vector<1x16xf32> to vector<16xf32>
    %swap3A_355 = vector.shape_cast %add3A_349 : vector<16xf32> to vector<1x16xf32>
    tpu.vector_store %arg11[%swap3A_351, %swap3A_352], %swap3A_355 {strides = array<i32>} : memref<64x512xf32, #tpu.memory_space<vmem>>, vector<1x16xf32>,
    %get3A_356 = arith.constant 0 : i32
    %get3A_357 = arith.index_cast %get3A_356 : i32 to index
    %get3A_358 = arith.constant 272 : index
    %get3A_359 = tpu.vector_load %arg11[%get3A_357, %get3A_358] {strides = array<i32>} : memref<64x512xf32, #tpu.memory_space<vmem>>, vector<1x16xf32>,
    %get3A_360 = vector.shape_cast %get3A_359 : vector<1x16xf32> to vector<16xf32>
    %mul3A_361 = arith.constant 6.250000e-02 : f32
    %mul3A_362 = vector.broadcast %mul3A_361 : f32 to vector<16xf32>
    %mul3A_363 = arith.mulf %scan3A_101#17, %mul3A_362 : vector<16xf32>
    %add3A_364 = arith.addf %get3A_360, %mul3A_363 : vector<16xf32>
    %swap3A_365 = arith.constant 0 : i32
    %swap3A_366 = arith.index_cast %swap3A_365 : i32 to index
    %swap3A_367 = arith.constant 272 : index
    %swap3A_368 = tpu.vector_load %arg11[%swap3A_366, %swap3A_367] {strides = array<i32>} : memref<64x512xf32, #tpu.memory_space<vmem>>, vector<1x16xf32>,
    %swap3A_369 = vector.shape_cast %swap3A_368 : vector<1x16xf32> to vector<16xf32>
    %swap3A_370 = vector.shape_cast %add3A_364 : vector<16xf32> to vector<1x16xf32>
    tpu.vector_store %arg11[%swap3A_366, %swap3A_367], %swap3A_370 {strides = array<i32>} : memref<64x512xf32, #tpu.memory_space<vmem>>, vector<1x16xf32>,
    %get3A_371 = arith.constant 0 : i32
    %get3A_372 = arith.index_cast %get3A_371 : i32 to index
    %get3A_373 = arith.constant 288 : index
    %get3A_374 = tpu.vector_load %arg11[%get3A_372, %get3A_373] {strides = array<i32>} : memref<64x512xf32, #tpu.memory_space<vmem>>, vector<1x16xf32>,
    %get3A_375 = vector.shape_cast %get3A_374 : vector<1x16xf32> to vector<16xf32>
    %mul3A_376 = arith.constant 6.250000e-02 : f32
    %mul3A_377 = vector.broadcast %mul3A_376 : f32 to vector<16xf32>
    %mul3A_378 = arith.mulf %scan3A_101#18, %mul3A_377 : vector<16xf32>
    %add3A_379 = arith.addf %get3A_375, %mul3A_378 : vector<16xf32>
    %swap3A_380 = arith.constant 0 : i32
    %swap3A_381 = arith.index_cast %swap3A_380 : i32 to index
    %swap3A_382 = arith.constant 288 : index
    %swap3A_383 = tpu.vector_load %arg11[%swap3A_381, %swap3A_382] {strides = array<i32>} : memref<64x512xf32, #tpu.memory_space<vmem>>, vector<1x16xf32>,
    %swap3A_384 = vector.shape_cast %swap3A_383 : vector<1x16xf32> to vector<16xf32>
    %swap3A_385 = vector.shape_cast %add3A_379 : vector<16xf32> to vector<1x16xf32>
    tpu.vector_store %arg11[%swap3A_381, %swap3A_382], %swap3A_385 {strides = array<i32>} : memref<64x512xf32, #tpu.memory_space<vmem>>, vector<1x16xf32>,
    %get3A_386 = arith.constant 0 : i32
    %get3A_387 = arith.index_cast %get3A_386 : i32 to index
    %get3A_388 = arith.constant 304 : index
    %get3A_389 = tpu.vector_load %arg11[%get3A_387, %get3A_388] {strides = array<i32>} : memref<64x512xf32, #tpu.memory_space<vmem>>, vector<1x16xf32>,
    %get3A_390 = vector.shape_cast %get3A_389 : vector<1x16xf32> to vector<16xf32>
    %mul3A_391 = arith.constant 6.250000e-02 : f32
    %mul3A_392 = vector.broadcast %mul3A_391 : f32 to vector<16xf32>
    %mul3A_393 = arith.mulf %scan3A_101#19, %mul3A_392 : vector<16xf32>
    %add3A_394 = arith.addf %get3A_390, %mul3A_393 : vector<16xf32>
    %swap3A_395 = arith.constant 0 : i32
    %swap3A_396 = arith.index_cast %swap3A_395 : i32 to index
    %swap3A_397 = arith.constant 304 : index
    %swap3A_398 = tpu.vector_load %arg11[%swap3A_396, %swap3A_397] {strides = array<i32>} : memref<64x512xf32, #tpu.memory_space<vmem>>, vector<1x16xf32>,
    %swap3A_399 = vector.shape_cast %swap3A_398 : vector<1x16xf32> to vector<16xf32>
    %swap3A_400 = vector.shape_cast %add3A_394 : vector<16xf32> to vector<1x16xf32>
    tpu.vector_store %arg11[%swap3A_396, %swap3A_397], %swap3A_400 {strides = array<i32>} : memref<64x512xf32, #tpu.memory_space<vmem>>, vector<1x16xf32>,
    %get3A_401 = arith.constant 0 : i32
    %get3A_402 = arith.index_cast %get3A_401 : i32 to index
    %get3A_403 = arith.constant 320 : index
    %get3A_404 = tpu.vector_load %arg11[%get3A_402, %get3A_403] {strides = array<i32>} : memref<64x512xf32, #tpu.memory_space<vmem>>, vector<1x16xf32>,
    %get3A_405 = vector.shape_cast %get3A_404 : vector<1x16xf32> to vector<16xf32>
    %mul3A_406 = arith.constant 6.250000e-02 : f32
    %mul3A_407 = vector.broadcast %mul3A_406 : f32 to vector<16xf32>
    %mul3A_408 = arith.mulf %scan3A_101#20, %mul3A_407 : vector<16xf32>
    %add3A_409 = arith.addf %get3A_405, %mul3A_408 : vector<16xf32>
    %swap3A_410 = arith.constant 0 : i32
    %swap3A_411 = arith.index_cast %swap3A_410 : i32 to index
    %swap3A_412 = arith.constant 320 : index
    %swap3A_413 = tpu.vector_load %arg11[%swap3A_411, %swap3A_412] {strides = array<i32>} : memref<64x512xf32, #tpu.memory_space<vmem>>, vector<1x16xf32>,
    %swap3A_414 = vector.shape_cast %swap3A_413 : vector<1x16xf32> to vector<16xf32>
    %swap3A_415 = vector.shape_cast %add3A_409 : vector<16xf32> to vector<1x16xf32>
    tpu.vector_store %arg11[%swap3A_411, %swap3A_412], %swap3A_415 {strides = array<i32>} : memref<64x512xf32, #tpu.memory_space<vmem>>, vector<1x16xf32>,
    %get3A_416 = arith.constant 0 : i32
    %get3A_417 = arith.index_cast %get3A_416 : i32 to index
    %get3A_418 = arith.constant 336 : index
    %get3A_419 = tpu.vector_load %arg11[%get3A_417, %get3A_418] {strides = array<i32>} : memref<64x512xf32, #tpu.memory_space<vmem>>, vector<1x16xf32>,
    %get3A_420 = vector.shape_cast %get3A_419 : vector<1x16xf32> to vector<16xf32>
    %mul3A_421 = arith.constant 6.250000e-02 : f32
    %mul3A_422 = vector.broadcast %mul3A_421 : f32 to vector<16xf32>
    %mul3A_423 = arith.mulf %scan3A_101#21, %mul3A_422 : vector<16xf32>
    %add3A_424 = arith.addf %get3A_420, %mul3A_423 : vector<16xf32>
    %swap3A_425 = arith.constant 0 : i32
    %swap3A_426 = arith.index_cast %swap3A_425 : i32 to index
    %swap3A_427 = arith.constant 336 : index
    %swap3A_428 = tpu.vector_load %arg11[%swap3A_426, %swap3A_427] {strides = array<i32>} : memref<64x512xf32, #tpu.memory_space<vmem>>, vector<1x16xf32>,
    %swap3A_429 = vector.shape_cast %swap3A_428 : vector<1x16xf32> to vector<16xf32>
    %swap3A_430 = vector.shape_cast %add3A_424 : vector<16xf32> to vector<1x16xf32>
    tpu.vector_store %arg11[%swap3A_426, %swap3A_427], %swap3A_430 {strides = array<i32>} : memref<64x512xf32, #tpu.memory_space<vmem>>, vector<1x16xf32>,
    %get3A_431 = arith.constant 0 : i32
    %get3A_432 = arith.index_cast %get3A_431 : i32 to index
    %get3A_433 = arith.constant 352 : index
    %get3A_434 = tpu.vector_load %arg11[%get3A_432, %get3A_433] {strides = array<i32>} : memref<64x512xf32, #tpu.memory_space<vmem>>, vector<1x16xf32>,
    %get3A_435 = vector.shape_cast %get3A_434 : vector<1x16xf32> to vector<16xf32>
    %mul3A_436 = arith.constant 6.250000e-02 : f32
    %mul3A_437 = vector.broadcast %mul3A_436 : f32 to vector<16xf32>
    %mul3A_438 = arith.mulf %scan3A_101#22, %mul3A_437 : vector<16xf32>
    %add3A_439 = arith.addf %get3A_435, %mul3A_438 : vector<16xf32>
    %swap3A_440 = arith.constant 0 : i32
    %swap3A_441 = arith.index_cast %swap3A_440 : i32 to index
    %swap3A_442 = arith.constant 352 : index
    %swap3A_443 = tpu.vector_load %arg11[%swap3A_441, %swap3A_442] {strides = array<i32>} : memref<64x512xf32, #tpu.memory_space<vmem>>, vector<1x16xf32>,
    %swap3A_444 = vector.shape_cast %swap3A_443 : vector<1x16xf32> to vector<16xf32>
    %swap3A_445 = vector.shape_cast %add3A_439 : vector<16xf32> to vector<1x16xf32>
    tpu.vector_store %arg11[%swap3A_441, %swap3A_442], %swap3A_445 {strides = array<i32>} : memref<64x512xf32, #tpu.memory_space<vmem>>, vector<1x16xf32>,
    %get3A_446 = arith.constant 0 : i32
    %get3A_447 = arith.index_cast %get3A_446 : i32 to index
    %get3A_448 = arith.constant 368 : index
    %get3A_449 = tpu.vector_load %arg11[%get3A_447, %get3A_448] {strides = array<i32>} : memref<64x512xf32, #tpu.memory_space<vmem>>, vector<1x16xf32>,
    %get3A_450 = vector.shape_cast %get3A_449 : vector<1x16xf32> to vector<16xf32>
    %mul3A_451 = arith.constant 6.250000e-02 : f32
    %mul3A_452 = vector.broadcast %mul3A_451 : f32 to vector<16xf32>
    %mul3A_453 = arith.mulf %scan3A_101#23, %mul3A_452 : vector<16xf32>
    %add3A_454 = arith.addf %get3A_450, %mul3A_453 : vector<16xf32>
    %swap3A_455 = arith.constant 0 : i32
    %swap3A_456 = arith.index_cast %swap3A_455 : i32 to index
    %swap3A_457 = arith.constant 368 : index
    %swap3A_458 = tpu.vector_load %arg11[%swap3A_456, %swap3A_457] {strides = array<i32>} : memref<64x512xf32, #tpu.memory_space<vmem>>, vector<1x16xf32>,
    %swap3A_459 = vector.shape_cast %swap3A_458 : vector<1x16xf32> to vector<16xf32>
    %swap3A_460 = vector.shape_cast %add3A_454 : vector<16xf32> to vector<1x16xf32>
    tpu.vector_store %arg11[%swap3A_456, %swap3A_457], %swap3A_460 {strides = array<i32>} : memref<64x512xf32, #tpu.memory_space<vmem>>, vector<1x16xf32>,
    %get3A_461 = arith.constant 0 : i32
    %get3A_462 = arith.index_cast %get3A_461 : i32 to index
    %get3A_463 = arith.constant 384 : index
    %get3A_464 = tpu.vector_load %arg11[%get3A_462, %get3A_463] {strides = array<i32>} : memref<64x512xf32, #tpu.memory_space<vmem>>, vector<1x16xf32>,
    %get3A_465 = vector.shape_cast %get3A_464 : vector<1x16xf32> to vector<16xf32>
    %mul3A_466 = arith.constant 6.250000e-02 : f32
    %mul3A_467 = vector.broadcast %mul3A_466 : f32 to vector<16xf32>
    %mul3A_468 = arith.mulf %scan3A_101#24, %mul3A_467 : vector<16xf32>
    %add3A_469 = arith.addf %get3A_465, %mul3A_468 : vector<16xf32>
    %swap3A_470 = arith.constant 0 : i32
    %swap3A_471 = arith.index_cast %swap3A_470 : i32 to index
    %swap3A_472 = arith.constant 384 : index
    %swap3A_473 = tpu.vector_load %arg11[%swap3A_471, %swap3A_472] {strides = array<i32>} : memref<64x512xf32, #tpu.memory_space<vmem>>, vector<1x16xf32>,
    %swap3A_474 = vector.shape_cast %swap3A_473 : vector<1x16xf32> to vector<16xf32>
    %swap3A_475 = vector.shape_cast %add3A_469 : vector<16xf32> to vector<1x16xf32>
    tpu.vector_store %arg11[%swap3A_471, %swap3A_472], %swap3A_475 {strides = array<i32>} : memref<64x512xf32, #tpu.memory_space<vmem>>, vector<1x16xf32>,
    %get3A_476 = arith.constant 0 : i32
    %get3A_477 = arith.index_cast %get3A_476 : i32 to index
    %get3A_478 = arith.constant 400 : index
    %get3A_479 = tpu.vector_load %arg11[%get3A_477, %get3A_478] {strides = array<i32>} : memref<64x512xf32, #tpu.memory_space<vmem>>, vector<1x16xf32>,
    %get3A_480 = vector.shape_cast %get3A_479 : vector<1x16xf32> to vector<16xf32>
    %mul3A_481 = arith.constant 6.250000e-02 : f32
    %mul3A_482 = vector.broadcast %mul3A_481 : f32 to vector<16xf32>
    %mul3A_483 = arith.mulf %scan3A_101#25, %mul3A_482 : vector<16xf32>
    %add3A_484 = arith.addf %get3A_480, %mul3A_483 : vector<16xf32>
    %swap3A_485 = arith.constant 0 : i32
    %swap3A_486 = arith.index_cast %swap3A_485 : i32 to index
    %swap3A_487 = arith.constant 400 : index
    %swap3A_488 = tpu.vector_load %arg11[%swap3A_486, %swap3A_487] {strides = array<i32>} : memref<64x512xf32, #tpu.memory_space<vmem>>, vector<1x16xf32>,
    %swap3A_489 = vector.shape_cast %swap3A_488 : vector<1x16xf32> to vector<16xf32>
    %swap3A_490 = vector.shape_cast %add3A_484 : vector<16xf32> to vector<1x16xf32>
    tpu.vector_store %arg11[%swap3A_486, %swap3A_487], %swap3A_490 {strides = array<i32>} : memref<64x512xf32, #tpu.memory_space<vmem>>, vector<1x16xf32>,
    %get3A_491 = arith.constant 0 : i32
    %get3A_492 = arith.index_cast %get3A_491 : i32 to index
    %get3A_493 = arith.constant 416 : index
    %get3A_494 = tpu.vector_load %arg11[%get3A_492, %get3A_493] {strides = array<i32>} : memref<64x512xf32, #tpu.memory_space<vmem>>, vector<1x16xf32>,
    %get3A_495 = vector.shape_cast %get3A_494 : vector<1x16xf32> to vector<16xf32>
    %mul3A_496 = arith.constant 6.250000e-02 : f32
    %mul3A_497 = vector.broadcast %mul3A_496 : f32 to vector<16xf32>
    %mul3A_498 = arith.mulf %scan3A_101#26, %mul3A_497 : vector<16xf32>
    %add3A_499 = arith.addf %get3A_495, %mul3A_498 : vector<16xf32>
    %swap3A_500 = arith.constant 0 : i32
    %swap3A_501 = arith.index_cast %swap3A_500 : i32 to index
    %swap3A_502 = arith.constant 416 : index
    %swap3A_503 = tpu.vector_load %arg11[%swap3A_501, %swap3A_502] {strides = array<i32>} : memref<64x512xf32, #tpu.memory_space<vmem>>, vector<1x16xf32>,
    %swap3A_504 = vector.shape_cast %swap3A_503 : vector<1x16xf32> to vector<16xf32>
    %swap3A_505 = vector.shape_cast %add3A_499 : vector<16xf32> to vector<1x16xf32>
    tpu.vector_store %arg11[%swap3A_501, %swap3A_502], %swap3A_505 {strides = array<i32>} : memref<64x512xf32, #tpu.memory_space<vmem>>, vector<1x16xf32>,
    %get3A_506 = arith.constant 0 : i32
    %get3A_507 = arith.index_cast %get3A_506 : i32 to index
    %get3A_508 = arith.constant 432 : index
    %get3A_509 = tpu.vector_load %arg11[%get3A_507, %get3A_508] {strides = array<i32>} : memref<64x512xf32, #tpu.memory_space<vmem>>, vector<1x16xf32>,
    %get3A_510 = vector.shape_cast %get3A_509 : vector<1x16xf32> to vector<16xf32>
    %mul3A_511 = arith.constant 6.250000e-02 : f32
    %mul3A_512 = vector.broadcast %mul3A_511 : f32 to vector<16xf32>
    %mul3A_513 = arith.mulf %scan3A_101#27, %mul3A_512 : vector<16xf32>
    %add3A_514 = arith.addf %get3A_510, %mul3A_513 : vector<16xf32>
    %swap3A_515 = arith.constant 0 : i32
    %swap3A_516 = arith.index_cast %swap3A_515 : i32 to index
    %swap3A_517 = arith.constant 432 : index
    %swap3A_518 = tpu.vector_load %arg11[%swap3A_516, %swap3A_517] {strides = array<i32>} : memref<64x512xf32, #tpu.memory_space<vmem>>, vector<1x16xf32>,
    %swap3A_519 = vector.shape_cast %swap3A_518 : vector<1x16xf32> to vector<16xf32>
    %swap3A_520 = vector.shape_cast %add3A_514 : vector<16xf32> to vector<1x16xf32>
    tpu.vector_store %arg11[%swap3A_516, %swap3A_517], %swap3A_520 {strides = array<i32>} : memref<64x512xf32, #tpu.memory_space<vmem>>, vector<1x16xf32>,
    %get3A_521 = arith.constant 0 : i32
    %get3A_522 = arith.index_cast %get3A_521 : i32 to index
    %get3A_523 = arith.constant 448 : index
    %get3A_524 = tpu.vector_load %arg11[%get3A_522, %get3A_523] {strides = array<i32>} : memref<64x512xf32, #tpu.memory_space<vmem>>, vector<1x16xf32>,
    %get3A_525 = vector.shape_cast %get3A_524 : vector<1x16xf32> to vector<16xf32>
    %mul3A_526 = arith.constant 6.250000e-02 : f32
    %mul3A_527 = vector.broadcast %mul3A_526 : f32 to vector<16xf32>
    %mul3A_528 = arith.mulf %scan3A_101#28, %mul3A_527 : vector<16xf32>
    %add3A_529 = arith.addf %get3A_525, %mul3A_528 : vector<16xf32>
    %swap3A_530 = arith.constant 0 : i32
    %swap3A_531 = arith.index_cast %swap3A_530 : i32 to index
    %swap3A_532 = arith.constant 448 : index
    %swap3A_533 = tpu.vector_load %arg11[%swap3A_531, %swap3A_532] {strides = array<i32>} : memref<64x512xf32, #tpu.memory_space<vmem>>, vector<1x16xf32>,
    %swap3A_534 = vector.shape_cast %swap3A_533 : vector<1x16xf32> to vector<16xf32>
    %swap3A_535 = vector.shape_cast %add3A_529 : vector<16xf32> to vector<1x16xf32>
    tpu.vector_store %arg11[%swap3A_531, %swap3A_532], %swap3A_535 {strides = array<i32>} : memref<64x512xf32, #tpu.memory_space<vmem>>, vector<1x16xf32>,
    %get3A_536 = arith.constant 0 : i32
    %get3A_537 = arith.index_cast %get3A_536 : i32 to index
    %get3A_538 = arith.constant 464 : index
    %get3A_539 = tpu.vector_load %arg11[%get3A_537, %get3A_538] {strides = array<i32>} : memref<64x512xf32, #tpu.memory_space<vmem>>, vector<1x16xf32>,
    %get3A_540 = vector.shape_cast %get3A_539 : vector<1x16xf32> to vector<16xf32>
    %mul3A_541 = arith.constant 6.250000e-02 : f32
    %mul3A_542 = vector.broadcast %mul3A_541 : f32 to vector<16xf32>
    %mul3A_543 = arith.mulf %scan3A_101#29, %mul3A_542 : vector<16xf32>
    %add3A_544 = arith.addf %get3A_540, %mul3A_543 : vector<16xf32>
    %swap3A_545 = arith.constant 0 : i32
    %swap3A_546 = arith.index_cast %swap3A_545 : i32 to index
    %swap3A_547 = arith.constant 464 : index
    %swap3A_548 = tpu.vector_load %arg11[%swap3A_546, %swap3A_547] {strides = array<i32>} : memref<64x512xf32, #tpu.memory_space<vmem>>, vector<1x16xf32>,
    %swap3A_549 = vector.shape_cast %swap3A_548 : vector<1x16xf32> to vector<16xf32>
    %swap3A_550 = vector.shape_cast %add3A_544 : vector<16xf32> to vector<1x16xf32>
    tpu.vector_store %arg11[%swap3A_546, %swap3A_547], %swap3A_550 {strides = array<i32>} : memref<64x512xf32, #tpu.memory_space<vmem>>, vector<1x16xf32>,
    %get3A_551 = arith.constant 0 : i32
    %get3A_552 = arith.index_cast %get3A_551 : i32 to index
    %get3A_553 = arith.constant 480 : index
    %get3A_554 = tpu.vector_load %arg11[%get3A_552, %get3A_553] {strides = array<i32>} : memref<64x512xf32, #tpu.memory_space<vmem>>, vector<1x16xf32>,
    %get3A_555 = vector.shape_cast %get3A_554 : vector<1x16xf32> to vector<16xf32>
    %mul3A_556 = arith.constant 6.250000e-02 : f32
    %mul3A_557 = vector.broadcast %mul3A_556 : f32 to vector<16xf32>
    %mul3A_558 = arith.mulf %scan3A_101#30, %mul3A_557 : vector<16xf32>
    %add3A_559 = arith.addf %get3A_555, %mul3A_558 : vector<16xf32>
    %swap3A_560 = arith.constant 0 : i32
    %swap3A_561 = arith.index_cast %swap3A_560 : i32 to index
    %swap3A_562 = arith.constant 480 : index
    %swap3A_563 = tpu.vector_load %arg11[%swap3A_561, %swap3A_562] {strides = array<i32>} : memref<64x512xf32, #tpu.memory_space<vmem>>, vector<1x16xf32>,
    %swap3A_564 = vector.shape_cast %swap3A_563 : vector<1x16xf32> to vector<16xf32>
    %swap3A_565 = vector.shape_cast %add3A_559 : vector<16xf32> to vector<1x16xf32>
    tpu.vector_store %arg11[%swap3A_561, %swap3A_562], %swap3A_565 {strides = array<i32>} : memref<64x512xf32, #tpu.memory_space<vmem>>, vector<1x16xf32>,
    %get3A_566 = arith.constant 0 : i32
    %get3A_567 = arith.index_cast %get3A_566 : i32 to index
    %get3A_568 = arith.constant 496 : index
    %get3A_569 = tpu.vector_load %arg11[%get3A_567, %get3A_568] {strides = array<i32>} : memref<64x512xf32, #tpu.memory_space<vmem>>, vector<1x16xf32>,
    %get3A_570 = vector.shape_cast %get3A_569 : vector<1x16xf32> to vector<16xf32>
    %mul3A_571 = arith.constant 6.250000e-02 : f32
    %mul3A_572 = vector.broadcast %mul3A_571 : f32 to vector<16xf32>
    %mul3A_573 = arith.mulf %scan3A_101#31, %mul3A_572 : vector<16xf32>
    %add3A_574 = arith.addf %get3A_570, %mul3A_573 : vector<16xf32>
    %swap3A_575 = arith.constant 0 : i32
    %swap3A_576 = arith.index_cast %swap3A_575 : i32 to index
    %swap3A_577 = arith.constant 496 : index
    %swap3A_578 = tpu.vector_load %arg11[%swap3A_576, %swap3A_577] {strides = array<i32>} : memref<64x512xf32, #tpu.memory_space<vmem>>, vector<1x16xf32>,
    %swap3A_579 = vector.shape_cast %swap3A_578 : vector<1x16xf32> to vector<16xf32>
    %swap3A_580 = vector.shape_cast %add3A_574 : vector<16xf32> to vector<1x16xf32>
    tpu.vector_store %arg11[%swap3A_576, %swap3A_577], %swap3A_580 {strides = array<i32>} : memref<64x512xf32, #tpu.memory_space<vmem>>, vector<1x16xf32>,
    %dma_start3A_581 = arith.constant 3 : i32
    %dma_start3A_582 = arith.constant 0 : i32
    %dma_start3A_583 = tpu.memref_slice %arg7[%dma_start3A_581, %dma_start3A_582] : memref<64x48xi32, #tpu.memory_space<vmem>> -> memref<1x48xi32, #tpu.memory_space<vmem>>
    %dma_start3A_584 = tpu.memref_squeeze %dma_start3A_583 : memref<1x48xi32, #tpu.memory_space<vmem>> -> memref<48xi32, #tpu.memory_space<vmem>>
    %dma_start3A_585 = arith.constant 0 : i32
    %dma_start3A_586 = arith.constant 0 : i32
    %dma_start3A_587 = tpu.memref_slice %arg2[%dma_start3A_585, %dma_start3A_586] : memref<50000x512xf32, #tpu.memory_space<hbm>> -> memref<50000x512xf32, #tpu.memory_space<hbm>>
    tpu.enqueue_indirect_dma source(%dma_start3A_587 : memref<50000x512xf32, #tpu.memory_space<hbm>>) target(%arg8 : memref<48x512xf32, #tpu.memory_space<vmem>>) offsets(%dma_start3A_584 : memref<48xi32, #tpu.memory_space<vmem>>) semaphore(%arg13 : memref<!tpu.dma_semaphore, #tpu.memory_space<semaphore_mem>>)
    %scan3A_588 = arith.constant 6.250000e-02 : f32
    %scan3A_589 = arith.constant 0 : i32
    %scan3A_590 = arith.constant 21 : i32
    %scan3A_591 = arith.addi %scan3A_589, %scan3A_590 : i32
    %scan3A_592 = arith.constant 1 : i32
    scf.for %scan3A_596 = %scan3A_589 to %scan3A_591 step %scan3A_592  : i32 {
      %mul3A_597 = arith.constant 3 : i32
      %mul3A_598 = arith.muli %mul3A_597, %scan3A_596 : i32
      %add3A_599 = arith.constant 1 : i32
      %add3A_600 = arith.addi %mul3A_598, %add3A_599 : i32
      %dma_wait3A_601 = arith.constant 0 : i32
      %dma_wait3A_602 = tpu.memref_slice %arg7[%add3A_600, %dma_wait3A_601] : memref<64x48xi32, #tpu.memory_space<vmem>> -> memref<1x48xi32, #tpu.memory_space<vmem>>
      %dma_wait3A_603 = tpu.memref_squeeze %dma_wait3A_602 : memref<1x48xi32, #tpu.memory_space<vmem>> -> memref<48xi32, #tpu.memory_space<vmem>>
      %dma_wait3A_604 = arith.constant 0 : i32
      %dma_wait3A_605 = arith.constant 0 : i32
      %dma_wait3A_606 = tpu.memref_slice %arg2[%dma_wait3A_604, %dma_wait3A_605] : memref<50000x512xf32, #tpu.memory_space<hbm>> -> memref<50000x512xf32, #tpu.memory_space<hbm>>
      tpu.wait_indirect_dma semaphore(%arg14 : memref<!tpu.dma_semaphore, #tpu.memory_space<semaphore_mem>>) src(%dma_wait3A_606 : memref<50000x512xf32, #tpu.memory_space<hbm>>) dst(%arg9 : memref<48x512xf32, #tpu.memory_space<vmem>>)
      %broadcast_in_dim3A_607 = arith.constant 0.000000e+00 : f32
      %broadcast_in_dim3A_608 = vector.broadcast %broadcast_in_dim3A_607 : f32 to vector<16xf32>
      %broadcast_in_dim3A_609 = arith.constant 0.000000e+00 : f32
      %broadcast_in_dim3A_610 = vector.broadcast %broadcast_in_dim3A_609 : f32 to vector<16xf32>
      %broadcast_in_dim3A_611 = arith.constant 0.000000e+00 : f32
      %broadcast_in_dim3A_612 = vector.broadcast %broadcast_in_dim3A_611 : f32 to vector<16xf32>
      %broadcast_in_dim3A_613 = arith.constant 0.000000e+00 : f32
      %broadcast_in_dim3A_614 = vector.broadcast %broadcast_in_dim3A_613 : f32 to vector<16xf32>
      %broadcast_in_dim3A_615 = arith.constant 0.000000e+00 : f32
      %broadcast_in_dim3A_616 = vector.broadcast %broadcast_in_dim3A_615 : f32 to vector<16xf32>
      %broadcast_in_dim3A_617 = arith.constant 0.000000e+00 : f32
      %broadcast_in_dim3A_618 = vector.broadcast %broadcast_in_dim3A_617 : f32 to vector<16xf32>
      %broadcast_in_dim3A_619 = arith.constant 0.000000e+00 : f32
      %broadcast_in_dim3A_620 = vector.broadcast %broadcast_in_dim3A_619 : f32 to vector<16xf32>
      %broadcast_in_dim3A_621 = arith.constant 0.000000e+00 : f32
      %broadcast_in_dim3A_622 = vector.broadcast %broadcast_in_dim3A_621 : f32 to vector<16xf32>
      %broadcast_in_dim3A_623 = arith.constant 0.000000e+00 : f32
      %broadcast_in_dim3A_624 = vector.broadcast %broadcast_in_dim3A_623 : f32 to vector<16xf32>
      %broadcast_in_dim3A_625 = arith.constant 0.000000e+00 : f32
      %broadcast_in_dim3A_626 = vector.broadcast %broadcast_in_dim3A_625 : f32 to vector<16xf32>
      %broadcast_in_dim3A_627 = arith.constant 0.000000e+00 : f32
      %broadcast_in_dim3A_628 = vector.broadcast %broadcast_in_dim3A_627 : f32 to vector<16xf32>
      %broadcast_in_dim3A_629 = arith.constant 0.000000e+00 : f32
      %broadcast_in_dim3A_630 = vector.broadcast %broadcast_in_dim3A_629 : f32 to vector<16xf32>
      %broadcast_in_dim3A_631 = arith.constant 0.000000e+00 : f32
      %broadcast_in_dim3A_632 = vector.broadcast %broadcast_in_dim3A_631 : f32 to vector<16xf32>
      %broadcast_in_dim3A_633 = arith.constant 0.000000e+00 : f32
      %broadcast_in_dim3A_634 = vector.broadcast %broadcast_in_dim3A_633 : f32 to vector<16xf32>
      %broadcast_in_dim3A_635 = arith.constant 0.000000e+00 : f32
      %broadcast_in_dim3A_636 = vector.broadcast %broadcast_in_dim3A_635 : f32 to vector<16xf32>
      %broadcast_in_dim3A_637 = arith.constant 0.000000e+00 : f32
      %broadcast_in_dim3A_638 = vector.broadcast %broadcast_in_dim3A_637 : f32 to vector<16xf32>
      %broadcast_in_dim3A_639 = arith.constant 0.000000e+00 : f32
      %broadcast_in_dim3A_640 = vector.broadcast %broadcast_in_dim3A_639 : f32 to vector<16xf32>
      %broadcast_in_dim3A_641 = arith.constant 0.000000e+00 : f32
      %broadcast_in_dim3A_642 = vector.broadcast %broadcast_in_dim3A_641 : f32 to vector<16xf32>
      %broadcast_in_dim3A_643 = arith.constant 0.000000e+00 : f32
      %broadcast_in_dim3A_644 = vector.broadcast %broadcast_in_dim3A_643 : f32 to vector<16xf32>
      %broadcast_in_dim3A_645 = arith.constant 0.000000e+00 : f32
      %broadcast_in_dim3A_646 = vector.broadcast %broadcast_in_dim3A_645 : f32 to vector<16xf32>
      %broadcast_in_dim3A_647 = arith.constant 0.000000e+00 : f32
      %broadcast_in_dim3A_648 = vector.broadcast %broadcast_in_dim3A_647 : f32 to vector<16xf32>
      %broadcast_in_dim3A_649 = arith.constant 0.000000e+00 : f32
      %broadcast_in_dim3A_650 = vector.broadcast %broadcast_in_dim3A_649 : f32 to vector<16xf32>
      %broadcast_in_dim3A_651 = arith.constant 0.000000e+00 : f32
      %broadcast_in_dim3A_652 = vector.broadcast %broadcast_in_dim3A_651 : f32 to vector<16xf32>
      %broadcast_in_dim3A_653 = arith.constant 0.000000e+00 : f32
      %broadcast_in_dim3A_654 = vector.broadcast %broadcast_in_dim3A_653 : f32 to vector<16xf32>
      %broadcast_in_dim3A_655 = arith.constant 0.000000e+00 : f32
      %broadcast_in_dim3A_656 = vector.broadcast %broadcast_in_dim3A_655 : f32 to vector<16xf32>
      %broadcast_in_dim3A_657 = arith.constant 0.000000e+00 : f32
      %broadcast_in_dim3A_658 = vector.broadcast %broadcast_in_dim3A_657 : f32 to vector<16xf32>
      %broadcast_in_dim3A_659 = arith.constant 0.000000e+00 : f32
      %broadcast_in_dim3A_660 = vector.broadcast %broadcast_in_dim3A_659 : f32 to vector<16xf32>
      %broadcast_in_dim3A_661 = arith.constant 0.000000e+00 : f32
      %broadcast_in_dim3A_662 = vector.broadcast %broadcast_in_dim3A_661 : f32 to vector<16xf32>
      %broadcast_in_dim3A_663 = arith.constant 0.000000e+00 : f32
      %broadcast_in_dim3A_664 = vector.broadcast %broadcast_in_dim3A_663 : f32 to vector<16xf32>
      %broadcast_in_dim3A_665 = arith.constant 0.000000e+00 : f32
      %broadcast_in_dim3A_666 = vector.broadcast %broadcast_in_dim3A_665 : f32 to vector<16xf32>
      %broadcast_in_dim3A_667 = arith.constant 0.000000e+00 : f32
      %broadcast_in_dim3A_668 = vector.broadcast %broadcast_in_dim3A_667 : f32 to vector<16xf32>
      %broadcast_in_dim3A_669 = arith.constant 0.000000e+00 : f32
      %broadcast_in_dim3A_670 = vector.broadcast %broadcast_in_dim3A_669 : f32 to vector<16xf32>
      %scan3A_671 = arith.constant 0 : i32
      %scan3A_672 = arith.constant 48 : i32
      %scan3A_673 = arith.addi %scan3A_671, %scan3A_672 : i32
      %scan3A_674 = arith.constant 1 : i32
      %scan3A_675:32 = scf.for %scan3A_2003 = %scan3A_671 to %scan3A_673 step %scan3A_674 iter_args(%scan3A_2004 = %broadcast_in_dim3A_608, %scan3A_2005 = %broadcast_in_dim3A_610, %scan3A_2006 = %broadcast_in_dim3A_612, %scan3A_2007 = %broadcast_in_dim3A_614, %scan3A_2008 = %broadcast_in_dim3A_616, %scan3A_2009 = %broadcast_in_dim3A_618, %scan3A_2010 = %broadcast_in_dim3A_620, %scan3A_2011 = %broadcast_in_dim3A_622, %scan3A_2012 = %broadcast_in_dim3A_624, %scan3A_2013 = %broadcast_in_dim3A_626, %scan3A_2014 = %broadcast_in_dim3A_628, %scan3A_2015 = %broadcast_in_dim3A_630, %scan3A_2016 = %broadcast_in_dim3A_632, %scan3A_2017 = %broadcast_in_dim3A_634, %scan3A_2018 = %broadcast_in_dim3A_636, %scan3A_2019 = %broadcast_in_dim3A_638, %scan3A_2020 = %broadcast_in_dim3A_640, %scan3A_2021 = %broadcast_in_dim3A_642, %scan3A_2022 = %broadcast_in_dim3A_644, %scan3A_2023 = %broadcast_in_dim3A_646, %scan3A_2024 = %broadcast_in_dim3A_648, %scan3A_2025 = %broadcast_in_dim3A_650, %scan3A_2026 = %broadcast_in_dim3A_652, %scan3A_2027 = %broadcast_in_dim3A_654, %scan3A_2028 = %broadcast_in_dim3A_656, %scan3A_2029 = %broadcast_in_dim3A_658, %scan3A_2030 = %broadcast_in_dim3A_660, %scan3A_2031 = %broadcast_in_dim3A_662, %scan3A_2032 = %broadcast_in_dim3A_664, %scan3A_2033 = %broadcast_in_dim3A_666, %scan3A_2034 = %broadcast_in_dim3A_668, %scan3A_2035 = %broadcast_in_dim3A_670) -> (vector<16xf32>, vector<16xf32>, vector<16xf32>, vector<16xf32>, vector<16xf32>, vector<16xf32>, vector<16xf32>, vector<16xf32>, vector<16xf32>, vector<16xf32>, vector<16xf32>, vector<16xf32>, vector<16xf32>, vector<16xf32>, vector<16xf32>, vector<16xf32>, vector<16xf32>, vector<16xf32>, vector<16xf32>, vector<16xf32>, vector<16xf32>, vector<16xf32>, vector<16xf32>, vector<16xf32>, vector<16xf32>, vector<16xf32>, vector<16xf32>, vector<16xf32>, vector<16xf32>, vector<16xf32>, vector<16xf32>, vector<16xf32>)  : i32 {
        %get3A_2036 = arith.index_cast %scan3A_2003 : i32 to index
        %get3A_2037 = arith.constant 0 : index
        %get3A_2038 = tpu.vector_load %arg9[%get3A_2036, %get3A_2037] {strides = array<i32>} : memref<48x512xf32, #tpu.memory_space<vmem>>, vector<1x16xf32>,
        %get3A_2039 = vector.shape_cast %get3A_2038 : vector<1x16xf32> to vector<16xf32>
        %add3A_2040 = arith.addf %scan3A_2004, %get3A_2039 : vector<16xf32>
        %get3A_2041 = arith.index_cast %scan3A_2003 : i32 to index
        %get3A_2042 = arith.constant 16 : index
        %get3A_2043 = tpu.vector_load %arg9[%get3A_2041, %get3A_2042] {strides = array<i32>} : memref<48x512xf32, #tpu.memory_space<vmem>>, vector<1x16xf32>,
        %get3A_2044 = vector.shape_cast %get3A_2043 : vector<1x16xf32> to vector<16xf32>
        %add3A_2045 = arith.addf %scan3A_2005, %get3A_2044 : vector<16xf32>
        %get3A_2046 = arith.index_cast %scan3A_2003 : i32 to index
        %get3A_2047 = arith.constant 32 : index
        %get3A_2048 = tpu.vector_load %arg9[%get3A_2046, %get3A_2047] {strides = array<i32>} : memref<48x512xf32, #tpu.memory_space<vmem>>, vector<1x16xf32>,
        %get3A_2049 = vector.shape_cast %get3A_2048 : vector<1x16xf32> to vector<16xf32>
        %add3A_2050 = arith.addf %scan3A_2006, %get3A_2049 : vector<16xf32>
        %get3A_2051 = arith.index_cast %scan3A_2003 : i32 to index
        %get3A_2052 = arith.constant 48 : index
        %get3A_2053 = tpu.vector_load %arg9[%get3A_2051, %get3A_2052] {strides = array<i32>} : memref<48x512xf32, #tpu.memory_space<vmem>>, vector<1x16xf32>,
        %get3A_2054 = vector.shape_cast %get3A_2053 : vector<1x16xf32> to vector<16xf32>
        %add3A_2055 = arith.addf %scan3A_2007, %get3A_2054 : vector<16xf32>
        %get3A_2056 = arith.index_cast %scan3A_2003 : i32 to index
        %get3A_2057 = arith.constant 64 : index
        %get3A_2058 = tpu.vector_load %arg9[%get3A_2056, %get3A_2057] {strides = array<i32>} : memref<48x512xf32, #tpu.memory_space<vmem>>, vector<1x16xf32>,
        %get3A_2059 = vector.shape_cast %get3A_2058 : vector<1x16xf32> to vector<16xf32>
        %add3A_2060 = arith.addf %scan3A_2008, %get3A_2059 : vector<16xf32>
        %get3A_2061 = arith.index_cast %scan3A_2003 : i32 to index
        %get3A_2062 = arith.constant 80 : index
        %get3A_2063 = tpu.vector_load %arg9[%get3A_2061, %get3A_2062] {strides = array<i32>} : memref<48x512xf32, #tpu.memory_space<vmem>>, vector<1x16xf32>,
        %get3A_2064 = vector.shape_cast %get3A_2063 : vector<1x16xf32> to vector<16xf32>
        %add3A_2065 = arith.addf %scan3A_2009, %get3A_2064 : vector<16xf32>
        %get3A_2066 = arith.index_cast %scan3A_2003 : i32 to index
        %get3A_2067 = arith.constant 96 : index
        %get3A_2068 = tpu.vector_load %arg9[%get3A_2066, %get3A_2067] {strides = array<i32>} : memref<48x512xf32, #tpu.memory_space<vmem>>, vector<1x16xf32>,
        %get3A_2069 = vector.shape_cast %get3A_2068 : vector<1x16xf32> to vector<16xf32>
        %add3A_2070 = arith.addf %scan3A_2010, %get3A_2069 : vector<16xf32>
        %get3A_2071 = arith.index_cast %scan3A_2003 : i32 to index
        %get3A_2072 = arith.constant 112 : index
        %get3A_2073 = tpu.vector_load %arg9[%get3A_2071, %get3A_2072] {strides = array<i32>} : memref<48x512xf32, #tpu.memory_space<vmem>>, vector<1x16xf32>,
        %get3A_2074 = vector.shape_cast %get3A_2073 : vector<1x16xf32> to vector<16xf32>
        %add3A_2075 = arith.addf %scan3A_2011, %get3A_2074 : vector<16xf32>
        %get3A_2076 = arith.index_cast %scan3A_2003 : i32 to index
        %get3A_2077 = arith.constant 128 : index
        %get3A_2078 = tpu.vector_load %arg9[%get3A_2076, %get3A_2077] {strides = array<i32>} : memref<48x512xf32, #tpu.memory_space<vmem>>, vector<1x16xf32>,
        %get3A_2079 = vector.shape_cast %get3A_2078 : vector<1x16xf32> to vector<16xf32>
        %add3A_2080 = arith.addf %scan3A_2012, %get3A_2079 : vector<16xf32>
        %get3A_2081 = arith.index_cast %scan3A_2003 : i32 to index
        %get3A_2082 = arith.constant 144 : index
        %get3A_2083 = tpu.vector_load %arg9[%get3A_2081, %get3A_2082] {strides = array<i32>} : memref<48x512xf32, #tpu.memory_space<vmem>>, vector<1x16xf32>,
        %get3A_2084 = vector.shape_cast %get3A_2083 : vector<1x16xf32> to vector<16xf32>
        %add3A_2085 = arith.addf %scan3A_2013, %get3A_2084 : vector<16xf32>
        %get3A_2086 = arith.index_cast %scan3A_2003 : i32 to index
        %get3A_2087 = arith.constant 160 : index
        %get3A_2088 = tpu.vector_load %arg9[%get3A_2086, %get3A_2087] {strides = array<i32>} : memref<48x512xf32, #tpu.memory_space<vmem>>, vector<1x16xf32>,
        %get3A_2089 = vector.shape_cast %get3A_2088 : vector<1x16xf32> to vector<16xf32>
        %add3A_2090 = arith.addf %scan3A_2014, %get3A_2089 : vector<16xf32>
        %get3A_2091 = arith.index_cast %scan3A_2003 : i32 to index
        %get3A_2092 = arith.constant 176 : index
        %get3A_2093 = tpu.vector_load %arg9[%get3A_2091, %get3A_2092] {strides = array<i32>} : memref<48x512xf32, #tpu.memory_space<vmem>>, vector<1x16xf32>,
        %get3A_2094 = vector.shape_cast %get3A_2093 : vector<1x16xf32> to vector<16xf32>
        %add3A_2095 = arith.addf %scan3A_2015, %get3A_2094 : vector<16xf32>
        %get3A_2096 = arith.index_cast %scan3A_2003 : i32 to index
        %get3A_2097 = arith.constant 192 : index
        %get3A_2098 = tpu.vector_load %arg9[%get3A_2096, %get3A_2097] {strides = array<i32>} : memref<48x512xf32, #tpu.memory_space<vmem>>, vector<1x16xf32>,
        %get3A_2099 = vector.shape_cast %get3A_2098 : vector<1x16xf32> to vector<16xf32>
        %add3A_2100 = arith.addf %scan3A_2016, %get3A_2099 : vector<16xf32>
        %get3A_2101 = arith.index_cast %scan3A_2003 : i32 to index
        %get3A_2102 = arith.constant 208 : index
        %get3A_2103 = tpu.vector_load %arg9[%get3A_2101, %get3A_2102] {strides = array<i32>} : memref<48x512xf32, #tpu.memory_space<vmem>>, vector<1x16xf32>,
        %get3A_2104 = vector.shape_cast %get3A_2103 : vector<1x16xf32> to vector<16xf32>
        %add3A_2105 = arith.addf %scan3A_2017, %get3A_2104 : vector<16xf32>
        %get3A_2106 = arith.index_cast %scan3A_2003 : i32 to index
        %get3A_2107 = arith.constant 224 : index
        %get3A_2108 = tpu.vector_load %arg9[%get3A_2106, %get3A_2107] {strides = array<i32>} : memref<48x512xf32, #tpu.memory_space<vmem>>, vector<1x16xf32>,
        %get3A_2109 = vector.shape_cast %get3A_2108 : vector<1x16xf32> to vector<16xf32>
        %add3A_2110 = arith.addf %scan3A_2018, %get3A_2109 : vector<16xf32>
        %get3A_2111 = arith.index_cast %scan3A_2003 : i32 to index
        %get3A_2112 = arith.constant 240 : index
        %get3A_2113 = tpu.vector_load %arg9[%get3A_2111, %get3A_2112] {strides = array<i32>} : memref<48x512xf32, #tpu.memory_space<vmem>>, vector<1x16xf32>,
        %get3A_2114 = vector.shape_cast %get3A_2113 : vector<1x16xf32> to vector<16xf32>
        %add3A_2115 = arith.addf %scan3A_2019, %get3A_2114 : vector<16xf32>
        %get3A_2116 = arith.index_cast %scan3A_2003 : i32 to index
        %get3A_2117 = arith.constant 256 : index
        %get3A_2118 = tpu.vector_load %arg9[%get3A_2116, %get3A_2117] {strides = array<i32>} : memref<48x512xf32, #tpu.memory_space<vmem>>, vector<1x16xf32>,
        %get3A_2119 = vector.shape_cast %get3A_2118 : vector<1x16xf32> to vector<16xf32>
        %add3A_2120 = arith.addf %scan3A_2020, %get3A_2119 : vector<16xf32>
        %get3A_2121 = arith.index_cast %scan3A_2003 : i32 to index
        %get3A_2122 = arith.constant 272 : index
        %get3A_2123 = tpu.vector_load %arg9[%get3A_2121, %get3A_2122] {strides = array<i32>} : memref<48x512xf32, #tpu.memory_space<vmem>>, vector<1x16xf32>,
        %get3A_2124 = vector.shape_cast %get3A_2123 : vector<1x16xf32> to vector<16xf32>
        %add3A_2125 = arith.addf %scan3A_2021, %get3A_2124 : vector<16xf32>
        %get3A_2126 = arith.index_cast %scan3A_2003 : i32 to index
        %get3A_2127 = arith.constant 288 : index
        %get3A_2128 = tpu.vector_load %arg9[%get3A_2126, %get3A_2127] {strides = array<i32>} : memref<48x512xf32, #tpu.memory_space<vmem>>, vector<1x16xf32>,
        %get3A_2129 = vector.shape_cast %get3A_2128 : vector<1x16xf32> to vector<16xf32>
        %add3A_2130 = arith.addf %scan3A_2022, %get3A_2129 : vector<16xf32>
        %get3A_2131 = arith.index_cast %scan3A_2003 : i32 to index
        %get3A_2132 = arith.constant 304 : index
        %get3A_2133 = tpu.vector_load %arg9[%get3A_2131, %get3A_2132] {strides = array<i32>} : memref<48x512xf32, #tpu.memory_space<vmem>>, vector<1x16xf32>,
        %get3A_2134 = vector.shape_cast %get3A_2133 : vector<1x16xf32> to vector<16xf32>
        %add3A_2135 = arith.addf %scan3A_2023, %get3A_2134 : vector<16xf32>
        %get3A_2136 = arith.index_cast %scan3A_2003 : i32 to index
        %get3A_2137 = arith.constant 320 : index
        %get3A_2138 = tpu.vector_load %arg9[%get3A_2136, %get3A_2137] {strides = array<i32>} : memref<48x512xf32, #tpu.memory_space<vmem>>, vector<1x16xf32>,
        %get3A_2139 = vector.shape_cast %get3A_2138 : vector<1x16xf32> to vector<16xf32>
        %add3A_2140 = arith.addf %scan3A_2024, %get3A_2139 : vector<16xf32>
        %get3A_2141 = arith.index_cast %scan3A_2003 : i32 to index
        %get3A_2142 = arith.constant 336 : index
        %get3A_2143 = tpu.vector_load %arg9[%get3A_2141, %get3A_2142] {strides = array<i32>} : memref<48x512xf32, #tpu.memory_space<vmem>>, vector<1x16xf32>,
        %get3A_2144 = vector.shape_cast %get3A_2143 : vector<1x16xf32> to vector<16xf32>
        %add3A_2145 = arith.addf %scan3A_2025, %get3A_2144 : vector<16xf32>
        %get3A_2146 = arith.index_cast %scan3A_2003 : i32 to index
        %get3A_2147 = arith.constant 352 : index
        %get3A_2148 = tpu.vector_load %arg9[%get3A_2146, %get3A_2147] {strides = array<i32>} : memref<48x512xf32, #tpu.memory_space<vmem>>, vector<1x16xf32>,
        %get3A_2149 = vector.shape_cast %get3A_2148 : vector<1x16xf32> to vector<16xf32>
        %add3A_2150 = arith.addf %scan3A_2026, %get3A_2149 : vector<16xf32>
        %get3A_2151 = arith.index_cast %scan3A_2003 : i32 to index
        %get3A_2152 = arith.constant 368 : index
        %get3A_2153 = tpu.vector_load %arg9[%get3A_2151, %get3A_2152] {strides = array<i32>} : memref<48x512xf32, #tpu.memory_space<vmem>>, vector<1x16xf32>,
        %get3A_2154 = vector.shape_cast %get3A_2153 : vector<1x16xf32> to vector<16xf32>
        %add3A_2155 = arith.addf %scan3A_2027, %get3A_2154 : vector<16xf32>
        %get3A_2156 = arith.index_cast %scan3A_2003 : i32 to index
        %get3A_2157 = arith.constant 384 : index
        %get3A_2158 = tpu.vector_load %arg9[%get3A_2156, %get3A_2157] {strides = array<i32>} : memref<48x512xf32, #tpu.memory_space<vmem>>, vector<1x16xf32>,
        %get3A_2159 = vector.shape_cast %get3A_2158 : vector<1x16xf32> to vector<16xf32>
        %add3A_2160 = arith.addf %scan3A_2028, %get3A_2159 : vector<16xf32>
        %get3A_2161 = arith.index_cast %scan3A_2003 : i32 to index
        %get3A_2162 = arith.constant 400 : index
        %get3A_2163 = tpu.vector_load %arg9[%get3A_2161, %get3A_2162] {strides = array<i32>} : memref<48x512xf32, #tpu.memory_space<vmem>>, vector<1x16xf32>,
        %get3A_2164 = vector.shape_cast %get3A_2163 : vector<1x16xf32> to vector<16xf32>
        %add3A_2165 = arith.addf %scan3A_2029, %get3A_2164 : vector<16xf32>
        %get3A_2166 = arith.index_cast %scan3A_2003 : i32 to index
        %get3A_2167 = arith.constant 416 : index
        %get3A_2168 = tpu.vector_load %arg9[%get3A_2166, %get3A_2167] {strides = array<i32>} : memref<48x512xf32, #tpu.memory_space<vmem>>, vector<1x16xf32>,
        %get3A_2169 = vector.shape_cast %get3A_2168 : vector<1x16xf32> to vector<16xf32>
        %add3A_2170 = arith.addf %scan3A_2030, %get3A_2169 : vector<16xf32>
        %get3A_2171 = arith.index_cast %scan3A_2003 : i32 to index
        %get3A_2172 = arith.constant 432 : index
        %get3A_2173 = tpu.vector_load %arg9[%get3A_2171, %get3A_2172] {strides = array<i32>} : memref<48x512xf32, #tpu.memory_space<vmem>>, vector<1x16xf32>,
        %get3A_2174 = vector.shape_cast %get3A_2173 : vector<1x16xf32> to vector<16xf32>
        %add3A_2175 = arith.addf %scan3A_2031, %get3A_2174 : vector<16xf32>
        %get3A_2176 = arith.index_cast %scan3A_2003 : i32 to index
        %get3A_2177 = arith.constant 448 : index
        %get3A_2178 = tpu.vector_load %arg9[%get3A_2176, %get3A_2177] {strides = array<i32>} : memref<48x512xf32, #tpu.memory_space<vmem>>, vector<1x16xf32>,
        %get3A_2179 = vector.shape_cast %get3A_2178 : vector<1x16xf32> to vector<16xf32>
        %add3A_2180 = arith.addf %scan3A_2032, %get3A_2179 : vector<16xf32>
        %get3A_2181 = arith.index_cast %scan3A_2003 : i32 to index
        %get3A_2182 = arith.constant 464 : index
        %get3A_2183 = tpu.vector_load %arg9[%get3A_2181, %get3A_2182] {strides = array<i32>} : memref<48x512xf32, #tpu.memory_space<vmem>>, vector<1x16xf32>,
        %get3A_2184 = vector.shape_cast %get3A_2183 : vector<1x16xf32> to vector<16xf32>
        %add3A_2185 = arith.addf %scan3A_2033, %get3A_2184 : vector<16xf32>
        %get3A_2186 = arith.index_cast %scan3A_2003 : i32 to index
        %get3A_2187 = arith.constant 480 : index
        %get3A_2188 = tpu.vector_load %arg9[%get3A_2186, %get3A_2187] {strides = array<i32>} : memref<48x512xf32, #tpu.memory_space<vmem>>, vector<1x16xf32>,
        %get3A_2189 = vector.shape_cast %get3A_2188 : vector<1x16xf32> to vector<16xf32>
        %add3A_2190 = arith.addf %scan3A_2034, %get3A_2189 : vector<16xf32>
        %get3A_2191 = arith.index_cast %scan3A_2003 : i32 to index
        %get3A_2192 = arith.constant 496 : index
        %get3A_2193 = tpu.vector_load %arg9[%get3A_2191, %get3A_2192] {strides = array<i32>} : memref<48x512xf32, #tpu.memory_space<vmem>>, vector<1x16xf32>,
        %get3A_2194 = vector.shape_cast %get3A_2193 : vector<1x16xf32> to vector<16xf32>
        %add3A_2195 = arith.addf %scan3A_2035, %get3A_2194 : vector<16xf32>
        scf.yield %add3A_2040, %add3A_2045, %add3A_2050, %add3A_2055, %add3A_2060, %add3A_2065, %add3A_2070, %add3A_2075, %add3A_2080, %add3A_2085, %add3A_2090, %add3A_2095, %add3A_2100, %add3A_2105, %add3A_2110, %add3A_2115, %add3A_2120, %add3A_2125, %add3A_2130, %add3A_2135, %add3A_2140, %add3A_2145, %add3A_2150, %add3A_2155, %add3A_2160, %add3A_2165, %add3A_2170, %add3A_2175, %add3A_2180, %add3A_2185, %add3A_2190, %add3A_2195 : vector<16xf32>, vector<16xf32>, vector<16xf32>, vector<16xf32>, vector<16xf32>, vector<16xf32>, vector<16xf32>, vector<16xf32>, vector<16xf32>, vector<16xf32>, vector<16xf32>, vector<16xf32>, vector<16xf32>, vector<16xf32>, vector<16xf32>, vector<16xf32>, vector<16xf32>, vector<16xf32>, vector<16xf32>, vector<16xf32>, vector<16xf32>, vector<16xf32>, vector<16xf32>, vector<16xf32>, vector<16xf32>, vector<16xf32>, vector<16xf32>, vector<16xf32>, vector<16xf32>, vector<16xf32>, vector<16xf32>, vector<16xf32>
      }
      %scan3A_676 = arith.constant 48 : i32
      %get3A_677 = arith.index_cast %add3A_600 : i32 to index
      %get3A_678 = arith.constant 0 : index
      %get3A_679 = tpu.vector_load %arg11[%get3A_677, %get3A_678] {strides = array<i32>} : memref<64x512xf32, #tpu.memory_space<vmem>>, vector<1x16xf32>,
      %get3A_680 = vector.shape_cast %get3A_679 : vector<1x16xf32> to vector<16xf32>
      %mul3A_681 = vector.broadcast %scan3A_588 : f32 to vector<16xf32>
      %mul3A_682 = arith.mulf %scan3A_675#0, %mul3A_681 : vector<16xf32>
      %add3A_683 = arith.addf %get3A_680, %mul3A_682 : vector<16xf32>
      %swap3A_684 = arith.index_cast %add3A_600 : i32 to index
      %swap3A_685 = arith.constant 0 : index
      %swap3A_686 = tpu.vector_load %arg11[%swap3A_684, %swap3A_685] {strides = array<i32>} : memref<64x512xf32, #tpu.memory_space<vmem>>, vector<1x16xf32>,
      %swap3A_687 = vector.shape_cast %swap3A_686 : vector<1x16xf32> to vector<16xf32>
      %swap3A_688 = vector.shape_cast %add3A_683 : vector<16xf32> to vector<1x16xf32>
      tpu.vector_store %arg11[%swap3A_684, %swap3A_685], %swap3A_688 {strides = array<i32>} : memref<64x512xf32, #tpu.memory_space<vmem>>, vector<1x16xf32>,
      %get3A_689 = arith.index_cast %add3A_600 : i32 to index
      %get3A_690 = arith.constant 16 : index
      %get3A_691 = tpu.vector_load %arg11[%get3A_689, %get3A_690] {strides = array<i32>} : memref<64x512xf32, #tpu.memory_space<vmem>>, vector<1x16xf32>,
      %get3A_692 = vector.shape_cast %get3A_691 : vector<1x16xf32> to vector<16xf32>
      %mul3A_693 = vector.broadcast %scan3A_588 : f32 to vector<16xf32>
      %mul3A_694 = arith.mulf %scan3A_675#1, %mul3A_693 : vector<16xf32>
      %add3A_695 = arith.addf %get3A_692, %mul3A_694 : vector<16xf32>
      %swap3A_696 = arith.index_cast %add3A_600 : i32 to index
      %swap3A_697 = arith.constant 16 : index
      %swap3A_698 = tpu.vector_load %arg11[%swap3A_696, %swap3A_697] {strides = array<i32>} : memref<64x512xf32, #tpu.memory_space<vmem>>, vector<1x16xf32>,
      %swap3A_699 = vector.shape_cast %swap3A_698 : vector<1x16xf32> to vector<16xf32>
      %swap3A_700 = vector.shape_cast %add3A_695 : vector<16xf32> to vector<1x16xf32>
      tpu.vector_store %arg11[%swap3A_696, %swap3A_697], %swap3A_700 {strides = array<i32>} : memref<64x512xf32, #tpu.memory_space<vmem>>, vector<1x16xf32>,
      %get3A_701 = arith.index_cast %add3A_600 : i32 to index
      %get3A_702 = arith.constant 32 : index
      %get3A_703 = tpu.vector_load %arg11[%get3A_701, %get3A_702] {strides = array<i32>} : memref<64x512xf32, #tpu.memory_space<vmem>>, vector<1x16xf32>,
      %get3A_704 = vector.shape_cast %get3A_703 : vector<1x16xf32> to vector<16xf32>
      %mul3A_705 = vector.broadcast %scan3A_588 : f32 to vector<16xf32>
      %mul3A_706 = arith.mulf %scan3A_675#2, %mul3A_705 : vector<16xf32>
      %add3A_707 = arith.addf %get3A_704, %mul3A_706 : vector<16xf32>
      %swap3A_708 = arith.index_cast %add3A_600 : i32 to index
      %swap3A_709 = arith.constant 32 : index
      %swap3A_710 = tpu.vector_load %arg11[%swap3A_708, %swap3A_709] {strides = array<i32>} : memref<64x512xf32, #tpu.memory_space<vmem>>, vector<1x16xf32>,
      %swap3A_711 = vector.shape_cast %swap3A_710 : vector<1x16xf32> to vector<16xf32>
      %swap3A_712 = vector.shape_cast %add3A_707 : vector<16xf32> to vector<1x16xf32>
      tpu.vector_store %arg11[%swap3A_708, %swap3A_709], %swap3A_712 {strides = array<i32>} : memref<64x512xf32, #tpu.memory_space<vmem>>, vector<1x16xf32>,
      %get3A_713 = arith.index_cast %add3A_600 : i32 to index
      %get3A_714 = arith.constant 48 : index
      %get3A_715 = tpu.vector_load %arg11[%get3A_713, %get3A_714] {strides = array<i32>} : memref<64x512xf32, #tpu.memory_space<vmem>>, vector<1x16xf32>,
      %get3A_716 = vector.shape_cast %get3A_715 : vector<1x16xf32> to vector<16xf32>
      %mul3A_717 = vector.broadcast %scan3A_588 : f32 to vector<16xf32>
      %mul3A_718 = arith.mulf %scan3A_675#3, %mul3A_717 : vector<16xf32>
      %add3A_719 = arith.addf %get3A_716, %mul3A_718 : vector<16xf32>
      %swap3A_720 = arith.index_cast %add3A_600 : i32 to index
      %swap3A_721 = arith.constant 48 : index
      %swap3A_722 = tpu.vector_load %arg11[%swap3A_720, %swap3A_721] {strides = array<i32>} : memref<64x512xf32, #tpu.memory_space<vmem>>, vector<1x16xf32>,
      %swap3A_723 = vector.shape_cast %swap3A_722 : vector<1x16xf32> to vector<16xf32>
      %swap3A_724 = vector.shape_cast %add3A_719 : vector<16xf32> to vector<1x16xf32>
      tpu.vector_store %arg11[%swap3A_720, %swap3A_721], %swap3A_724 {strides = array<i32>} : memref<64x512xf32, #tpu.memory_space<vmem>>, vector<1x16xf32>,
      %get3A_725 = arith.index_cast %add3A_600 : i32 to index
      %get3A_726 = arith.constant 64 : index
      %get3A_727 = tpu.vector_load %arg11[%get3A_725, %get3A_726] {strides = array<i32>} : memref<64x512xf32, #tpu.memory_space<vmem>>, vector<1x16xf32>,
      %get3A_728 = vector.shape_cast %get3A_727 : vector<1x16xf32> to vector<16xf32>
      %mul3A_729 = vector.broadcast %scan3A_588 : f32 to vector<16xf32>
      %mul3A_730 = arith.mulf %scan3A_675#4, %mul3A_729 : vector<16xf32>
      %add3A_731 = arith.addf %get3A_728, %mul3A_730 : vector<16xf32>
      %swap3A_732 = arith.index_cast %add3A_600 : i32 to index
      %swap3A_733 = arith.constant 64 : index
      %swap3A_734 = tpu.vector_load %arg11[%swap3A_732, %swap3A_733] {strides = array<i32>} : memref<64x512xf32, #tpu.memory_space<vmem>>, vector<1x16xf32>,
      %swap3A_735 = vector.shape_cast %swap3A_734 : vector<1x16xf32> to vector<16xf32>
      %swap3A_736 = vector.shape_cast %add3A_731 : vector<16xf32> to vector<1x16xf32>
      tpu.vector_store %arg11[%swap3A_732, %swap3A_733], %swap3A_736 {strides = array<i32>} : memref<64x512xf32, #tpu.memory_space<vmem>>, vector<1x16xf32>,
      %get3A_737 = arith.index_cast %add3A_600 : i32 to index
      %get3A_738 = arith.constant 80 : index
      %get3A_739 = tpu.vector_load %arg11[%get3A_737, %get3A_738] {strides = array<i32>} : memref<64x512xf32, #tpu.memory_space<vmem>>, vector<1x16xf32>,
      %get3A_740 = vector.shape_cast %get3A_739 : vector<1x16xf32> to vector<16xf32>
      %mul3A_741 = vector.broadcast %scan3A_588 : f32 to vector<16xf32>
      %mul3A_742 = arith.mulf %scan3A_675#5, %mul3A_741 : vector<16xf32>
      %add3A_743 = arith.addf %get3A_740, %mul3A_742 : vector<16xf32>
      %swap3A_744 = arith.index_cast %add3A_600 : i32 to index
      %swap3A_745 = arith.constant 80 : index
      %swap3A_746 = tpu.vector_load %arg11[%swap3A_744, %swap3A_745] {strides = array<i32>} : memref<64x512xf32, #tpu.memory_space<vmem>>, vector<1x16xf32>,
      %swap3A_747 = vector.shape_cast %swap3A_746 : vector<1x16xf32> to vector<16xf32>
      %swap3A_748 = vector.shape_cast %add3A_743 : vector<16xf32> to vector<1x16xf32>
      tpu.vector_store %arg11[%swap3A_744, %swap3A_745], %swap3A_748 {strides = array<i32>} : memref<64x512xf32, #tpu.memory_space<vmem>>, vector<1x16xf32>,
      %get3A_749 = arith.index_cast %add3A_600 : i32 to index
      %get3A_750 = arith.constant 96 : index
      %get3A_751 = tpu.vector_load %arg11[%get3A_749, %get3A_750] {strides = array<i32>} : memref<64x512xf32, #tpu.memory_space<vmem>>, vector<1x16xf32>,
      %get3A_752 = vector.shape_cast %get3A_751 : vector<1x16xf32> to vector<16xf32>
      %mul3A_753 = vector.broadcast %scan3A_588 : f32 to vector<16xf32>
      %mul3A_754 = arith.mulf %scan3A_675#6, %mul3A_753 : vector<16xf32>
      %add3A_755 = arith.addf %get3A_752, %mul3A_754 : vector<16xf32>
      %swap3A_756 = arith.index_cast %add3A_600 : i32 to index
      %swap3A_757 = arith.constant 96 : index
      %swap3A_758 = tpu.vector_load %arg11[%swap3A_756, %swap3A_757] {strides = array<i32>} : memref<64x512xf32, #tpu.memory_space<vmem>>, vector<1x16xf32>,
      %swap3A_759 = vector.shape_cast %swap3A_758 : vector<1x16xf32> to vector<16xf32>
      %swap3A_760 = vector.shape_cast %add3A_755 : vector<16xf32> to vector<1x16xf32>
      tpu.vector_store %arg11[%swap3A_756, %swap3A_757], %swap3A_760 {strides = array<i32>} : memref<64x512xf32, #tpu.memory_space<vmem>>, vector<1x16xf32>,
      %get3A_761 = arith.index_cast %add3A_600 : i32 to index
      %get3A_762 = arith.constant 112 : index
      %get3A_763 = tpu.vector_load %arg11[%get3A_761, %get3A_762] {strides = array<i32>} : memref<64x512xf32, #tpu.memory_space<vmem>>, vector<1x16xf32>,
      %get3A_764 = vector.shape_cast %get3A_763 : vector<1x16xf32> to vector<16xf32>
      %mul3A_765 = vector.broadcast %scan3A_588 : f32 to vector<16xf32>
      %mul3A_766 = arith.mulf %scan3A_675#7, %mul3A_765 : vector<16xf32>
      %add3A_767 = arith.addf %get3A_764, %mul3A_766 : vector<16xf32>
      %swap3A_768 = arith.index_cast %add3A_600 : i32 to index
      %swap3A_769 = arith.constant 112 : index
      %swap3A_770 = tpu.vector_load %arg11[%swap3A_768, %swap3A_769] {strides = array<i32>} : memref<64x512xf32, #tpu.memory_space<vmem>>, vector<1x16xf32>,
      %swap3A_771 = vector.shape_cast %swap3A_770 : vector<1x16xf32> to vector<16xf32>
      %swap3A_772 = vector.shape_cast %add3A_767 : vector<16xf32> to vector<1x16xf32>
      tpu.vector_store %arg11[%swap3A_768, %swap3A_769], %swap3A_772 {strides = array<i32>} : memref<64x512xf32, #tpu.memory_space<vmem>>, vector<1x16xf32>,
      %get3A_773 = arith.index_cast %add3A_600 : i32 to index
      %get3A_774 = arith.constant 128 : index
      %get3A_775 = tpu.vector_load %arg11[%get3A_773, %get3A_774] {strides = array<i32>} : memref<64x512xf32, #tpu.memory_space<vmem>>, vector<1x16xf32>,
      %get3A_776 = vector.shape_cast %get3A_775 : vector<1x16xf32> to vector<16xf32>
      %mul3A_777 = vector.broadcast %scan3A_588 : f32 to vector<16xf32>
      %mul3A_778 = arith.mulf %scan3A_675#8, %mul3A_777 : vector<16xf32>
      %add3A_779 = arith.addf %get3A_776, %mul3A_778 : vector<16xf32>
      %swap3A_780 = arith.index_cast %add3A_600 : i32 to index
      %swap3A_781 = arith.constant 128 : index
      %swap3A_782 = tpu.vector_load %arg11[%swap3A_780, %swap3A_781] {strides = array<i32>} : memref<64x512xf32, #tpu.memory_space<vmem>>, vector<1x16xf32>,
      %swap3A_783 = vector.shape_cast %swap3A_782 : vector<1x16xf32> to vector<16xf32>
      %swap3A_784 = vector.shape_cast %add3A_779 : vector<16xf32> to vector<1x16xf32>
      tpu.vector_store %arg11[%swap3A_780, %swap3A_781], %swap3A_784 {strides = array<i32>} : memref<64x512xf32, #tpu.memory_space<vmem>>, vector<1x16xf32>,
      %get3A_785 = arith.index_cast %add3A_600 : i32 to index
      %get3A_786 = arith.constant 144 : index
      %get3A_787 = tpu.vector_load %arg11[%get3A_785, %get3A_786] {strides = array<i32>} : memref<64x512xf32, #tpu.memory_space<vmem>>, vector<1x16xf32>,
      %get3A_788 = vector.shape_cast %get3A_787 : vector<1x16xf32> to vector<16xf32>
      %mul3A_789 = vector.broadcast %scan3A_588 : f32 to vector<16xf32>
      %mul3A_790 = arith.mulf %scan3A_675#9, %mul3A_789 : vector<16xf32>
      %add3A_791 = arith.addf %get3A_788, %mul3A_790 : vector<16xf32>
      %swap3A_792 = arith.index_cast %add3A_600 : i32 to index
      %swap3A_793 = arith.constant 144 : index
      %swap3A_794 = tpu.vector_load %arg11[%swap3A_792, %swap3A_793] {strides = array<i32>} : memref<64x512xf32, #tpu.memory_space<vmem>>, vector<1x16xf32>,
      %swap3A_795 = vector.shape_cast %swap3A_794 : vector<1x16xf32> to vector<16xf32>
      %swap3A_796 = vector.shape_cast %add3A_791 : vector<16xf32> to vector<1x16xf32>
      tpu.vector_store %arg11[%swap3A_792, %swap3A_793], %swap3A_796 {strides = array<i32>} : memref<64x512xf32, #tpu.memory_space<vmem>>, vector<1x16xf32>,
      %get3A_797 = arith.index_cast %add3A_600 : i32 to index
      %get3A_798 = arith.constant 160 : index
      %get3A_799 = tpu.vector_load %arg11[%get3A_797, %get3A_798] {strides = array<i32>} : memref<64x512xf32, #tpu.memory_space<vmem>>, vector<1x16xf32>,
      %get3A_800 = vector.shape_cast %get3A_799 : vector<1x16xf32> to vector<16xf32>
      %mul3A_801 = vector.broadcast %scan3A_588 : f32 to vector<16xf32>
      %mul3A_802 = arith.mulf %scan3A_675#10, %mul3A_801 : vector<16xf32>
      %add3A_803 = arith.addf %get3A_800, %mul3A_802 : vector<16xf32>
      %swap3A_804 = arith.index_cast %add3A_600 : i32 to index
      %swap3A_805 = arith.constant 160 : index
      %swap3A_806 = tpu.vector_load %arg11[%swap3A_804, %swap3A_805] {strides = array<i32>} : memref<64x512xf32, #tpu.memory_space<vmem>>, vector<1x16xf32>,
      %swap3A_807 = vector.shape_cast %swap3A_806 : vector<1x16xf32> to vector<16xf32>
      %swap3A_808 = vector.shape_cast %add3A_803 : vector<16xf32> to vector<1x16xf32>
      tpu.vector_store %arg11[%swap3A_804, %swap3A_805], %swap3A_808 {strides = array<i32>} : memref<64x512xf32, #tpu.memory_space<vmem>>, vector<1x16xf32>,
      %get3A_809 = arith.index_cast %add3A_600 : i32 to index
      %get3A_810 = arith.constant 176 : index
      %get3A_811 = tpu.vector_load %arg11[%get3A_809, %get3A_810] {strides = array<i32>} : memref<64x512xf32, #tpu.memory_space<vmem>>, vector<1x16xf32>,
      %get3A_812 = vector.shape_cast %get3A_811 : vector<1x16xf32> to vector<16xf32>
      %mul3A_813 = vector.broadcast %scan3A_588 : f32 to vector<16xf32>
      %mul3A_814 = arith.mulf %scan3A_675#11, %mul3A_813 : vector<16xf32>
      %add3A_815 = arith.addf %get3A_812, %mul3A_814 : vector<16xf32>
      %swap3A_816 = arith.index_cast %add3A_600 : i32 to index
      %swap3A_817 = arith.constant 176 : index
      %swap3A_818 = tpu.vector_load %arg11[%swap3A_816, %swap3A_817] {strides = array<i32>} : memref<64x512xf32, #tpu.memory_space<vmem>>, vector<1x16xf32>,
      %swap3A_819 = vector.shape_cast %swap3A_818 : vector<1x16xf32> to vector<16xf32>
      %swap3A_820 = vector.shape_cast %add3A_815 : vector<16xf32> to vector<1x16xf32>
      tpu.vector_store %arg11[%swap3A_816, %swap3A_817], %swap3A_820 {strides = array<i32>} : memref<64x512xf32, #tpu.memory_space<vmem>>, vector<1x16xf32>,
      %get3A_821 = arith.index_cast %add3A_600 : i32 to index
      %get3A_822 = arith.constant 192 : index
      %get3A_823 = tpu.vector_load %arg11[%get3A_821, %get3A_822] {strides = array<i32>} : memref<64x512xf32, #tpu.memory_space<vmem>>, vector<1x16xf32>,
      %get3A_824 = vector.shape_cast %get3A_823 : vector<1x16xf32> to vector<16xf32>
      %mul3A_825 = vector.broadcast %scan3A_588 : f32 to vector<16xf32>
      %mul3A_826 = arith.mulf %scan3A_675#12, %mul3A_825 : vector<16xf32>
      %add3A_827 = arith.addf %get3A_824, %mul3A_826 : vector<16xf32>
      %swap3A_828 = arith.index_cast %add3A_600 : i32 to index
      %swap3A_829 = arith.constant 192 : index
      %swap3A_830 = tpu.vector_load %arg11[%swap3A_828, %swap3A_829] {strides = array<i32>} : memref<64x512xf32, #tpu.memory_space<vmem>>, vector<1x16xf32>,
      %swap3A_831 = vector.shape_cast %swap3A_830 : vector<1x16xf32> to vector<16xf32>
      %swap3A_832 = vector.shape_cast %add3A_827 : vector<16xf32> to vector<1x16xf32>
      tpu.vector_store %arg11[%swap3A_828, %swap3A_829], %swap3A_832 {strides = array<i32>} : memref<64x512xf32, #tpu.memory_space<vmem>>, vector<1x16xf32>,
      %get3A_833 = arith.index_cast %add3A_600 : i32 to index
      %get3A_834 = arith.constant 208 : index
      %get3A_835 = tpu.vector_load %arg11[%get3A_833, %get3A_834] {strides = array<i32>} : memref<64x512xf32, #tpu.memory_space<vmem>>, vector<1x16xf32>,
      %get3A_836 = vector.shape_cast %get3A_835 : vector<1x16xf32> to vector<16xf32>
      %mul3A_837 = vector.broadcast %scan3A_588 : f32 to vector<16xf32>
      %mul3A_838 = arith.mulf %scan3A_675#13, %mul3A_837 : vector<16xf32>
      %add3A_839 = arith.addf %get3A_836, %mul3A_838 : vector<16xf32>
      %swap3A_840 = arith.index_cast %add3A_600 : i32 to index
      %swap3A_841 = arith.constant 208 : index
      %swap3A_842 = tpu.vector_load %arg11[%swap3A_840, %swap3A_841] {strides = array<i32>} : memref<64x512xf32, #tpu.memory_space<vmem>>, vector<1x16xf32>,
      %swap3A_843 = vector.shape_cast %swap3A_842 : vector<1x16xf32> to vector<16xf32>
      %swap3A_844 = vector.shape_cast %add3A_839 : vector<16xf32> to vector<1x16xf32>
      tpu.vector_store %arg11[%swap3A_840, %swap3A_841], %swap3A_844 {strides = array<i32>} : memref<64x512xf32, #tpu.memory_space<vmem>>, vector<1x16xf32>,
      %get3A_845 = arith.index_cast %add3A_600 : i32 to index
      %get3A_846 = arith.constant 224 : index
      %get3A_847 = tpu.vector_load %arg11[%get3A_845, %get3A_846] {strides = array<i32>} : memref<64x512xf32, #tpu.memory_space<vmem>>, vector<1x16xf32>,
      %get3A_848 = vector.shape_cast %get3A_847 : vector<1x16xf32> to vector<16xf32>
      %mul3A_849 = vector.broadcast %scan3A_588 : f32 to vector<16xf32>
      %mul3A_850 = arith.mulf %scan3A_675#14, %mul3A_849 : vector<16xf32>
      %add3A_851 = arith.addf %get3A_848, %mul3A_850 : vector<16xf32>
      %swap3A_852 = arith.index_cast %add3A_600 : i32 to index
      %swap3A_853 = arith.constant 224 : index
      %swap3A_854 = tpu.vector_load %arg11[%swap3A_852, %swap3A_853] {strides = array<i32>} : memref<64x512xf32, #tpu.memory_space<vmem>>, vector<1x16xf32>,
      %swap3A_855 = vector.shape_cast %swap3A_854 : vector<1x16xf32> to vector<16xf32>
      %swap3A_856 = vector.shape_cast %add3A_851 : vector<16xf32> to vector<1x16xf32>
      tpu.vector_store %arg11[%swap3A_852, %swap3A_853], %swap3A_856 {strides = array<i32>} : memref<64x512xf32, #tpu.memory_space<vmem>>, vector<1x16xf32>,
      %get3A_857 = arith.index_cast %add3A_600 : i32 to index
      %get3A_858 = arith.constant 240 : index
      %get3A_859 = tpu.vector_load %arg11[%get3A_857, %get3A_858] {strides = array<i32>} : memref<64x512xf32, #tpu.memory_space<vmem>>, vector<1x16xf32>,
      %get3A_860 = vector.shape_cast %get3A_859 : vector<1x16xf32> to vector<16xf32>
      %mul3A_861 = vector.broadcast %scan3A_588 : f32 to vector<16xf32>
      %mul3A_862 = arith.mulf %scan3A_675#15, %mul3A_861 : vector<16xf32>
      %add3A_863 = arith.addf %get3A_860, %mul3A_862 : vector<16xf32>
      %swap3A_864 = arith.index_cast %add3A_600 : i32 to index
      %swap3A_865 = arith.constant 240 : index
      %swap3A_866 = tpu.vector_load %arg11[%swap3A_864, %swap3A_865] {strides = array<i32>} : memref<64x512xf32, #tpu.memory_space<vmem>>, vector<1x16xf32>,
      %swap3A_867 = vector.shape_cast %swap3A_866 : vector<1x16xf32> to vector<16xf32>
      %swap3A_868 = vector.shape_cast %add3A_863 : vector<16xf32> to vector<1x16xf32>
      tpu.vector_store %arg11[%swap3A_864, %swap3A_865], %swap3A_868 {strides = array<i32>} : memref<64x512xf32, #tpu.memory_space<vmem>>, vector<1x16xf32>,
      %get3A_869 = arith.index_cast %add3A_600 : i32 to index
      %get3A_870 = arith.constant 256 : index
      %get3A_871 = tpu.vector_load %arg11[%get3A_869, %get3A_870] {strides = array<i32>} : memref<64x512xf32, #tpu.memory_space<vmem>>, vector<1x16xf32>,
      %get3A_872 = vector.shape_cast %get3A_871 : vector<1x16xf32> to vector<16xf32>
      %mul3A_873 = vector.broadcast %scan3A_588 : f32 to vector<16xf32>
      %mul3A_874 = arith.mulf %scan3A_675#16, %mul3A_873 : vector<16xf32>
      %add3A_875 = arith.addf %get3A_872, %mul3A_874 : vector<16xf32>
      %swap3A_876 = arith.index_cast %add3A_600 : i32 to index
      %swap3A_877 = arith.constant 256 : index
      %swap3A_878 = tpu.vector_load %arg11[%swap3A_876, %swap3A_877] {strides = array<i32>} : memref<64x512xf32, #tpu.memory_space<vmem>>, vector<1x16xf32>,
      %swap3A_879 = vector.shape_cast %swap3A_878 : vector<1x16xf32> to vector<16xf32>
      %swap3A_880 = vector.shape_cast %add3A_875 : vector<16xf32> to vector<1x16xf32>
      tpu.vector_store %arg11[%swap3A_876, %swap3A_877], %swap3A_880 {strides = array<i32>} : memref<64x512xf32, #tpu.memory_space<vmem>>, vector<1x16xf32>,
      %get3A_881 = arith.index_cast %add3A_600 : i32 to index
      %get3A_882 = arith.constant 272 : index
      %get3A_883 = tpu.vector_load %arg11[%get3A_881, %get3A_882] {strides = array<i32>} : memref<64x512xf32, #tpu.memory_space<vmem>>, vector<1x16xf32>,
      %get3A_884 = vector.shape_cast %get3A_883 : vector<1x16xf32> to vector<16xf32>
      %mul3A_885 = vector.broadcast %scan3A_588 : f32 to vector<16xf32>
      %mul3A_886 = arith.mulf %scan3A_675#17, %mul3A_885 : vector<16xf32>
      %add3A_887 = arith.addf %get3A_884, %mul3A_886 : vector<16xf32>
      %swap3A_888 = arith.index_cast %add3A_600 : i32 to index
      %swap3A_889 = arith.constant 272 : index
      %swap3A_890 = tpu.vector_load %arg11[%swap3A_888, %swap3A_889] {strides = array<i32>} : memref<64x512xf32, #tpu.memory_space<vmem>>, vector<1x16xf32>,
      %swap3A_891 = vector.shape_cast %swap3A_890 : vector<1x16xf32> to vector<16xf32>
      %swap3A_892 = vector.shape_cast %add3A_887 : vector<16xf32> to vector<1x16xf32>
      tpu.vector_store %arg11[%swap3A_888, %swap3A_889], %swap3A_892 {strides = array<i32>} : memref<64x512xf32, #tpu.memory_space<vmem>>, vector<1x16xf32>,
      %get3A_893 = arith.index_cast %add3A_600 : i32 to index
      %get3A_894 = arith.constant 288 : index
      %get3A_895 = tpu.vector_load %arg11[%get3A_893, %get3A_894] {strides = array<i32>} : memref<64x512xf32, #tpu.memory_space<vmem>>, vector<1x16xf32>,
      %get3A_896 = vector.shape_cast %get3A_895 : vector<1x16xf32> to vector<16xf32>
      %mul3A_897 = vector.broadcast %scan3A_588 : f32 to vector<16xf32>
      %mul3A_898 = arith.mulf %scan3A_675#18, %mul3A_897 : vector<16xf32>
      %add3A_899 = arith.addf %get3A_896, %mul3A_898 : vector<16xf32>
      %swap3A_900 = arith.index_cast %add3A_600 : i32 to index
      %swap3A_901 = arith.constant 288 : index
      %swap3A_902 = tpu.vector_load %arg11[%swap3A_900, %swap3A_901] {strides = array<i32>} : memref<64x512xf32, #tpu.memory_space<vmem>>, vector<1x16xf32>,
      %swap3A_903 = vector.shape_cast %swap3A_902 : vector<1x16xf32> to vector<16xf32>
      %swap3A_904 = vector.shape_cast %add3A_899 : vector<16xf32> to vector<1x16xf32>
      tpu.vector_store %arg11[%swap3A_900, %swap3A_901], %swap3A_904 {strides = array<i32>} : memref<64x512xf32, #tpu.memory_space<vmem>>, vector<1x16xf32>,
      %get3A_905 = arith.index_cast %add3A_600 : i32 to index
      %get3A_906 = arith.constant 304 : index
      %get3A_907 = tpu.vector_load %arg11[%get3A_905, %get3A_906] {strides = array<i32>} : memref<64x512xf32, #tpu.memory_space<vmem>>, vector<1x16xf32>,
      %get3A_908 = vector.shape_cast %get3A_907 : vector<1x16xf32> to vector<16xf32>
      %mul3A_909 = vector.broadcast %scan3A_588 : f32 to vector<16xf32>
      %mul3A_910 = arith.mulf %scan3A_675#19, %mul3A_909 : vector<16xf32>
      %add3A_911 = arith.addf %get3A_908, %mul3A_910 : vector<16xf32>
      %swap3A_912 = arith.index_cast %add3A_600 : i32 to index
      %swap3A_913 = arith.constant 304 : index
      %swap3A_914 = tpu.vector_load %arg11[%swap3A_912, %swap3A_913] {strides = array<i32>} : memref<64x512xf32, #tpu.memory_space<vmem>>, vector<1x16xf32>,
      %swap3A_915 = vector.shape_cast %swap3A_914 : vector<1x16xf32> to vector<16xf32>
      %swap3A_916 = vector.shape_cast %add3A_911 : vector<16xf32> to vector<1x16xf32>
      tpu.vector_store %arg11[%swap3A_912, %swap3A_913], %swap3A_916 {strides = array<i32>} : memref<64x512xf32, #tpu.memory_space<vmem>>, vector<1x16xf32>,
      %get3A_917 = arith.index_cast %add3A_600 : i32 to index
      %get3A_918 = arith.constant 320 : index
      %get3A_919 = tpu.vector_load %arg11[%get3A_917, %get3A_918] {strides = array<i32>} : memref<64x512xf32, #tpu.memory_space<vmem>>, vector<1x16xf32>,
      %get3A_920 = vector.shape_cast %get3A_919 : vector<1x16xf32> to vector<16xf32>
      %mul3A_921 = vector.broadcast %scan3A_588 : f32 to vector<16xf32>
      %mul3A_922 = arith.mulf %scan3A_675#20, %mul3A_921 : vector<16xf32>
      %add3A_923 = arith.addf %get3A_920, %mul3A_922 : vector<16xf32>
      %swap3A_924 = arith.index_cast %add3A_600 : i32 to index
      %swap3A_925 = arith.constant 320 : index
      %swap3A_926 = tpu.vector_load %arg11[%swap3A_924, %swap3A_925] {strides = array<i32>} : memref<64x512xf32, #tpu.memory_space<vmem>>, vector<1x16xf32>,
      %swap3A_927 = vector.shape_cast %swap3A_926 : vector<1x16xf32> to vector<16xf32>
      %swap3A_928 = vector.shape_cast %add3A_923 : vector<16xf32> to vector<1x16xf32>
      tpu.vector_store %arg11[%swap3A_924, %swap3A_925], %swap3A_928 {strides = array<i32>} : memref<64x512xf32, #tpu.memory_space<vmem>>, vector<1x16xf32>,
      %get3A_929 = arith.index_cast %add3A_600 : i32 to index
      %get3A_930 = arith.constant 336 : index
      %get3A_931 = tpu.vector_load %arg11[%get3A_929, %get3A_930] {strides = array<i32>} : memref<64x512xf32, #tpu.memory_space<vmem>>, vector<1x16xf32>,
      %get3A_932 = vector.shape_cast %get3A_931 : vector<1x16xf32> to vector<16xf32>
      %mul3A_933 = vector.broadcast %scan3A_588 : f32 to vector<16xf32>
      %mul3A_934 = arith.mulf %scan3A_675#21, %mul3A_933 : vector<16xf32>
      %add3A_935 = arith.addf %get3A_932, %mul3A_934 : vector<16xf32>
      %swap3A_936 = arith.index_cast %add3A_600 : i32 to index
      %swap3A_937 = arith.constant 336 : index
      %swap3A_938 = tpu.vector_load %arg11[%swap3A_936, %swap3A_937] {strides = array<i32>} : memref<64x512xf32, #tpu.memory_space<vmem>>, vector<1x16xf32>,
      %swap3A_939 = vector.shape_cast %swap3A_938 : vector<1x16xf32> to vector<16xf32>
      %swap3A_940 = vector.shape_cast %add3A_935 : vector<16xf32> to vector<1x16xf32>
      tpu.vector_store %arg11[%swap3A_936, %swap3A_937], %swap3A_940 {strides = array<i32>} : memref<64x512xf32, #tpu.memory_space<vmem>>, vector<1x16xf32>,
      %get3A_941 = arith.index_cast %add3A_600 : i32 to index
      %get3A_942 = arith.constant 352 : index
      %get3A_943 = tpu.vector_load %arg11[%get3A_941, %get3A_942] {strides = array<i32>} : memref<64x512xf32, #tpu.memory_space<vmem>>, vector<1x16xf32>,
      %get3A_944 = vector.shape_cast %get3A_943 : vector<1x16xf32> to vector<16xf32>
      %mul3A_945 = vector.broadcast %scan3A_588 : f32 to vector<16xf32>
      %mul3A_946 = arith.mulf %scan3A_675#22, %mul3A_945 : vector<16xf32>
      %add3A_947 = arith.addf %get3A_944, %mul3A_946 : vector<16xf32>
      %swap3A_948 = arith.index_cast %add3A_600 : i32 to index
      %swap3A_949 = arith.constant 352 : index
      %swap3A_950 = tpu.vector_load %arg11[%swap3A_948, %swap3A_949] {strides = array<i32>} : memref<64x512xf32, #tpu.memory_space<vmem>>, vector<1x16xf32>,
      %swap3A_951 = vector.shape_cast %swap3A_950 : vector<1x16xf32> to vector<16xf32>
      %swap3A_952 = vector.shape_cast %add3A_947 : vector<16xf32> to vector<1x16xf32>
      tpu.vector_store %arg11[%swap3A_948, %swap3A_949], %swap3A_952 {strides = array<i32>} : memref<64x512xf32, #tpu.memory_space<vmem>>, vector<1x16xf32>,
      %get3A_953 = arith.index_cast %add3A_600 : i32 to index
      %get3A_954 = arith.constant 368 : index
      %get3A_955 = tpu.vector_load %arg11[%get3A_953, %get3A_954] {strides = array<i32>} : memref<64x512xf32, #tpu.memory_space<vmem>>, vector<1x16xf32>,
      %get3A_956 = vector.shape_cast %get3A_955 : vector<1x16xf32> to vector<16xf32>
      %mul3A_957 = vector.broadcast %scan3A_588 : f32 to vector<16xf32>
      %mul3A_958 = arith.mulf %scan3A_675#23, %mul3A_957 : vector<16xf32>
      %add3A_959 = arith.addf %get3A_956, %mul3A_958 : vector<16xf32>
      %swap3A_960 = arith.index_cast %add3A_600 : i32 to index
      %swap3A_961 = arith.constant 368 : index
      %swap3A_962 = tpu.vector_load %arg11[%swap3A_960, %swap3A_961] {strides = array<i32>} : memref<64x512xf32, #tpu.memory_space<vmem>>, vector<1x16xf32>,
      %swap3A_963 = vector.shape_cast %swap3A_962 : vector<1x16xf32> to vector<16xf32>
      %swap3A_964 = vector.shape_cast %add3A_959 : vector<16xf32> to vector<1x16xf32>
      tpu.vector_store %arg11[%swap3A_960, %swap3A_961], %swap3A_964 {strides = array<i32>} : memref<64x512xf32, #tpu.memory_space<vmem>>, vector<1x16xf32>,
      %get3A_965 = arith.index_cast %add3A_600 : i32 to index
      %get3A_966 = arith.constant 384 : index
      %get3A_967 = tpu.vector_load %arg11[%get3A_965, %get3A_966] {strides = array<i32>} : memref<64x512xf32, #tpu.memory_space<vmem>>, vector<1x16xf32>,
      %get3A_968 = vector.shape_cast %get3A_967 : vector<1x16xf32> to vector<16xf32>
      %mul3A_969 = vector.broadcast %scan3A_588 : f32 to vector<16xf32>
      %mul3A_970 = arith.mulf %scan3A_675#24, %mul3A_969 : vector<16xf32>
      %add3A_971 = arith.addf %get3A_968, %mul3A_970 : vector<16xf32>
      %swap3A_972 = arith.index_cast %add3A_600 : i32 to index
      %swap3A_973 = arith.constant 384 : index
      %swap3A_974 = tpu.vector_load %arg11[%swap3A_972, %swap3A_973] {strides = array<i32>} : memref<64x512xf32, #tpu.memory_space<vmem>>, vector<1x16xf32>,
      %swap3A_975 = vector.shape_cast %swap3A_974 : vector<1x16xf32> to vector<16xf32>
      %swap3A_976 = vector.shape_cast %add3A_971 : vector<16xf32> to vector<1x16xf32>
      tpu.vector_store %arg11[%swap3A_972, %swap3A_973], %swap3A_976 {strides = array<i32>} : memref<64x512xf32, #tpu.memory_space<vmem>>, vector<1x16xf32>,
      %get3A_977 = arith.index_cast %add3A_600 : i32 to index
      %get3A_978 = arith.constant 400 : index
      %get3A_979 = tpu.vector_load %arg11[%get3A_977, %get3A_978] {strides = array<i32>} : memref<64x512xf32, #tpu.memory_space<vmem>>, vector<1x16xf32>,
      %get3A_980 = vector.shape_cast %get3A_979 : vector<1x16xf32> to vector<16xf32>
      %mul3A_981 = vector.broadcast %scan3A_588 : f32 to vector<16xf32>
      %mul3A_982 = arith.mulf %scan3A_675#25, %mul3A_981 : vector<16xf32>
      %add3A_983 = arith.addf %get3A_980, %mul3A_982 : vector<16xf32>
      %swap3A_984 = arith.index_cast %add3A_600 : i32 to index
      %swap3A_985 = arith.constant 400 : index
      %swap3A_986 = tpu.vector_load %arg11[%swap3A_984, %swap3A_985] {strides = array<i32>} : memref<64x512xf32, #tpu.memory_space<vmem>>, vector<1x16xf32>,
      %swap3A_987 = vector.shape_cast %swap3A_986 : vector<1x16xf32> to vector<16xf32>
      %swap3A_988 = vector.shape_cast %add3A_983 : vector<16xf32> to vector<1x16xf32>
      tpu.vector_store %arg11[%swap3A_984, %swap3A_985], %swap3A_988 {strides = array<i32>} : memref<64x512xf32, #tpu.memory_space<vmem>>, vector<1x16xf32>,
      %get3A_989 = arith.index_cast %add3A_600 : i32 to index
      %get3A_990 = arith.constant 416 : index
      %get3A_991 = tpu.vector_load %arg11[%get3A_989, %get3A_990] {strides = array<i32>} : memref<64x512xf32, #tpu.memory_space<vmem>>, vector<1x16xf32>,
      %get3A_992 = vector.shape_cast %get3A_991 : vector<1x16xf32> to vector<16xf32>
      %mul3A_993 = vector.broadcast %scan3A_588 : f32 to vector<16xf32>
      %mul3A_994 = arith.mulf %scan3A_675#26, %mul3A_993 : vector<16xf32>
      %add3A_995 = arith.addf %get3A_992, %mul3A_994 : vector<16xf32>
      %swap3A_996 = arith.index_cast %add3A_600 : i32 to index
      %swap3A_997 = arith.constant 416 : index
      %swap3A_998 = tpu.vector_load %arg11[%swap3A_996, %swap3A_997] {strides = array<i32>} : memref<64x512xf32, #tpu.memory_space<vmem>>, vector<1x16xf32>,
      %swap3A_999 = vector.shape_cast %swap3A_998 : vector<1x16xf32> to vector<16xf32>
      %swap3A_1000 = vector.shape_cast %add3A_995 : vector<16xf32> to vector<1x16xf32>
      tpu.vector_store %arg11[%swap3A_996, %swap3A_997], %swap3A_1000 {strides = array<i32>} : memref<64x512xf32, #tpu.memory_space<vmem>>, vector<1x16xf32>,
      %get3A_1001 = arith.index_cast %add3A_600 : i32 to index
      %get3A_1002 = arith.constant 432 : index
      %get3A_1003 = tpu.vector_load %arg11[%get3A_1001, %get3A_1002] {strides = array<i32>} : memref<64x512xf32, #tpu.memory_space<vmem>>, vector<1x16xf32>,
      %get3A_1004 = vector.shape_cast %get3A_1003 : vector<1x16xf32> to vector<16xf32>
      %mul3A_1005 = vector.broadcast %scan3A_588 : f32 to vector<16xf32>
      %mul3A_1006 = arith.mulf %scan3A_675#27, %mul3A_1005 : vector<16xf32>
      %add3A_1007 = arith.addf %get3A_1004, %mul3A_1006 : vector<16xf32>
      %swap3A_1008 = arith.index_cast %add3A_600 : i32 to index
      %swap3A_1009 = arith.constant 432 : index
      %swap3A_1010 = tpu.vector_load %arg11[%swap3A_1008, %swap3A_1009] {strides = array<i32>} : memref<64x512xf32, #tpu.memory_space<vmem>>, vector<1x16xf32>,
      %swap3A_1011 = vector.shape_cast %swap3A_1010 : vector<1x16xf32> to vector<16xf32>
      %swap3A_1012 = vector.shape_cast %add3A_1007 : vector<16xf32> to vector<1x16xf32>
      tpu.vector_store %arg11[%swap3A_1008, %swap3A_1009], %swap3A_1012 {strides = array<i32>} : memref<64x512xf32, #tpu.memory_space<vmem>>, vector<1x16xf32>,
      %get3A_1013 = arith.index_cast %add3A_600 : i32 to index
      %get3A_1014 = arith.constant 448 : index
      %get3A_1015 = tpu.vector_load %arg11[%get3A_1013, %get3A_1014] {strides = array<i32>} : memref<64x512xf32, #tpu.memory_space<vmem>>, vector<1x16xf32>,
      %get3A_1016 = vector.shape_cast %get3A_1015 : vector<1x16xf32> to vector<16xf32>
      %mul3A_1017 = vector.broadcast %scan3A_588 : f32 to vector<16xf32>
      %mul3A_1018 = arith.mulf %scan3A_675#28, %mul3A_1017 : vector<16xf32>
      %add3A_1019 = arith.addf %get3A_1016, %mul3A_1018 : vector<16xf32>
      %swap3A_1020 = arith.index_cast %add3A_600 : i32 to index
      %swap3A_1021 = arith.constant 448 : index
      %swap3A_1022 = tpu.vector_load %arg11[%swap3A_1020, %swap3A_1021] {strides = array<i32>} : memref<64x512xf32, #tpu.memory_space<vmem>>, vector<1x16xf32>,
      %swap3A_1023 = vector.shape_cast %swap3A_1022 : vector<1x16xf32> to vector<16xf32>
      %swap3A_1024 = vector.shape_cast %add3A_1019 : vector<16xf32> to vector<1x16xf32>
      tpu.vector_store %arg11[%swap3A_1020, %swap3A_1021], %swap3A_1024 {strides = array<i32>} : memref<64x512xf32, #tpu.memory_space<vmem>>, vector<1x16xf32>,
      %get3A_1025 = arith.index_cast %add3A_600 : i32 to index
      %get3A_1026 = arith.constant 464 : index
      %get3A_1027 = tpu.vector_load %arg11[%get3A_1025, %get3A_1026] {strides = array<i32>} : memref<64x512xf32, #tpu.memory_space<vmem>>, vector<1x16xf32>,
      %get3A_1028 = vector.shape_cast %get3A_1027 : vector<1x16xf32> to vector<16xf32>
      %mul3A_1029 = vector.broadcast %scan3A_588 : f32 to vector<16xf32>
      %mul3A_1030 = arith.mulf %scan3A_675#29, %mul3A_1029 : vector<16xf32>
      %add3A_1031 = arith.addf %get3A_1028, %mul3A_1030 : vector<16xf32>
      %swap3A_1032 = arith.index_cast %add3A_600 : i32 to index
      %swap3A_1033 = arith.constant 464 : index
      %swap3A_1034 = tpu.vector_load %arg11[%swap3A_1032, %swap3A_1033] {strides = array<i32>} : memref<64x512xf32, #tpu.memory_space<vmem>>, vector<1x16xf32>,
      %swap3A_1035 = vector.shape_cast %swap3A_1034 : vector<1x16xf32> to vector<16xf32>
      %swap3A_1036 = vector.shape_cast %add3A_1031 : vector<16xf32> to vector<1x16xf32>
      tpu.vector_store %arg11[%swap3A_1032, %swap3A_1033], %swap3A_1036 {strides = array<i32>} : memref<64x512xf32, #tpu.memory_space<vmem>>, vector<1x16xf32>,
      %get3A_1037 = arith.index_cast %add3A_600 : i32 to index
      %get3A_1038 = arith.constant 480 : index
      %get3A_1039 = tpu.vector_load %arg11[%get3A_1037, %get3A_1038] {strides = array<i32>} : memref<64x512xf32, #tpu.memory_space<vmem>>, vector<1x16xf32>,
      %get3A_1040 = vector.shape_cast %get3A_1039 : vector<1x16xf32> to vector<16xf32>
      %mul3A_1041 = vector.broadcast %scan3A_588 : f32 to vector<16xf32>
      %mul3A_1042 = arith.mulf %scan3A_675#30, %mul3A_1041 : vector<16xf32>
      %add3A_1043 = arith.addf %get3A_1040, %mul3A_1042 : vector<16xf32>
      %swap3A_1044 = arith.index_cast %add3A_600 : i32 to index
      %swap3A_1045 = arith.constant 480 : index
      %swap3A_1046 = tpu.vector_load %arg11[%swap3A_1044, %swap3A_1045] {strides = array<i32>} : memref<64x512xf32, #tpu.memory_space<vmem>>, vector<1x16xf32>,
      %swap3A_1047 = vector.shape_cast %swap3A_1046 : vector<1x16xf32> to vector<16xf32>
      %swap3A_1048 = vector.shape_cast %add3A_1043 : vector<16xf32> to vector<1x16xf32>
      tpu.vector_store %arg11[%swap3A_1044, %swap3A_1045], %swap3A_1048 {strides = array<i32>} : memref<64x512xf32, #tpu.memory_space<vmem>>, vector<1x16xf32>,
      %get3A_1049 = arith.index_cast %add3A_600 : i32 to index
      %get3A_1050 = arith.constant 496 : index
      %get3A_1051 = tpu.vector_load %arg11[%get3A_1049, %get3A_1050] {strides = array<i32>} : memref<64x512xf32, #tpu.memory_space<vmem>>, vector<1x16xf32>,
      %get3A_1052 = vector.shape_cast %get3A_1051 : vector<1x16xf32> to vector<16xf32>
      %mul3A_1053 = vector.broadcast %scan3A_588 : f32 to vector<16xf32>
      %mul3A_1054 = arith.mulf %scan3A_675#31, %mul3A_1053 : vector<16xf32>
      %add3A_1055 = arith.addf %get3A_1052, %mul3A_1054 : vector<16xf32>
      %swap3A_1056 = arith.index_cast %add3A_600 : i32 to index
      %swap3A_1057 = arith.constant 496 : index
      %swap3A_1058 = tpu.vector_load %arg11[%swap3A_1056, %swap3A_1057] {strides = array<i32>} : memref<64x512xf32, #tpu.memory_space<vmem>>, vector<1x16xf32>,
      %swap3A_1059 = vector.shape_cast %swap3A_1058 : vector<1x16xf32> to vector<16xf32>
      %swap3A_1060 = vector.shape_cast %add3A_1055 : vector<16xf32> to vector<1x16xf32>
      tpu.vector_store %arg11[%swap3A_1056, %swap3A_1057], %swap3A_1060 {strides = array<i32>} : memref<64x512xf32, #tpu.memory_space<vmem>>, vector<1x16xf32>,
      %add3A_1061 = arith.constant 3 : i32
      %add3A_1062 = arith.addi %add3A_600, %add3A_1061 : i32
      %lt3A = arith.constant 64 : i32
      %lt3A_1063 = arith.cmpi slt, %add3A_1062, %lt3A : i32
      %convert_element_type3A = arith.extui %lt3A_1063 : i1 to i32
      %cond3A = arith.constant 0 : i32
      %cond3A_1064 = arith.cmpi ne, %convert_element_type3A, %cond3A : i32
      scf.if %cond3A_1064 {
        %add3A_2003 = arith.constant 3 : i32
        %add3A_2004 = arith.addi %add3A_600, %add3A_2003 : i32
        %dma_start3A_2005 = arith.constant 0 : i32
        %dma_start3A_2006 = tpu.memref_slice %arg7[%add3A_2004, %dma_start3A_2005] : memref<64x48xi32, #tpu.memory_space<vmem>> -> memref<1x48xi32, #tpu.memory_space<vmem>>
        %dma_start3A_2007 = tpu.memref_squeeze %dma_start3A_2006 : memref<1x48xi32, #tpu.memory_space<vmem>> -> memref<48xi32, #tpu.memory_space<vmem>>
        %dma_start3A_2008 = arith.constant 0 : i32
        %dma_start3A_2009 = arith.constant 0 : i32
        %dma_start3A_2010 = tpu.memref_slice %arg2[%dma_start3A_2008, %dma_start3A_2009] : memref<50000x512xf32, #tpu.memory_space<hbm>> -> memref<50000x512xf32, #tpu.memory_space<hbm>>
        tpu.enqueue_indirect_dma source(%dma_start3A_2010 : memref<50000x512xf32, #tpu.memory_space<hbm>>) target(%arg9 : memref<48x512xf32, #tpu.memory_space<vmem>>) offsets(%dma_start3A_2007 : memref<48xi32, #tpu.memory_space<vmem>>) semaphore(%arg14 : memref<!tpu.dma_semaphore, #tpu.memory_space<semaphore_mem>>)
      } else {
      }
      %add3A_1065 = arith.constant 2 : i32
      %add3A_1066 = arith.addi %mul3A_598, %add3A_1065 : i32
      %dma_wait3A_1067 = arith.constant 0 : i32
      %dma_wait3A_1068 = tpu.memref_slice %arg7[%add3A_1066, %dma_wait3A_1067] : memref<64x48xi32, #tpu.memory_space<vmem>> -> memref<1x48xi32, #tpu.memory_space<vmem>>
      %dma_wait3A_1069 = tpu.memref_squeeze %dma_wait3A_1068 : memref<1x48xi32, #tpu.memory_space<vmem>> -> memref<48xi32, #tpu.memory_space<vmem>>
      %dma_wait3A_1070 = arith.constant 0 : i32
      %dma_wait3A_1071 = arith.constant 0 : i32
      %dma_wait3A_1072 = tpu.memref_slice %arg2[%dma_wait3A_1070, %dma_wait3A_1071] : memref<50000x512xf32, #tpu.memory_space<hbm>> -> memref<50000x512xf32, #tpu.memory_space<hbm>>
      tpu.wait_indirect_dma semaphore(%arg15 : memref<!tpu.dma_semaphore, #tpu.memory_space<semaphore_mem>>) src(%dma_wait3A_1072 : memref<50000x512xf32, #tpu.memory_space<hbm>>) dst(%arg10 : memref<48x512xf32, #tpu.memory_space<vmem>>)
      %broadcast_in_dim3A_1073 = arith.constant 0.000000e+00 : f32
      %broadcast_in_dim3A_1074 = vector.broadcast %broadcast_in_dim3A_1073 : f32 to vector<16xf32>
      %broadcast_in_dim3A_1075 = arith.constant 0.000000e+00 : f32
      %broadcast_in_dim3A_1076 = vector.broadcast %broadcast_in_dim3A_1075 : f32 to vector<16xf32>
      %broadcast_in_dim3A_1077 = arith.constant 0.000000e+00 : f32
      %broadcast_in_dim3A_1078 = vector.broadcast %broadcast_in_dim3A_1077 : f32 to vector<16xf32>
      %broadcast_in_dim3A_1079 = arith.constant 0.000000e+00 : f32
      %broadcast_in_dim3A_1080 = vector.broadcast %broadcast_in_dim3A_1079 : f32 to vector<16xf32>
      %broadcast_in_dim3A_1081 = arith.constant 0.000000e+00 : f32
      %broadcast_in_dim3A_1082 = vector.broadcast %broadcast_in_dim3A_1081 : f32 to vector<16xf32>
      %broadcast_in_dim3A_1083 = arith.constant 0.000000e+00 : f32
      %broadcast_in_dim3A_1084 = vector.broadcast %broadcast_in_dim3A_1083 : f32 to vector<16xf32>
      %broadcast_in_dim3A_1085 = arith.constant 0.000000e+00 : f32
      %broadcast_in_dim3A_1086 = vector.broadcast %broadcast_in_dim3A_1085 : f32 to vector<16xf32>
      %broadcast_in_dim3A_1087 = arith.constant 0.000000e+00 : f32
      %broadcast_in_dim3A_1088 = vector.broadcast %broadcast_in_dim3A_1087 : f32 to vector<16xf32>
      %broadcast_in_dim3A_1089 = arith.constant 0.000000e+00 : f32
      %broadcast_in_dim3A_1090 = vector.broadcast %broadcast_in_dim3A_1089 : f32 to vector<16xf32>
      %broadcast_in_dim3A_1091 = arith.constant 0.000000e+00 : f32
      %broadcast_in_dim3A_1092 = vector.broadcast %broadcast_in_dim3A_1091 : f32 to vector<16xf32>
      %broadcast_in_dim3A_1093 = arith.constant 0.000000e+00 : f32
      %broadcast_in_dim3A_1094 = vector.broadcast %broadcast_in_dim3A_1093 : f32 to vector<16xf32>
      %broadcast_in_dim3A_1095 = arith.constant 0.000000e+00 : f32
      %broadcast_in_dim3A_1096 = vector.broadcast %broadcast_in_dim3A_1095 : f32 to vector<16xf32>
      %broadcast_in_dim3A_1097 = arith.constant 0.000000e+00 : f32
      %broadcast_in_dim3A_1098 = vector.broadcast %broadcast_in_dim3A_1097 : f32 to vector<16xf32>
      %broadcast_in_dim3A_1099 = arith.constant 0.000000e+00 : f32
      %broadcast_in_dim3A_1100 = vector.broadcast %broadcast_in_dim3A_1099 : f32 to vector<16xf32>
      %broadcast_in_dim3A_1101 = arith.constant 0.000000e+00 : f32
      %broadcast_in_dim3A_1102 = vector.broadcast %broadcast_in_dim3A_1101 : f32 to vector<16xf32>
      %broadcast_in_dim3A_1103 = arith.constant 0.000000e+00 : f32
      %broadcast_in_dim3A_1104 = vector.broadcast %broadcast_in_dim3A_1103 : f32 to vector<16xf32>
      %broadcast_in_dim3A_1105 = arith.constant 0.000000e+00 : f32
      %broadcast_in_dim3A_1106 = vector.broadcast %broadcast_in_dim3A_1105 : f32 to vector<16xf32>
      %broadcast_in_dim3A_1107 = arith.constant 0.000000e+00 : f32
      %broadcast_in_dim3A_1108 = vector.broadcast %broadcast_in_dim3A_1107 : f32 to vector<16xf32>
      %broadcast_in_dim3A_1109 = arith.constant 0.000000e+00 : f32
      %broadcast_in_dim3A_1110 = vector.broadcast %broadcast_in_dim3A_1109 : f32 to vector<16xf32>
      %broadcast_in_dim3A_1111 = arith.constant 0.000000e+00 : f32
      %broadcast_in_dim3A_1112 = vector.broadcast %broadcast_in_dim3A_1111 : f32 to vector<16xf32>
      %broadcast_in_dim3A_1113 = arith.constant 0.000000e+00 : f32
      %broadcast_in_dim3A_1114 = vector.broadcast %broadcast_in_dim3A_1113 : f32 to vector<16xf32>
      %broadcast_in_dim3A_1115 = arith.constant 0.000000e+00 : f32
      %broadcast_in_dim3A_1116 = vector.broadcast %broadcast_in_dim3A_1115 : f32 to vector<16xf32>
      %broadcast_in_dim3A_1117 = arith.constant 0.000000e+00 : f32
      %broadcast_in_dim3A_1118 = vector.broadcast %broadcast_in_dim3A_1117 : f32 to vector<16xf32>
      %broadcast_in_dim3A_1119 = arith.constant 0.000000e+00 : f32
      %broadcast_in_dim3A_1120 = vector.broadcast %broadcast_in_dim3A_1119 : f32 to vector<16xf32>
      %broadcast_in_dim3A_1121 = arith.constant 0.000000e+00 : f32
      %broadcast_in_dim3A_1122 = vector.broadcast %broadcast_in_dim3A_1121 : f32 to vector<16xf32>
      %broadcast_in_dim3A_1123 = arith.constant 0.000000e+00 : f32
      %broadcast_in_dim3A_1124 = vector.broadcast %broadcast_in_dim3A_1123 : f32 to vector<16xf32>
      %broadcast_in_dim3A_1125 = arith.constant 0.000000e+00 : f32
      %broadcast_in_dim3A_1126 = vector.broadcast %broadcast_in_dim3A_1125 : f32 to vector<16xf32>
      %broadcast_in_dim3A_1127 = arith.constant 0.000000e+00 : f32
      %broadcast_in_dim3A_1128 = vector.broadcast %broadcast_in_dim3A_1127 : f32 to vector<16xf32>
      %broadcast_in_dim3A_1129 = arith.constant 0.000000e+00 : f32
      %broadcast_in_dim3A_1130 = vector.broadcast %broadcast_in_dim3A_1129 : f32 to vector<16xf32>
      %broadcast_in_dim3A_1131 = arith.constant 0.000000e+00 : f32
      %broadcast_in_dim3A_1132 = vector.broadcast %broadcast_in_dim3A_1131 : f32 to vector<16xf32>
      %broadcast_in_dim3A_1133 = arith.constant 0.000000e+00 : f32
      %broadcast_in_dim3A_1134 = vector.broadcast %broadcast_in_dim3A_1133 : f32 to vector<16xf32>
      %broadcast_in_dim3A_1135 = arith.constant 0.000000e+00 : f32
      %broadcast_in_dim3A_1136 = vector.broadcast %broadcast_in_dim3A_1135 : f32 to vector<16xf32>
      %scan3A_1137 = arith.constant 0 : i32
      %scan3A_1138 = arith.constant 48 : i32
      %scan3A_1139 = arith.addi %scan3A_1137, %scan3A_1138 : i32
      %scan3A_1140 = arith.constant 1 : i32
      %scan3A_1141:32 = scf.for %scan3A_2003 = %scan3A_1137 to %scan3A_1139 step %scan3A_1140 iter_args(%scan3A_2004 = %broadcast_in_dim3A_1074, %scan3A_2005 = %broadcast_in_dim3A_1076, %scan3A_2006 = %broadcast_in_dim3A_1078, %scan3A_2007 = %broadcast_in_dim3A_1080, %scan3A_2008 = %broadcast_in_dim3A_1082, %scan3A_2009 = %broadcast_in_dim3A_1084, %scan3A_2010 = %broadcast_in_dim3A_1086, %scan3A_2011 = %broadcast_in_dim3A_1088, %scan3A_2012 = %broadcast_in_dim3A_1090, %scan3A_2013 = %broadcast_in_dim3A_1092, %scan3A_2014 = %broadcast_in_dim3A_1094, %scan3A_2015 = %broadcast_in_dim3A_1096, %scan3A_2016 = %broadcast_in_dim3A_1098, %scan3A_2017 = %broadcast_in_dim3A_1100, %scan3A_2018 = %broadcast_in_dim3A_1102, %scan3A_2019 = %broadcast_in_dim3A_1104, %scan3A_2020 = %broadcast_in_dim3A_1106, %scan3A_2021 = %broadcast_in_dim3A_1108, %scan3A_2022 = %broadcast_in_dim3A_1110, %scan3A_2023 = %broadcast_in_dim3A_1112, %scan3A_2024 = %broadcast_in_dim3A_1114, %scan3A_2025 = %broadcast_in_dim3A_1116, %scan3A_2026 = %broadcast_in_dim3A_1118, %scan3A_2027 = %broadcast_in_dim3A_1120, %scan3A_2028 = %broadcast_in_dim3A_1122, %scan3A_2029 = %broadcast_in_dim3A_1124, %scan3A_2030 = %broadcast_in_dim3A_1126, %scan3A_2031 = %broadcast_in_dim3A_1128, %scan3A_2032 = %broadcast_in_dim3A_1130, %scan3A_2033 = %broadcast_in_dim3A_1132, %scan3A_2034 = %broadcast_in_dim3A_1134, %scan3A_2035 = %broadcast_in_dim3A_1136) -> (vector<16xf32>, vector<16xf32>, vector<16xf32>, vector<16xf32>, vector<16xf32>, vector<16xf32>, vector<16xf32>, vector<16xf32>, vector<16xf32>, vector<16xf32>, vector<16xf32>, vector<16xf32>, vector<16xf32>, vector<16xf32>, vector<16xf32>, vector<16xf32>, vector<16xf32>, vector<16xf32>, vector<16xf32>, vector<16xf32>, vector<16xf32>, vector<16xf32>, vector<16xf32>, vector<16xf32>, vector<16xf32>, vector<16xf32>, vector<16xf32>, vector<16xf32>, vector<16xf32>, vector<16xf32>, vector<16xf32>, vector<16xf32>)  : i32 {
        %get3A_2036 = arith.index_cast %scan3A_2003 : i32 to index
        %get3A_2037 = arith.constant 0 : index
        %get3A_2038 = tpu.vector_load %arg10[%get3A_2036, %get3A_2037] {strides = array<i32>} : memref<48x512xf32, #tpu.memory_space<vmem>>, vector<1x16xf32>,
        %get3A_2039 = vector.shape_cast %get3A_2038 : vector<1x16xf32> to vector<16xf32>
        %add3A_2040 = arith.addf %scan3A_2004, %get3A_2039 : vector<16xf32>
        %get3A_2041 = arith.index_cast %scan3A_2003 : i32 to index
        %get3A_2042 = arith.constant 16 : index
        %get3A_2043 = tpu.vector_load %arg10[%get3A_2041, %get3A_2042] {strides = array<i32>} : memref<48x512xf32, #tpu.memory_space<vmem>>, vector<1x16xf32>,
        %get3A_2044 = vector.shape_cast %get3A_2043 : vector<1x16xf32> to vector<16xf32>
        %add3A_2045 = arith.addf %scan3A_2005, %get3A_2044 : vector<16xf32>
        %get3A_2046 = arith.index_cast %scan3A_2003 : i32 to index
        %get3A_2047 = arith.constant 32 : index
        %get3A_2048 = tpu.vector_load %arg10[%get3A_2046, %get3A_2047] {strides = array<i32>} : memref<48x512xf32, #tpu.memory_space<vmem>>, vector<1x16xf32>,
        %get3A_2049 = vector.shape_cast %get3A_2048 : vector<1x16xf32> to vector<16xf32>
        %add3A_2050 = arith.addf %scan3A_2006, %get3A_2049 : vector<16xf32>
        %get3A_2051 = arith.index_cast %scan3A_2003 : i32 to index
        %get3A_2052 = arith.constant 48 : index
        %get3A_2053 = tpu.vector_load %arg10[%get3A_2051, %get3A_2052] {strides = array<i32>} : memref<48x512xf32, #tpu.memory_space<vmem>>, vector<1x16xf32>,
        %get3A_2054 = vector.shape_cast %get3A_2053 : vector<1x16xf32> to vector<16xf32>
        %add3A_2055 = arith.addf %scan3A_2007, %get3A_2054 : vector<16xf32>
        %get3A_2056 = arith.index_cast %scan3A_2003 : i32 to index
        %get3A_2057 = arith.constant 64 : index
        %get3A_2058 = tpu.vector_load %arg10[%get3A_2056, %get3A_2057] {strides = array<i32>} : memref<48x512xf32, #tpu.memory_space<vmem>>, vector<1x16xf32>,
        %get3A_2059 = vector.shape_cast %get3A_2058 : vector<1x16xf32> to vector<16xf32>
        %add3A_2060 = arith.addf %scan3A_2008, %get3A_2059 : vector<16xf32>
        %get3A_2061 = arith.index_cast %scan3A_2003 : i32 to index
        %get3A_2062 = arith.constant 80 : index
        %get3A_2063 = tpu.vector_load %arg10[%get3A_2061, %get3A_2062] {strides = array<i32>} : memref<48x512xf32, #tpu.memory_space<vmem>>, vector<1x16xf32>,
        %get3A_2064 = vector.shape_cast %get3A_2063 : vector<1x16xf32> to vector<16xf32>
        %add3A_2065 = arith.addf %scan3A_2009, %get3A_2064 : vector<16xf32>
        %get3A_2066 = arith.index_cast %scan3A_2003 : i32 to index
        %get3A_2067 = arith.constant 96 : index
        %get3A_2068 = tpu.vector_load %arg10[%get3A_2066, %get3A_2067] {strides = array<i32>} : memref<48x512xf32, #tpu.memory_space<vmem>>, vector<1x16xf32>,
        %get3A_2069 = vector.shape_cast %get3A_2068 : vector<1x16xf32> to vector<16xf32>
        %add3A_2070 = arith.addf %scan3A_2010, %get3A_2069 : vector<16xf32>
        %get3A_2071 = arith.index_cast %scan3A_2003 : i32 to index
        %get3A_2072 = arith.constant 112 : index
        %get3A_2073 = tpu.vector_load %arg10[%get3A_2071, %get3A_2072] {strides = array<i32>} : memref<48x512xf32, #tpu.memory_space<vmem>>, vector<1x16xf32>,
        %get3A_2074 = vector.shape_cast %get3A_2073 : vector<1x16xf32> to vector<16xf32>
        %add3A_2075 = arith.addf %scan3A_2011, %get3A_2074 : vector<16xf32>
        %get3A_2076 = arith.index_cast %scan3A_2003 : i32 to index
        %get3A_2077 = arith.constant 128 : index
        %get3A_2078 = tpu.vector_load %arg10[%get3A_2076, %get3A_2077] {strides = array<i32>} : memref<48x512xf32, #tpu.memory_space<vmem>>, vector<1x16xf32>,
        %get3A_2079 = vector.shape_cast %get3A_2078 : vector<1x16xf32> to vector<16xf32>
        %add3A_2080 = arith.addf %scan3A_2012, %get3A_2079 : vector<16xf32>
        %get3A_2081 = arith.index_cast %scan3A_2003 : i32 to index
        %get3A_2082 = arith.constant 144 : index
        %get3A_2083 = tpu.vector_load %arg10[%get3A_2081, %get3A_2082] {strides = array<i32>} : memref<48x512xf32, #tpu.memory_space<vmem>>, vector<1x16xf32>,
        %get3A_2084 = vector.shape_cast %get3A_2083 : vector<1x16xf32> to vector<16xf32>
        %add3A_2085 = arith.addf %scan3A_2013, %get3A_2084 : vector<16xf32>
        %get3A_2086 = arith.index_cast %scan3A_2003 : i32 to index
        %get3A_2087 = arith.constant 160 : index
        %get3A_2088 = tpu.vector_load %arg10[%get3A_2086, %get3A_2087] {strides = array<i32>} : memref<48x512xf32, #tpu.memory_space<vmem>>, vector<1x16xf32>,
        %get3A_2089 = vector.shape_cast %get3A_2088 : vector<1x16xf32> to vector<16xf32>
        %add3A_2090 = arith.addf %scan3A_2014, %get3A_2089 : vector<16xf32>
        %get3A_2091 = arith.index_cast %scan3A_2003 : i32 to index
        %get3A_2092 = arith.constant 176 : index
        %get3A_2093 = tpu.vector_load %arg10[%get3A_2091, %get3A_2092] {strides = array<i32>} : memref<48x512xf32, #tpu.memory_space<vmem>>, vector<1x16xf32>,
        %get3A_2094 = vector.shape_cast %get3A_2093 : vector<1x16xf32> to vector<16xf32>
        %add3A_2095 = arith.addf %scan3A_2015, %get3A_2094 : vector<16xf32>
        %get3A_2096 = arith.index_cast %scan3A_2003 : i32 to index
        %get3A_2097 = arith.constant 192 : index
        %get3A_2098 = tpu.vector_load %arg10[%get3A_2096, %get3A_2097] {strides = array<i32>} : memref<48x512xf32, #tpu.memory_space<vmem>>, vector<1x16xf32>,
        %get3A_2099 = vector.shape_cast %get3A_2098 : vector<1x16xf32> to vector<16xf32>
        %add3A_2100 = arith.addf %scan3A_2016, %get3A_2099 : vector<16xf32>
        %get3A_2101 = arith.index_cast %scan3A_2003 : i32 to index
        %get3A_2102 = arith.constant 208 : index
        %get3A_2103 = tpu.vector_load %arg10[%get3A_2101, %get3A_2102] {strides = array<i32>} : memref<48x512xf32, #tpu.memory_space<vmem>>, vector<1x16xf32>,
        %get3A_2104 = vector.shape_cast %get3A_2103 : vector<1x16xf32> to vector<16xf32>
        %add3A_2105 = arith.addf %scan3A_2017, %get3A_2104 : vector<16xf32>
        %get3A_2106 = arith.index_cast %scan3A_2003 : i32 to index
        %get3A_2107 = arith.constant 224 : index
        %get3A_2108 = tpu.vector_load %arg10[%get3A_2106, %get3A_2107] {strides = array<i32>} : memref<48x512xf32, #tpu.memory_space<vmem>>, vector<1x16xf32>,
        %get3A_2109 = vector.shape_cast %get3A_2108 : vector<1x16xf32> to vector<16xf32>
        %add3A_2110 = arith.addf %scan3A_2018, %get3A_2109 : vector<16xf32>
        %get3A_2111 = arith.index_cast %scan3A_2003 : i32 to index
        %get3A_2112 = arith.constant 240 : index
        %get3A_2113 = tpu.vector_load %arg10[%get3A_2111, %get3A_2112] {strides = array<i32>} : memref<48x512xf32, #tpu.memory_space<vmem>>, vector<1x16xf32>,
        %get3A_2114 = vector.shape_cast %get3A_2113 : vector<1x16xf32> to vector<16xf32>
        %add3A_2115 = arith.addf %scan3A_2019, %get3A_2114 : vector<16xf32>
        %get3A_2116 = arith.index_cast %scan3A_2003 : i32 to index
        %get3A_2117 = arith.constant 256 : index
        %get3A_2118 = tpu.vector_load %arg10[%get3A_2116, %get3A_2117] {strides = array<i32>} : memref<48x512xf32, #tpu.memory_space<vmem>>, vector<1x16xf32>,
        %get3A_2119 = vector.shape_cast %get3A_2118 : vector<1x16xf32> to vector<16xf32>
        %add3A_2120 = arith.addf %scan3A_2020, %get3A_2119 : vector<16xf32>
        %get3A_2121 = arith.index_cast %scan3A_2003 : i32 to index
        %get3A_2122 = arith.constant 272 : index
        %get3A_2123 = tpu.vector_load %arg10[%get3A_2121, %get3A_2122] {strides = array<i32>} : memref<48x512xf32, #tpu.memory_space<vmem>>, vector<1x16xf32>,
        %get3A_2124 = vector.shape_cast %get3A_2123 : vector<1x16xf32> to vector<16xf32>
        %add3A_2125 = arith.addf %scan3A_2021, %get3A_2124 : vector<16xf32>
        %get3A_2126 = arith.index_cast %scan3A_2003 : i32 to index
        %get3A_2127 = arith.constant 288 : index
        %get3A_2128 = tpu.vector_load %arg10[%get3A_2126, %get3A_2127] {strides = array<i32>} : memref<48x512xf32, #tpu.memory_space<vmem>>, vector<1x16xf32>,
        %get3A_2129 = vector.shape_cast %get3A_2128 : vector<1x16xf32> to vector<16xf32>
        %add3A_2130 = arith.addf %scan3A_2022, %get3A_2129 : vector<16xf32>
        %get3A_2131 = arith.index_cast %scan3A_2003 : i32 to index
        %get3A_2132 = arith.constant 304 : index
        %get3A_2133 = tpu.vector_load %arg10[%get3A_2131, %get3A_2132] {strides = array<i32>} : memref<48x512xf32, #tpu.memory_space<vmem>>, vector<1x16xf32>,
        %get3A_2134 = vector.shape_cast %get3A_2133 : vector<1x16xf32> to vector<16xf32>
        %add3A_2135 = arith.addf %scan3A_2023, %get3A_2134 : vector<16xf32>
        %get3A_2136 = arith.index_cast %scan3A_2003 : i32 to index
        %get3A_2137 = arith.constant 320 : index
        %get3A_2138 = tpu.vector_load %arg10[%get3A_2136, %get3A_2137] {strides = array<i32>} : memref<48x512xf32, #tpu.memory_space<vmem>>, vector<1x16xf32>,
        %get3A_2139 = vector.shape_cast %get3A_2138 : vector<1x16xf32> to vector<16xf32>
        %add3A_2140 = arith.addf %scan3A_2024, %get3A_2139 : vector<16xf32>
        %get3A_2141 = arith.index_cast %scan3A_2003 : i32 to index
        %get3A_2142 = arith.constant 336 : index
        %get3A_2143 = tpu.vector_load %arg10[%get3A_2141, %get3A_2142] {strides = array<i32>} : memref<48x512xf32, #tpu.memory_space<vmem>>, vector<1x16xf32>,
        %get3A_2144 = vector.shape_cast %get3A_2143 : vector<1x16xf32> to vector<16xf32>
        %add3A_2145 = arith.addf %scan3A_2025, %get3A_2144 : vector<16xf32>
        %get3A_2146 = arith.index_cast %scan3A_2003 : i32 to index
        %get3A_2147 = arith.constant 352 : index
        %get3A_2148 = tpu.vector_load %arg10[%get3A_2146, %get3A_2147] {strides = array<i32>} : memref<48x512xf32, #tpu.memory_space<vmem>>, vector<1x16xf32>,
        %get3A_2149 = vector.shape_cast %get3A_2148 : vector<1x16xf32> to vector<16xf32>
        %add3A_2150 = arith.addf %scan3A_2026, %get3A_2149 : vector<16xf32>
        %get3A_2151 = arith.index_cast %scan3A_2003 : i32 to index
        %get3A_2152 = arith.constant 368 : index
        %get3A_2153 = tpu.vector_load %arg10[%get3A_2151, %get3A_2152] {strides = array<i32>} : memref<48x512xf32, #tpu.memory_space<vmem>>, vector<1x16xf32>,
        %get3A_2154 = vector.shape_cast %get3A_2153 : vector<1x16xf32> to vector<16xf32>
        %add3A_2155 = arith.addf %scan3A_2027, %get3A_2154 : vector<16xf32>
        %get3A_2156 = arith.index_cast %scan3A_2003 : i32 to index
        %get3A_2157 = arith.constant 384 : index
        %get3A_2158 = tpu.vector_load %arg10[%get3A_2156, %get3A_2157] {strides = array<i32>} : memref<48x512xf32, #tpu.memory_space<vmem>>, vector<1x16xf32>,
        %get3A_2159 = vector.shape_cast %get3A_2158 : vector<1x16xf32> to vector<16xf32>
        %add3A_2160 = arith.addf %scan3A_2028, %get3A_2159 : vector<16xf32>
        %get3A_2161 = arith.index_cast %scan3A_2003 : i32 to index
        %get3A_2162 = arith.constant 400 : index
        %get3A_2163 = tpu.vector_load %arg10[%get3A_2161, %get3A_2162] {strides = array<i32>} : memref<48x512xf32, #tpu.memory_space<vmem>>, vector<1x16xf32>,
        %get3A_2164 = vector.shape_cast %get3A_2163 : vector<1x16xf32> to vector<16xf32>
        %add3A_2165 = arith.addf %scan3A_2029, %get3A_2164 : vector<16xf32>
        %get3A_2166 = arith.index_cast %scan3A_2003 : i32 to index
        %get3A_2167 = arith.constant 416 : index
        %get3A_2168 = tpu.vector_load %arg10[%get3A_2166, %get3A_2167] {strides = array<i32>} : memref<48x512xf32, #tpu.memory_space<vmem>>, vector<1x16xf32>,
        %get3A_2169 = vector.shape_cast %get3A_2168 : vector<1x16xf32> to vector<16xf32>
        %add3A_2170 = arith.addf %scan3A_2030, %get3A_2169 : vector<16xf32>
        %get3A_2171 = arith.index_cast %scan3A_2003 : i32 to index
        %get3A_2172 = arith.constant 432 : index
        %get3A_2173 = tpu.vector_load %arg10[%get3A_2171, %get3A_2172] {strides = array<i32>} : memref<48x512xf32, #tpu.memory_space<vmem>>, vector<1x16xf32>,
        %get3A_2174 = vector.shape_cast %get3A_2173 : vector<1x16xf32> to vector<16xf32>
        %add3A_2175 = arith.addf %scan3A_2031, %get3A_2174 : vector<16xf32>
        %get3A_2176 = arith.index_cast %scan3A_2003 : i32 to index
        %get3A_2177 = arith.constant 448 : index
        %get3A_2178 = tpu.vector_load %arg10[%get3A_2176, %get3A_2177] {strides = array<i32>} : memref<48x512xf32, #tpu.memory_space<vmem>>, vector<1x16xf32>,
        %get3A_2179 = vector.shape_cast %get3A_2178 : vector<1x16xf32> to vector<16xf32>
        %add3A_2180 = arith.addf %scan3A_2032, %get3A_2179 : vector<16xf32>
        %get3A_2181 = arith.index_cast %scan3A_2003 : i32 to index
        %get3A_2182 = arith.constant 464 : index
        %get3A_2183 = tpu.vector_load %arg10[%get3A_2181, %get3A_2182] {strides = array<i32>} : memref<48x512xf32, #tpu.memory_space<vmem>>, vector<1x16xf32>,
        %get3A_2184 = vector.shape_cast %get3A_2183 : vector<1x16xf32> to vector<16xf32>
        %add3A_2185 = arith.addf %scan3A_2033, %get3A_2184 : vector<16xf32>
        %get3A_2186 = arith.index_cast %scan3A_2003 : i32 to index
        %get3A_2187 = arith.constant 480 : index
        %get3A_2188 = tpu.vector_load %arg10[%get3A_2186, %get3A_2187] {strides = array<i32>} : memref<48x512xf32, #tpu.memory_space<vmem>>, vector<1x16xf32>,
        %get3A_2189 = vector.shape_cast %get3A_2188 : vector<1x16xf32> to vector<16xf32>
        %add3A_2190 = arith.addf %scan3A_2034, %get3A_2189 : vector<16xf32>
        %get3A_2191 = arith.index_cast %scan3A_2003 : i32 to index
        %get3A_2192 = arith.constant 496 : index
        %get3A_2193 = tpu.vector_load %arg10[%get3A_2191, %get3A_2192] {strides = array<i32>} : memref<48x512xf32, #tpu.memory_space<vmem>>, vector<1x16xf32>,
        %get3A_2194 = vector.shape_cast %get3A_2193 : vector<1x16xf32> to vector<16xf32>
        %add3A_2195 = arith.addf %scan3A_2035, %get3A_2194 : vector<16xf32>
        scf.yield %add3A_2040, %add3A_2045, %add3A_2050, %add3A_2055, %add3A_2060, %add3A_2065, %add3A_2070, %add3A_2075, %add3A_2080, %add3A_2085, %add3A_2090, %add3A_2095, %add3A_2100, %add3A_2105, %add3A_2110, %add3A_2115, %add3A_2120, %add3A_2125, %add3A_2130, %add3A_2135, %add3A_2140, %add3A_2145, %add3A_2150, %add3A_2155, %add3A_2160, %add3A_2165, %add3A_2170, %add3A_2175, %add3A_2180, %add3A_2185, %add3A_2190, %add3A_2195 : vector<16xf32>, vector<16xf32>, vector<16xf32>, vector<16xf32>, vector<16xf32>, vector<16xf32>, vector<16xf32>, vector<16xf32>, vector<16xf32>, vector<16xf32>, vector<16xf32>, vector<16xf32>, vector<16xf32>, vector<16xf32>, vector<16xf32>, vector<16xf32>, vector<16xf32>, vector<16xf32>, vector<16xf32>, vector<16xf32>, vector<16xf32>, vector<16xf32>, vector<16xf32>, vector<16xf32>, vector<16xf32>, vector<16xf32>, vector<16xf32>, vector<16xf32>, vector<16xf32>, vector<16xf32>, vector<16xf32>, vector<16xf32>
      }
      %scan3A_1142 = arith.constant 48 : i32
      %get3A_1143 = arith.index_cast %add3A_1066 : i32 to index
      %get3A_1144 = arith.constant 0 : index
      %get3A_1145 = tpu.vector_load %arg11[%get3A_1143, %get3A_1144] {strides = array<i32>} : memref<64x512xf32, #tpu.memory_space<vmem>>, vector<1x16xf32>,
      %get3A_1146 = vector.shape_cast %get3A_1145 : vector<1x16xf32> to vector<16xf32>
      %mul3A_1147 = vector.broadcast %scan3A_588 : f32 to vector<16xf32>
      %mul3A_1148 = arith.mulf %scan3A_1141#0, %mul3A_1147 : vector<16xf32>
      %add3A_1149 = arith.addf %get3A_1146, %mul3A_1148 : vector<16xf32>
      %swap3A_1150 = arith.index_cast %add3A_1066 : i32 to index
      %swap3A_1151 = arith.constant 0 : index
      %swap3A_1152 = tpu.vector_load %arg11[%swap3A_1150, %swap3A_1151] {strides = array<i32>} : memref<64x512xf32, #tpu.memory_space<vmem>>, vector<1x16xf32>,
      %swap3A_1153 = vector.shape_cast %swap3A_1152 : vector<1x16xf32> to vector<16xf32>
      %swap3A_1154 = vector.shape_cast %add3A_1149 : vector<16xf32> to vector<1x16xf32>
      tpu.vector_store %arg11[%swap3A_1150, %swap3A_1151], %swap3A_1154 {strides = array<i32>} : memref<64x512xf32, #tpu.memory_space<vmem>>, vector<1x16xf32>,
      %get3A_1155 = arith.index_cast %add3A_1066 : i32 to index
      %get3A_1156 = arith.constant 16 : index
      %get3A_1157 = tpu.vector_load %arg11[%get3A_1155, %get3A_1156] {strides = array<i32>} : memref<64x512xf32, #tpu.memory_space<vmem>>, vector<1x16xf32>,
      %get3A_1158 = vector.shape_cast %get3A_1157 : vector<1x16xf32> to vector<16xf32>
      %mul3A_1159 = vector.broadcast %scan3A_588 : f32 to vector<16xf32>
      %mul3A_1160 = arith.mulf %scan3A_1141#1, %mul3A_1159 : vector<16xf32>
      %add3A_1161 = arith.addf %get3A_1158, %mul3A_1160 : vector<16xf32>
      %swap3A_1162 = arith.index_cast %add3A_1066 : i32 to index
      %swap3A_1163 = arith.constant 16 : index
      %swap3A_1164 = tpu.vector_load %arg11[%swap3A_1162, %swap3A_1163] {strides = array<i32>} : memref<64x512xf32, #tpu.memory_space<vmem>>, vector<1x16xf32>,
      %swap3A_1165 = vector.shape_cast %swap3A_1164 : vector<1x16xf32> to vector<16xf32>
      %swap3A_1166 = vector.shape_cast %add3A_1161 : vector<16xf32> to vector<1x16xf32>
      tpu.vector_store %arg11[%swap3A_1162, %swap3A_1163], %swap3A_1166 {strides = array<i32>} : memref<64x512xf32, #tpu.memory_space<vmem>>, vector<1x16xf32>,
      %get3A_1167 = arith.index_cast %add3A_1066 : i32 to index
      %get3A_1168 = arith.constant 32 : index
      %get3A_1169 = tpu.vector_load %arg11[%get3A_1167, %get3A_1168] {strides = array<i32>} : memref<64x512xf32, #tpu.memory_space<vmem>>, vector<1x16xf32>,
      %get3A_1170 = vector.shape_cast %get3A_1169 : vector<1x16xf32> to vector<16xf32>
      %mul3A_1171 = vector.broadcast %scan3A_588 : f32 to vector<16xf32>
      %mul3A_1172 = arith.mulf %scan3A_1141#2, %mul3A_1171 : vector<16xf32>
      %add3A_1173 = arith.addf %get3A_1170, %mul3A_1172 : vector<16xf32>
      %swap3A_1174 = arith.index_cast %add3A_1066 : i32 to index
      %swap3A_1175 = arith.constant 32 : index
      %swap3A_1176 = tpu.vector_load %arg11[%swap3A_1174, %swap3A_1175] {strides = array<i32>} : memref<64x512xf32, #tpu.memory_space<vmem>>, vector<1x16xf32>,
      %swap3A_1177 = vector.shape_cast %swap3A_1176 : vector<1x16xf32> to vector<16xf32>
      %swap3A_1178 = vector.shape_cast %add3A_1173 : vector<16xf32> to vector<1x16xf32>
      tpu.vector_store %arg11[%swap3A_1174, %swap3A_1175], %swap3A_1178 {strides = array<i32>} : memref<64x512xf32, #tpu.memory_space<vmem>>, vector<1x16xf32>,
      %get3A_1179 = arith.index_cast %add3A_1066 : i32 to index
      %get3A_1180 = arith.constant 48 : index
      %get3A_1181 = tpu.vector_load %arg11[%get3A_1179, %get3A_1180] {strides = array<i32>} : memref<64x512xf32, #tpu.memory_space<vmem>>, vector<1x16xf32>,
      %get3A_1182 = vector.shape_cast %get3A_1181 : vector<1x16xf32> to vector<16xf32>
      %mul3A_1183 = vector.broadcast %scan3A_588 : f32 to vector<16xf32>
      %mul3A_1184 = arith.mulf %scan3A_1141#3, %mul3A_1183 : vector<16xf32>
      %add3A_1185 = arith.addf %get3A_1182, %mul3A_1184 : vector<16xf32>
      %swap3A_1186 = arith.index_cast %add3A_1066 : i32 to index
      %swap3A_1187 = arith.constant 48 : index
      %swap3A_1188 = tpu.vector_load %arg11[%swap3A_1186, %swap3A_1187] {strides = array<i32>} : memref<64x512xf32, #tpu.memory_space<vmem>>, vector<1x16xf32>,
      %swap3A_1189 = vector.shape_cast %swap3A_1188 : vector<1x16xf32> to vector<16xf32>
      %swap3A_1190 = vector.shape_cast %add3A_1185 : vector<16xf32> to vector<1x16xf32>
      tpu.vector_store %arg11[%swap3A_1186, %swap3A_1187], %swap3A_1190 {strides = array<i32>} : memref<64x512xf32, #tpu.memory_space<vmem>>, vector<1x16xf32>,
      %get3A_1191 = arith.index_cast %add3A_1066 : i32 to index
      %get3A_1192 = arith.constant 64 : index
      %get3A_1193 = tpu.vector_load %arg11[%get3A_1191, %get3A_1192] {strides = array<i32>} : memref<64x512xf32, #tpu.memory_space<vmem>>, vector<1x16xf32>,
      %get3A_1194 = vector.shape_cast %get3A_1193 : vector<1x16xf32> to vector<16xf32>
      %mul3A_1195 = vector.broadcast %scan3A_588 : f32 to vector<16xf32>
      %mul3A_1196 = arith.mulf %scan3A_1141#4, %mul3A_1195 : vector<16xf32>
      %add3A_1197 = arith.addf %get3A_1194, %mul3A_1196 : vector<16xf32>
      %swap3A_1198 = arith.index_cast %add3A_1066 : i32 to index
      %swap3A_1199 = arith.constant 64 : index
      %swap3A_1200 = tpu.vector_load %arg11[%swap3A_1198, %swap3A_1199] {strides = array<i32>} : memref<64x512xf32, #tpu.memory_space<vmem>>, vector<1x16xf32>,
      %swap3A_1201 = vector.shape_cast %swap3A_1200 : vector<1x16xf32> to vector<16xf32>
      %swap3A_1202 = vector.shape_cast %add3A_1197 : vector<16xf32> to vector<1x16xf32>
      tpu.vector_store %arg11[%swap3A_1198, %swap3A_1199], %swap3A_1202 {strides = array<i32>} : memref<64x512xf32, #tpu.memory_space<vmem>>, vector<1x16xf32>,
      %get3A_1203 = arith.index_cast %add3A_1066 : i32 to index
      %get3A_1204 = arith.constant 80 : index
      %get3A_1205 = tpu.vector_load %arg11[%get3A_1203, %get3A_1204] {strides = array<i32>} : memref<64x512xf32, #tpu.memory_space<vmem>>, vector<1x16xf32>,
      %get3A_1206 = vector.shape_cast %get3A_1205 : vector<1x16xf32> to vector<16xf32>
      %mul3A_1207 = vector.broadcast %scan3A_588 : f32 to vector<16xf32>
      %mul3A_1208 = arith.mulf %scan3A_1141#5, %mul3A_1207 : vector<16xf32>
      %add3A_1209 = arith.addf %get3A_1206, %mul3A_1208 : vector<16xf32>
      %swap3A_1210 = arith.index_cast %add3A_1066 : i32 to index
      %swap3A_1211 = arith.constant 80 : index
      %swap3A_1212 = tpu.vector_load %arg11[%swap3A_1210, %swap3A_1211] {strides = array<i32>} : memref<64x512xf32, #tpu.memory_space<vmem>>, vector<1x16xf32>,
      %swap3A_1213 = vector.shape_cast %swap3A_1212 : vector<1x16xf32> to vector<16xf32>
      %swap3A_1214 = vector.shape_cast %add3A_1209 : vector<16xf32> to vector<1x16xf32>
      tpu.vector_store %arg11[%swap3A_1210, %swap3A_1211], %swap3A_1214 {strides = array<i32>} : memref<64x512xf32, #tpu.memory_space<vmem>>, vector<1x16xf32>,
      %get3A_1215 = arith.index_cast %add3A_1066 : i32 to index
      %get3A_1216 = arith.constant 96 : index
      %get3A_1217 = tpu.vector_load %arg11[%get3A_1215, %get3A_1216] {strides = array<i32>} : memref<64x512xf32, #tpu.memory_space<vmem>>, vector<1x16xf32>,
      %get3A_1218 = vector.shape_cast %get3A_1217 : vector<1x16xf32> to vector<16xf32>
      %mul3A_1219 = vector.broadcast %scan3A_588 : f32 to vector<16xf32>
      %mul3A_1220 = arith.mulf %scan3A_1141#6, %mul3A_1219 : vector<16xf32>
      %add3A_1221 = arith.addf %get3A_1218, %mul3A_1220 : vector<16xf32>
      %swap3A_1222 = arith.index_cast %add3A_1066 : i32 to index
      %swap3A_1223 = arith.constant 96 : index
      %swap3A_1224 = tpu.vector_load %arg11[%swap3A_1222, %swap3A_1223] {strides = array<i32>} : memref<64x512xf32, #tpu.memory_space<vmem>>, vector<1x16xf32>,
      %swap3A_1225 = vector.shape_cast %swap3A_1224 : vector<1x16xf32> to vector<16xf32>
      %swap3A_1226 = vector.shape_cast %add3A_1221 : vector<16xf32> to vector<1x16xf32>
      tpu.vector_store %arg11[%swap3A_1222, %swap3A_1223], %swap3A_1226 {strides = array<i32>} : memref<64x512xf32, #tpu.memory_space<vmem>>, vector<1x16xf32>,
      %get3A_1227 = arith.index_cast %add3A_1066 : i32 to index
      %get3A_1228 = arith.constant 112 : index
      %get3A_1229 = tpu.vector_load %arg11[%get3A_1227, %get3A_1228] {strides = array<i32>} : memref<64x512xf32, #tpu.memory_space<vmem>>, vector<1x16xf32>,
      %get3A_1230 = vector.shape_cast %get3A_1229 : vector<1x16xf32> to vector<16xf32>
      %mul3A_1231 = vector.broadcast %scan3A_588 : f32 to vector<16xf32>
      %mul3A_1232 = arith.mulf %scan3A_1141#7, %mul3A_1231 : vector<16xf32>
      %add3A_1233 = arith.addf %get3A_1230, %mul3A_1232 : vector<16xf32>
      %swap3A_1234 = arith.index_cast %add3A_1066 : i32 to index
      %swap3A_1235 = arith.constant 112 : index
      %swap3A_1236 = tpu.vector_load %arg11[%swap3A_1234, %swap3A_1235] {strides = array<i32>} : memref<64x512xf32, #tpu.memory_space<vmem>>, vector<1x16xf32>,
      %swap3A_1237 = vector.shape_cast %swap3A_1236 : vector<1x16xf32> to vector<16xf32>
      %swap3A_1238 = vector.shape_cast %add3A_1233 : vector<16xf32> to vector<1x16xf32>
      tpu.vector_store %arg11[%swap3A_1234, %swap3A_1235], %swap3A_1238 {strides = array<i32>} : memref<64x512xf32, #tpu.memory_space<vmem>>, vector<1x16xf32>,
      %get3A_1239 = arith.index_cast %add3A_1066 : i32 to index
      %get3A_1240 = arith.constant 128 : index
      %get3A_1241 = tpu.vector_load %arg11[%get3A_1239, %get3A_1240] {strides = array<i32>} : memref<64x512xf32, #tpu.memory_space<vmem>>, vector<1x16xf32>,
      %get3A_1242 = vector.shape_cast %get3A_1241 : vector<1x16xf32> to vector<16xf32>
      %mul3A_1243 = vector.broadcast %scan3A_588 : f32 to vector<16xf32>
      %mul3A_1244 = arith.mulf %scan3A_1141#8, %mul3A_1243 : vector<16xf32>
      %add3A_1245 = arith.addf %get3A_1242, %mul3A_1244 : vector<16xf32>
      %swap3A_1246 = arith.index_cast %add3A_1066 : i32 to index
      %swap3A_1247 = arith.constant 128 : index
      %swap3A_1248 = tpu.vector_load %arg11[%swap3A_1246, %swap3A_1247] {strides = array<i32>} : memref<64x512xf32, #tpu.memory_space<vmem>>, vector<1x16xf32>,
      %swap3A_1249 = vector.shape_cast %swap3A_1248 : vector<1x16xf32> to vector<16xf32>
      %swap3A_1250 = vector.shape_cast %add3A_1245 : vector<16xf32> to vector<1x16xf32>
      tpu.vector_store %arg11[%swap3A_1246, %swap3A_1247], %swap3A_1250 {strides = array<i32>} : memref<64x512xf32, #tpu.memory_space<vmem>>, vector<1x16xf32>,
      %get3A_1251 = arith.index_cast %add3A_1066 : i32 to index
      %get3A_1252 = arith.constant 144 : index
      %get3A_1253 = tpu.vector_load %arg11[%get3A_1251, %get3A_1252] {strides = array<i32>} : memref<64x512xf32, #tpu.memory_space<vmem>>, vector<1x16xf32>,
      %get3A_1254 = vector.shape_cast %get3A_1253 : vector<1x16xf32> to vector<16xf32>
      %mul3A_1255 = vector.broadcast %scan3A_588 : f32 to vector<16xf32>
      %mul3A_1256 = arith.mulf %scan3A_1141#9, %mul3A_1255 : vector<16xf32>
      %add3A_1257 = arith.addf %get3A_1254, %mul3A_1256 : vector<16xf32>
      %swap3A_1258 = arith.index_cast %add3A_1066 : i32 to index
      %swap3A_1259 = arith.constant 144 : index
      %swap3A_1260 = tpu.vector_load %arg11[%swap3A_1258, %swap3A_1259] {strides = array<i32>} : memref<64x512xf32, #tpu.memory_space<vmem>>, vector<1x16xf32>,
      %swap3A_1261 = vector.shape_cast %swap3A_1260 : vector<1x16xf32> to vector<16xf32>
      %swap3A_1262 = vector.shape_cast %add3A_1257 : vector<16xf32> to vector<1x16xf32>
      tpu.vector_store %arg11[%swap3A_1258, %swap3A_1259], %swap3A_1262 {strides = array<i32>} : memref<64x512xf32, #tpu.memory_space<vmem>>, vector<1x16xf32>,
      %get3A_1263 = arith.index_cast %add3A_1066 : i32 to index
      %get3A_1264 = arith.constant 160 : index
      %get3A_1265 = tpu.vector_load %arg11[%get3A_1263, %get3A_1264] {strides = array<i32>} : memref<64x512xf32, #tpu.memory_space<vmem>>, vector<1x16xf32>,
      %get3A_1266 = vector.shape_cast %get3A_1265 : vector<1x16xf32> to vector<16xf32>
      %mul3A_1267 = vector.broadcast %scan3A_588 : f32 to vector<16xf32>
      %mul3A_1268 = arith.mulf %scan3A_1141#10, %mul3A_1267 : vector<16xf32>
      %add3A_1269 = arith.addf %get3A_1266, %mul3A_1268 : vector<16xf32>
      %swap3A_1270 = arith.index_cast %add3A_1066 : i32 to index
      %swap3A_1271 = arith.constant 160 : index
      %swap3A_1272 = tpu.vector_load %arg11[%swap3A_1270, %swap3A_1271] {strides = array<i32>} : memref<64x512xf32, #tpu.memory_space<vmem>>, vector<1x16xf32>,
      %swap3A_1273 = vector.shape_cast %swap3A_1272 : vector<1x16xf32> to vector<16xf32>
      %swap3A_1274 = vector.shape_cast %add3A_1269 : vector<16xf32> to vector<1x16xf32>
      tpu.vector_store %arg11[%swap3A_1270, %swap3A_1271], %swap3A_1274 {strides = array<i32>} : memref<64x512xf32, #tpu.memory_space<vmem>>, vector<1x16xf32>,
      %get3A_1275 = arith.index_cast %add3A_1066 : i32 to index
      %get3A_1276 = arith.constant 176 : index
      %get3A_1277 = tpu.vector_load %arg11[%get3A_1275, %get3A_1276] {strides = array<i32>} : memref<64x512xf32, #tpu.memory_space<vmem>>, vector<1x16xf32>,
      %get3A_1278 = vector.shape_cast %get3A_1277 : vector<1x16xf32> to vector<16xf32>
      %mul3A_1279 = vector.broadcast %scan3A_588 : f32 to vector<16xf32>
      %mul3A_1280 = arith.mulf %scan3A_1141#11, %mul3A_1279 : vector<16xf32>
      %add3A_1281 = arith.addf %get3A_1278, %mul3A_1280 : vector<16xf32>
      %swap3A_1282 = arith.index_cast %add3A_1066 : i32 to index
      %swap3A_1283 = arith.constant 176 : index
      %swap3A_1284 = tpu.vector_load %arg11[%swap3A_1282, %swap3A_1283] {strides = array<i32>} : memref<64x512xf32, #tpu.memory_space<vmem>>, vector<1x16xf32>,
      %swap3A_1285 = vector.shape_cast %swap3A_1284 : vector<1x16xf32> to vector<16xf32>
      %swap3A_1286 = vector.shape_cast %add3A_1281 : vector<16xf32> to vector<1x16xf32>
      tpu.vector_store %arg11[%swap3A_1282, %swap3A_1283], %swap3A_1286 {strides = array<i32>} : memref<64x512xf32, #tpu.memory_space<vmem>>, vector<1x16xf32>,
      %get3A_1287 = arith.index_cast %add3A_1066 : i32 to index
      %get3A_1288 = arith.constant 192 : index
      %get3A_1289 = tpu.vector_load %arg11[%get3A_1287, %get3A_1288] {strides = array<i32>} : memref<64x512xf32, #tpu.memory_space<vmem>>, vector<1x16xf32>,
      %get3A_1290 = vector.shape_cast %get3A_1289 : vector<1x16xf32> to vector<16xf32>
      %mul3A_1291 = vector.broadcast %scan3A_588 : f32 to vector<16xf32>
      %mul3A_1292 = arith.mulf %scan3A_1141#12, %mul3A_1291 : vector<16xf32>
      %add3A_1293 = arith.addf %get3A_1290, %mul3A_1292 : vector<16xf32>
      %swap3A_1294 = arith.index_cast %add3A_1066 : i32 to index
      %swap3A_1295 = arith.constant 192 : index
      %swap3A_1296 = tpu.vector_load %arg11[%swap3A_1294, %swap3A_1295] {strides = array<i32>} : memref<64x512xf32, #tpu.memory_space<vmem>>, vector<1x16xf32>,
      %swap3A_1297 = vector.shape_cast %swap3A_1296 : vector<1x16xf32> to vector<16xf32>
      %swap3A_1298 = vector.shape_cast %add3A_1293 : vector<16xf32> to vector<1x16xf32>
      tpu.vector_store %arg11[%swap3A_1294, %swap3A_1295], %swap3A_1298 {strides = array<i32>} : memref<64x512xf32, #tpu.memory_space<vmem>>, vector<1x16xf32>,
      %get3A_1299 = arith.index_cast %add3A_1066 : i32 to index
      %get3A_1300 = arith.constant 208 : index
      %get3A_1301 = tpu.vector_load %arg11[%get3A_1299, %get3A_1300] {strides = array<i32>} : memref<64x512xf32, #tpu.memory_space<vmem>>, vector<1x16xf32>,
      %get3A_1302 = vector.shape_cast %get3A_1301 : vector<1x16xf32> to vector<16xf32>
      %mul3A_1303 = vector.broadcast %scan3A_588 : f32 to vector<16xf32>
      %mul3A_1304 = arith.mulf %scan3A_1141#13, %mul3A_1303 : vector<16xf32>
      %add3A_1305 = arith.addf %get3A_1302, %mul3A_1304 : vector<16xf32>
      %swap3A_1306 = arith.index_cast %add3A_1066 : i32 to index
      %swap3A_1307 = arith.constant 208 : index
      %swap3A_1308 = tpu.vector_load %arg11[%swap3A_1306, %swap3A_1307] {strides = array<i32>} : memref<64x512xf32, #tpu.memory_space<vmem>>, vector<1x16xf32>,
      %swap3A_1309 = vector.shape_cast %swap3A_1308 : vector<1x16xf32> to vector<16xf32>
      %swap3A_1310 = vector.shape_cast %add3A_1305 : vector<16xf32> to vector<1x16xf32>
      tpu.vector_store %arg11[%swap3A_1306, %swap3A_1307], %swap3A_1310 {strides = array<i32>} : memref<64x512xf32, #tpu.memory_space<vmem>>, vector<1x16xf32>,
      %get3A_1311 = arith.index_cast %add3A_1066 : i32 to index
      %get3A_1312 = arith.constant 224 : index
      %get3A_1313 = tpu.vector_load %arg11[%get3A_1311, %get3A_1312] {strides = array<i32>} : memref<64x512xf32, #tpu.memory_space<vmem>>, vector<1x16xf32>,
      %get3A_1314 = vector.shape_cast %get3A_1313 : vector<1x16xf32> to vector<16xf32>
      %mul3A_1315 = vector.broadcast %scan3A_588 : f32 to vector<16xf32>
      %mul3A_1316 = arith.mulf %scan3A_1141#14, %mul3A_1315 : vector<16xf32>
      %add3A_1317 = arith.addf %get3A_1314, %mul3A_1316 : vector<16xf32>
      %swap3A_1318 = arith.index_cast %add3A_1066 : i32 to index
      %swap3A_1319 = arith.constant 224 : index
      %swap3A_1320 = tpu.vector_load %arg11[%swap3A_1318, %swap3A_1319] {strides = array<i32>} : memref<64x512xf32, #tpu.memory_space<vmem>>, vector<1x16xf32>,
      %swap3A_1321 = vector.shape_cast %swap3A_1320 : vector<1x16xf32> to vector<16xf32>
      %swap3A_1322 = vector.shape_cast %add3A_1317 : vector<16xf32> to vector<1x16xf32>
      tpu.vector_store %arg11[%swap3A_1318, %swap3A_1319], %swap3A_1322 {strides = array<i32>} : memref<64x512xf32, #tpu.memory_space<vmem>>, vector<1x16xf32>,
      %get3A_1323 = arith.index_cast %add3A_1066 : i32 to index
      %get3A_1324 = arith.constant 240 : index
      %get3A_1325 = tpu.vector_load %arg11[%get3A_1323, %get3A_1324] {strides = array<i32>} : memref<64x512xf32, #tpu.memory_space<vmem>>, vector<1x16xf32>,
      %get3A_1326 = vector.shape_cast %get3A_1325 : vector<1x16xf32> to vector<16xf32>
      %mul3A_1327 = vector.broadcast %scan3A_588 : f32 to vector<16xf32>
      %mul3A_1328 = arith.mulf %scan3A_1141#15, %mul3A_1327 : vector<16xf32>
      %add3A_1329 = arith.addf %get3A_1326, %mul3A_1328 : vector<16xf32>
      %swap3A_1330 = arith.index_cast %add3A_1066 : i32 to index
      %swap3A_1331 = arith.constant 240 : index
      %swap3A_1332 = tpu.vector_load %arg11[%swap3A_1330, %swap3A_1331] {strides = array<i32>} : memref<64x512xf32, #tpu.memory_space<vmem>>, vector<1x16xf32>,
      %swap3A_1333 = vector.shape_cast %swap3A_1332 : vector<1x16xf32> to vector<16xf32>
      %swap3A_1334 = vector.shape_cast %add3A_1329 : vector<16xf32> to vector<1x16xf32>
      tpu.vector_store %arg11[%swap3A_1330, %swap3A_1331], %swap3A_1334 {strides = array<i32>} : memref<64x512xf32, #tpu.memory_space<vmem>>, vector<1x16xf32>,
      %get3A_1335 = arith.index_cast %add3A_1066 : i32 to index
      %get3A_1336 = arith.constant 256 : index
      %get3A_1337 = tpu.vector_load %arg11[%get3A_1335, %get3A_1336] {strides = array<i32>} : memref<64x512xf32, #tpu.memory_space<vmem>>, vector<1x16xf32>,
      %get3A_1338 = vector.shape_cast %get3A_1337 : vector<1x16xf32> to vector<16xf32>
      %mul3A_1339 = vector.broadcast %scan3A_588 : f32 to vector<16xf32>
      %mul3A_1340 = arith.mulf %scan3A_1141#16, %mul3A_1339 : vector<16xf32>
      %add3A_1341 = arith.addf %get3A_1338, %mul3A_1340 : vector<16xf32>
      %swap3A_1342 = arith.index_cast %add3A_1066 : i32 to index
      %swap3A_1343 = arith.constant 256 : index
      %swap3A_1344 = tpu.vector_load %arg11[%swap3A_1342, %swap3A_1343] {strides = array<i32>} : memref<64x512xf32, #tpu.memory_space<vmem>>, vector<1x16xf32>,
      %swap3A_1345 = vector.shape_cast %swap3A_1344 : vector<1x16xf32> to vector<16xf32>
      %swap3A_1346 = vector.shape_cast %add3A_1341 : vector<16xf32> to vector<1x16xf32>
      tpu.vector_store %arg11[%swap3A_1342, %swap3A_1343], %swap3A_1346 {strides = array<i32>} : memref<64x512xf32, #tpu.memory_space<vmem>>, vector<1x16xf32>,
      %get3A_1347 = arith.index_cast %add3A_1066 : i32 to index
      %get3A_1348 = arith.constant 272 : index
      %get3A_1349 = tpu.vector_load %arg11[%get3A_1347, %get3A_1348] {strides = array<i32>} : memref<64x512xf32, #tpu.memory_space<vmem>>, vector<1x16xf32>,
      %get3A_1350 = vector.shape_cast %get3A_1349 : vector<1x16xf32> to vector<16xf32>
      %mul3A_1351 = vector.broadcast %scan3A_588 : f32 to vector<16xf32>
      %mul3A_1352 = arith.mulf %scan3A_1141#17, %mul3A_1351 : vector<16xf32>
      %add3A_1353 = arith.addf %get3A_1350, %mul3A_1352 : vector<16xf32>
      %swap3A_1354 = arith.index_cast %add3A_1066 : i32 to index
      %swap3A_1355 = arith.constant 272 : index
      %swap3A_1356 = tpu.vector_load %arg11[%swap3A_1354, %swap3A_1355] {strides = array<i32>} : memref<64x512xf32, #tpu.memory_space<vmem>>, vector<1x16xf32>,
      %swap3A_1357 = vector.shape_cast %swap3A_1356 : vector<1x16xf32> to vector<16xf32>
      %swap3A_1358 = vector.shape_cast %add3A_1353 : vector<16xf32> to vector<1x16xf32>
      tpu.vector_store %arg11[%swap3A_1354, %swap3A_1355], %swap3A_1358 {strides = array<i32>} : memref<64x512xf32, #tpu.memory_space<vmem>>, vector<1x16xf32>,
      %get3A_1359 = arith.index_cast %add3A_1066 : i32 to index
      %get3A_1360 = arith.constant 288 : index
      %get3A_1361 = tpu.vector_load %arg11[%get3A_1359, %get3A_1360] {strides = array<i32>} : memref<64x512xf32, #tpu.memory_space<vmem>>, vector<1x16xf32>,
      %get3A_1362 = vector.shape_cast %get3A_1361 : vector<1x16xf32> to vector<16xf32>
      %mul3A_1363 = vector.broadcast %scan3A_588 : f32 to vector<16xf32>
      %mul3A_1364 = arith.mulf %scan3A_1141#18, %mul3A_1363 : vector<16xf32>
      %add3A_1365 = arith.addf %get3A_1362, %mul3A_1364 : vector<16xf32>
      %swap3A_1366 = arith.index_cast %add3A_1066 : i32 to index
      %swap3A_1367 = arith.constant 288 : index
      %swap3A_1368 = tpu.vector_load %arg11[%swap3A_1366, %swap3A_1367] {strides = array<i32>} : memref<64x512xf32, #tpu.memory_space<vmem>>, vector<1x16xf32>,
      %swap3A_1369 = vector.shape_cast %swap3A_1368 : vector<1x16xf32> to vector<16xf32>
      %swap3A_1370 = vector.shape_cast %add3A_1365 : vector<16xf32> to vector<1x16xf32>
      tpu.vector_store %arg11[%swap3A_1366, %swap3A_1367], %swap3A_1370 {strides = array<i32>} : memref<64x512xf32, #tpu.memory_space<vmem>>, vector<1x16xf32>,
      %get3A_1371 = arith.index_cast %add3A_1066 : i32 to index
      %get3A_1372 = arith.constant 304 : index
      %get3A_1373 = tpu.vector_load %arg11[%get3A_1371, %get3A_1372] {strides = array<i32>} : memref<64x512xf32, #tpu.memory_space<vmem>>, vector<1x16xf32>,
      %get3A_1374 = vector.shape_cast %get3A_1373 : vector<1x16xf32> to vector<16xf32>
      %mul3A_1375 = vector.broadcast %scan3A_588 : f32 to vector<16xf32>
      %mul3A_1376 = arith.mulf %scan3A_1141#19, %mul3A_1375 : vector<16xf32>
      %add3A_1377 = arith.addf %get3A_1374, %mul3A_1376 : vector<16xf32>
      %swap3A_1378 = arith.index_cast %add3A_1066 : i32 to index
      %swap3A_1379 = arith.constant 304 : index
      %swap3A_1380 = tpu.vector_load %arg11[%swap3A_1378, %swap3A_1379] {strides = array<i32>} : memref<64x512xf32, #tpu.memory_space<vmem>>, vector<1x16xf32>,
      %swap3A_1381 = vector.shape_cast %swap3A_1380 : vector<1x16xf32> to vector<16xf32>
      %swap3A_1382 = vector.shape_cast %add3A_1377 : vector<16xf32> to vector<1x16xf32>
      tpu.vector_store %arg11[%swap3A_1378, %swap3A_1379], %swap3A_1382 {strides = array<i32>} : memref<64x512xf32, #tpu.memory_space<vmem>>, vector<1x16xf32>,
      %get3A_1383 = arith.index_cast %add3A_1066 : i32 to index
      %get3A_1384 = arith.constant 320 : index
      %get3A_1385 = tpu.vector_load %arg11[%get3A_1383, %get3A_1384] {strides = array<i32>} : memref<64x512xf32, #tpu.memory_space<vmem>>, vector<1x16xf32>,
      %get3A_1386 = vector.shape_cast %get3A_1385 : vector<1x16xf32> to vector<16xf32>
      %mul3A_1387 = vector.broadcast %scan3A_588 : f32 to vector<16xf32>
      %mul3A_1388 = arith.mulf %scan3A_1141#20, %mul3A_1387 : vector<16xf32>
      %add3A_1389 = arith.addf %get3A_1386, %mul3A_1388 : vector<16xf32>
      %swap3A_1390 = arith.index_cast %add3A_1066 : i32 to index
      %swap3A_1391 = arith.constant 320 : index
      %swap3A_1392 = tpu.vector_load %arg11[%swap3A_1390, %swap3A_1391] {strides = array<i32>} : memref<64x512xf32, #tpu.memory_space<vmem>>, vector<1x16xf32>,
      %swap3A_1393 = vector.shape_cast %swap3A_1392 : vector<1x16xf32> to vector<16xf32>
      %swap3A_1394 = vector.shape_cast %add3A_1389 : vector<16xf32> to vector<1x16xf32>
      tpu.vector_store %arg11[%swap3A_1390, %swap3A_1391], %swap3A_1394 {strides = array<i32>} : memref<64x512xf32, #tpu.memory_space<vmem>>, vector<1x16xf32>,
      %get3A_1395 = arith.index_cast %add3A_1066 : i32 to index
      %get3A_1396 = arith.constant 336 : index
      %get3A_1397 = tpu.vector_load %arg11[%get3A_1395, %get3A_1396] {strides = array<i32>} : memref<64x512xf32, #tpu.memory_space<vmem>>, vector<1x16xf32>,
      %get3A_1398 = vector.shape_cast %get3A_1397 : vector<1x16xf32> to vector<16xf32>
      %mul3A_1399 = vector.broadcast %scan3A_588 : f32 to vector<16xf32>
      %mul3A_1400 = arith.mulf %scan3A_1141#21, %mul3A_1399 : vector<16xf32>
      %add3A_1401 = arith.addf %get3A_1398, %mul3A_1400 : vector<16xf32>
      %swap3A_1402 = arith.index_cast %add3A_1066 : i32 to index
      %swap3A_1403 = arith.constant 336 : index
      %swap3A_1404 = tpu.vector_load %arg11[%swap3A_1402, %swap3A_1403] {strides = array<i32>} : memref<64x512xf32, #tpu.memory_space<vmem>>, vector<1x16xf32>,
      %swap3A_1405 = vector.shape_cast %swap3A_1404 : vector<1x16xf32> to vector<16xf32>
      %swap3A_1406 = vector.shape_cast %add3A_1401 : vector<16xf32> to vector<1x16xf32>
      tpu.vector_store %arg11[%swap3A_1402, %swap3A_1403], %swap3A_1406 {strides = array<i32>} : memref<64x512xf32, #tpu.memory_space<vmem>>, vector<1x16xf32>,
      %get3A_1407 = arith.index_cast %add3A_1066 : i32 to index
      %get3A_1408 = arith.constant 352 : index
      %get3A_1409 = tpu.vector_load %arg11[%get3A_1407, %get3A_1408] {strides = array<i32>} : memref<64x512xf32, #tpu.memory_space<vmem>>, vector<1x16xf32>,
      %get3A_1410 = vector.shape_cast %get3A_1409 : vector<1x16xf32> to vector<16xf32>
      %mul3A_1411 = vector.broadcast %scan3A_588 : f32 to vector<16xf32>
      %mul3A_1412 = arith.mulf %scan3A_1141#22, %mul3A_1411 : vector<16xf32>
      %add3A_1413 = arith.addf %get3A_1410, %mul3A_1412 : vector<16xf32>
      %swap3A_1414 = arith.index_cast %add3A_1066 : i32 to index
      %swap3A_1415 = arith.constant 352 : index
      %swap3A_1416 = tpu.vector_load %arg11[%swap3A_1414, %swap3A_1415] {strides = array<i32>} : memref<64x512xf32, #tpu.memory_space<vmem>>, vector<1x16xf32>,
      %swap3A_1417 = vector.shape_cast %swap3A_1416 : vector<1x16xf32> to vector<16xf32>
      %swap3A_1418 = vector.shape_cast %add3A_1413 : vector<16xf32> to vector<1x16xf32>
      tpu.vector_store %arg11[%swap3A_1414, %swap3A_1415], %swap3A_1418 {strides = array<i32>} : memref<64x512xf32, #tpu.memory_space<vmem>>, vector<1x16xf32>,
      %get3A_1419 = arith.index_cast %add3A_1066 : i32 to index
      %get3A_1420 = arith.constant 368 : index
      %get3A_1421 = tpu.vector_load %arg11[%get3A_1419, %get3A_1420] {strides = array<i32>} : memref<64x512xf32, #tpu.memory_space<vmem>>, vector<1x16xf32>,
      %get3A_1422 = vector.shape_cast %get3A_1421 : vector<1x16xf32> to vector<16xf32>
      %mul3A_1423 = vector.broadcast %scan3A_588 : f32 to vector<16xf32>
      %mul3A_1424 = arith.mulf %scan3A_1141#23, %mul3A_1423 : vector<16xf32>
      %add3A_1425 = arith.addf %get3A_1422, %mul3A_1424 : vector<16xf32>
      %swap3A_1426 = arith.index_cast %add3A_1066 : i32 to index
      %swap3A_1427 = arith.constant 368 : index
      %swap3A_1428 = tpu.vector_load %arg11[%swap3A_1426, %swap3A_1427] {strides = array<i32>} : memref<64x512xf32, #tpu.memory_space<vmem>>, vector<1x16xf32>,
      %swap3A_1429 = vector.shape_cast %swap3A_1428 : vector<1x16xf32> to vector<16xf32>
      %swap3A_1430 = vector.shape_cast %add3A_1425 : vector<16xf32> to vector<1x16xf32>
      tpu.vector_store %arg11[%swap3A_1426, %swap3A_1427], %swap3A_1430 {strides = array<i32>} : memref<64x512xf32, #tpu.memory_space<vmem>>, vector<1x16xf32>,
      %get3A_1431 = arith.index_cast %add3A_1066 : i32 to index
      %get3A_1432 = arith.constant 384 : index
      %get3A_1433 = tpu.vector_load %arg11[%get3A_1431, %get3A_1432] {strides = array<i32>} : memref<64x512xf32, #tpu.memory_space<vmem>>, vector<1x16xf32>,
      %get3A_1434 = vector.shape_cast %get3A_1433 : vector<1x16xf32> to vector<16xf32>
      %mul3A_1435 = vector.broadcast %scan3A_588 : f32 to vector<16xf32>
      %mul3A_1436 = arith.mulf %scan3A_1141#24, %mul3A_1435 : vector<16xf32>
      %add3A_1437 = arith.addf %get3A_1434, %mul3A_1436 : vector<16xf32>
      %swap3A_1438 = arith.index_cast %add3A_1066 : i32 to index
      %swap3A_1439 = arith.constant 384 : index
      %swap3A_1440 = tpu.vector_load %arg11[%swap3A_1438, %swap3A_1439] {strides = array<i32>} : memref<64x512xf32, #tpu.memory_space<vmem>>, vector<1x16xf32>,
      %swap3A_1441 = vector.shape_cast %swap3A_1440 : vector<1x16xf32> to vector<16xf32>
      %swap3A_1442 = vector.shape_cast %add3A_1437 : vector<16xf32> to vector<1x16xf32>
      tpu.vector_store %arg11[%swap3A_1438, %swap3A_1439], %swap3A_1442 {strides = array<i32>} : memref<64x512xf32, #tpu.memory_space<vmem>>, vector<1x16xf32>,
      %get3A_1443 = arith.index_cast %add3A_1066 : i32 to index
      %get3A_1444 = arith.constant 400 : index
      %get3A_1445 = tpu.vector_load %arg11[%get3A_1443, %get3A_1444] {strides = array<i32>} : memref<64x512xf32, #tpu.memory_space<vmem>>, vector<1x16xf32>,
      %get3A_1446 = vector.shape_cast %get3A_1445 : vector<1x16xf32> to vector<16xf32>
      %mul3A_1447 = vector.broadcast %scan3A_588 : f32 to vector<16xf32>
      %mul3A_1448 = arith.mulf %scan3A_1141#25, %mul3A_1447 : vector<16xf32>
      %add3A_1449 = arith.addf %get3A_1446, %mul3A_1448 : vector<16xf32>
      %swap3A_1450 = arith.index_cast %add3A_1066 : i32 to index
      %swap3A_1451 = arith.constant 400 : index
      %swap3A_1452 = tpu.vector_load %arg11[%swap3A_1450, %swap3A_1451] {strides = array<i32>} : memref<64x512xf32, #tpu.memory_space<vmem>>, vector<1x16xf32>,
      %swap3A_1453 = vector.shape_cast %swap3A_1452 : vector<1x16xf32> to vector<16xf32>
      %swap3A_1454 = vector.shape_cast %add3A_1449 : vector<16xf32> to vector<1x16xf32>
      tpu.vector_store %arg11[%swap3A_1450, %swap3A_1451], %swap3A_1454 {strides = array<i32>} : memref<64x512xf32, #tpu.memory_space<vmem>>, vector<1x16xf32>,
      %get3A_1455 = arith.index_cast %add3A_1066 : i32 to index
      %get3A_1456 = arith.constant 416 : index
      %get3A_1457 = tpu.vector_load %arg11[%get3A_1455, %get3A_1456] {strides = array<i32>} : memref<64x512xf32, #tpu.memory_space<vmem>>, vector<1x16xf32>,
      %get3A_1458 = vector.shape_cast %get3A_1457 : vector<1x16xf32> to vector<16xf32>
      %mul3A_1459 = vector.broadcast %scan3A_588 : f32 to vector<16xf32>
      %mul3A_1460 = arith.mulf %scan3A_1141#26, %mul3A_1459 : vector<16xf32>
      %add3A_1461 = arith.addf %get3A_1458, %mul3A_1460 : vector<16xf32>
      %swap3A_1462 = arith.index_cast %add3A_1066 : i32 to index
      %swap3A_1463 = arith.constant 416 : index
      %swap3A_1464 = tpu.vector_load %arg11[%swap3A_1462, %swap3A_1463] {strides = array<i32>} : memref<64x512xf32, #tpu.memory_space<vmem>>, vector<1x16xf32>,
      %swap3A_1465 = vector.shape_cast %swap3A_1464 : vector<1x16xf32> to vector<16xf32>
      %swap3A_1466 = vector.shape_cast %add3A_1461 : vector<16xf32> to vector<1x16xf32>
      tpu.vector_store %arg11[%swap3A_1462, %swap3A_1463], %swap3A_1466 {strides = array<i32>} : memref<64x512xf32, #tpu.memory_space<vmem>>, vector<1x16xf32>,
      %get3A_1467 = arith.index_cast %add3A_1066 : i32 to index
      %get3A_1468 = arith.constant 432 : index
      %get3A_1469 = tpu.vector_load %arg11[%get3A_1467, %get3A_1468] {strides = array<i32>} : memref<64x512xf32, #tpu.memory_space<vmem>>, vector<1x16xf32>,
      %get3A_1470 = vector.shape_cast %get3A_1469 : vector<1x16xf32> to vector<16xf32>
      %mul3A_1471 = vector.broadcast %scan3A_588 : f32 to vector<16xf32>
      %mul3A_1472 = arith.mulf %scan3A_1141#27, %mul3A_1471 : vector<16xf32>
      %add3A_1473 = arith.addf %get3A_1470, %mul3A_1472 : vector<16xf32>
      %swap3A_1474 = arith.index_cast %add3A_1066 : i32 to index
      %swap3A_1475 = arith.constant 432 : index
      %swap3A_1476 = tpu.vector_load %arg11[%swap3A_1474, %swap3A_1475] {strides = array<i32>} : memref<64x512xf32, #tpu.memory_space<vmem>>, vector<1x16xf32>,
      %swap3A_1477 = vector.shape_cast %swap3A_1476 : vector<1x16xf32> to vector<16xf32>
      %swap3A_1478 = vector.shape_cast %add3A_1473 : vector<16xf32> to vector<1x16xf32>
      tpu.vector_store %arg11[%swap3A_1474, %swap3A_1475], %swap3A_1478 {strides = array<i32>} : memref<64x512xf32, #tpu.memory_space<vmem>>, vector<1x16xf32>,
      %get3A_1479 = arith.index_cast %add3A_1066 : i32 to index
      %get3A_1480 = arith.constant 448 : index
      %get3A_1481 = tpu.vector_load %arg11[%get3A_1479, %get3A_1480] {strides = array<i32>} : memref<64x512xf32, #tpu.memory_space<vmem>>, vector<1x16xf32>,
      %get3A_1482 = vector.shape_cast %get3A_1481 : vector<1x16xf32> to vector<16xf32>
      %mul3A_1483 = vector.broadcast %scan3A_588 : f32 to vector<16xf32>
      %mul3A_1484 = arith.mulf %scan3A_1141#28, %mul3A_1483 : vector<16xf32>
      %add3A_1485 = arith.addf %get3A_1482, %mul3A_1484 : vector<16xf32>
      %swap3A_1486 = arith.index_cast %add3A_1066 : i32 to index
      %swap3A_1487 = arith.constant 448 : index
      %swap3A_1488 = tpu.vector_load %arg11[%swap3A_1486, %swap3A_1487] {strides = array<i32>} : memref<64x512xf32, #tpu.memory_space<vmem>>, vector<1x16xf32>,
      %swap3A_1489 = vector.shape_cast %swap3A_1488 : vector<1x16xf32> to vector<16xf32>
      %swap3A_1490 = vector.shape_cast %add3A_1485 : vector<16xf32> to vector<1x16xf32>
      tpu.vector_store %arg11[%swap3A_1486, %swap3A_1487], %swap3A_1490 {strides = array<i32>} : memref<64x512xf32, #tpu.memory_space<vmem>>, vector<1x16xf32>,
      %get3A_1491 = arith.index_cast %add3A_1066 : i32 to index
      %get3A_1492 = arith.constant 464 : index
      %get3A_1493 = tpu.vector_load %arg11[%get3A_1491, %get3A_1492] {strides = array<i32>} : memref<64x512xf32, #tpu.memory_space<vmem>>, vector<1x16xf32>,
      %get3A_1494 = vector.shape_cast %get3A_1493 : vector<1x16xf32> to vector<16xf32>
      %mul3A_1495 = vector.broadcast %scan3A_588 : f32 to vector<16xf32>
      %mul3A_1496 = arith.mulf %scan3A_1141#29, %mul3A_1495 : vector<16xf32>
      %add3A_1497 = arith.addf %get3A_1494, %mul3A_1496 : vector<16xf32>
      %swap3A_1498 = arith.index_cast %add3A_1066 : i32 to index
      %swap3A_1499 = arith.constant 464 : index
      %swap3A_1500 = tpu.vector_load %arg11[%swap3A_1498, %swap3A_1499] {strides = array<i32>} : memref<64x512xf32, #tpu.memory_space<vmem>>, vector<1x16xf32>,
      %swap3A_1501 = vector.shape_cast %swap3A_1500 : vector<1x16xf32> to vector<16xf32>
      %swap3A_1502 = vector.shape_cast %add3A_1497 : vector<16xf32> to vector<1x16xf32>
      tpu.vector_store %arg11[%swap3A_1498, %swap3A_1499], %swap3A_1502 {strides = array<i32>} : memref<64x512xf32, #tpu.memory_space<vmem>>, vector<1x16xf32>,
      %get3A_1503 = arith.index_cast %add3A_1066 : i32 to index
      %get3A_1504 = arith.constant 480 : index
      %get3A_1505 = tpu.vector_load %arg11[%get3A_1503, %get3A_1504] {strides = array<i32>} : memref<64x512xf32, #tpu.memory_space<vmem>>, vector<1x16xf32>,
      %get3A_1506 = vector.shape_cast %get3A_1505 : vector<1x16xf32> to vector<16xf32>
      %mul3A_1507 = vector.broadcast %scan3A_588 : f32 to vector<16xf32>
      %mul3A_1508 = arith.mulf %scan3A_1141#30, %mul3A_1507 : vector<16xf32>
      %add3A_1509 = arith.addf %get3A_1506, %mul3A_1508 : vector<16xf32>
      %swap3A_1510 = arith.index_cast %add3A_1066 : i32 to index
      %swap3A_1511 = arith.constant 480 : index
      %swap3A_1512 = tpu.vector_load %arg11[%swap3A_1510, %swap3A_1511] {strides = array<i32>} : memref<64x512xf32, #tpu.memory_space<vmem>>, vector<1x16xf32>,
      %swap3A_1513 = vector.shape_cast %swap3A_1512 : vector<1x16xf32> to vector<16xf32>
      %swap3A_1514 = vector.shape_cast %add3A_1509 : vector<16xf32> to vector<1x16xf32>
      tpu.vector_store %arg11[%swap3A_1510, %swap3A_1511], %swap3A_1514 {strides = array<i32>} : memref<64x512xf32, #tpu.memory_space<vmem>>, vector<1x16xf32>,
      %get3A_1515 = arith.index_cast %add3A_1066 : i32 to index
      %get3A_1516 = arith.constant 496 : index
      %get3A_1517 = tpu.vector_load %arg11[%get3A_1515, %get3A_1516] {strides = array<i32>} : memref<64x512xf32, #tpu.memory_space<vmem>>, vector<1x16xf32>,
      %get3A_1518 = vector.shape_cast %get3A_1517 : vector<1x16xf32> to vector<16xf32>
      %mul3A_1519 = vector.broadcast %scan3A_588 : f32 to vector<16xf32>
      %mul3A_1520 = arith.mulf %scan3A_1141#31, %mul3A_1519 : vector<16xf32>
      %add3A_1521 = arith.addf %get3A_1518, %mul3A_1520 : vector<16xf32>
      %swap3A_1522 = arith.index_cast %add3A_1066 : i32 to index
      %swap3A_1523 = arith.constant 496 : index
      %swap3A_1524 = tpu.vector_load %arg11[%swap3A_1522, %swap3A_1523] {strides = array<i32>} : memref<64x512xf32, #tpu.memory_space<vmem>>, vector<1x16xf32>,
      %swap3A_1525 = vector.shape_cast %swap3A_1524 : vector<1x16xf32> to vector<16xf32>
      %swap3A_1526 = vector.shape_cast %add3A_1521 : vector<16xf32> to vector<1x16xf32>
      tpu.vector_store %arg11[%swap3A_1522, %swap3A_1523], %swap3A_1526 {strides = array<i32>} : memref<64x512xf32, #tpu.memory_space<vmem>>, vector<1x16xf32>,
      %add3A_1527 = arith.constant 3 : i32
      %add3A_1528 = arith.addi %add3A_1066, %add3A_1527 : i32
      %lt3A_1529 = arith.constant 64 : i32
      %lt3A_1530 = arith.cmpi slt, %add3A_1528, %lt3A_1529 : i32
      %convert_element_type3A_1531 = arith.extui %lt3A_1530 : i1 to i32
      %cond3A_1532 = arith.constant 0 : i32
      %cond3A_1533 = arith.cmpi ne, %convert_element_type3A_1531, %cond3A_1532 : i32
      scf.if %cond3A_1533 {
        %add3A_2003 = arith.constant 3 : i32
        %add3A_2004 = arith.addi %add3A_1066, %add3A_2003 : i32
        %dma_start3A_2005 = arith.constant 0 : i32
        %dma_start3A_2006 = tpu.memref_slice %arg7[%add3A_2004, %dma_start3A_2005] : memref<64x48xi32, #tpu.memory_space<vmem>> -> memref<1x48xi32, #tpu.memory_space<vmem>>
        %dma_start3A_2007 = tpu.memref_squeeze %dma_start3A_2006 : memref<1x48xi32, #tpu.memory_space<vmem>> -> memref<48xi32, #tpu.memory_space<vmem>>
        %dma_start3A_2008 = arith.constant 0 : i32
        %dma_start3A_2009 = arith.constant 0 : i32
        %dma_start3A_2010 = tpu.memref_slice %arg2[%dma_start3A_2008, %dma_start3A_2009] : memref<50000x512xf32, #tpu.memory_space<hbm>> -> memref<50000x512xf32, #tpu.memory_space<hbm>>
        tpu.enqueue_indirect_dma source(%dma_start3A_2010 : memref<50000x512xf32, #tpu.memory_space<hbm>>) target(%arg10 : memref<48x512xf32, #tpu.memory_space<vmem>>) offsets(%dma_start3A_2007 : memref<48xi32, #tpu.memory_space<vmem>>) semaphore(%arg15 : memref<!tpu.dma_semaphore, #tpu.memory_space<semaphore_mem>>)
      } else {
      }
      %add3A_1534 = arith.constant 3 : i32
      %add3A_1535 = arith.addi %mul3A_598, %add3A_1534 : i32
      %dma_wait3A_1536 = arith.constant 0 : i32
      %dma_wait3A_1537 = tpu.memref_slice %arg7[%add3A_1535, %dma_wait3A_1536] : memref<64x48xi32, #tpu.memory_space<vmem>> -> memref<1x48xi32, #tpu.memory_space<vmem>>
      %dma_wait3A_1538 = tpu.memref_squeeze %dma_wait3A_1537 : memref<1x48xi32, #tpu.memory_space<vmem>> -> memref<48xi32, #tpu.memory_space<vmem>>
      %dma_wait3A_1539 = arith.constant 0 : i32
      %dma_wait3A_1540 = arith.constant 0 : i32
      %dma_wait3A_1541 = tpu.memref_slice %arg2[%dma_wait3A_1539, %dma_wait3A_1540] : memref<50000x512xf32, #tpu.memory_space<hbm>> -> memref<50000x512xf32, #tpu.memory_space<hbm>>
      tpu.wait_indirect_dma semaphore(%arg13 : memref<!tpu.dma_semaphore, #tpu.memory_space<semaphore_mem>>) src(%dma_wait3A_1541 : memref<50000x512xf32, #tpu.memory_space<hbm>>) dst(%arg8 : memref<48x512xf32, #tpu.memory_space<vmem>>)
      %broadcast_in_dim3A_1542 = arith.constant 0.000000e+00 : f32
      %broadcast_in_dim3A_1543 = vector.broadcast %broadcast_in_dim3A_1542 : f32 to vector<16xf32>
      %broadcast_in_dim3A_1544 = arith.constant 0.000000e+00 : f32
      %broadcast_in_dim3A_1545 = vector.broadcast %broadcast_in_dim3A_1544 : f32 to vector<16xf32>
      %broadcast_in_dim3A_1546 = arith.constant 0.000000e+00 : f32
      %broadcast_in_dim3A_1547 = vector.broadcast %broadcast_in_dim3A_1546 : f32 to vector<16xf32>
      %broadcast_in_dim3A_1548 = arith.constant 0.000000e+00 : f32
      %broadcast_in_dim3A_1549 = vector.broadcast %broadcast_in_dim3A_1548 : f32 to vector<16xf32>
      %broadcast_in_dim3A_1550 = arith.constant 0.000000e+00 : f32
      %broadcast_in_dim3A_1551 = vector.broadcast %broadcast_in_dim3A_1550 : f32 to vector<16xf32>
      %broadcast_in_dim3A_1552 = arith.constant 0.000000e+00 : f32
      %broadcast_in_dim3A_1553 = vector.broadcast %broadcast_in_dim3A_1552 : f32 to vector<16xf32>
      %broadcast_in_dim3A_1554 = arith.constant 0.000000e+00 : f32
      %broadcast_in_dim3A_1555 = vector.broadcast %broadcast_in_dim3A_1554 : f32 to vector<16xf32>
      %broadcast_in_dim3A_1556 = arith.constant 0.000000e+00 : f32
      %broadcast_in_dim3A_1557 = vector.broadcast %broadcast_in_dim3A_1556 : f32 to vector<16xf32>
      %broadcast_in_dim3A_1558 = arith.constant 0.000000e+00 : f32
      %broadcast_in_dim3A_1559 = vector.broadcast %broadcast_in_dim3A_1558 : f32 to vector<16xf32>
      %broadcast_in_dim3A_1560 = arith.constant 0.000000e+00 : f32
      %broadcast_in_dim3A_1561 = vector.broadcast %broadcast_in_dim3A_1560 : f32 to vector<16xf32>
      %broadcast_in_dim3A_1562 = arith.constant 0.000000e+00 : f32
      %broadcast_in_dim3A_1563 = vector.broadcast %broadcast_in_dim3A_1562 : f32 to vector<16xf32>
      %broadcast_in_dim3A_1564 = arith.constant 0.000000e+00 : f32
      %broadcast_in_dim3A_1565 = vector.broadcast %broadcast_in_dim3A_1564 : f32 to vector<16xf32>
      %broadcast_in_dim3A_1566 = arith.constant 0.000000e+00 : f32
      %broadcast_in_dim3A_1567 = vector.broadcast %broadcast_in_dim3A_1566 : f32 to vector<16xf32>
      %broadcast_in_dim3A_1568 = arith.constant 0.000000e+00 : f32
      %broadcast_in_dim3A_1569 = vector.broadcast %broadcast_in_dim3A_1568 : f32 to vector<16xf32>
      %broadcast_in_dim3A_1570 = arith.constant 0.000000e+00 : f32
      %broadcast_in_dim3A_1571 = vector.broadcast %broadcast_in_dim3A_1570 : f32 to vector<16xf32>
      %broadcast_in_dim3A_1572 = arith.constant 0.000000e+00 : f32
      %broadcast_in_dim3A_1573 = vector.broadcast %broadcast_in_dim3A_1572 : f32 to vector<16xf32>
      %broadcast_in_dim3A_1574 = arith.constant 0.000000e+00 : f32
      %broadcast_in_dim3A_1575 = vector.broadcast %broadcast_in_dim3A_1574 : f32 to vector<16xf32>
      %broadcast_in_dim3A_1576 = arith.constant 0.000000e+00 : f32
      %broadcast_in_dim3A_1577 = vector.broadcast %broadcast_in_dim3A_1576 : f32 to vector<16xf32>
      %broadcast_in_dim3A_1578 = arith.constant 0.000000e+00 : f32
      %broadcast_in_dim3A_1579 = vector.broadcast %broadcast_in_dim3A_1578 : f32 to vector<16xf32>
      %broadcast_in_dim3A_1580 = arith.constant 0.000000e+00 : f32
      %broadcast_in_dim3A_1581 = vector.broadcast %broadcast_in_dim3A_1580 : f32 to vector<16xf32>
      %broadcast_in_dim3A_1582 = arith.constant 0.000000e+00 : f32
      %broadcast_in_dim3A_1583 = vector.broadcast %broadcast_in_dim3A_1582 : f32 to vector<16xf32>
      %broadcast_in_dim3A_1584 = arith.constant 0.000000e+00 : f32
      %broadcast_in_dim3A_1585 = vector.broadcast %broadcast_in_dim3A_1584 : f32 to vector<16xf32>
      %broadcast_in_dim3A_1586 = arith.constant 0.000000e+00 : f32
      %broadcast_in_dim3A_1587 = vector.broadcast %broadcast_in_dim3A_1586 : f32 to vector<16xf32>
      %broadcast_in_dim3A_1588 = arith.constant 0.000000e+00 : f32
      %broadcast_in_dim3A_1589 = vector.broadcast %broadcast_in_dim3A_1588 : f32 to vector<16xf32>
      %broadcast_in_dim3A_1590 = arith.constant 0.000000e+00 : f32
      %broadcast_in_dim3A_1591 = vector.broadcast %broadcast_in_dim3A_1590 : f32 to vector<16xf32>
      %broadcast_in_dim3A_1592 = arith.constant 0.000000e+00 : f32
      %broadcast_in_dim3A_1593 = vector.broadcast %broadcast_in_dim3A_1592 : f32 to vector<16xf32>
      %broadcast_in_dim3A_1594 = arith.constant 0.000000e+00 : f32
      %broadcast_in_dim3A_1595 = vector.broadcast %broadcast_in_dim3A_1594 : f32 to vector<16xf32>
      %broadcast_in_dim3A_1596 = arith.constant 0.000000e+00 : f32
      %broadcast_in_dim3A_1597 = vector.broadcast %broadcast_in_dim3A_1596 : f32 to vector<16xf32>
      %broadcast_in_dim3A_1598 = arith.constant 0.000000e+00 : f32
      %broadcast_in_dim3A_1599 = vector.broadcast %broadcast_in_dim3A_1598 : f32 to vector<16xf32>
      %broadcast_in_dim3A_1600 = arith.constant 0.000000e+00 : f32
      %broadcast_in_dim3A_1601 = vector.broadcast %broadcast_in_dim3A_1600 : f32 to vector<16xf32>
      %broadcast_in_dim3A_1602 = arith.constant 0.000000e+00 : f32
      %broadcast_in_dim3A_1603 = vector.broadcast %broadcast_in_dim3A_1602 : f32 to vector<16xf32>
      %broadcast_in_dim3A_1604 = arith.constant 0.000000e+00 : f32
      %broadcast_in_dim3A_1605 = vector.broadcast %broadcast_in_dim3A_1604 : f32 to vector<16xf32>
      %scan3A_1606 = arith.constant 0 : i32
      %scan3A_1607 = arith.constant 48 : i32
      %scan3A_1608 = arith.addi %scan3A_1606, %scan3A_1607 : i32
      %scan3A_1609 = arith.constant 1 : i32
      %scan3A_1610:32 = scf.for %scan3A_2003 = %scan3A_1606 to %scan3A_1608 step %scan3A_1609 iter_args(%scan3A_2004 = %broadcast_in_dim3A_1543, %scan3A_2005 = %broadcast_in_dim3A_1545, %scan3A_2006 = %broadcast_in_dim3A_1547, %scan3A_2007 = %broadcast_in_dim3A_1549, %scan3A_2008 = %broadcast_in_dim3A_1551, %scan3A_2009 = %broadcast_in_dim3A_1553, %scan3A_2010 = %broadcast_in_dim3A_1555, %scan3A_2011 = %broadcast_in_dim3A_1557, %scan3A_2012 = %broadcast_in_dim3A_1559, %scan3A_2013 = %broadcast_in_dim3A_1561, %scan3A_2014 = %broadcast_in_dim3A_1563, %scan3A_2015 = %broadcast_in_dim3A_1565, %scan3A_2016 = %broadcast_in_dim3A_1567, %scan3A_2017 = %broadcast_in_dim3A_1569, %scan3A_2018 = %broadcast_in_dim3A_1571, %scan3A_2019 = %broadcast_in_dim3A_1573, %scan3A_2020 = %broadcast_in_dim3A_1575, %scan3A_2021 = %broadcast_in_dim3A_1577, %scan3A_2022 = %broadcast_in_dim3A_1579, %scan3A_2023 = %broadcast_in_dim3A_1581, %scan3A_2024 = %broadcast_in_dim3A_1583, %scan3A_2025 = %broadcast_in_dim3A_1585, %scan3A_2026 = %broadcast_in_dim3A_1587, %scan3A_2027 = %broadcast_in_dim3A_1589, %scan3A_2028 = %broadcast_in_dim3A_1591, %scan3A_2029 = %broadcast_in_dim3A_1593, %scan3A_2030 = %broadcast_in_dim3A_1595, %scan3A_2031 = %broadcast_in_dim3A_1597, %scan3A_2032 = %broadcast_in_dim3A_1599, %scan3A_2033 = %broadcast_in_dim3A_1601, %scan3A_2034 = %broadcast_in_dim3A_1603, %scan3A_2035 = %broadcast_in_dim3A_1605) -> (vector<16xf32>, vector<16xf32>, vector<16xf32>, vector<16xf32>, vector<16xf32>, vector<16xf32>, vector<16xf32>, vector<16xf32>, vector<16xf32>, vector<16xf32>, vector<16xf32>, vector<16xf32>, vector<16xf32>, vector<16xf32>, vector<16xf32>, vector<16xf32>, vector<16xf32>, vector<16xf32>, vector<16xf32>, vector<16xf32>, vector<16xf32>, vector<16xf32>, vector<16xf32>, vector<16xf32>, vector<16xf32>, vector<16xf32>, vector<16xf32>, vector<16xf32>, vector<16xf32>, vector<16xf32>, vector<16xf32>, vector<16xf32>)  : i32 {
        %get3A_2036 = arith.index_cast %scan3A_2003 : i32 to index
        %get3A_2037 = arith.constant 0 : index
        %get3A_2038 = tpu.vector_load %arg8[%get3A_2036, %get3A_2037] {strides = array<i32>} : memref<48x512xf32, #tpu.memory_space<vmem>>, vector<1x16xf32>,
        %get3A_2039 = vector.shape_cast %get3A_2038 : vector<1x16xf32> to vector<16xf32>
        %add3A_2040 = arith.addf %scan3A_2004, %get3A_2039 : vector<16xf32>
        %get3A_2041 = arith.index_cast %scan3A_2003 : i32 to index
        %get3A_2042 = arith.constant 16 : index
        %get3A_2043 = tpu.vector_load %arg8[%get3A_2041, %get3A_2042] {strides = array<i32>} : memref<48x512xf32, #tpu.memory_space<vmem>>, vector<1x16xf32>,
        %get3A_2044 = vector.shape_cast %get3A_2043 : vector<1x16xf32> to vector<16xf32>
        %add3A_2045 = arith.addf %scan3A_2005, %get3A_2044 : vector<16xf32>
        %get3A_2046 = arith.index_cast %scan3A_2003 : i32 to index
        %get3A_2047 = arith.constant 32 : index
        %get3A_2048 = tpu.vector_load %arg8[%get3A_2046, %get3A_2047] {strides = array<i32>} : memref<48x512xf32, #tpu.memory_space<vmem>>, vector<1x16xf32>,
        %get3A_2049 = vector.shape_cast %get3A_2048 : vector<1x16xf32> to vector<16xf32>
        %add3A_2050 = arith.addf %scan3A_2006, %get3A_2049 : vector<16xf32>
        %get3A_2051 = arith.index_cast %scan3A_2003 : i32 to index
        %get3A_2052 = arith.constant 48 : index
        %get3A_2053 = tpu.vector_load %arg8[%get3A_2051, %get3A_2052] {strides = array<i32>} : memref<48x512xf32, #tpu.memory_space<vmem>>, vector<1x16xf32>,
        %get3A_2054 = vector.shape_cast %get3A_2053 : vector<1x16xf32> to vector<16xf32>
        %add3A_2055 = arith.addf %scan3A_2007, %get3A_2054 : vector<16xf32>
        %get3A_2056 = arith.index_cast %scan3A_2003 : i32 to index
        %get3A_2057 = arith.constant 64 : index
        %get3A_2058 = tpu.vector_load %arg8[%get3A_2056, %get3A_2057] {strides = array<i32>} : memref<48x512xf32, #tpu.memory_space<vmem>>, vector<1x16xf32>,
        %get3A_2059 = vector.shape_cast %get3A_2058 : vector<1x16xf32> to vector<16xf32>
        %add3A_2060 = arith.addf %scan3A_2008, %get3A_2059 : vector<16xf32>
        %get3A_2061 = arith.index_cast %scan3A_2003 : i32 to index
        %get3A_2062 = arith.constant 80 : index
        %get3A_2063 = tpu.vector_load %arg8[%get3A_2061, %get3A_2062] {strides = array<i32>} : memref<48x512xf32, #tpu.memory_space<vmem>>, vector<1x16xf32>,
        %get3A_2064 = vector.shape_cast %get3A_2063 : vector<1x16xf32> to vector<16xf32>
        %add3A_2065 = arith.addf %scan3A_2009, %get3A_2064 : vector<16xf32>
        %get3A_2066 = arith.index_cast %scan3A_2003 : i32 to index
        %get3A_2067 = arith.constant 96 : index
        %get3A_2068 = tpu.vector_load %arg8[%get3A_2066, %get3A_2067] {strides = array<i32>} : memref<48x512xf32, #tpu.memory_space<vmem>>, vector<1x16xf32>,
        %get3A_2069 = vector.shape_cast %get3A_2068 : vector<1x16xf32> to vector<16xf32>
        %add3A_2070 = arith.addf %scan3A_2010, %get3A_2069 : vector<16xf32>
        %get3A_2071 = arith.index_cast %scan3A_2003 : i32 to index
        %get3A_2072 = arith.constant 112 : index
        %get3A_2073 = tpu.vector_load %arg8[%get3A_2071, %get3A_2072] {strides = array<i32>} : memref<48x512xf32, #tpu.memory_space<vmem>>, vector<1x16xf32>,
        %get3A_2074 = vector.shape_cast %get3A_2073 : vector<1x16xf32> to vector<16xf32>
        %add3A_2075 = arith.addf %scan3A_2011, %get3A_2074 : vector<16xf32>
        %get3A_2076 = arith.index_cast %scan3A_2003 : i32 to index
        %get3A_2077 = arith.constant 128 : index
        %get3A_2078 = tpu.vector_load %arg8[%get3A_2076, %get3A_2077] {strides = array<i32>} : memref<48x512xf32, #tpu.memory_space<vmem>>, vector<1x16xf32>,
        %get3A_2079 = vector.shape_cast %get3A_2078 : vector<1x16xf32> to vector<16xf32>
        %add3A_2080 = arith.addf %scan3A_2012, %get3A_2079 : vector<16xf32>
        %get3A_2081 = arith.index_cast %scan3A_2003 : i32 to index
        %get3A_2082 = arith.constant 144 : index
        %get3A_2083 = tpu.vector_load %arg8[%get3A_2081, %get3A_2082] {strides = array<i32>} : memref<48x512xf32, #tpu.memory_space<vmem>>, vector<1x16xf32>,
        %get3A_2084 = vector.shape_cast %get3A_2083 : vector<1x16xf32> to vector<16xf32>
        %add3A_2085 = arith.addf %scan3A_2013, %get3A_2084 : vector<16xf32>
        %get3A_2086 = arith.index_cast %scan3A_2003 : i32 to index
        %get3A_2087 = arith.constant 160 : index
        %get3A_2088 = tpu.vector_load %arg8[%get3A_2086, %get3A_2087] {strides = array<i32>} : memref<48x512xf32, #tpu.memory_space<vmem>>, vector<1x16xf32>,
        %get3A_2089 = vector.shape_cast %get3A_2088 : vector<1x16xf32> to vector<16xf32>
        %add3A_2090 = arith.addf %scan3A_2014, %get3A_2089 : vector<16xf32>
        %get3A_2091 = arith.index_cast %scan3A_2003 : i32 to index
        %get3A_2092 = arith.constant 176 : index
        %get3A_2093 = tpu.vector_load %arg8[%get3A_2091, %get3A_2092] {strides = array<i32>} : memref<48x512xf32, #tpu.memory_space<vmem>>, vector<1x16xf32>,
        %get3A_2094 = vector.shape_cast %get3A_2093 : vector<1x16xf32> to vector<16xf32>
        %add3A_2095 = arith.addf %scan3A_2015, %get3A_2094 : vector<16xf32>
        %get3A_2096 = arith.index_cast %scan3A_2003 : i32 to index
        %get3A_2097 = arith.constant 192 : index
        %get3A_2098 = tpu.vector_load %arg8[%get3A_2096, %get3A_2097] {strides = array<i32>} : memref<48x512xf32, #tpu.memory_space<vmem>>, vector<1x16xf32>,
        %get3A_2099 = vector.shape_cast %get3A_2098 : vector<1x16xf32> to vector<16xf32>
        %add3A_2100 = arith.addf %scan3A_2016, %get3A_2099 : vector<16xf32>
        %get3A_2101 = arith.index_cast %scan3A_2003 : i32 to index
        %get3A_2102 = arith.constant 208 : index
        %get3A_2103 = tpu.vector_load %arg8[%get3A_2101, %get3A_2102] {strides = array<i32>} : memref<48x512xf32, #tpu.memory_space<vmem>>, vector<1x16xf32>,
        %get3A_2104 = vector.shape_cast %get3A_2103 : vector<1x16xf32> to vector<16xf32>
        %add3A_2105 = arith.addf %scan3A_2017, %get3A_2104 : vector<16xf32>
        %get3A_2106 = arith.index_cast %scan3A_2003 : i32 to index
        %get3A_2107 = arith.constant 224 : index
        %get3A_2108 = tpu.vector_load %arg8[%get3A_2106, %get3A_2107] {strides = array<i32>} : memref<48x512xf32, #tpu.memory_space<vmem>>, vector<1x16xf32>,
        %get3A_2109 = vector.shape_cast %get3A_2108 : vector<1x16xf32> to vector<16xf32>
        %add3A_2110 = arith.addf %scan3A_2018, %get3A_2109 : vector<16xf32>
        %get3A_2111 = arith.index_cast %scan3A_2003 : i32 to index
        %get3A_2112 = arith.constant 240 : index
        %get3A_2113 = tpu.vector_load %arg8[%get3A_2111, %get3A_2112] {strides = array<i32>} : memref<48x512xf32, #tpu.memory_space<vmem>>, vector<1x16xf32>,
        %get3A_2114 = vector.shape_cast %get3A_2113 : vector<1x16xf32> to vector<16xf32>
        %add3A_2115 = arith.addf %scan3A_2019, %get3A_2114 : vector<16xf32>
        %get3A_2116 = arith.index_cast %scan3A_2003 : i32 to index
        %get3A_2117 = arith.constant 256 : index
        %get3A_2118 = tpu.vector_load %arg8[%get3A_2116, %get3A_2117] {strides = array<i32>} : memref<48x512xf32, #tpu.memory_space<vmem>>, vector<1x16xf32>,
        %get3A_2119 = vector.shape_cast %get3A_2118 : vector<1x16xf32> to vector<16xf32>
        %add3A_2120 = arith.addf %scan3A_2020, %get3A_2119 : vector<16xf32>
        %get3A_2121 = arith.index_cast %scan3A_2003 : i32 to index
        %get3A_2122 = arith.constant 272 : index
        %get3A_2123 = tpu.vector_load %arg8[%get3A_2121, %get3A_2122] {strides = array<i32>} : memref<48x512xf32, #tpu.memory_space<vmem>>, vector<1x16xf32>,
        %get3A_2124 = vector.shape_cast %get3A_2123 : vector<1x16xf32> to vector<16xf32>
        %add3A_2125 = arith.addf %scan3A_2021, %get3A_2124 : vector<16xf32>
        %get3A_2126 = arith.index_cast %scan3A_2003 : i32 to index
        %get3A_2127 = arith.constant 288 : index
        %get3A_2128 = tpu.vector_load %arg8[%get3A_2126, %get3A_2127] {strides = array<i32>} : memref<48x512xf32, #tpu.memory_space<vmem>>, vector<1x16xf32>,
        %get3A_2129 = vector.shape_cast %get3A_2128 : vector<1x16xf32> to vector<16xf32>
        %add3A_2130 = arith.addf %scan3A_2022, %get3A_2129 : vector<16xf32>
        %get3A_2131 = arith.index_cast %scan3A_2003 : i32 to index
        %get3A_2132 = arith.constant 304 : index
        %get3A_2133 = tpu.vector_load %arg8[%get3A_2131, %get3A_2132] {strides = array<i32>} : memref<48x512xf32, #tpu.memory_space<vmem>>, vector<1x16xf32>,
        %get3A_2134 = vector.shape_cast %get3A_2133 : vector<1x16xf32> to vector<16xf32>
        %add3A_2135 = arith.addf %scan3A_2023, %get3A_2134 : vector<16xf32>
        %get3A_2136 = arith.index_cast %scan3A_2003 : i32 to index
        %get3A_2137 = arith.constant 320 : index
        %get3A_2138 = tpu.vector_load %arg8[%get3A_2136, %get3A_2137] {strides = array<i32>} : memref<48x512xf32, #tpu.memory_space<vmem>>, vector<1x16xf32>,
        %get3A_2139 = vector.shape_cast %get3A_2138 : vector<1x16xf32> to vector<16xf32>
        %add3A_2140 = arith.addf %scan3A_2024, %get3A_2139 : vector<16xf32>
        %get3A_2141 = arith.index_cast %scan3A_2003 : i32 to index
        %get3A_2142 = arith.constant 336 : index
        %get3A_2143 = tpu.vector_load %arg8[%get3A_2141, %get3A_2142] {strides = array<i32>} : memref<48x512xf32, #tpu.memory_space<vmem>>, vector<1x16xf32>,
        %get3A_2144 = vector.shape_cast %get3A_2143 : vector<1x16xf32> to vector<16xf32>
        %add3A_2145 = arith.addf %scan3A_2025, %get3A_2144 : vector<16xf32>
        %get3A_2146 = arith.index_cast %scan3A_2003 : i32 to index
        %get3A_2147 = arith.constant 352 : index
        %get3A_2148 = tpu.vector_load %arg8[%get3A_2146, %get3A_2147] {strides = array<i32>} : memref<48x512xf32, #tpu.memory_space<vmem>>, vector<1x16xf32>,
        %get3A_2149 = vector.shape_cast %get3A_2148 : vector<1x16xf32> to vector<16xf32>
        %add3A_2150 = arith.addf %scan3A_2026, %get3A_2149 : vector<16xf32>
        %get3A_2151 = arith.index_cast %scan3A_2003 : i32 to index
        %get3A_2152 = arith.constant 368 : index
        %get3A_2153 = tpu.vector_load %arg8[%get3A_2151, %get3A_2152] {strides = array<i32>} : memref<48x512xf32, #tpu.memory_space<vmem>>, vector<1x16xf32>,
        %get3A_2154 = vector.shape_cast %get3A_2153 : vector<1x16xf32> to vector<16xf32>
        %add3A_2155 = arith.addf %scan3A_2027, %get3A_2154 : vector<16xf32>
        %get3A_2156 = arith.index_cast %scan3A_2003 : i32 to index
        %get3A_2157 = arith.constant 384 : index
        %get3A_2158 = tpu.vector_load %arg8[%get3A_2156, %get3A_2157] {strides = array<i32>} : memref<48x512xf32, #tpu.memory_space<vmem>>, vector<1x16xf32>,
        %get3A_2159 = vector.shape_cast %get3A_2158 : vector<1x16xf32> to vector<16xf32>
        %add3A_2160 = arith.addf %scan3A_2028, %get3A_2159 : vector<16xf32>
        %get3A_2161 = arith.index_cast %scan3A_2003 : i32 to index
        %get3A_2162 = arith.constant 400 : index
        %get3A_2163 = tpu.vector_load %arg8[%get3A_2161, %get3A_2162] {strides = array<i32>} : memref<48x512xf32, #tpu.memory_space<vmem>>, vector<1x16xf32>,
        %get3A_2164 = vector.shape_cast %get3A_2163 : vector<1x16xf32> to vector<16xf32>
        %add3A_2165 = arith.addf %scan3A_2029, %get3A_2164 : vector<16xf32>
        %get3A_2166 = arith.index_cast %scan3A_2003 : i32 to index
        %get3A_2167 = arith.constant 416 : index
        %get3A_2168 = tpu.vector_load %arg8[%get3A_2166, %get3A_2167] {strides = array<i32>} : memref<48x512xf32, #tpu.memory_space<vmem>>, vector<1x16xf32>,
        %get3A_2169 = vector.shape_cast %get3A_2168 : vector<1x16xf32> to vector<16xf32>
        %add3A_2170 = arith.addf %scan3A_2030, %get3A_2169 : vector<16xf32>
        %get3A_2171 = arith.index_cast %scan3A_2003 : i32 to index
        %get3A_2172 = arith.constant 432 : index
        %get3A_2173 = tpu.vector_load %arg8[%get3A_2171, %get3A_2172] {strides = array<i32>} : memref<48x512xf32, #tpu.memory_space<vmem>>, vector<1x16xf32>,
        %get3A_2174 = vector.shape_cast %get3A_2173 : vector<1x16xf32> to vector<16xf32>
        %add3A_2175 = arith.addf %scan3A_2031, %get3A_2174 : vector<16xf32>
        %get3A_2176 = arith.index_cast %scan3A_2003 : i32 to index
        %get3A_2177 = arith.constant 448 : index
        %get3A_2178 = tpu.vector_load %arg8[%get3A_2176, %get3A_2177] {strides = array<i32>} : memref<48x512xf32, #tpu.memory_space<vmem>>, vector<1x16xf32>,
        %get3A_2179 = vector.shape_cast %get3A_2178 : vector<1x16xf32> to vector<16xf32>
        %add3A_2180 = arith.addf %scan3A_2032, %get3A_2179 : vector<16xf32>
        %get3A_2181 = arith.index_cast %scan3A_2003 : i32 to index
        %get3A_2182 = arith.constant 464 : index
        %get3A_2183 = tpu.vector_load %arg8[%get3A_2181, %get3A_2182] {strides = array<i32>} : memref<48x512xf32, #tpu.memory_space<vmem>>, vector<1x16xf32>,
        %get3A_2184 = vector.shape_cast %get3A_2183 : vector<1x16xf32> to vector<16xf32>
        %add3A_2185 = arith.addf %scan3A_2033, %get3A_2184 : vector<16xf32>
        %get3A_2186 = arith.index_cast %scan3A_2003 : i32 to index
        %get3A_2187 = arith.constant 480 : index
        %get3A_2188 = tpu.vector_load %arg8[%get3A_2186, %get3A_2187] {strides = array<i32>} : memref<48x512xf32, #tpu.memory_space<vmem>>, vector<1x16xf32>,
        %get3A_2189 = vector.shape_cast %get3A_2188 : vector<1x16xf32> to vector<16xf32>
        %add3A_2190 = arith.addf %scan3A_2034, %get3A_2189 : vector<16xf32>
        %get3A_2191 = arith.index_cast %scan3A_2003 : i32 to index
        %get3A_2192 = arith.constant 496 : index
        %get3A_2193 = tpu.vector_load %arg8[%get3A_2191, %get3A_2192] {strides = array<i32>} : memref<48x512xf32, #tpu.memory_space<vmem>>, vector<1x16xf32>,
        %get3A_2194 = vector.shape_cast %get3A_2193 : vector<1x16xf32> to vector<16xf32>
        %add3A_2195 = arith.addf %scan3A_2035, %get3A_2194 : vector<16xf32>
        scf.yield %add3A_2040, %add3A_2045, %add3A_2050, %add3A_2055, %add3A_2060, %add3A_2065, %add3A_2070, %add3A_2075, %add3A_2080, %add3A_2085, %add3A_2090, %add3A_2095, %add3A_2100, %add3A_2105, %add3A_2110, %add3A_2115, %add3A_2120, %add3A_2125, %add3A_2130, %add3A_2135, %add3A_2140, %add3A_2145, %add3A_2150, %add3A_2155, %add3A_2160, %add3A_2165, %add3A_2170, %add3A_2175, %add3A_2180, %add3A_2185, %add3A_2190, %add3A_2195 : vector<16xf32>, vector<16xf32>, vector<16xf32>, vector<16xf32>, vector<16xf32>, vector<16xf32>, vector<16xf32>, vector<16xf32>, vector<16xf32>, vector<16xf32>, vector<16xf32>, vector<16xf32>, vector<16xf32>, vector<16xf32>, vector<16xf32>, vector<16xf32>, vector<16xf32>, vector<16xf32>, vector<16xf32>, vector<16xf32>, vector<16xf32>, vector<16xf32>, vector<16xf32>, vector<16xf32>, vector<16xf32>, vector<16xf32>, vector<16xf32>, vector<16xf32>, vector<16xf32>, vector<16xf32>, vector<16xf32>, vector<16xf32>
      }
      %scan3A_1611 = arith.constant 48 : i32
      %get3A_1612 = arith.index_cast %add3A_1535 : i32 to index
      %get3A_1613 = arith.constant 0 : index
      %get3A_1614 = tpu.vector_load %arg11[%get3A_1612, %get3A_1613] {strides = array<i32>} : memref<64x512xf32, #tpu.memory_space<vmem>>, vector<1x16xf32>,
      %get3A_1615 = vector.shape_cast %get3A_1614 : vector<1x16xf32> to vector<16xf32>
      %mul3A_1616 = vector.broadcast %scan3A_588 : f32 to vector<16xf32>
      %mul3A_1617 = arith.mulf %scan3A_1610#0, %mul3A_1616 : vector<16xf32>
      %add3A_1618 = arith.addf %get3A_1615, %mul3A_1617 : vector<16xf32>
      %swap3A_1619 = arith.index_cast %add3A_1535 : i32 to index
      %swap3A_1620 = arith.constant 0 : index
      %swap3A_1621 = tpu.vector_load %arg11[%swap3A_1619, %swap3A_1620] {strides = array<i32>} : memref<64x512xf32, #tpu.memory_space<vmem>>, vector<1x16xf32>,
      %swap3A_1622 = vector.shape_cast %swap3A_1621 : vector<1x16xf32> to vector<16xf32>
      %swap3A_1623 = vector.shape_cast %add3A_1618 : vector<16xf32> to vector<1x16xf32>
      tpu.vector_store %arg11[%swap3A_1619, %swap3A_1620], %swap3A_1623 {strides = array<i32>} : memref<64x512xf32, #tpu.memory_space<vmem>>, vector<1x16xf32>,
      %get3A_1624 = arith.index_cast %add3A_1535 : i32 to index
      %get3A_1625 = arith.constant 16 : index
      %get3A_1626 = tpu.vector_load %arg11[%get3A_1624, %get3A_1625] {strides = array<i32>} : memref<64x512xf32, #tpu.memory_space<vmem>>, vector<1x16xf32>,
      %get3A_1627 = vector.shape_cast %get3A_1626 : vector<1x16xf32> to vector<16xf32>
      %mul3A_1628 = vector.broadcast %scan3A_588 : f32 to vector<16xf32>
      %mul3A_1629 = arith.mulf %scan3A_1610#1, %mul3A_1628 : vector<16xf32>
      %add3A_1630 = arith.addf %get3A_1627, %mul3A_1629 : vector<16xf32>
      %swap3A_1631 = arith.index_cast %add3A_1535 : i32 to index
      %swap3A_1632 = arith.constant 16 : index
      %swap3A_1633 = tpu.vector_load %arg11[%swap3A_1631, %swap3A_1632] {strides = array<i32>} : memref<64x512xf32, #tpu.memory_space<vmem>>, vector<1x16xf32>,
      %swap3A_1634 = vector.shape_cast %swap3A_1633 : vector<1x16xf32> to vector<16xf32>
      %swap3A_1635 = vector.shape_cast %add3A_1630 : vector<16xf32> to vector<1x16xf32>
      tpu.vector_store %arg11[%swap3A_1631, %swap3A_1632], %swap3A_1635 {strides = array<i32>} : memref<64x512xf32, #tpu.memory_space<vmem>>, vector<1x16xf32>,
      %get3A_1636 = arith.index_cast %add3A_1535 : i32 to index
      %get3A_1637 = arith.constant 32 : index
      %get3A_1638 = tpu.vector_load %arg11[%get3A_1636, %get3A_1637] {strides = array<i32>} : memref<64x512xf32, #tpu.memory_space<vmem>>, vector<1x16xf32>,
      %get3A_1639 = vector.shape_cast %get3A_1638 : vector<1x16xf32> to vector<16xf32>
      %mul3A_1640 = vector.broadcast %scan3A_588 : f32 to vector<16xf32>
      %mul3A_1641 = arith.mulf %scan3A_1610#2, %mul3A_1640 : vector<16xf32>
      %add3A_1642 = arith.addf %get3A_1639, %mul3A_1641 : vector<16xf32>
      %swap3A_1643 = arith.index_cast %add3A_1535 : i32 to index
      %swap3A_1644 = arith.constant 32 : index
      %swap3A_1645 = tpu.vector_load %arg11[%swap3A_1643, %swap3A_1644] {strides = array<i32>} : memref<64x512xf32, #tpu.memory_space<vmem>>, vector<1x16xf32>,
      %swap3A_1646 = vector.shape_cast %swap3A_1645 : vector<1x16xf32> to vector<16xf32>
      %swap3A_1647 = vector.shape_cast %add3A_1642 : vector<16xf32> to vector<1x16xf32>
      tpu.vector_store %arg11[%swap3A_1643, %swap3A_1644], %swap3A_1647 {strides = array<i32>} : memref<64x512xf32, #tpu.memory_space<vmem>>, vector<1x16xf32>,
      %get3A_1648 = arith.index_cast %add3A_1535 : i32 to index
      %get3A_1649 = arith.constant 48 : index
      %get3A_1650 = tpu.vector_load %arg11[%get3A_1648, %get3A_1649] {strides = array<i32>} : memref<64x512xf32, #tpu.memory_space<vmem>>, vector<1x16xf32>,
      %get3A_1651 = vector.shape_cast %get3A_1650 : vector<1x16xf32> to vector<16xf32>
      %mul3A_1652 = vector.broadcast %scan3A_588 : f32 to vector<16xf32>
      %mul3A_1653 = arith.mulf %scan3A_1610#3, %mul3A_1652 : vector<16xf32>
      %add3A_1654 = arith.addf %get3A_1651, %mul3A_1653 : vector<16xf32>
      %swap3A_1655 = arith.index_cast %add3A_1535 : i32 to index
      %swap3A_1656 = arith.constant 48 : index
      %swap3A_1657 = tpu.vector_load %arg11[%swap3A_1655, %swap3A_1656] {strides = array<i32>} : memref<64x512xf32, #tpu.memory_space<vmem>>, vector<1x16xf32>,
      %swap3A_1658 = vector.shape_cast %swap3A_1657 : vector<1x16xf32> to vector<16xf32>
      %swap3A_1659 = vector.shape_cast %add3A_1654 : vector<16xf32> to vector<1x16xf32>
      tpu.vector_store %arg11[%swap3A_1655, %swap3A_1656], %swap3A_1659 {strides = array<i32>} : memref<64x512xf32, #tpu.memory_space<vmem>>, vector<1x16xf32>,
      %get3A_1660 = arith.index_cast %add3A_1535 : i32 to index
      %get3A_1661 = arith.constant 64 : index
      %get3A_1662 = tpu.vector_load %arg11[%get3A_1660, %get3A_1661] {strides = array<i32>} : memref<64x512xf32, #tpu.memory_space<vmem>>, vector<1x16xf32>,
      %get3A_1663 = vector.shape_cast %get3A_1662 : vector<1x16xf32> to vector<16xf32>
      %mul3A_1664 = vector.broadcast %scan3A_588 : f32 to vector<16xf32>
      %mul3A_1665 = arith.mulf %scan3A_1610#4, %mul3A_1664 : vector<16xf32>
      %add3A_1666 = arith.addf %get3A_1663, %mul3A_1665 : vector<16xf32>
      %swap3A_1667 = arith.index_cast %add3A_1535 : i32 to index
      %swap3A_1668 = arith.constant 64 : index
      %swap3A_1669 = tpu.vector_load %arg11[%swap3A_1667, %swap3A_1668] {strides = array<i32>} : memref<64x512xf32, #tpu.memory_space<vmem>>, vector<1x16xf32>,
      %swap3A_1670 = vector.shape_cast %swap3A_1669 : vector<1x16xf32> to vector<16xf32>
      %swap3A_1671 = vector.shape_cast %add3A_1666 : vector<16xf32> to vector<1x16xf32>
      tpu.vector_store %arg11[%swap3A_1667, %swap3A_1668], %swap3A_1671 {strides = array<i32>} : memref<64x512xf32, #tpu.memory_space<vmem>>, vector<1x16xf32>,
      %get3A_1672 = arith.index_cast %add3A_1535 : i32 to index
      %get3A_1673 = arith.constant 80 : index
      %get3A_1674 = tpu.vector_load %arg11[%get3A_1672, %get3A_1673] {strides = array<i32>} : memref<64x512xf32, #tpu.memory_space<vmem>>, vector<1x16xf32>,
      %get3A_1675 = vector.shape_cast %get3A_1674 : vector<1x16xf32> to vector<16xf32>
      %mul3A_1676 = vector.broadcast %scan3A_588 : f32 to vector<16xf32>
      %mul3A_1677 = arith.mulf %scan3A_1610#5, %mul3A_1676 : vector<16xf32>
      %add3A_1678 = arith.addf %get3A_1675, %mul3A_1677 : vector<16xf32>
      %swap3A_1679 = arith.index_cast %add3A_1535 : i32 to index
      %swap3A_1680 = arith.constant 80 : index
      %swap3A_1681 = tpu.vector_load %arg11[%swap3A_1679, %swap3A_1680] {strides = array<i32>} : memref<64x512xf32, #tpu.memory_space<vmem>>, vector<1x16xf32>,
      %swap3A_1682 = vector.shape_cast %swap3A_1681 : vector<1x16xf32> to vector<16xf32>
      %swap3A_1683 = vector.shape_cast %add3A_1678 : vector<16xf32> to vector<1x16xf32>
      tpu.vector_store %arg11[%swap3A_1679, %swap3A_1680], %swap3A_1683 {strides = array<i32>} : memref<64x512xf32, #tpu.memory_space<vmem>>, vector<1x16xf32>,
      %get3A_1684 = arith.index_cast %add3A_1535 : i32 to index
      %get3A_1685 = arith.constant 96 : index
      %get3A_1686 = tpu.vector_load %arg11[%get3A_1684, %get3A_1685] {strides = array<i32>} : memref<64x512xf32, #tpu.memory_space<vmem>>, vector<1x16xf32>,
      %get3A_1687 = vector.shape_cast %get3A_1686 : vector<1x16xf32> to vector<16xf32>
      %mul3A_1688 = vector.broadcast %scan3A_588 : f32 to vector<16xf32>
      %mul3A_1689 = arith.mulf %scan3A_1610#6, %mul3A_1688 : vector<16xf32>
      %add3A_1690 = arith.addf %get3A_1687, %mul3A_1689 : vector<16xf32>
      %swap3A_1691 = arith.index_cast %add3A_1535 : i32 to index
      %swap3A_1692 = arith.constant 96 : index
      %swap3A_1693 = tpu.vector_load %arg11[%swap3A_1691, %swap3A_1692] {strides = array<i32>} : memref<64x512xf32, #tpu.memory_space<vmem>>, vector<1x16xf32>,
      %swap3A_1694 = vector.shape_cast %swap3A_1693 : vector<1x16xf32> to vector<16xf32>
      %swap3A_1695 = vector.shape_cast %add3A_1690 : vector<16xf32> to vector<1x16xf32>
      tpu.vector_store %arg11[%swap3A_1691, %swap3A_1692], %swap3A_1695 {strides = array<i32>} : memref<64x512xf32, #tpu.memory_space<vmem>>, vector<1x16xf32>,
      %get3A_1696 = arith.index_cast %add3A_1535 : i32 to index
      %get3A_1697 = arith.constant 112 : index
      %get3A_1698 = tpu.vector_load %arg11[%get3A_1696, %get3A_1697] {strides = array<i32>} : memref<64x512xf32, #tpu.memory_space<vmem>>, vector<1x16xf32>,
      %get3A_1699 = vector.shape_cast %get3A_1698 : vector<1x16xf32> to vector<16xf32>
      %mul3A_1700 = vector.broadcast %scan3A_588 : f32 to vector<16xf32>
      %mul3A_1701 = arith.mulf %scan3A_1610#7, %mul3A_1700 : vector<16xf32>
      %add3A_1702 = arith.addf %get3A_1699, %mul3A_1701 : vector<16xf32>
      %swap3A_1703 = arith.index_cast %add3A_1535 : i32 to index
      %swap3A_1704 = arith.constant 112 : index
      %swap3A_1705 = tpu.vector_load %arg11[%swap3A_1703, %swap3A_1704] {strides = array<i32>} : memref<64x512xf32, #tpu.memory_space<vmem>>, vector<1x16xf32>,
      %swap3A_1706 = vector.shape_cast %swap3A_1705 : vector<1x16xf32> to vector<16xf32>
      %swap3A_1707 = vector.shape_cast %add3A_1702 : vector<16xf32> to vector<1x16xf32>
      tpu.vector_store %arg11[%swap3A_1703, %swap3A_1704], %swap3A_1707 {strides = array<i32>} : memref<64x512xf32, #tpu.memory_space<vmem>>, vector<1x16xf32>,
      %get3A_1708 = arith.index_cast %add3A_1535 : i32 to index
      %get3A_1709 = arith.constant 128 : index
      %get3A_1710 = tpu.vector_load %arg11[%get3A_1708, %get3A_1709] {strides = array<i32>} : memref<64x512xf32, #tpu.memory_space<vmem>>, vector<1x16xf32>,
      %get3A_1711 = vector.shape_cast %get3A_1710 : vector<1x16xf32> to vector<16xf32>
      %mul3A_1712 = vector.broadcast %scan3A_588 : f32 to vector<16xf32>
      %mul3A_1713 = arith.mulf %scan3A_1610#8, %mul3A_1712 : vector<16xf32>
      %add3A_1714 = arith.addf %get3A_1711, %mul3A_1713 : vector<16xf32>
      %swap3A_1715 = arith.index_cast %add3A_1535 : i32 to index
      %swap3A_1716 = arith.constant 128 : index
      %swap3A_1717 = tpu.vector_load %arg11[%swap3A_1715, %swap3A_1716] {strides = array<i32>} : memref<64x512xf32, #tpu.memory_space<vmem>>, vector<1x16xf32>,
      %swap3A_1718 = vector.shape_cast %swap3A_1717 : vector<1x16xf32> to vector<16xf32>
      %swap3A_1719 = vector.shape_cast %add3A_1714 : vector<16xf32> to vector<1x16xf32>
      tpu.vector_store %arg11[%swap3A_1715, %swap3A_1716], %swap3A_1719 {strides = array<i32>} : memref<64x512xf32, #tpu.memory_space<vmem>>, vector<1x16xf32>,
      %get3A_1720 = arith.index_cast %add3A_1535 : i32 to index
      %get3A_1721 = arith.constant 144 : index
      %get3A_1722 = tpu.vector_load %arg11[%get3A_1720, %get3A_1721] {strides = array<i32>} : memref<64x512xf32, #tpu.memory_space<vmem>>, vector<1x16xf32>,
      %get3A_1723 = vector.shape_cast %get3A_1722 : vector<1x16xf32> to vector<16xf32>
      %mul3A_1724 = vector.broadcast %scan3A_588 : f32 to vector<16xf32>
      %mul3A_1725 = arith.mulf %scan3A_1610#9, %mul3A_1724 : vector<16xf32>
      %add3A_1726 = arith.addf %get3A_1723, %mul3A_1725 : vector<16xf32>
      %swap3A_1727 = arith.index_cast %add3A_1535 : i32 to index
      %swap3A_1728 = arith.constant 144 : index
      %swap3A_1729 = tpu.vector_load %arg11[%swap3A_1727, %swap3A_1728] {strides = array<i32>} : memref<64x512xf32, #tpu.memory_space<vmem>>, vector<1x16xf32>,
      %swap3A_1730 = vector.shape_cast %swap3A_1729 : vector<1x16xf32> to vector<16xf32>
      %swap3A_1731 = vector.shape_cast %add3A_1726 : vector<16xf32> to vector<1x16xf32>
      tpu.vector_store %arg11[%swap3A_1727, %swap3A_1728], %swap3A_1731 {strides = array<i32>} : memref<64x512xf32, #tpu.memory_space<vmem>>, vector<1x16xf32>,
      %get3A_1732 = arith.index_cast %add3A_1535 : i32 to index
      %get3A_1733 = arith.constant 160 : index
      %get3A_1734 = tpu.vector_load %arg11[%get3A_1732, %get3A_1733] {strides = array<i32>} : memref<64x512xf32, #tpu.memory_space<vmem>>, vector<1x16xf32>,
      %get3A_1735 = vector.shape_cast %get3A_1734 : vector<1x16xf32> to vector<16xf32>
      %mul3A_1736 = vector.broadcast %scan3A_588 : f32 to vector<16xf32>
      %mul3A_1737 = arith.mulf %scan3A_1610#10, %mul3A_1736 : vector<16xf32>
      %add3A_1738 = arith.addf %get3A_1735, %mul3A_1737 : vector<16xf32>
      %swap3A_1739 = arith.index_cast %add3A_1535 : i32 to index
      %swap3A_1740 = arith.constant 160 : index
      %swap3A_1741 = tpu.vector_load %arg11[%swap3A_1739, %swap3A_1740] {strides = array<i32>} : memref<64x512xf32, #tpu.memory_space<vmem>>, vector<1x16xf32>,
      %swap3A_1742 = vector.shape_cast %swap3A_1741 : vector<1x16xf32> to vector<16xf32>
      %swap3A_1743 = vector.shape_cast %add3A_1738 : vector<16xf32> to vector<1x16xf32>
      tpu.vector_store %arg11[%swap3A_1739, %swap3A_1740], %swap3A_1743 {strides = array<i32>} : memref<64x512xf32, #tpu.memory_space<vmem>>, vector<1x16xf32>,
      %get3A_1744 = arith.index_cast %add3A_1535 : i32 to index
      %get3A_1745 = arith.constant 176 : index
      %get3A_1746 = tpu.vector_load %arg11[%get3A_1744, %get3A_1745] {strides = array<i32>} : memref<64x512xf32, #tpu.memory_space<vmem>>, vector<1x16xf32>,
      %get3A_1747 = vector.shape_cast %get3A_1746 : vector<1x16xf32> to vector<16xf32>
      %mul3A_1748 = vector.broadcast %scan3A_588 : f32 to vector<16xf32>
      %mul3A_1749 = arith.mulf %scan3A_1610#11, %mul3A_1748 : vector<16xf32>
      %add3A_1750 = arith.addf %get3A_1747, %mul3A_1749 : vector<16xf32>
      %swap3A_1751 = arith.index_cast %add3A_1535 : i32 to index
      %swap3A_1752 = arith.constant 176 : index
      %swap3A_1753 = tpu.vector_load %arg11[%swap3A_1751, %swap3A_1752] {strides = array<i32>} : memref<64x512xf32, #tpu.memory_space<vmem>>, vector<1x16xf32>,
      %swap3A_1754 = vector.shape_cast %swap3A_1753 : vector<1x16xf32> to vector<16xf32>
      %swap3A_1755 = vector.shape_cast %add3A_1750 : vector<16xf32> to vector<1x16xf32>
      tpu.vector_store %arg11[%swap3A_1751, %swap3A_1752], %swap3A_1755 {strides = array<i32>} : memref<64x512xf32, #tpu.memory_space<vmem>>, vector<1x16xf32>,
      %get3A_1756 = arith.index_cast %add3A_1535 : i32 to index
      %get3A_1757 = arith.constant 192 : index
      %get3A_1758 = tpu.vector_load %arg11[%get3A_1756, %get3A_1757] {strides = array<i32>} : memref<64x512xf32, #tpu.memory_space<vmem>>, vector<1x16xf32>,
      %get3A_1759 = vector.shape_cast %get3A_1758 : vector<1x16xf32> to vector<16xf32>
      %mul3A_1760 = vector.broadcast %scan3A_588 : f32 to vector<16xf32>
      %mul3A_1761 = arith.mulf %scan3A_1610#12, %mul3A_1760 : vector<16xf32>
      %add3A_1762 = arith.addf %get3A_1759, %mul3A_1761 : vector<16xf32>
      %swap3A_1763 = arith.index_cast %add3A_1535 : i32 to index
      %swap3A_1764 = arith.constant 192 : index
      %swap3A_1765 = tpu.vector_load %arg11[%swap3A_1763, %swap3A_1764] {strides = array<i32>} : memref<64x512xf32, #tpu.memory_space<vmem>>, vector<1x16xf32>,
      %swap3A_1766 = vector.shape_cast %swap3A_1765 : vector<1x16xf32> to vector<16xf32>
      %swap3A_1767 = vector.shape_cast %add3A_1762 : vector<16xf32> to vector<1x16xf32>
      tpu.vector_store %arg11[%swap3A_1763, %swap3A_1764], %swap3A_1767 {strides = array<i32>} : memref<64x512xf32, #tpu.memory_space<vmem>>, vector<1x16xf32>,
      %get3A_1768 = arith.index_cast %add3A_1535 : i32 to index
      %get3A_1769 = arith.constant 208 : index
      %get3A_1770 = tpu.vector_load %arg11[%get3A_1768, %get3A_1769] {strides = array<i32>} : memref<64x512xf32, #tpu.memory_space<vmem>>, vector<1x16xf32>,
      %get3A_1771 = vector.shape_cast %get3A_1770 : vector<1x16xf32> to vector<16xf32>
      %mul3A_1772 = vector.broadcast %scan3A_588 : f32 to vector<16xf32>
      %mul3A_1773 = arith.mulf %scan3A_1610#13, %mul3A_1772 : vector<16xf32>
      %add3A_1774 = arith.addf %get3A_1771, %mul3A_1773 : vector<16xf32>
      %swap3A_1775 = arith.index_cast %add3A_1535 : i32 to index
      %swap3A_1776 = arith.constant 208 : index
      %swap3A_1777 = tpu.vector_load %arg11[%swap3A_1775, %swap3A_1776] {strides = array<i32>} : memref<64x512xf32, #tpu.memory_space<vmem>>, vector<1x16xf32>,
      %swap3A_1778 = vector.shape_cast %swap3A_1777 : vector<1x16xf32> to vector<16xf32>
      %swap3A_1779 = vector.shape_cast %add3A_1774 : vector<16xf32> to vector<1x16xf32>
      tpu.vector_store %arg11[%swap3A_1775, %swap3A_1776], %swap3A_1779 {strides = array<i32>} : memref<64x512xf32, #tpu.memory_space<vmem>>, vector<1x16xf32>,
      %get3A_1780 = arith.index_cast %add3A_1535 : i32 to index
      %get3A_1781 = arith.constant 224 : index
      %get3A_1782 = tpu.vector_load %arg11[%get3A_1780, %get3A_1781] {strides = array<i32>} : memref<64x512xf32, #tpu.memory_space<vmem>>, vector<1x16xf32>,
      %get3A_1783 = vector.shape_cast %get3A_1782 : vector<1x16xf32> to vector<16xf32>
      %mul3A_1784 = vector.broadcast %scan3A_588 : f32 to vector<16xf32>
      %mul3A_1785 = arith.mulf %scan3A_1610#14, %mul3A_1784 : vector<16xf32>
      %add3A_1786 = arith.addf %get3A_1783, %mul3A_1785 : vector<16xf32>
      %swap3A_1787 = arith.index_cast %add3A_1535 : i32 to index
      %swap3A_1788 = arith.constant 224 : index
      %swap3A_1789 = tpu.vector_load %arg11[%swap3A_1787, %swap3A_1788] {strides = array<i32>} : memref<64x512xf32, #tpu.memory_space<vmem>>, vector<1x16xf32>,
      %swap3A_1790 = vector.shape_cast %swap3A_1789 : vector<1x16xf32> to vector<16xf32>
      %swap3A_1791 = vector.shape_cast %add3A_1786 : vector<16xf32> to vector<1x16xf32>
      tpu.vector_store %arg11[%swap3A_1787, %swap3A_1788], %swap3A_1791 {strides = array<i32>} : memref<64x512xf32, #tpu.memory_space<vmem>>, vector<1x16xf32>,
      %get3A_1792 = arith.index_cast %add3A_1535 : i32 to index
      %get3A_1793 = arith.constant 240 : index
      %get3A_1794 = tpu.vector_load %arg11[%get3A_1792, %get3A_1793] {strides = array<i32>} : memref<64x512xf32, #tpu.memory_space<vmem>>, vector<1x16xf32>,
      %get3A_1795 = vector.shape_cast %get3A_1794 : vector<1x16xf32> to vector<16xf32>
      %mul3A_1796 = vector.broadcast %scan3A_588 : f32 to vector<16xf32>
      %mul3A_1797 = arith.mulf %scan3A_1610#15, %mul3A_1796 : vector<16xf32>
      %add3A_1798 = arith.addf %get3A_1795, %mul3A_1797 : vector<16xf32>
      %swap3A_1799 = arith.index_cast %add3A_1535 : i32 to index
      %swap3A_1800 = arith.constant 240 : index
      %swap3A_1801 = tpu.vector_load %arg11[%swap3A_1799, %swap3A_1800] {strides = array<i32>} : memref<64x512xf32, #tpu.memory_space<vmem>>, vector<1x16xf32>,
      %swap3A_1802 = vector.shape_cast %swap3A_1801 : vector<1x16xf32> to vector<16xf32>
      %swap3A_1803 = vector.shape_cast %add3A_1798 : vector<16xf32> to vector<1x16xf32>
      tpu.vector_store %arg11[%swap3A_1799, %swap3A_1800], %swap3A_1803 {strides = array<i32>} : memref<64x512xf32, #tpu.memory_space<vmem>>, vector<1x16xf32>,
      %get3A_1804 = arith.index_cast %add3A_1535 : i32 to index
      %get3A_1805 = arith.constant 256 : index
      %get3A_1806 = tpu.vector_load %arg11[%get3A_1804, %get3A_1805] {strides = array<i32>} : memref<64x512xf32, #tpu.memory_space<vmem>>, vector<1x16xf32>,
      %get3A_1807 = vector.shape_cast %get3A_1806 : vector<1x16xf32> to vector<16xf32>
      %mul3A_1808 = vector.broadcast %scan3A_588 : f32 to vector<16xf32>
      %mul3A_1809 = arith.mulf %scan3A_1610#16, %mul3A_1808 : vector<16xf32>
      %add3A_1810 = arith.addf %get3A_1807, %mul3A_1809 : vector<16xf32>
      %swap3A_1811 = arith.index_cast %add3A_1535 : i32 to index
      %swap3A_1812 = arith.constant 256 : index
      %swap3A_1813 = tpu.vector_load %arg11[%swap3A_1811, %swap3A_1812] {strides = array<i32>} : memref<64x512xf32, #tpu.memory_space<vmem>>, vector<1x16xf32>,
      %swap3A_1814 = vector.shape_cast %swap3A_1813 : vector<1x16xf32> to vector<16xf32>
      %swap3A_1815 = vector.shape_cast %add3A_1810 : vector<16xf32> to vector<1x16xf32>
      tpu.vector_store %arg11[%swap3A_1811, %swap3A_1812], %swap3A_1815 {strides = array<i32>} : memref<64x512xf32, #tpu.memory_space<vmem>>, vector<1x16xf32>,
      %get3A_1816 = arith.index_cast %add3A_1535 : i32 to index
      %get3A_1817 = arith.constant 272 : index
      %get3A_1818 = tpu.vector_load %arg11[%get3A_1816, %get3A_1817] {strides = array<i32>} : memref<64x512xf32, #tpu.memory_space<vmem>>, vector<1x16xf32>,
      %get3A_1819 = vector.shape_cast %get3A_1818 : vector<1x16xf32> to vector<16xf32>
      %mul3A_1820 = vector.broadcast %scan3A_588 : f32 to vector<16xf32>
      %mul3A_1821 = arith.mulf %scan3A_1610#17, %mul3A_1820 : vector<16xf32>
      %add3A_1822 = arith.addf %get3A_1819, %mul3A_1821 : vector<16xf32>
      %swap3A_1823 = arith.index_cast %add3A_1535 : i32 to index
      %swap3A_1824 = arith.constant 272 : index
      %swap3A_1825 = tpu.vector_load %arg11[%swap3A_1823, %swap3A_1824] {strides = array<i32>} : memref<64x512xf32, #tpu.memory_space<vmem>>, vector<1x16xf32>,
      %swap3A_1826 = vector.shape_cast %swap3A_1825 : vector<1x16xf32> to vector<16xf32>
      %swap3A_1827 = vector.shape_cast %add3A_1822 : vector<16xf32> to vector<1x16xf32>
      tpu.vector_store %arg11[%swap3A_1823, %swap3A_1824], %swap3A_1827 {strides = array<i32>} : memref<64x512xf32, #tpu.memory_space<vmem>>, vector<1x16xf32>,
      %get3A_1828 = arith.index_cast %add3A_1535 : i32 to index
      %get3A_1829 = arith.constant 288 : index
      %get3A_1830 = tpu.vector_load %arg11[%get3A_1828, %get3A_1829] {strides = array<i32>} : memref<64x512xf32, #tpu.memory_space<vmem>>, vector<1x16xf32>,
      %get3A_1831 = vector.shape_cast %get3A_1830 : vector<1x16xf32> to vector<16xf32>
      %mul3A_1832 = vector.broadcast %scan3A_588 : f32 to vector<16xf32>
      %mul3A_1833 = arith.mulf %scan3A_1610#18, %mul3A_1832 : vector<16xf32>
      %add3A_1834 = arith.addf %get3A_1831, %mul3A_1833 : vector<16xf32>
      %swap3A_1835 = arith.index_cast %add3A_1535 : i32 to index
      %swap3A_1836 = arith.constant 288 : index
      %swap3A_1837 = tpu.vector_load %arg11[%swap3A_1835, %swap3A_1836] {strides = array<i32>} : memref<64x512xf32, #tpu.memory_space<vmem>>, vector<1x16xf32>,
      %swap3A_1838 = vector.shape_cast %swap3A_1837 : vector<1x16xf32> to vector<16xf32>
      %swap3A_1839 = vector.shape_cast %add3A_1834 : vector<16xf32> to vector<1x16xf32>
      tpu.vector_store %arg11[%swap3A_1835, %swap3A_1836], %swap3A_1839 {strides = array<i32>} : memref<64x512xf32, #tpu.memory_space<vmem>>, vector<1x16xf32>,
      %get3A_1840 = arith.index_cast %add3A_1535 : i32 to index
      %get3A_1841 = arith.constant 304 : index
      %get3A_1842 = tpu.vector_load %arg11[%get3A_1840, %get3A_1841] {strides = array<i32>} : memref<64x512xf32, #tpu.memory_space<vmem>>, vector<1x16xf32>,
      %get3A_1843 = vector.shape_cast %get3A_1842 : vector<1x16xf32> to vector<16xf32>
      %mul3A_1844 = vector.broadcast %scan3A_588 : f32 to vector<16xf32>
      %mul3A_1845 = arith.mulf %scan3A_1610#19, %mul3A_1844 : vector<16xf32>
      %add3A_1846 = arith.addf %get3A_1843, %mul3A_1845 : vector<16xf32>
      %swap3A_1847 = arith.index_cast %add3A_1535 : i32 to index
      %swap3A_1848 = arith.constant 304 : index
      %swap3A_1849 = tpu.vector_load %arg11[%swap3A_1847, %swap3A_1848] {strides = array<i32>} : memref<64x512xf32, #tpu.memory_space<vmem>>, vector<1x16xf32>,
      %swap3A_1850 = vector.shape_cast %swap3A_1849 : vector<1x16xf32> to vector<16xf32>
      %swap3A_1851 = vector.shape_cast %add3A_1846 : vector<16xf32> to vector<1x16xf32>
      tpu.vector_store %arg11[%swap3A_1847, %swap3A_1848], %swap3A_1851 {strides = array<i32>} : memref<64x512xf32, #tpu.memory_space<vmem>>, vector<1x16xf32>,
      %get3A_1852 = arith.index_cast %add3A_1535 : i32 to index
      %get3A_1853 = arith.constant 320 : index
      %get3A_1854 = tpu.vector_load %arg11[%get3A_1852, %get3A_1853] {strides = array<i32>} : memref<64x512xf32, #tpu.memory_space<vmem>>, vector<1x16xf32>,
      %get3A_1855 = vector.shape_cast %get3A_1854 : vector<1x16xf32> to vector<16xf32>
      %mul3A_1856 = vector.broadcast %scan3A_588 : f32 to vector<16xf32>
      %mul3A_1857 = arith.mulf %scan3A_1610#20, %mul3A_1856 : vector<16xf32>
      %add3A_1858 = arith.addf %get3A_1855, %mul3A_1857 : vector<16xf32>
      %swap3A_1859 = arith.index_cast %add3A_1535 : i32 to index
      %swap3A_1860 = arith.constant 320 : index
      %swap3A_1861 = tpu.vector_load %arg11[%swap3A_1859, %swap3A_1860] {strides = array<i32>} : memref<64x512xf32, #tpu.memory_space<vmem>>, vector<1x16xf32>,
      %swap3A_1862 = vector.shape_cast %swap3A_1861 : vector<1x16xf32> to vector<16xf32>
      %swap3A_1863 = vector.shape_cast %add3A_1858 : vector<16xf32> to vector<1x16xf32>
      tpu.vector_store %arg11[%swap3A_1859, %swap3A_1860], %swap3A_1863 {strides = array<i32>} : memref<64x512xf32, #tpu.memory_space<vmem>>, vector<1x16xf32>,
      %get3A_1864 = arith.index_cast %add3A_1535 : i32 to index
      %get3A_1865 = arith.constant 336 : index
      %get3A_1866 = tpu.vector_load %arg11[%get3A_1864, %get3A_1865] {strides = array<i32>} : memref<64x512xf32, #tpu.memory_space<vmem>>, vector<1x16xf32>,
      %get3A_1867 = vector.shape_cast %get3A_1866 : vector<1x16xf32> to vector<16xf32>
      %mul3A_1868 = vector.broadcast %scan3A_588 : f32 to vector<16xf32>
      %mul3A_1869 = arith.mulf %scan3A_1610#21, %mul3A_1868 : vector<16xf32>
      %add3A_1870 = arith.addf %get3A_1867, %mul3A_1869 : vector<16xf32>
      %swap3A_1871 = arith.index_cast %add3A_1535 : i32 to index
      %swap3A_1872 = arith.constant 336 : index
      %swap3A_1873 = tpu.vector_load %arg11[%swap3A_1871, %swap3A_1872] {strides = array<i32>} : memref<64x512xf32, #tpu.memory_space<vmem>>, vector<1x16xf32>,
      %swap3A_1874 = vector.shape_cast %swap3A_1873 : vector<1x16xf32> to vector<16xf32>
      %swap3A_1875 = vector.shape_cast %add3A_1870 : vector<16xf32> to vector<1x16xf32>
      tpu.vector_store %arg11[%swap3A_1871, %swap3A_1872], %swap3A_1875 {strides = array<i32>} : memref<64x512xf32, #tpu.memory_space<vmem>>, vector<1x16xf32>,
      %get3A_1876 = arith.index_cast %add3A_1535 : i32 to index
      %get3A_1877 = arith.constant 352 : index
      %get3A_1878 = tpu.vector_load %arg11[%get3A_1876, %get3A_1877] {strides = array<i32>} : memref<64x512xf32, #tpu.memory_space<vmem>>, vector<1x16xf32>,
      %get3A_1879 = vector.shape_cast %get3A_1878 : vector<1x16xf32> to vector<16xf32>
      %mul3A_1880 = vector.broadcast %scan3A_588 : f32 to vector<16xf32>
      %mul3A_1881 = arith.mulf %scan3A_1610#22, %mul3A_1880 : vector<16xf32>
      %add3A_1882 = arith.addf %get3A_1879, %mul3A_1881 : vector<16xf32>
      %swap3A_1883 = arith.index_cast %add3A_1535 : i32 to index
      %swap3A_1884 = arith.constant 352 : index
      %swap3A_1885 = tpu.vector_load %arg11[%swap3A_1883, %swap3A_1884] {strides = array<i32>} : memref<64x512xf32, #tpu.memory_space<vmem>>, vector<1x16xf32>,
      %swap3A_1886 = vector.shape_cast %swap3A_1885 : vector<1x16xf32> to vector<16xf32>
      %swap3A_1887 = vector.shape_cast %add3A_1882 : vector<16xf32> to vector<1x16xf32>
      tpu.vector_store %arg11[%swap3A_1883, %swap3A_1884], %swap3A_1887 {strides = array<i32>} : memref<64x512xf32, #tpu.memory_space<vmem>>, vector<1x16xf32>,
      %get3A_1888 = arith.index_cast %add3A_1535 : i32 to index
      %get3A_1889 = arith.constant 368 : index
      %get3A_1890 = tpu.vector_load %arg11[%get3A_1888, %get3A_1889] {strides = array<i32>} : memref<64x512xf32, #tpu.memory_space<vmem>>, vector<1x16xf32>,
      %get3A_1891 = vector.shape_cast %get3A_1890 : vector<1x16xf32> to vector<16xf32>
      %mul3A_1892 = vector.broadcast %scan3A_588 : f32 to vector<16xf32>
      %mul3A_1893 = arith.mulf %scan3A_1610#23, %mul3A_1892 : vector<16xf32>
      %add3A_1894 = arith.addf %get3A_1891, %mul3A_1893 : vector<16xf32>
      %swap3A_1895 = arith.index_cast %add3A_1535 : i32 to index
      %swap3A_1896 = arith.constant 368 : index
      %swap3A_1897 = tpu.vector_load %arg11[%swap3A_1895, %swap3A_1896] {strides = array<i32>} : memref<64x512xf32, #tpu.memory_space<vmem>>, vector<1x16xf32>,
      %swap3A_1898 = vector.shape_cast %swap3A_1897 : vector<1x16xf32> to vector<16xf32>
      %swap3A_1899 = vector.shape_cast %add3A_1894 : vector<16xf32> to vector<1x16xf32>
      tpu.vector_store %arg11[%swap3A_1895, %swap3A_1896], %swap3A_1899 {strides = array<i32>} : memref<64x512xf32, #tpu.memory_space<vmem>>, vector<1x16xf32>,
      %get3A_1900 = arith.index_cast %add3A_1535 : i32 to index
      %get3A_1901 = arith.constant 384 : index
      %get3A_1902 = tpu.vector_load %arg11[%get3A_1900, %get3A_1901] {strides = array<i32>} : memref<64x512xf32, #tpu.memory_space<vmem>>, vector<1x16xf32>,
      %get3A_1903 = vector.shape_cast %get3A_1902 : vector<1x16xf32> to vector<16xf32>
      %mul3A_1904 = vector.broadcast %scan3A_588 : f32 to vector<16xf32>
      %mul3A_1905 = arith.mulf %scan3A_1610#24, %mul3A_1904 : vector<16xf32>
      %add3A_1906 = arith.addf %get3A_1903, %mul3A_1905 : vector<16xf32>
      %swap3A_1907 = arith.index_cast %add3A_1535 : i32 to index
      %swap3A_1908 = arith.constant 384 : index
      %swap3A_1909 = tpu.vector_load %arg11[%swap3A_1907, %swap3A_1908] {strides = array<i32>} : memref<64x512xf32, #tpu.memory_space<vmem>>, vector<1x16xf32>,
      %swap3A_1910 = vector.shape_cast %swap3A_1909 : vector<1x16xf32> to vector<16xf32>
      %swap3A_1911 = vector.shape_cast %add3A_1906 : vector<16xf32> to vector<1x16xf32>
      tpu.vector_store %arg11[%swap3A_1907, %swap3A_1908], %swap3A_1911 {strides = array<i32>} : memref<64x512xf32, #tpu.memory_space<vmem>>, vector<1x16xf32>,
      %get3A_1912 = arith.index_cast %add3A_1535 : i32 to index
      %get3A_1913 = arith.constant 400 : index
      %get3A_1914 = tpu.vector_load %arg11[%get3A_1912, %get3A_1913] {strides = array<i32>} : memref<64x512xf32, #tpu.memory_space<vmem>>, vector<1x16xf32>,
      %get3A_1915 = vector.shape_cast %get3A_1914 : vector<1x16xf32> to vector<16xf32>
      %mul3A_1916 = vector.broadcast %scan3A_588 : f32 to vector<16xf32>
      %mul3A_1917 = arith.mulf %scan3A_1610#25, %mul3A_1916 : vector<16xf32>
      %add3A_1918 = arith.addf %get3A_1915, %mul3A_1917 : vector<16xf32>
      %swap3A_1919 = arith.index_cast %add3A_1535 : i32 to index
      %swap3A_1920 = arith.constant 400 : index
      %swap3A_1921 = tpu.vector_load %arg11[%swap3A_1919, %swap3A_1920] {strides = array<i32>} : memref<64x512xf32, #tpu.memory_space<vmem>>, vector<1x16xf32>,
      %swap3A_1922 = vector.shape_cast %swap3A_1921 : vector<1x16xf32> to vector<16xf32>
      %swap3A_1923 = vector.shape_cast %add3A_1918 : vector<16xf32> to vector<1x16xf32>
      tpu.vector_store %arg11[%swap3A_1919, %swap3A_1920], %swap3A_1923 {strides = array<i32>} : memref<64x512xf32, #tpu.memory_space<vmem>>, vector<1x16xf32>,
      %get3A_1924 = arith.index_cast %add3A_1535 : i32 to index
      %get3A_1925 = arith.constant 416 : index
      %get3A_1926 = tpu.vector_load %arg11[%get3A_1924, %get3A_1925] {strides = array<i32>} : memref<64x512xf32, #tpu.memory_space<vmem>>, vector<1x16xf32>,
      %get3A_1927 = vector.shape_cast %get3A_1926 : vector<1x16xf32> to vector<16xf32>
      %mul3A_1928 = vector.broadcast %scan3A_588 : f32 to vector<16xf32>
      %mul3A_1929 = arith.mulf %scan3A_1610#26, %mul3A_1928 : vector<16xf32>
      %add3A_1930 = arith.addf %get3A_1927, %mul3A_1929 : vector<16xf32>
      %swap3A_1931 = arith.index_cast %add3A_1535 : i32 to index
      %swap3A_1932 = arith.constant 416 : index
      %swap3A_1933 = tpu.vector_load %arg11[%swap3A_1931, %swap3A_1932] {strides = array<i32>} : memref<64x512xf32, #tpu.memory_space<vmem>>, vector<1x16xf32>,
      %swap3A_1934 = vector.shape_cast %swap3A_1933 : vector<1x16xf32> to vector<16xf32>
      %swap3A_1935 = vector.shape_cast %add3A_1930 : vector<16xf32> to vector<1x16xf32>
      tpu.vector_store %arg11[%swap3A_1931, %swap3A_1932], %swap3A_1935 {strides = array<i32>} : memref<64x512xf32, #tpu.memory_space<vmem>>, vector<1x16xf32>,
      %get3A_1936 = arith.index_cast %add3A_1535 : i32 to index
      %get3A_1937 = arith.constant 432 : index
      %get3A_1938 = tpu.vector_load %arg11[%get3A_1936, %get3A_1937] {strides = array<i32>} : memref<64x512xf32, #tpu.memory_space<vmem>>, vector<1x16xf32>,
      %get3A_1939 = vector.shape_cast %get3A_1938 : vector<1x16xf32> to vector<16xf32>
      %mul3A_1940 = vector.broadcast %scan3A_588 : f32 to vector<16xf32>
      %mul3A_1941 = arith.mulf %scan3A_1610#27, %mul3A_1940 : vector<16xf32>
      %add3A_1942 = arith.addf %get3A_1939, %mul3A_1941 : vector<16xf32>
      %swap3A_1943 = arith.index_cast %add3A_1535 : i32 to index
      %swap3A_1944 = arith.constant 432 : index
      %swap3A_1945 = tpu.vector_load %arg11[%swap3A_1943, %swap3A_1944] {strides = array<i32>} : memref<64x512xf32, #tpu.memory_space<vmem>>, vector<1x16xf32>,
      %swap3A_1946 = vector.shape_cast %swap3A_1945 : vector<1x16xf32> to vector<16xf32>
      %swap3A_1947 = vector.shape_cast %add3A_1942 : vector<16xf32> to vector<1x16xf32>
      tpu.vector_store %arg11[%swap3A_1943, %swap3A_1944], %swap3A_1947 {strides = array<i32>} : memref<64x512xf32, #tpu.memory_space<vmem>>, vector<1x16xf32>,
      %get3A_1948 = arith.index_cast %add3A_1535 : i32 to index
      %get3A_1949 = arith.constant 448 : index
      %get3A_1950 = tpu.vector_load %arg11[%get3A_1948, %get3A_1949] {strides = array<i32>} : memref<64x512xf32, #tpu.memory_space<vmem>>, vector<1x16xf32>,
      %get3A_1951 = vector.shape_cast %get3A_1950 : vector<1x16xf32> to vector<16xf32>
      %mul3A_1952 = vector.broadcast %scan3A_588 : f32 to vector<16xf32>
      %mul3A_1953 = arith.mulf %scan3A_1610#28, %mul3A_1952 : vector<16xf32>
      %add3A_1954 = arith.addf %get3A_1951, %mul3A_1953 : vector<16xf32>
      %swap3A_1955 = arith.index_cast %add3A_1535 : i32 to index
      %swap3A_1956 = arith.constant 448 : index
      %swap3A_1957 = tpu.vector_load %arg11[%swap3A_1955, %swap3A_1956] {strides = array<i32>} : memref<64x512xf32, #tpu.memory_space<vmem>>, vector<1x16xf32>,
      %swap3A_1958 = vector.shape_cast %swap3A_1957 : vector<1x16xf32> to vector<16xf32>
      %swap3A_1959 = vector.shape_cast %add3A_1954 : vector<16xf32> to vector<1x16xf32>
      tpu.vector_store %arg11[%swap3A_1955, %swap3A_1956], %swap3A_1959 {strides = array<i32>} : memref<64x512xf32, #tpu.memory_space<vmem>>, vector<1x16xf32>,
      %get3A_1960 = arith.index_cast %add3A_1535 : i32 to index
      %get3A_1961 = arith.constant 464 : index
      %get3A_1962 = tpu.vector_load %arg11[%get3A_1960, %get3A_1961] {strides = array<i32>} : memref<64x512xf32, #tpu.memory_space<vmem>>, vector<1x16xf32>,
      %get3A_1963 = vector.shape_cast %get3A_1962 : vector<1x16xf32> to vector<16xf32>
      %mul3A_1964 = vector.broadcast %scan3A_588 : f32 to vector<16xf32>
      %mul3A_1965 = arith.mulf %scan3A_1610#29, %mul3A_1964 : vector<16xf32>
      %add3A_1966 = arith.addf %get3A_1963, %mul3A_1965 : vector<16xf32>
      %swap3A_1967 = arith.index_cast %add3A_1535 : i32 to index
      %swap3A_1968 = arith.constant 464 : index
      %swap3A_1969 = tpu.vector_load %arg11[%swap3A_1967, %swap3A_1968] {strides = array<i32>} : memref<64x512xf32, #tpu.memory_space<vmem>>, vector<1x16xf32>,
      %swap3A_1970 = vector.shape_cast %swap3A_1969 : vector<1x16xf32> to vector<16xf32>
      %swap3A_1971 = vector.shape_cast %add3A_1966 : vector<16xf32> to vector<1x16xf32>
      tpu.vector_store %arg11[%swap3A_1967, %swap3A_1968], %swap3A_1971 {strides = array<i32>} : memref<64x512xf32, #tpu.memory_space<vmem>>, vector<1x16xf32>,
      %get3A_1972 = arith.index_cast %add3A_1535 : i32 to index
      %get3A_1973 = arith.constant 480 : index
      %get3A_1974 = tpu.vector_load %arg11[%get3A_1972, %get3A_1973] {strides = array<i32>} : memref<64x512xf32, #tpu.memory_space<vmem>>, vector<1x16xf32>,
      %get3A_1975 = vector.shape_cast %get3A_1974 : vector<1x16xf32> to vector<16xf32>
      %mul3A_1976 = vector.broadcast %scan3A_588 : f32 to vector<16xf32>
      %mul3A_1977 = arith.mulf %scan3A_1610#30, %mul3A_1976 : vector<16xf32>
      %add3A_1978 = arith.addf %get3A_1975, %mul3A_1977 : vector<16xf32>
      %swap3A_1979 = arith.index_cast %add3A_1535 : i32 to index
      %swap3A_1980 = arith.constant 480 : index
      %swap3A_1981 = tpu.vector_load %arg11[%swap3A_1979, %swap3A_1980] {strides = array<i32>} : memref<64x512xf32, #tpu.memory_space<vmem>>, vector<1x16xf32>,
      %swap3A_1982 = vector.shape_cast %swap3A_1981 : vector<1x16xf32> to vector<16xf32>
      %swap3A_1983 = vector.shape_cast %add3A_1978 : vector<16xf32> to vector<1x16xf32>
      tpu.vector_store %arg11[%swap3A_1979, %swap3A_1980], %swap3A_1983 {strides = array<i32>} : memref<64x512xf32, #tpu.memory_space<vmem>>, vector<1x16xf32>,
      %get3A_1984 = arith.index_cast %add3A_1535 : i32 to index
      %get3A_1985 = arith.constant 496 : index
      %get3A_1986 = tpu.vector_load %arg11[%get3A_1984, %get3A_1985] {strides = array<i32>} : memref<64x512xf32, #tpu.memory_space<vmem>>, vector<1x16xf32>,
      %get3A_1987 = vector.shape_cast %get3A_1986 : vector<1x16xf32> to vector<16xf32>
      %mul3A_1988 = vector.broadcast %scan3A_588 : f32 to vector<16xf32>
      %mul3A_1989 = arith.mulf %scan3A_1610#31, %mul3A_1988 : vector<16xf32>
      %add3A_1990 = arith.addf %get3A_1987, %mul3A_1989 : vector<16xf32>
      %swap3A_1991 = arith.index_cast %add3A_1535 : i32 to index
      %swap3A_1992 = arith.constant 496 : index
      %swap3A_1993 = tpu.vector_load %arg11[%swap3A_1991, %swap3A_1992] {strides = array<i32>} : memref<64x512xf32, #tpu.memory_space<vmem>>, vector<1x16xf32>,
      %swap3A_1994 = vector.shape_cast %swap3A_1993 : vector<1x16xf32> to vector<16xf32>
      %swap3A_1995 = vector.shape_cast %add3A_1990 : vector<16xf32> to vector<1x16xf32>
      tpu.vector_store %arg11[%swap3A_1991, %swap3A_1992], %swap3A_1995 {strides = array<i32>} : memref<64x512xf32, #tpu.memory_space<vmem>>, vector<1x16xf32>,
      %add3A_1996 = arith.constant 3 : i32
      %add3A_1997 = arith.addi %add3A_1535, %add3A_1996 : i32
      %lt3A_1998 = arith.constant 64 : i32
      %lt3A_1999 = arith.cmpi slt, %add3A_1997, %lt3A_1998 : i32
      %convert_element_type3A_2000 = arith.extui %lt3A_1999 : i1 to i32
      %cond3A_2001 = arith.constant 0 : i32
      %cond3A_2002 = arith.cmpi ne, %convert_element_type3A_2000, %cond3A_2001 : i32
      scf.if %cond3A_2002 {
        %add3A_2003 = arith.constant 3 : i32
        %add3A_2004 = arith.addi %add3A_1535, %add3A_2003 : i32
        %dma_start3A_2005 = arith.constant 0 : i32
        %dma_start3A_2006 = tpu.memref_slice %arg7[%add3A_2004, %dma_start3A_2005] : memref<64x48xi32, #tpu.memory_space<vmem>> -> memref<1x48xi32, #tpu.memory_space<vmem>>
        %dma_start3A_2007 = tpu.memref_squeeze %dma_start3A_2006 : memref<1x48xi32, #tpu.memory_space<vmem>> -> memref<48xi32, #tpu.memory_space<vmem>>
        %dma_start3A_2008 = arith.constant 0 : i32
        %dma_start3A_2009 = arith.constant 0 : i32
        %dma_start3A_2010 = tpu.memref_slice %arg2[%dma_start3A_2008, %dma_start3A_2009] : memref<50000x512xf32, #tpu.memory_space<hbm>> -> memref<50000x512xf32, #tpu.memory_space<hbm>>
        tpu.enqueue_indirect_dma source(%dma_start3A_2010 : memref<50000x512xf32, #tpu.memory_space<hbm>>) target(%arg8 : memref<48x512xf32, #tpu.memory_space<vmem>>) offsets(%dma_start3A_2007 : memref<48xi32, #tpu.memory_space<vmem>>) semaphore(%arg13 : memref<!tpu.dma_semaphore, #tpu.memory_space<semaphore_mem>>)
      } else {
      }
    }
    %scan3A_593 = arith.constant 21 : i32
    %mul3A_594 = arith.constant 64 : i32
    %mul3A_595 = arith.muli %add3A, %mul3A_594 : i32
    "tpu.region"() ({
      %run_scoped3A = tpu.sem_alloc : memref<!tpu.dma_semaphore, #tpu.memory_space<semaphore_mem>>
      %dma_start3A_596 = arith.constant 0 : i32
      %dma_start3A_597 = tpu.memref_slice %arg5[%mul3A_595, %dma_start3A_596] : memref<2048x512xf32, #tpu.memory_space<hbm>> -> memref<64x512xf32, #tpu.memory_space<hbm>>
      %dma_start3A_598 = arith.constant 0 : i32
      %dma_start3A_599 = tpu.memref_slice %arg5[%mul3A_595, %dma_start3A_598] : memref<2048x512xf32, #tpu.memory_space<hbm>> -> memref<64x512xf32, #tpu.memory_space<hbm>>
      tpu.enqueue_dma source(%arg11 : memref<64x512xf32, #tpu.memory_space<vmem>>) target(%dma_start3A_599 : memref<64x512xf32, #tpu.memory_space<hbm>>) target_semaphore(%run_scoped3A : memref<!tpu.dma_semaphore, #tpu.memory_space<semaphore_mem>>)
      %dma_wait3A_600 = arith.constant 0 : i32
      %dma_wait3A_601 = tpu.memref_slice %arg5[%mul3A_595, %dma_wait3A_600] : memref<2048x512xf32, #tpu.memory_space<hbm>> -> memref<64x512xf32, #tpu.memory_space<hbm>>
      %dma_wait3A_602 = arith.constant 0 : i32
      %dma_wait3A_603 = tpu.memref_slice %arg5[%mul3A_595, %dma_wait3A_602] : memref<2048x512xf32, #tpu.memory_space<hbm>> -> memref<64x512xf32, #tpu.memory_space<hbm>>
      tpu.wait_dma2 semaphore(%run_scoped3A : memref<!tpu.dma_semaphore, #tpu.memory_space<semaphore_mem>>) src(%arg11 : memref<64x512xf32, #tpu.memory_space<vmem>>) dst(%dma_wait3A_603 : memref<64x512xf32, #tpu.memory_space<hbm>>)
      tpu.yield
    }) : () -> ()
    return
  }
}

module attributes {stable_mosaic.version = 14 : i64} {
  func.func @_mm_body(%arg0: i32, %arg1: memref<1024x512xf32, #tpu.memory_space<vmem>>, %arg2: memref<512x512xf32, #tpu.memory_space<vmem>>, %arg3: memref<1024x512xf32, #tpu.memory_space<vmem>>) attributes {dimension_semantics = [#tpu.dimension_semantics<arbitrary>], iteration_bounds = array<i64: 2>, scalar_prefetch = 0 : i64, scratch_operands = 0 : i64, tpu.core_type = #tpu.core_type<tc>, window_params = [{transform_indices = @transform_0, window_bounds = array<i64: 1024, 512>}, {pipeline_mode = #tpu.pipeline_mode<synchronous>, transform_indices = @transform_1, window_bounds = array<i64: 512, 512>}, {transform_indices = @transform_2, window_bounds = array<i64: 1024, 512>}]} {
    %get3A = arith.constant 0 : index
    %get3A_0 = arith.constant 0 : index
    %get3A_1 = vector.load %arg1[%get3A, %get3A_0] : memref<1024x512xf32, #tpu.memory_space<vmem>>, vector<1024x512xf32>
    %convert_element_type3A = arith.truncf %get3A_1 : vector<1024x512xf32> to vector<1024x512xbf16>
    %get3A_2 = arith.constant 0 : index
    %get3A_3 = arith.constant 0 : index
    %get3A_4 = vector.load %arg2[%get3A_2, %get3A_3] : memref<512x512xf32, #tpu.memory_space<vmem>>, vector<512x512xf32>
    %convert_element_type3A_5 = arith.truncf %get3A_4 : vector<512x512xf32> to vector<512x512xbf16>
    %dot_general3A = arith.constant dense<0.000000e+00> : vector<1024x512xf32>
    %dot_general3A_6 = tpu.matmul %convert_element_type3A, %convert_element_type3A_5, %dot_general3A {dimension_numbers = #tpu.dot_dimension_numbers<[1], [0], [0], [1], [0, 0, 1, 1], [], []>, transpose_lhs_hint = false} : vector<1024x512xbf16>, vector<512x512xbf16>, vector<1024x512xf32> -> vector<1024x512xf32>
    %mul3A = arith.constant 2.500000e-01 : f32
    %mul3A_7 = vector.broadcast %mul3A : f32 to vector<1024x512xf32>
    %mul3A_8 = arith.mulf %dot_general3A_6, %mul3A_7 : vector<1024x512xf32>
    %max3A = arith.constant 0.000000e+00 : f32
    %max3A_9 = vector.broadcast %max3A : f32 to vector<1024x512xf32>
    %max3A_10 = arith.maximumf %mul3A_8, %max3A_9 : vector<1024x512xf32>
    %swap3A = arith.constant 0 : index
    %swap3A_11 = arith.constant 0 : index
    %swap3A_12 = vector.load %arg3[%swap3A, %swap3A_11] : memref<1024x512xf32, #tpu.memory_space<vmem>>, vector<1024x512xf32>
    tpu.vector_store %arg3[%swap3A, %swap3A_11], %max3A_10 {strides = array<i32>} : memref<1024x512xf32, #tpu.memory_space<vmem>>, vector<1024x512xf32>,
    return
  }
  func.func @transform_0(%arg0: i32) -> (i32, i32) {
    %c0_i32 = arith.constant 0 : i32
    %c0_i32_0 = arith.constant 0 : i32
    return %arg0, %c0_i32 : i32, i32
  }
  func.func @transform_1(%arg0: i32) -> (i32, i32) {
    %c0_i32 = arith.constant 0 : i32
    %c0_i32_0 = arith.constant 0 : i32
    %c0_i32_1 = arith.constant 0 : i32
    return %c0_i32, %c0_i32_0 : i32, i32
  }
  func.func @transform_2(%arg0: i32) -> (i32, i32) {
    %c0_i32 = arith.constant 0 : i32
    %c0_i32_0 = arith.constant 0 : i32
    return %arg0, %c0_i32 : i32, i32
  }
}

</mosaic_0001>

<sc_bundles>
// kernel: kernel.4.cloned.1.call-start
scs
__scs_entry_jumppad:
0x0: {  	(pc) =	sbr.rel $0x88, $3  }
0x1: {  	(tag) =	ssettag $0x0;
	lr =	simm.s32 $0x1  }
0x2: {  	[smem:$0x3F9D] =	sst lr;
	_ =	strace $0xD0000000  }
0x3: {  	_ = 	snop  }
0x4: {  	_ = 	snop  }
0x5: {  	_ = 	snop  }
0x6: {  	_ = 	snop  }
0x7: {  	_ = 	snop  }
__scs_overlays_trampoline_lowered:
0x8: {  	[smem:$0x3FAC] =	sst s0  }
0x9: {  	[smem:$0x3FAD] =	sst s1  }
0xa: {  	[smem:$0x3FAE] =	sst s2  }
0xb: {  	[smem:$0x3FAF] =	sst s3  }
0xc: {  	[smem:$0x3FB0] =	sst s4  }
0xd: {  	[smem:$0x3FB1] =	sst s5  }
0xe: {  	[smem:$0x3FB2] =	sst s6  }
0xf: {  	[smem:$0x3FB3] =	sst s7  }
0x10: {  	[smem:$0x3FB4] =	sst s8  }
0x11: {  	[smem:$0x3FB5] =	sst s9;
	s0 =	simm.s32 @!p0 $0x0  }
0x12: {  	s1 =	sld [smem:$0x3F9B];
	s0 =	simm.s32 @p0 $0x1  }
0x13: {  	[smem:$0x3FB6] =	sst s0;
	s0 =	simm.s32 @!p1 $0x0  }
0x14: {  	s2 =	sld [smem:$0x3F9A];
	s0 =	simm.s32 @p1 $0x1  }
0x15: {  	[smem:$0x3FB7] =	sst s0;
	s0 =	simm.s32 @!p2 $0x0  }
0x16: {  	s3 =	sld [smem:$0x3FDB];
	s0 =	simm.s32 @p2 $0x1  }
0x17: {  	s4 =	simm.s32 $0x1BF5;
	[smem:$0x3FB9] =	sst s0  }
0x18: {  	s0 =	sld [smem:$0x3F9C];
	_ =	swait.ge [sflag:s4], $0x0  }
0x19: {  	s7 =	sld [smem:$0x3F9D]  }
0x1a: {  	s8 =	sadd.s32 $0xFFFFE003, lr  }
0x1b: {  	s9 =	sadd.s32 $0xFFFFFEF7, lr;
	s5 =	simm.s32 $0xFFFFFFFF;
	p2 =	slt.u32 s8, $0xFFFFF086  }
0x1c: {  	p1 =	slt.u32 s9, $0xF7A;
	s5 =	simm.s32 @!p2 $0x0  }
0x1d: {  	s5 =	simm.s32 @p1 $0x1;
	p0 =	seq.s32 s7, s2  }
0x1e: {  	s7 =	smul.u32 @!p0 $0xF7A, s2;
	p2 =	seq.s32 @!p0 s5, $0x0  }
0x1f: {  	s9 =	smul.u32 $0xF7A, s1;
	s8 =	simm.s32 @!p0 $0x1BF5;
	p2 =	por !p2, p0  }
0x20: {  	[sflag:s8] =	ssyncset.s32 @!p0 $0xFFFFF086;
	s6 =	sadd.s32 @!p0 s3, s7;
	s7 =	simm.s32 @!p0 $0x108  }
0x21: {  	s3 =	sadd.s32 s3, s9;
	s6 =	sadd.s32 @!p0 $0x88, s6;
	s7 =	simm.s32 @p2 $0x1082  }
0x22: {  	[simem:s7], [sflag:s8] =	dma.local @!p0 [hbm:s6], $0xF7A  }
0x23: {  	s9 =	sor.u32 $0xD0000000, s2;
	s6 =	simm.s32 $0x108;
	_ =	swait.ge @!p0 [sflag:s8], $0x0  }
0x24: {  	s3 =	sadd.s32 $0x88, s3;
	s6 =	simm.s32 @!p1 $0x1082;
	[sflag:s4] =	ssyncset.s32 $0xFFFFF086  }
0x25: {  	[simem:s6], [sflag:s4] =	dma.local [hbm:s3], $0xF7A  }
0x26: {  	[smem:$0x3F9D] =	sst s1;
	(tag) =	ssettag s2;
	_ =	strace s9  }
0x27: {  	s1 =	sld [smem:$0x3FAD]  }
0x28: {  	s2 =	sld [smem:$0x3FAE]  }
0x29: {  	s4 =	sld [smem:$0x3FB0]  }
0x2a: {  	p0 =	seq.s32 s5, $0x0;
	s5 =	sld [smem:$0x3FB1]  }
0x2b: {  	s6 =	sld [smem:$0x3FB2]  }
0x2c: {  	s7 =	sld [smem:$0x3FB3]  }
0x2d: {  	s3 =	simm.s32 $0x108;
	s8 =	sld [smem:$0x3FB4]  }
0x2e: {  	s3 =	simm.s32 @!p0 $0x1082;
	s9 =	sld [smem:$0x3FB5]  }
0x2f: {  	lr =	sadd.s32 s0, s3;
	s0 =	sld [smem:$0x3FAC]  }
0x30: {  	s3 =	sld [smem:$0x3FAF]  }
0x31: {  	[smem:$0x3FB8] =	sst s10  }
0x32: {  	s10 =	sld [smem:$0x3FB6];
	_ =	sdelay $0x3  }
0x33: {  	p0 =	seq.s32 s10, $0x1;
	s10 =	sld [smem:$0x3FB8];
	_ =	sdelay $0x3  }
0x34: {  	[smem:$0x3FB8] =	sst s10  }
0x35: {  	s10 =	sld [smem:$0x3FB7];
	_ =	sdelay $0x3  }
0x36: {  	p1 =	seq.s32 s10, $0x1;
	s10 =	sld [smem:$0x3FB8];
	_ =	sdelay $0x3  }
0x37: {  	[smem:$0x3FB8] =	sst s10  }
0x38: {  	s10 =	sld [smem:$0x3FB9]  }
0x39: {  	_ = 	snop;
	(pc) =	sbr.ind lr, $3  }
0x3a: {  	_ = 	snop  }
0x3b: {  	_ = 	snop  }
0x3c: {  	p2 =	seq.s32 s10, $0x1;
	s10 =	sld [smem:$0x3FB8]  }
0x3d: {  	_ =	shalt  }
0x3e: {  	_ =	shalt  }
0x3f: {  	_ =	shalt  }
0x40: {  	_ =	shalt  }
0x41: {  	_ =	shalt  }
0x42: {  	_ =	shalt  }
0x43: {  	_ =	shalt  }
0x44: {  	_ =	shalt  }
0x45: {  	_ =	shalt  }
0x46: {  	_ =	shalt  }
0x47: {  	_ =	shalt  }
0x48: {  	_ =	shalt  }
0x49: {  	_ =	shalt  }
0x4a: {  	_ =	shalt  }
0x4b: {  	_ =	shalt  }
0x4c: {  	_ =	shalt  }
0x4d: {  	_ =	shalt  }
0x4e: {  	_ =	shalt  }
0x4f: {  	_ =	shalt  }
0x50: {  	_ =	shalt  }
0x51: {  	_ =	shalt  }
0x52: {  	_ =	shalt  }
0x53: {  	_ =	shalt  }
0x54: {  	_ =	shalt  }
0x55: {  	_ =	shalt  }
0x56: {  	_ =	shalt  }
0x57: {  	_ =	shalt  }
0x58: {  	_ =	shalt  }
0x59: {  	_ =	shalt  }
0x5a: {  	_ =	shalt  }
0x5b: {  	_ =	shalt  }
0x5c: {  	_ =	shalt  }
0x5d: {  	_ =	shalt  }
0x5e: {  	_ =	shalt  }
0x5f: {  	_ =	shalt  }
0x60: {  	_ =	shalt  }
0x61: {  	_ =	shalt  }
0x62: {  	_ =	shalt  }
0x63: {  	_ =	shalt  }
0x64: {  	_ =	shalt  }
0x65: {  	_ =	shalt  }
0x66: {  	_ =	shalt  }
0x67: {  	_ =	shalt  }
0x68: {  	_ =	shalt  }
0x69: {  	_ =	shalt  }
0x6a: {  	_ =	shalt  }
0x6b: {  	_ =	shalt  }
0x6c: {  	_ =	shalt  }
0x6d: {  	_ =	shalt  }
0x6e: {  	_ =	shalt  }
0x6f: {  	_ =	shalt  }
0x70: {  	_ =	shalt  }
0x71: {  	_ =	shalt  }
0x72: {  	_ =	shalt  }
0x73: {  	_ =	shalt  }
0x74: {  	_ =	shalt  }
0x75: {  	_ =	shalt  }
0x76: {  	_ =	shalt  }
0x77: {  	_ =	shalt  }
0x78: {  	_ =	shalt  }
0x79: {  	_ =	shalt  }
0x7a: {  	_ =	shalt  }
0x7b: {  	_ =	shalt  }
0x7c: {  	_ =	shalt  }
0x7d: {  	_ =	shalt  }
0x7e: {  	_ =	shalt  }
0x7f: {  	_ =	shalt  }
0x80: {  	_ =	shalt  }
0x81: {  	_ =	shalt  }
0x82: {  	_ =	shalt  }
0x83: {  	_ =	shalt  }
0x84: {  	_ =	shalt  }
0x85: {  	_ =	shalt  }
0x86: {  	_ =	shalt  }
0x87: {  	_ =	shalt  }
.Lfunc_end0:
.L_simem_size_0:
called_computation_lowered:
.L_overlay_start_0:
0x88: {  	s2 =	sld [smem:$0x3FD9]  }
0x89: {  	s3 =	sld [smem:$0x3FFE];
	_ =	sdelay $0x1  }
0x8a: {  	s1 =	srdreg.scid  }
0x8b: {  	s0 =	sand.u32 $0x1, s1  }
0x8c: {  	s17 =	sshll.u32 s0, $0xA;
	s2 =	sadd.s32 s3, s2  }
0x8d: {  	s2 =	sadd.s32 s2, s17  }
0x8e: {  	[smem:$0x3FC4] =	sst s2  }
0x8f: {  	_ = 	snop  }
0x90: {  	s2 =	sld [smem:$0x3FC9]  }
0x91: {  	s18 =	sld [smem:$0x3FC7]  }
0x92: {  	s4 =	sld [smem:$0x3FD0];
	(tm) =	ssettm $0x1  }
0x93: {  	s5 =	sld [smem:$0x3FFB];
	_ =	sdelay $0x3  }
0x94: {  	_ =	strace s5  }
0x95: {  	s5 =	sld [smem:$0x3FFC];
	_ =	sdelay $0x3  }
0x96: {  	_ =	strace s5  }
0x97: {  	s5 =	sld [smem:$0x3FFD];
	_ =	sdelay $0x3  }
0x98: {  	_ =	strace s5  }
0x99: {  	_ =	strace $0x8FFFFFFF  }
0x9a: {  	s19 =	sld [smem:$0x3FDB];
	_ =	sdelay $0x1  }
0x9b: {  	s6 =	simm.s32 $_scs_section_size  }
0x9c: {  	s7 =	simm.s32 $_size__tile_overlayer_lowered;
	s8 =	simm.s32 $_tile_overlayer_lowered  }
0x9d: {  	s22 =	simm.s32 $0x1BFF;
	s21 =	sshll.u32 s8, $0x1;
	s5 =	sadd.s32 s6, s19  }
0x9e: {  	s9 =	simm.s32 $0x0;
	s20 =	sshll.u32 s7, $0x1;
	s7 =	sadd.s32 s21, s5  }
0x9f: {  	[timem:s9], [sflag:s22] =	dma.local [hbm:s7], s20  }
0xa0: {  	_ =	swait.ge [sflag:s22], s20  }
0xa1: {  	s6 =	ssub.s32 $0x0, s20;
	[sflag:s22] =	ssyncset.done $0x0  }
0xa2: {  	[sflag:s22] =	ssyncadd.s32 s6;
	_ =	sdelay $0x1  }
0xa3: {  	s23 =	simm.s32 $0x1B8B  }
0xa4: {  	_ =	swait.ge [sflag:s23], $0x1  }
0xa5: {  	[sflag:s23] =	ssyncset.done $0x0  }
0xa6: {  	s25 =	simm.s32 $0x1B8E;
	s24 =	sld [smem:$0x3FFE];
	[sflag:s23] =	ssyncadd.s32 $0xFFFFFFFF  }
0xa7: {  	s26 =	simm.s32 $execute0_lowered;
	[smem:$0x3FD2] =	sst s25  }
0xa8: {  	s7 =	sshll.u32 s26, $0x1;
	_ =	strace $0x80000046;
	[dreg:$0x1] =	wrdreg $0xFFFFFFFF  }
0xa9: {  	s28 =	simm.s32 $_size_execute0_lowered;
	s5 =	sadd.s32 s5, s7;
	[dreg:$0x0] =	wrdreg $0x0  }
0xaa: {  	s7 =	sshll.u32 s28, $0x1;
	[dreg:$0x2] =	wrdreg s5  }
0xab: {  	[dreg:$0x3] =	wrdreg s7  }
0xac: {  	[dreg:$0x4] =	wrdreg $0xC0  }
0xad: {  	_ =	task [dreg:s9], $0x5FFFF  }
0xae: {  	[dreg:$0x1] =	wrdreg $0xFFFFFFFF  }
0xaf: {  	[dreg:$0x0] =	wrdreg $0x60  }
0xb0: {  	[dreg:$0x2] =	wrdreg s2  }
0xb1: {  	[dreg:$0x3] =	wrdreg s18  }
0xb2: {  	[dreg:$0x4] =	wrdreg s24  }
0xb3: {  	[dreg:$0x5] =	wrdreg s4  }
0xb4: {  	[dreg:$0x6] =	wrdreg $0x9  }
0xb5: {  	_ =	task.clear_ibuf [dreg:s9], $0x7FFFF;
	_ =	strace $0x90000046  }
0xb6: {  	s29 =	simm.s32 $0x9;
	_ =	strace $0x80000048  }
0xb7: {  	_ =	swait.ge [sflag:s29], $0x1  }
0xb8: {  	[sflag:s29] =	ssyncadd.s32 $0xFFFFFFFF  }
0xb9: {  	_ =	strace $0x90000048  }
0xba: {  	_ =	sfence  }
0xbb: {  	s30 =	sld [smem:$0x0];
	_ =	sdelay $0x2  }
0xbc: {  	s31 =	sshll.u32 s1, $0xD;
	s1 =	sshrl.u32 s1, $0x2  }
0xbd: {  	s3 =	sand.u32 $0x4000, s31;
	s1 =	sadd.s32 s1, s30  }
0xbe: {  	s0 =	sor.u32 s3, s0;
	s1 =	sshll.u32 s1, $0x11  }
0xbf: {  	s0 =	sor.u32 s1, s0  }
0xc0: {  	s0 =	sadd.s32 $0x8F2B, s0  }
0xc1: {  	[sflag:s0] =	ssyncadd.remote.s32 $0x1  }
0xc2: {  	_ =	sfence.sel $0xFFFF  }
0xc3: {  	[dreg:$0x0] =	wrdreg $0xFFFFFFFF;
	(pc) =	sbr.abs _section_cstart, $3  }
0xc4: {  	[dreg:$0x1] =	wrdreg $0xFFFFFFFF  }
0xc5: {  	_ =	task.clear_ibuf [dreg:s9], $0x2FFFF;
	_ =	strace $0x9FFFFFFF  }
0xc6: {  	(tm) =	ssettm $0x7FFFFFFF  }
0xc7: {  	_ =	shalt  }
tec
execute0_lowered:
.L_overlay_start_1:
0x0: {  	(tag) =	ssettag $0x1  }
0x1: {  	s1 =	rddreg [dreg:$0x0]  }
0x2: {  	s0 =	rddreg [dreg:$0x1]  }
0x3: {  	s2 =	rddreg [dreg:$0x2]  }
0x4: {  	s4 =	rddreg [dreg:$0x3]  }
0x5: {  	s5 =	srdreg.scid;
	s6 =	stileid.u32  }
0x6: {  	s3 =	simm.s32 $0x0;
	s9 =	simm.s32 $0x5;
	s28 =	simm.s32 $0x2080  }
0x7: {  	s29 =	simm.s32 $0x2880;
	s30 =	simm.s32 $0x3080;
	s31 =	simm.s32 $0x3880  }
0x8: {  	s10 =	simm.s32 $0x5080;
	s12 =	simm.s32 $0x5880;
	s13 =	simm.s32 $0x6080  }
0x9: {  	s14 =	simm.s32 $0x6880;
	s15 =	simm.s32 $0x7080;
	s16 =	simm.s32 $0x7880  }
0xa: {  	s21 =	simm.s32 $0x1;
	s22 =	simm.s32 $0x2;
	s23 =	simm.s32 $0x3  }
0xb: {  	s24 =	simm.s32 $0x4;
	s5 =	sand.u32 $0x1, s5;
	s6 =	sshll.u32 s6, $0x1  }
0xc: {  	[smem:$0x7FF] =	sst s3;
	s6 =	sor.u32 s5, s6;
	s5 =	ssub.s32 $0x2, s5  }
0xd: {  	_ =	strace $0x80000047;
	s7 =	sshll.u32 s6, $0xA;
	s25 =	sshrl.u32 s5, $0x1  }
0xe: {  	s8 =	sshll.u32 s6, $0x3;
	s26 =	sshll.u32 s6, $0xC;
	s6 =	sadd.s32 $0x100, s1  }
.Ltmp0:
0xf: {  	v2 =	vlaneseq.u32;
	s2 =	sadd.s32 s7, s2;
	s5 =	ssub.s32 s5, s25;
	(pc) =	sbr.rel .LBB2_1-.Ltmp0, $4  }
0x10: {  	v0 =	vand.u32 $0x7, v2;
	v1 =	vshrl.u32 v2, $0x3;
	s0 =	sadd.s32 s0, s8;
	s7 =	simm.s32 $0x14080;
	s25 =	simm.s32 $0x0  }
0x11: {  	v63 =	vor.u32 $0x8, v2;
	[tilespmem:$0x1FFD0] =	vst v0;
	v62 =	vmul.u32 $0x8, v1;
	[dreg:$0x5] =	wrdreg s0;
	s2 =	sadd.s32 $0x800, s2;
	s0 =	sadd.s32 s4, s26  }
0x12: {  	[tilespmem:$0x1FFF0] =	vst v63;
	s8 =	smax.u32 s5, $0x1;
	s26 =	simm.s32 $0x0;
	[dreg:$0x6] =	wrdreg s2  }
0x13: {  	vm0 =	vmmov $0xffff;
	[tilespmem:$0x1FFE0] =	vst v62;
	[dreg:$0x7] =	wrdreg s0;
	s0 =	simm.s32 $0x4080;
	s2 =	simm.s32 $0x4880  }
.LBB2_12:
0x14: {  	s25 =	sadd.s32 $0x1, s25  }
0x15: {  	p0 =	sne.s32 s25, s8  }
.Ltmp1:
0x16: {  	s4 =	rddreg [dreg:$0x7];
	s7 =	simm.s32 $0x14080;
	(pc) =	sbr.rel @!p0 .LBB2_13-.Ltmp1, $4  }
0x17: {  	[hbm4b:s4+s3] =	stream.linear.scatter [tilespmem:s7], [sflag:$0x5], $0x8000, $0x38;
	[tilespmem:$0x1C080] =	vst v63  }
0x18: {  	_ =	swait.ge [sflag:s9], $0x8000  }
0x19: {  	[sflag:s9] =	ssyncset.done $0x0  }
0x1a: {  	[sflag:s9] =	ssyncadd.s32 $0xFFFF8000  }
.LBB2_1:
0x1b: {  	s4 =	rddreg [dreg:$0x5]  }
0x1c: {  	[tilespmem:s3], [sflag:$0x5] =	stream.linear.gather [hbm4b:s4+s3], $0x40, $0x38;
	[tilespmem:$0x1C080] =	vst v63  }
0x1d: {  	_ =	swait.ge [sflag:s9], $0x40  }
0x1e: {  	[sflag:s9] =	ssyncset.done $0x0  }
0x1f: {  	s5 =	simm.s32 $0x80;
	s20 =	rddreg [dreg:$0x6];
	[sflag:s9] =	ssyncadd.s32 $0xFFFFFFC0  }
0x20: {  	[tilespmem:s5], [sflag:$0x5] =	stream.linear.gather [hbm4b:s20+s3], $0x2000, $0x38;
	[tilespmem:$0x1C080] =	vst v63  }
0x21: {  	_ =	swait.ge [sflag:s9], $0x2000  }
0x22: {  	[sflag:s9] =	ssyncset.done $0x0  }
0x23: {  	[sflag:s9] =	ssyncadd.s32 $0xFFFFE000  }
0x24: {  	v3 =	vld [tilespmem:$0x0];
	_ =	sdelay $0x2  }
0x25: {  	v0 =	vld [tilespmem:$0x1FFD0];
	_ =	sdelay $0x1  }
0x26: {  	v1 =	vld [tilespmem:$0x1FFE0];
	v4 =	vshll.u32 v3, $0x2  }
0x27: {  	v3 =	vand.u32 $0x7, v3;
	v4 =	vand.u32 $0xFFFFFFE0, v4  }
0x28: {  	v2 =	vld [tilespmem:$0x1FFF0];
	v3 =	vor.u32 v3, v4  }
0x29: {  	v4 =	vperm.xlane v3, v0;
	_ =	sdelay $0x1  }
0x2a: {  	v4 =	vadd.s32 v1, v4;
	_ =	sdelay $0x1  }
0x2b: {  	v3 =	vperm.xlane v3, v2;
	_ =	sdelay $0x1  }
0x2c: {  	v3 =	vadd.s32 v1, v3  }
0x2d: {  	[tilespmem:s7], [sflag:$0x1] =	stream.indirect_vreg.gather [hbm4b:s1+s3], $0x80, v4, vm0, $0xb8;
	[tilespmem:$0x1C080] =	vst v63  }
0x2e: {  	s5 =	simm.s32 $0x14880  }
0x2f: {  	[tilespmem:s5], [sflag:$0x1] =	stream.indirect_vreg.gather [hbm4b:s6+s3], $0x80, v4, vm0, $0xb8;
	[tilespmem:$0x1C080] =	vst v63  }
0x30: {  	s7 =	simm.s32 $0x15080  }
0x31: {  	[tilespmem:s7], [sflag:$0x1] =	stream.indirect_vreg.gather [hbm4b:s1+s3], $0x80, v3, vm0, $0xb8;
	[tilespmem:$0x1C080] =	vst v63  }
0x32: {  	s11 =	simm.s32 $0x15880  }
0x33: {  	[tilespmem:s11], [sflag:$0x1] =	stream.indirect_vreg.gather [hbm4b:s6+s3], $0x80, v3, vm0, $0xb8;
	[tilespmem:$0x1C080] =	vst v63  }
0x34: {  	v3 =	vld [tilespmem:$0x10];
	_ =	sdelay $0x4  }
0x35: {  	v4 =	vshll.u32 v3, $0x2  }
0x36: {  	v3 =	vand.u32 $0x7, v3;
	v4 =	vand.u32 $0xFFFFFFE0, v4  }
0x37: {  	v3 =	vor.u32 v3, v4  }
0x38: {  	v4 =	vperm.xlane v3, v0;
	_ =	sdelay $0x1  }
0x39: {  	v4 =	vadd.s32 v1, v4;
	_ =	sdelay $0x1  }
0x3a: {  	v3 =	vperm.xlane v3, v2;
	_ =	sdelay $0x1  }
0x3b: {  	s17 =	simm.s32 $0x16080;
	v3 =	vadd.s32 v1, v3  }
0x3c: {  	[tilespmem:s17], [sflag:$0x1] =	stream.indirect_vreg.gather [hbm4b:s1+s3], $0x80, v4, vm0, $0xb8;
	[tilespmem:$0x1C080] =	vst v63  }
0x3d: {  	s18 =	simm.s32 $0x16880  }
0x3e: {  	[tilespmem:s18], [sflag:$0x1] =	stream.indirect_vreg.gather [hbm4b:s6+s3], $0x80, v4, vm0, $0xb8;
	[tilespmem:$0x1C080] =	vst v63  }
0x3f: {  	s19 =	simm.s32 $0x17080  }
0x40: {  	[tilespmem:s19], [sflag:$0x1] =	stream.indirect_vreg.gather [hbm4b:s1+s3], $0x80, v3, vm0, $0xb8;
	[tilespmem:$0x1C080] =	vst v63  }
0x41: {  	s20 =	simm.s32 $0x17880  }
0x42: {  	[tilespmem:s20], [sflag:$0x1] =	stream.indirect_vreg.gather [hbm4b:s6+s3], $0x80, v3, vm0, $0xb8;
	[tilespmem:$0x1C080] =	vst v63  }
0x43: {  	v3 =	vld [tilespmem:$0x20];
	_ =	sdelay $0x4  }
0x44: {  	v4 =	vshll.u32 v3, $0x2  }
0x45: {  	v3 =	vand.u32 $0x7, v3;
	v4 =	vand.u32 $0xFFFFFFE0, v4  }
0x46: {  	v3 =	vor.u32 v3, v4  }
0x47: {  	v4 =	vperm.xlane v3, v0;
	_ =	sdelay $0x1  }
0x48: {  	v4 =	vadd.s32 v1, v4;
	_ =	sdelay $0x1  }
0x49: {  	v3 =	vperm.xlane v3, v2;
	_ =	sdelay $0x1  }
0x4a: {  	s5 =	simm.s32 $0x18080;
	v3 =	vadd.s32 v1, v3  }
0x4b: {  	[tilespmem:s5], [sflag:$0x1] =	stream.indirect_vreg.gather [hbm4b:s1+s3], $0x80, v4, vm0, $0xb8;
	[tilespmem:$0x1C080] =	vst v63  }
0x4c: {  	s7 =	simm.s32 $0x18880  }
0x4d: {  	[tilespmem:s7], [sflag:$0x1] =	stream.indirect_vreg.gather [hbm4b:s6+s3], $0x80, v4, vm0, $0xb8;
	[tilespmem:$0x1C080] =	vst v63  }
0x4e: {  	s11 =	simm.s32 $0x19080  }
0x4f: {  	[tilespmem:s11], [sflag:$0x1] =	stream.indirect_vreg.gather [hbm4b:s1+s3], $0x80, v3, vm0, $0xb8;
	[tilespmem:$0x1C080] =	vst v63  }
0x50: {  	s17 =	simm.s32 $0x19880  }
0x51: {  	[tilespmem:s17], [sflag:$0x1] =	stream.indirect_vreg.gather [hbm4b:s6+s3], $0x80, v3, vm0, $0xb8;
	[tilespmem:$0x1C080] =	vst v63  }
0x52: {  	v3 =	vld [tilespmem:$0x30];
	_ =	sdelay $0x4  }
0x53: {  	v4 =	vshll.u32 v3, $0x2  }
0x54: {  	v3 =	vand.u32 $0x7, v3;
	v4 =	vand.u32 $0xFFFFFFE0, v4  }
0x55: {  	v3 =	vor.u32 v3, v4  }
0x56: {  	v4 =	vperm.xlane v3, v0;
	_ =	sdelay $0x1  }
0x57: {  	v4 =	vadd.s32 v1, v4;
	_ =	sdelay $0x1  }
0x58: {  	v3 =	vperm.xlane v3, v2;
	_ =	sdelay $0x1  }
0x59: {  	s18 =	simm.s32 $0x1A080;
	v3 =	vadd.s32 v1, v3  }
0x5a: {  	[tilespmem:s18], [sflag:$0x1] =	stream.indirect_vreg.gather [hbm4b:s1+s3], $0x80, v4, vm0, $0xb8;
	[tilespmem:$0x1C080] =	vst v63  }
0x5b: {  	s19 =	simm.s32 $0x1A880  }
0x5c: {  	[tilespmem:s19], [sflag:$0x1] =	stream.indirect_vreg.gather [hbm4b:s6+s3], $0x80, v4, vm0, $0xb8;
	[tilespmem:$0x1C080] =	vst v63  }
0x5d: {  	s20 =	simm.s32 $0x1B080  }
0x5e: {  	[tilespmem:s20], [sflag:$0x1] =	stream.indirect_vreg.gather [hbm4b:s1+s3], $0x80, v3, vm0, $0xb8;
	[tilespmem:$0x1C080] =	vst v63  }
0x5f: {  	s5 =	simm.s32 $0x1B880  }
0x60: {  	[tilespmem:s5], [sflag:$0x1] =	stream.indirect_vreg.gather [hbm4b:s6+s3], $0x80, v3, vm0, $0xb8;
	[tilespmem:$0x1C080] =	vst v63  }
0x61: {  	v3 =	vld [tilespmem:$0x80];
	_ =	sdelay $0x4  }
0x62: {  	v4 =	vshll.u32 v3, $0x2  }
0x63: {  	v3 =	vand.u32 $0x7, v3;
	v4 =	vand.u32 $0xFFFFFFE0, v4  }
0x64: {  	v3 =	vor.u32 v3, v4  }
0x65: {  	v4 =	vperm.xlane v3, v0;
	_ =	sdelay $0x1  }
0x66: {  	v4 =	vadd.s32 v1, v4;
	_ =	sdelay $0x1  }
0x67: {  	v3 =	vperm.xlane v3, v2;
	_ =	sdelay $0x1  }
0x68: {  	v3 =	vadd.s32 v1, v3  }
0x69: {  	[tilespmem:s28], [sflag:$0x2] =	stream.indirect_vreg.gather [hbm4b:s1+s3], $0x80, v4, vm0, $0xb8;
	[tilespmem:$0x1C080] =	vst v63  }
0x6a: {  	_ = 	snop  }
0x6b: {  	[tilespmem:s29], [sflag:$0x2] =	stream.indirect_vreg.gather [hbm4b:s6+s3], $0x80, v4, vm0, $0xb8;
	[tilespmem:$0x1C080] =	vst v63  }
0x6c: {  	_ = 	snop  }
0x6d: {  	[tilespmem:s30], [sflag:$0x2] =	stream.indirect_vreg.gather [hbm4b:s1+s3], $0x80, v3, vm0, $0xb8;
	[tilespmem:$0x1C080] =	vst v63  }
0x6e: {  	_ = 	snop  }
0x6f: {  	[tilespmem:s31], [sflag:$0x2] =	stream.indirect_vreg.gather [hbm4b:s6+s3], $0x80, v3, vm0, $0xb8;
	[tilespmem:$0x1C080] =	vst v63  }
0x70: {  	v3 =	vld [tilespmem:$0x90];
	_ =	sdelay $0x4  }
0x71: {  	v4 =	vshll.u32 v3, $0x2  }
0x72: {  	v3 =	vand.u32 $0x7, v3;
	v4 =	vand.u32 $0xFFFFFFE0, v4  }
0x73: {  	v3 =	vor.u32 v3, v4  }
0x74: {  	v4 =	vperm.xlane v3, v0;
	_ =	sdelay $0x1  }
0x75: {  	v4 =	vadd.s32 v1, v4;
	_ =	sdelay $0x1  }
0x76: {  	v3 =	vperm.xlane v3, v2;
	_ =	sdelay $0x1  }
0x77: {  	v3 =	vadd.s32 v1, v3  }
0x78: {  	[tilespmem:s0], [sflag:$0x2] =	stream.indirect_vreg.gather [hbm4b:s1+s3], $0x80, v4, vm0, $0xb8;
	[tilespmem:$0x1C080] =	vst v63  }
0x79: {  	_ = 	snop  }
0x7a: {  	[tilespmem:s2], [sflag:$0x2] =	stream.indirect_vreg.gather [hbm4b:s6+s3], $0x80, v4, vm0, $0xb8;
	[tilespmem:$0x1C080] =	vst v63  }
0x7b: {  	_ = 	snop  }
0x7c: {  	[tilespmem:s10], [sflag:$0x2] =	stream.indirect_vreg.gather [hbm4b:s1+s3], $0x80, v3, vm0, $0xb8;
	[tilespmem:$0x1C080] =	vst v63  }
0x7d: {  	_ = 	snop  }
0x7e: {  	[tilespmem:s12], [sflag:$0x2] =	stream.indirect_vreg.gather [hbm4b:s6+s3], $0x80, v3, vm0, $0xb8;
	[tilespmem:$0x1C080] =	vst v63  }
0x7f: {  	v3 =	vld [tilespmem:$0xA0];
	_ =	sdelay $0x4  }
0x80: {  	v4 =	vshll.u32 v3, $0x2  }
0x81: {  	v3 =	vand.u32 $0x7, v3;
	v4 =	vand.u32 $0xFFFFFFE0, v4  }
0x82: {  	v3 =	vor.u32 v3, v4  }
0x83: {  	v4 =	vperm.xlane v3, v0;
	_ =	sdelay $0x1  }
0x84: {  	v4 =	vadd.s32 v1, v4;
	_ =	sdelay $0x1  }
0x85: {  	v3 =	vperm.xlane v3, v2;
	_ =	sdelay $0x1  }
0x86: {  	v3 =	vadd.s32 v1, v3  }
0x87: {  	[tilespmem:s13], [sflag:$0x2] =	stream.indirect_vreg.gather [hbm4b:s1+s3], $0x80, v4, vm0, $0xb8;
	[tilespmem:$0x1C080] =	vst v63  }
0x88: {  	_ = 	snop  }
0x89: {  	[tilespmem:s14], [sflag:$0x2] =	stream.indirect_vreg.gather [hbm4b:s6+s3], $0x80, v4, vm0, $0xb8;
	[tilespmem:$0x1C080] =	vst v63  }
0x8a: {  	_ = 	snop  }
0x8b: {  	[tilespmem:s15], [sflag:$0x2] =	stream.indirect_vreg.gather [hbm4b:s1+s3], $0x80, v3, vm0, $0xb8;
	[tilespmem:$0x1C080] =	vst v63  }
0x8c: {  	_ = 	snop  }
0x8d: {  	[tilespmem:s16], [sflag:$0x2] =	stream.indirect_vreg.gather [hbm4b:s6+s3], $0x80, v3, vm0, $0xb8;
	[tilespmem:$0x1C080] =	vst v63  }
0x8e: {  	v3 =	vld [tilespmem:$0x100];
	_ =	sdelay $0x4  }
0x8f: {  	v4 =	vshll.u32 v3, $0x2  }
0x90: {  	v3 =	vand.u32 $0x7, v3;
	v4 =	vand.u32 $0xFFFFFFE0, v4  }
0x91: {  	v3 =	vor.u32 v3, v4  }
0x92: {  	v4 =	vperm.xlane v3, v0;
	_ =	sdelay $0x1  }
0x93: {  	v4 =	vadd.s32 v1, v4;
	_ =	sdelay $0x1  }
0x94: {  	v3 =	vperm.xlane v3, v2;
	_ =	sdelay $0x1  }
0x95: {  	s7 =	simm.s32 $0x8080;
	v3 =	vadd.s32 v1, v3  }
0x96: {  	[tilespmem:s7], [sflag:$0x3] =	stream.indirect_vreg.gather [hbm4b:s1+s3], $0x80, v4, vm0, $0xb8;
	[tilespmem:$0x1C080] =	vst v63  }
0x97: {  	s11 =	simm.s32 $0x8880  }
0x98: {  	[tilespmem:s11], [sflag:$0x3] =	stream.indirect_vreg.gather [hbm4b:s6+s3], $0x80, v4, vm0, $0xb8;
	[tilespmem:$0x1C080] =	vst v63  }
0x99: {  	s17 =	simm.s32 $0x9080  }
0x9a: {  	[tilespmem:s17], [sflag:$0x3] =	stream.indirect_vreg.gather [hbm4b:s1+s3], $0x80, v3, vm0, $0xb8;
	[tilespmem:$0x1C080] =	vst v63  }
0x9b: {  	s18 =	simm.s32 $0x9880  }
0x9c: {  	[tilespmem:s18], [sflag:$0x3] =	stream.indirect_vreg.gather [hbm4b:s6+s3], $0x80, v3, vm0, $0xb8;
	[tilespmem:$0x1C080] =	vst v63  }
0x9d: {  	v3 =	vld [tilespmem:$0x110];
	_ =	sdelay $0x4  }
0x9e: {  	v4 =	vshll.u32 v3, $0x2  }
0x9f: {  	v3 =	vand.u32 $0x7, v3;
	v4 =	vand.u32 $0xFFFFFFE0, v4  }
0xa0: {  	v3 =	vor.u32 v3, v4  }
0xa1: {  	v4 =	vperm.xlane v3, v0;
	_ =	sdelay $0x1  }
0xa2: {  	v4 =	vadd.s32 v1, v4;
	_ =	sdelay $0x1  }
0xa3: {  	v3 =	vperm.xlane v3, v2;
	_ =	sdelay $0x1  }
0xa4: {  	s19 =	simm.s32 $0xA080;
	v3 =	vadd.s32 v1, v3  }
0xa5: {  	[tilespmem:s19], [sflag:$0x3] =	stream.indirect_vreg.gather [hbm4b:s1+s3], $0x80, v4, vm0, $0xb8;
	[tilespmem:$0x1C080] =	vst v63  }
0xa6: {  	s20 =	simm.s32 $0xA880  }
0xa7: {  	[tilespmem:s20], [sflag:$0x3] =	stream.indirect_vreg.gather [hbm4b:s6+s3], $0x80, v4, vm0, $0xb8;
	[tilespmem:$0x1C080] =	vst v63  }
0xa8: {  	s5 =	simm.s32 $0xB080  }
0xa9: {  	[tilespmem:s5], [sflag:$0x3] =	stream.indirect_vreg.gather [hbm4b:s1+s3], $0x80, v3, vm0, $0xb8;
	[tilespmem:$0x1C080] =	vst v63  }
0xaa: {  	s7 =	simm.s32 $0xB880  }
0xab: {  	[tilespmem:s7], [sflag:$0x3] =	stream.indirect_vreg.gather [hbm4b:s6+s3], $0x80, v3, vm0, $0xb8;
	[tilespmem:$0x1C080] =	vst v63  }
0xac: {  	v3 =	vld [tilespmem:$0x120];
	_ =	sdelay $0x4  }
0xad: {  	v4 =	vshll.u32 v3, $0x2  }
0xae: {  	v3 =	vand.u32 $0x7, v3;
	v4 =	vand.u32 $0xFFFFFFE0, v4  }
0xaf: {  	v3 =	vor.u32 v3, v4  }
0xb0: {  	v4 =	vperm.xlane v3, v0;
	_ =	sdelay $0x1  }
0xb1: {  	v4 =	vadd.s32 v1, v4;
	_ =	sdelay $0x1  }
0xb2: {  	v3 =	vperm.xlane v3, v2;
	_ =	sdelay $0x1  }
0xb3: {  	s11 =	simm.s32 $0xC080;
	v3 =	vadd.s32 v1, v3  }
0xb4: {  	[tilespmem:s11], [sflag:$0x3] =	stream.indirect_vreg.gather [hbm4b:s1+s3], $0x80, v4, vm0, $0xb8;
	[tilespmem:$0x1C080] =	vst v63  }
0xb5: {  	s17 =	simm.s32 $0xC880  }
0xb6: {  	[tilespmem:s17], [sflag:$0x3] =	stream.indirect_vreg.gather [hbm4b:s6+s3], $0x80, v4, vm0, $0xb8;
	[tilespmem:$0x1C080] =	vst v63  }
0xb7: {  	s18 =	simm.s32 $0xD080  }
0xb8: {  	[tilespmem:s18], [sflag:$0x3] =	stream.indirect_vreg.gather [hbm4b:s1+s3], $0x80, v3, vm0, $0xb8;
	[tilespmem:$0x1C080] =	vst v63  }
0xb9: {  	s19 =	simm.s32 $0xD880  }
0xba: {  	[tilespmem:s19], [sflag:$0x3] =	stream.indirect_vreg.gather [hbm4b:s6+s3], $0x80, v3, vm0, $0xb8;
	[tilespmem:$0x1C080] =	vst v63  }
0xbb: {  	v3 =	vld [tilespmem:$0x180];
	_ =	sdelay $0x4  }
0xbc: {  	v4 =	vshll.u32 v3, $0x2  }
0xbd: {  	v3 =	vand.u32 $0x7, v3;
	v4 =	vand.u32 $0xFFFFFFE0, v4  }
0xbe: {  	v3 =	vor.u32 v3, v4  }
0xbf: {  	v4 =	vperm.xlane v3, v0;
	_ =	sdelay $0x1  }
0xc0: {  	v4 =	vadd.s32 v1, v4;
	_ =	sdelay $0x1  }
0xc1: {  	v3 =	vperm.xlane v3, v2;
	_ =	sdelay $0x1  }
0xc2: {  	s20 =	simm.s32 $0xE080;
	v3 =	vadd.s32 v1, v3  }
0xc3: {  	[tilespmem:s20], [sflag:$0x4] =	stream.indirect_vreg.gather [hbm4b:s1+s3], $0x80, v4, vm0, $0xb8;
	[tilespmem:$0x1C080] =	vst v63  }
0xc4: {  	s5 =	simm.s32 $0xE880  }
0xc5: {  	[tilespmem:s5], [sflag:$0x4] =	stream.indirect_vreg.gather [hbm4b:s6+s3], $0x80, v4, vm0, $0xb8;
	[tilespmem:$0x1C080] =	vst v63  }
0xc6: {  	s7 =	simm.s32 $0xF080  }
0xc7: {  	[tilespmem:s7], [sflag:$0x4] =	stream.indirect_vreg.gather [hbm4b:s1+s3], $0x80, v3, vm0, $0xb8;
	[tilespmem:$0x1C080] =	vst v63  }
0xc8: {  	s11 =	simm.s32 $0xF880  }
0xc9: {  	[tilespmem:s11], [sflag:$0x4] =	stream.indirect_vreg.gather [hbm4b:s6+s3], $0x80, v3, vm0, $0xb8;
	[tilespmem:$0x1C080] =	vst v63  }
0xca: {  	v3 =	vld [tilespmem:$0x190];
	_ =	sdelay $0x4  }
0xcb: {  	v4 =	vshll.u32 v3, $0x2  }
0xcc: {  	v3 =	vand.u32 $0x7, v3;
	v4 =	vand.u32 $0xFFFFFFE0, v4  }
0xcd: {  	v3 =	vor.u32 v3, v4  }
0xce: {  	v4 =	vperm.xlane v3, v0;
	_ =	sdelay $0x1  }
0xcf: {  	v4 =	vadd.s32 v1, v4;
	_ =	sdelay $0x1  }
0xd0: {  	v3 =	vperm.xlane v3, v2;
	_ =	sdelay $0x1  }
0xd1: {  	s17 =	simm.s32 $0x10080;
	v3 =	vadd.s32 v1, v3  }
0xd2: {  	[tilespmem:s17], [sflag:$0x4] =	stream.indirect_vreg.gather [hbm4b:s1+s3], $0x80, v4, vm0, $0xb8;
	[tilespmem:$0x1C080] =	vst v63  }
0xd3: {  	s18 =	simm.s32 $0x10880  }
0xd4: {  	[tilespmem:s18], [sflag:$0x4] =	stream.indirect_vreg.gather [hbm4b:s6+s3], $0x80, v4, vm0, $0xb8;
	[tilespmem:$0x1C080] =	vst v63  }
0xd5: {  	s19 =	simm.s32 $0x11080  }
0xd6: {  	[tilespmem:s19], [sflag:$0x4] =	stream.indirect_vreg.gather [hbm4b:s1+s3], $0x80, v3, vm0, $0xb8;
	[tilespmem:$0x1C080] =	vst v63  }
0xd7: {  	s20 =	simm.s32 $0x11880  }
0xd8: {  	[tilespmem:s20], [sflag:$0x4] =	stream.indirect_vreg.gather [hbm4b:s6+s3], $0x80, v3, vm0, $0xb8;
	[tilespmem:$0x1C080] =	vst v63  }
0xd9: {  	v3 =	vld [tilespmem:$0x1A0];
	_ =	sdelay $0x4  }
0xda: {  	v4 =	vshll.u32 v3, $0x2  }
0xdb: {  	v3 =	vand.u32 $0x7, v3;
	v4 =	vand.u32 $0xFFFFFFE0, v4  }
0xdc: {  	v3 =	vor.u32 v3, v4  }
0xdd: {  	v4 =	vperm.xlane v3, v0;
	_ =	sdelay $0x1  }
0xde: {  	v4 =	vadd.s32 v1, v4;
	_ =	sdelay $0x1  }
0xdf: {  	v3 =	vperm.xlane v3, v2;
	_ =	sdelay $0x1  }
0xe0: {  	s5 =	simm.s32 $0x12080;
	v3 =	vadd.s32 v1, v3  }
0xe1: {  	[tilespmem:s5], [sflag:$0x4] =	stream.indirect_vreg.gather [hbm4b:s1+s3], $0x80, v4, vm0, $0xb8;
	[tilespmem:$0x1C080] =	vst v63  }
0xe2: {  	s7 =	simm.s32 $0x12880  }
0xe3: {  	[tilespmem:s7], [sflag:$0x4] =	stream.indirect_vreg.gather [hbm4b:s6+s3], $0x80, v4, vm0, $0xb8;
	[tilespmem:$0x1C080] =	vst v63  }
0xe4: {  	s11 =	simm.s32 $0x13080  }
0xe5: {  	[tilespmem:s11], [sflag:$0x4] =	stream.indirect_vreg.gather [hbm4b:s1+s3], $0x80, v3, vm0, $0xb8;
	[tilespmem:$0x1C080] =	vst v63  }
0xe6: {  	s17 =	simm.s32 $0x13880  }
0xe7: {  	[tilespmem:s17], [sflag:$0x4] =	stream.indirect_vreg.gather [hbm4b:s6+s3], $0x80, v3, vm0, $0xb8;
	[tilespmem:$0x1C080] =	vst v63  }
0xe8: {  	_ =	swait.ge [sflag:s21], $0x8000  }
0xe9: {  	[sflag:s21] =	ssyncset.done $0x0  }
0xea: {  	[sflag:s21] =	ssyncadd.s32 $0xFFFF8000  }
0xeb: {  	_ =	swait.ge [sflag:s22], $0x6000  }
0xec: {  	s18 =	sand.u32 $0x7000, s3;
	s19 =	sand.u32 $0x380, s3;
	[sflag:s22] =	ssyncset.done $0x0  }
0xed: {  	s17 =	sor.u32 s19, s18;
	[sflag:s22] =	ssyncadd.s32 $0xFFFFA000  }
0xee: {  	v3 =	vld [tilespmem:s17+$0x2CF0]  }
0xef: {  	v4 =	vld [tilespmem:s17+$0x2080]  }
0xf0: {  	v5 =	vld [tilespmem:s17+$0x2090]  }
0xf1: {  	v6 =	vld [tilespmem:s17+$0x20A0]  }
0xf2: {  	v7 =	vld [tilespmem:s17+$0x20B0]  }
0xf3: {  	v8 =	vld [tilespmem:s17+$0x20C0]  }
0xf4: {  	v9 =	vld [tilespmem:s17+$0x20D0]  }
0xf5: {  	v10 =	vld [tilespmem:s17+$0x20E0]  }
0xf6: {  	v11 =	vld [tilespmem:s17+$0x20F0]  }
0xf7: {  	v12 =	vld [tilespmem:s17+$0x2480]  }
0xf8: {  	v13 =	vld [tilespmem:s17+$0x2490]  }
0xf9: {  	v14 =	vld [tilespmem:s17+$0x24A0]  }
0xfa: {  	v15 =	vld [tilespmem:s17+$0x24B0]  }
0xfb: {  	v30 =	vld [tilespmem:s17+$0x24C0]  }
0xfc: {  	v31 =	vld [tilespmem:s17+$0x24D0]  }
0xfd: {  	v32 =	vld [tilespmem:s17+$0x24E0]  }
0xfe: {  	v33 =	vld [tilespmem:s17+$0x24F0]  }
0xff: {  	v29 =	vimm.f32 $0.0e+00;
	v34 =	vld [tilespmem:s17+$0x28D0]  }
0x100: {  	v37 =	vld [tilespmem:s17+$0x28E0];
	v20 =	vadd.f32 v3, v29;
	v25 =	vadd.f32 v4, v29  }
0x101: {  	v3 =	vld [tilespmem:s17+$0x2880];
	v21 =	vadd.f32 v5, v29;
	v26 =	vadd.f32 v6, v29  }
0x102: {  	v4 =	vld [tilespmem:s17+$0x2890];
	v22 =	vadd.f32 v7, v29;
	v27 =	vadd.f32 v8, v29  }
0x103: {  	v5 =	vld [tilespmem:s17+$0x28A0];
	v23 =	vadd.f32 v9, v29;
	v28 =	vadd.f32 v10, v29  }
0x104: {  	v6 =	vld [tilespmem:s17+$0x28B0];
	v19 =	vadd.f32 v11, v29;
	v24 =	vadd.f32 v12, v29  }
0x105: {  	v7 =	vld [tilespmem:s17+$0x28C0];
	v18 =	vadd.f32 v13, v29;
	v17 =	vadd.f32 v14, v29  }
0x106: {  	v16 =	vadd.f32 v15, v29;
	v15 =	vadd.f32 v30, v29;
	v30 =	vld [tilespmem:s17+$0x28F0]  }
0x107: {  	v14 =	vadd.f32 v31, v29;
	v13 =	vadd.f32 v32, v29;
	v31 =	vld [tilespmem:s17+$0x2C80]  }
0x108: {  	v12 =	vadd.f32 v33, v29;
	v11 =	vadd.f32 v3, v29  }
0x109: {  	v35 =	vld [tilespmem:s17+$0x2C90];
	v10 =	vadd.f32 v4, v29;
	v9 =	vadd.f32 v5, v29  }
0x10a: {  	v36 =	vld [tilespmem:s17+$0x2CA0];
	v8 =	vadd.f32 v6, v29;
	v7 =	vadd.f32 v7, v29  }
0x10b: {  	v32 =	vimm.f32 $0.0e+00;
	v6 =	vadd.f32 v34, v29;
	v5 =	vadd.f32 v37, v29;
	v37 =	vld [tilespmem:s17+$0x2CB0]  }
0x10c: {  	s20 =	simm.s32 $0x200;
	s18 =	simm.s32 $0x80;
	v38 =	vld [tilespmem:s17+$0x2CC0];
	v33 =	vimm.f32 $0.0e+00;
	v4 =	vadd.f32 v30, v29;
	v3 =	vadd.f32 v31, v29  }
0x10d: {  	s4 =	sand.u32 $0x7000, s20;
	s11 =	simm.s32 $0x400;
	s5 =	sand.u32 $0x380, s18;
	v39 =	vld [tilespmem:s17+$0x2CD0];
	v31 =	vimm.f32 $0.0e+00;
	v30 =	vimm.f32 $0.0e+00;
	v34 =	vimm.f32 $0.0e+00  }
.LBB2_2:
0x10e: {  	p0 =	sne.s32 s11, $0x5E00;
	v29 =	vadd.f32 v35, v29;
	v35 =	vld [tilespmem:s17+$0x2CE0];
	s17 =	sor.u32 s5, s4  }
0x10f: {  	v40 =	vld [tilespmem:s17+$0x2CF0];
	v31 =	vadd.f32 v36, v31  }
0x110: {  	v36 =	vld [tilespmem:s17+$0x2080];
	v30 =	vadd.f32 v37, v30  }
0x111: {  	v37 =	vld [tilespmem:s17+$0x2090];
	v34 =	vadd.f32 v38, v34  }
0x112: {  	v38 =	vld [tilespmem:s17+$0x20A0];
	v32 =	vadd.f32 v39, v32  }
0x113: {  	v39 =	vld [tilespmem:s17+$0x20B0];
	v33 =	vadd.f32 v35, v33  }
0x114: {  	v35 =	vld [tilespmem:s17+$0x20C0];
	v20 =	vadd.f32 v40, v20  }
0x115: {  	v25 =	vadd.f32 v36, v25;
	v36 =	vld [tilespmem:s17+$0x20D0]  }
0x116: {  	v21 =	vadd.f32 v37, v21;
	v37 =	vld [tilespmem:s17+$0x20E0]  }
0x117: {  	v26 =	vadd.f32 v38, v26;
	v38 =	vld [tilespmem:s17+$0x20F0]  }
0x118: {  	v22 =	vadd.f32 v39, v22;
	v39 =	vld [tilespmem:s17+$0x2480]  }
0x119: {  	v27 =	vadd.f32 v35, v27;
	v35 =	vld [tilespmem:s17+$0x2490]  }
0x11a: {  	v23 =	vadd.f32 v36, v23;
	v36 =	vld [tilespmem:s17+$0x24A0]  }
0x11b: {  	v28 =	vadd.f32 v37, v28;
	v37 =	vld [tilespmem:s17+$0x24B0]  }
0x11c: {  	v19 =	vadd.f32 v38, v19;
	v38 =	vld [tilespmem:s17+$0x24C0]  }
0x11d: {  	v24 =	vadd.f32 v39, v24;
	v39 =	vld [tilespmem:s17+$0x24D0]  }
0x11e: {  	v18 =	vadd.f32 v35, v18;
	v35 =	vld [tilespmem:s17+$0x24E0]  }
0x11f: {  	v17 =	vadd.f32 v36, v17;
	v36 =	vld [tilespmem:s17+$0x24F0]  }
0x120: {  	v16 =	vadd.f32 v37, v16;
	v37 =	vld [tilespmem:s17+$0x2880]  }
0x121: {  	v15 =	vadd.f32 v38, v15;
	v38 =	vld [tilespmem:s17+$0x2890]  }
0x122: {  	v14 =	vadd.f32 v39, v14;
	v39 =	vld [tilespmem:s17+$0x28A0]  }
0x123: {  	v13 =	vadd.f32 v35, v13;
	v35 =	vld [tilespmem:s17+$0x28B0]  }
0x124: {  	v12 =	vadd.f32 v36, v12;
	v36 =	vld [tilespmem:s17+$0x28C0]  }
0x125: {  	v11 =	vadd.f32 v37, v11;
	v37 =	vld [tilespmem:s17+$0x28D0]  }
0x126: {  	v10 =	vadd.f32 v38, v10;
	v38 =	vld [tilespmem:s17+$0x28E0]  }
0x127: {  	v9 =	vadd.f32 v39, v9;
	v39 =	vld [tilespmem:s17+$0x28F0]  }
0x128: {  	v8 =	vadd.f32 v35, v8;
	v40 =	vld [tilespmem:s17+$0x2C80]  }
.Ltmp2:
0x129: {  	v7 =	vadd.f32 v36, v7;
	v35 =	vld [tilespmem:s17+$0x2C90];
	(pc) =	sbr.rel @p0 .LBB2_2-.Ltmp2, $4  }
0x12a: {  	v6 =	vadd.f32 v37, v6;
	v36 =	vld [tilespmem:s17+$0x2CA0]  }
0x12b: {  	v5 =	vadd.f32 v38, v5;
	v37 =	vld [tilespmem:s17+$0x2CB0]  }
0x12c: {  	s18 =	sadd.s32 $0x80, s18;
	v4 =	vadd.f32 v39, v4;
	v38 =	vld [tilespmem:s17+$0x2CC0]  }
0x12d: {  	s4 =	sand.u32 $0x7000, s11;
	s11 =	sadd.s32 $0x200, s11;
	s5 =	sand.u32 $0x380, s18;
	v3 =	vadd.f32 v40, v3;
	v39 =	vld [tilespmem:s17+$0x2CD0]  }
0x12e: {  	s4 =	sor.u32 s5, s4;
	v40 =	vld [tilespmem:s17+$0x2CE0]  }
0x12f: {  	v41 =	vld [tilespmem:s4+$0x2CF0]  }
0x130: {  	v42 =	vld [tilespmem:s4+$0x2080]  }
0x131: {  	v43 =	vld [tilespmem:s4+$0x2090]  }
0x132: {  	v44 =	vld [tilespmem:s4+$0x20A0]  }
0x133: {  	v45 =	vld [tilespmem:s4+$0x20B0]  }
0x134: {  	v46 =	vld [tilespmem:s4+$0x20C0]  }
0x135: {  	v47 =	vld [tilespmem:s4+$0x20D0]  }
0x136: {  	v48 =	vld [tilespmem:s4+$0x20E0]  }
0x137: {  	v49 =	vld [tilespmem:s4+$0x20F0]  }
0x138: {  	v50 =	vld [tilespmem:s4+$0x2480]  }
0x139: {  	v51 =	vld [tilespmem:s4+$0x2490]  }
0x13a: {  	v52 =	vld [tilespmem:s4+$0x24A0]  }
0x13b: {  	v53 =	vld [tilespmem:s4+$0x24B0]  }
0x13c: {  	v54 =	vld [tilespmem:s4+$0x24C0]  }
0x13d: {  	v55 =	vld [tilespmem:s4+$0x24D0]  }
0x13e: {  	v56 =	vld [tilespmem:s4+$0x24E0]  }
0x13f: {  	v57 =	vld [tilespmem:s4+$0x24F0]  }
0x140: {  	v58 =	vld [tilespmem:s4+$0x2880]  }
0x141: {  	v59 =	vld [tilespmem:s4+$0x2890]  }
0x142: {  	v60 =	vld [tilespmem:s4+$0x28A0]  }
0x143: {  	v61 =	vld [tilespmem:s4+$0x28B0]  }
0x144: {  	v62 =	vld [tilespmem:s4+$0x28C0]  }
0x145: {  	v0 =	vld [tilespmem:s4+$0x28E0]  }
0x146: {  	v63 =	vld [tilespmem:s4+$0x28D0]  }
0x147: {  	v2 =	vld [tilespmem:s4+$0x2CB0]  }
0x148: {  	v1 =	vld [tilespmem:s4+$0x2CC0]  }
0x149: {  	v35 =	vadd.f32 v35, v29;
	v29 =	vld [tilespmem:s4+$0x2CE0]  }
0x14a: {  	[tilespmem:$0x1FF80] =	vst v0;
	v0 =	vld [tilespmem:s4+$0x28F0]  }
0x14b: {  	v31 =	vadd.f32 v36, v31;
	v36 =	vld [tilespmem:$0x14080]  }
0x14c: {  	v30 =	vadd.f32 v37, v30;
	v37 =	vld [tilespmem:$0x14090]  }
0x14d: {  	v34 =	vadd.f32 v38, v34;
	v38 =	vld [tilespmem:$0x140A0]  }
0x14e: {  	v32 =	vadd.f32 v39, v32;
	v39 =	vld [tilespmem:$0x140B0]  }
0x14f: {  	[tilespmem:$0x1FF90] =	vst v0;
	v0 =	vld [tilespmem:s4+$0x2C80]  }
0x150: {  	v27 =	vadd.f32 v46, v27;
	v46 =	vld [tilespmem:$0x140C0]  }
0x151: {  	v28 =	vadd.f32 v48, v28;
	v48 =	vld [tilespmem:$0x140D0]  }
0x152: {  	v24 =	vadd.f32 v50, v24;
	v50 =	vld [tilespmem:$0x140E0]  }
0x153: {  	v16 =	vadd.f32 v53, v16;
	v53 =	vld [tilespmem:$0x14490]  }
0x154: {  	[tilespmem:$0x1FFA0] =	vst v0;
	v0 =	vld [tilespmem:s4+$0x2C90]  }
0x155: {  	v21 =	vadd.f32 v43, v21;
	v43 =	vld [tilespmem:$0x144A0]  }
0x156: {  	v15 =	vadd.f32 v54, v15;
	v54 =	vld [tilespmem:$0x14890]  }
0x157: {  	v14 =	vadd.f32 v55, v14;
	v55 =	vld [tilespmem:$0x148A0]  }
0x158: {  	v13 =	vadd.f32 v56, v13;
	v56 =	vld [tilespmem:$0x148B0]  }
0x159: {  	v25 =	vadd.f32 v42, v25;
	[tilespmem:$0x1FFB0] =	vst v0;
	v0 =	vld [tilespmem:s4+$0x2CA0]  }
0x15a: {  	v11 =	vadd.f32 v58, v11;
	v58 =	vld [tilespmem:$0x148C0]  }
0x15b: {  	v26 =	vadd.f32 v44, v26;
	v9 =	vadd.f32 v60, v9;
	v60 =	vld [tilespmem:$0x148D0];
	v25 =	vmul.f32 $6.250000000e-02, v25  }
0x15c: {  	v22 =	vadd.f32 v45, v22;
	v7 =	vadd.f32 v62, v7;
	v62 =	vld [tilespmem:$0x148E0];
	v21 =	vmul.f32 $6.250000000e-02, v21  }
0x15d: {  	v23 =	vadd.f32 v47, v23;
	v42 =	vld [tilespmem:$0x14CD0];
	v26 =	vmul.f32 $6.250000000e-02, v26;
	v25 =	vadd.f32 v36, v25  }
0x15e: {  	v18 =	vadd.f32 v51, v18;
	v22 =	vmul.f32 $6.250000000e-02, v22;
	v36 =	vld [tilespmem:$0x140F0];
	v21 =	vadd.f32 v37, v21;
	[tilespmem:$0x1FFC0] =	vst v0  }
0x15f: {  	v17 =	vadd.f32 v52, v17;
	v52 =	vmul.f32 $6.250000000e-02, v27;
	v51 =	vadd.f32 v38, v26;
	v0 =	vld [tilespmem:s4+$0x2CD0];
	[tilespmem:$0x14080] =	vst v25  }
0x160: {  	v19 =	vadd.f32 v49, v19;
	v37 =	vld [tilespmem:$0x14480];
	v38 =	vadd.f32 v39, v22;
	v39 =	vmul.f32 $6.250000000e-02, v23;
	[tilespmem:$0x14090] =	vst v21  }
0x161: {  	v12 =	vadd.f32 v57, v12;
	v57 =	vld [tilespmem:$0x1FF80];
	v45 =	vmul.f32 $6.250000000e-02, v28;
	v44 =	vadd.f32 v46, v52;
	[tilespmem:$0x140A0] =	vst v51  }
0x162: {  	v19 =	vmul.f32 $6.250000000e-02, v19;
	v28 =	vld [tilespmem:$0x14C90];
	v47 =	vadd.f32 v48, v39;
	[tilespmem:$0x140B0] =	vst v38  }
0x163: {  	v24 =	vmul.f32 $6.250000000e-02, v24;
	v46 =	vld [tilespmem:$0x144B0];
	v49 =	vadd.f32 v50, v45;
	[tilespmem:$0x140C0] =	vst v44  }
0x164: {  	v18 =	vmul.f32 $6.250000000e-02, v18;
	v48 =	vld [tilespmem:$0x144C0];
	v19 =	vadd.f32 v36, v19;
	[tilespmem:$0x140D0] =	vst v47  }
0x165: {  	v33 =	vadd.f32 v40, v33;
	v17 =	vmul.f32 $6.250000000e-02, v17;
	v50 =	vld [tilespmem:$0x144D0];
	v24 =	vadd.f32 v37, v24;
	[tilespmem:$0x140E0] =	vst v49  }
0x166: {  	v20 =	vadd.f32 v41, v20;
	v16 =	vmul.f32 $6.250000000e-02, v16;
	v52 =	vld [tilespmem:$0x144F0];
	v18 =	vadd.f32 v53, v18;
	[tilespmem:$0x140F0] =	vst v19  }
0x167: {  	v10 =	vadd.f32 v59, v10;
	v15 =	vmul.f32 $6.250000000e-02, v15;
	v53 =	vld [tilespmem:$0x14880];
	v17 =	vadd.f32 v43, v17;
	[tilespmem:$0x14480] =	vst v24  }
0x168: {  	v8 =	vadd.f32 v61, v8;
	v14 =	vmul.f32 $6.250000000e-02, v14;
	v26 =	vld [tilespmem:$0x14C80];
	v16 =	vadd.f32 v46, v16;
	[tilespmem:$0x14490] =	vst v18  }
0x169: {  	v6 =	vadd.f32 v63, v6;
	v12 =	vmul.f32 $6.250000000e-02, v12;
	v45 =	vld [tilespmem:$0x14CE0];
	v15 =	vadd.f32 v48, v15;
	[tilespmem:$0x144A0] =	vst v17  }
0x16a: {  	v11 =	vmul.f32 $6.250000000e-02, v11;
	v9 =	vmul.f32 $6.250000000e-02, v9;
	v14 =	vadd.f32 v50, v14;
	v61 =	vld [tilespmem:$0x1FFA0];
	[tilespmem:$0x144B0] =	vst v16  }
0x16b: {  	v10 =	vmul.f32 $6.250000000e-02, v10;
	v27 =	vadd.f32 v2, v30;
	v12 =	vadd.f32 v52, v12;
	[tilespmem:$0x144C0] =	vst v15;
	v25 =	vld [tilespmem:$0x1FFC0]  }
0x16c: {  	v8 =	vmul.f32 $6.250000000e-02, v8;
	v9 =	vadd.f32 v55, v9;
	v55 =	vld [tilespmem:$0x1FFE0];
	v11 =	vadd.f32 v53, v11;
	[tilespmem:$0x144D0] =	vst v14  }
0x16d: {  	v7 =	vmul.f32 $6.250000000e-02, v7;
	v30 =	vadd.f32 v1, v34;
	v10 =	vadd.f32 v54, v10;
	v59 =	vld [tilespmem:$0x1FF90];
	[tilespmem:$0x144F0] =	vst v12  }
0x16e: {  	v8 =	vadd.f32 v56, v8;
	v5 =	vadd.f32 v57, v5;
	v63 =	vld [tilespmem:$0x1FFB0];
	[tilespmem:$0x14880] =	vst v11  }
0x16f: {  	v6 =	vmul.f32 $6.250000000e-02, v6;
	v7 =	vadd.f32 v58, v7;
	v36 =	vadd.f32 v29, v33;
	v48 =	vld [tilespmem:$0x14CF0];
	[tilespmem:$0x14890] =	vst v10  }
0x170: {  	v5 =	vmul.f32 $6.250000000e-02, v5;
	v3 =	vadd.f32 v61, v3;
	[tilespmem:$0x148A0] =	vst v9;
	v19 =	vadd.f32 v25, v31;
	v31 =	vld [tilespmem:$0x200]  }
0x171: {  	v6 =	vadd.f32 v60, v6;
	v54 =	vmul.f32 $6.250000000e-02, v20;
	v52 =	vmul.f32 $6.250000000e-02, v36;
	v51 =	vld [tilespmem:$0x144E0];
	[tilespmem:$0x148B0] =	vst v8  }
0x172: {  	v5 =	vadd.f32 v62, v5;
	v4 =	vadd.f32 v59, v4;
	v3 =	vmul.f32 $6.250000000e-02, v3;
	v24 =	vld [tilespmem:$0x148F0];
	[tilespmem:$0x148C0] =	vst v7  }
0x173: {  	v13 =	vmul.f32 $6.250000000e-02, v13;
	v50 =	vld [tilespmem:$0x1FFD0];
	v57 =	vadd.f32 v45, v52;
	[tilespmem:$0x148D0] =	vst v6;
	v21 =	vadd.f32 v63, v35  }
0x174: {  	v39 =	vld [tilespmem:$0x14CC0];
	v4 =	vmul.f32 $6.250000000e-02, v4;
	v58 =	vadd.f32 v48, v54;
	v3 =	vadd.f32 v26, v3;
	[tilespmem:$0x148E0] =	vst v5  }
0x175: {  	v38 =	vld [tilespmem:$0x14CB0];
	v47 =	vmul.f32 $6.250000000e-02, v30;
	[tilespmem:$0x14CE0] =	vst v57;
	v37 =	vmul.f32 $6.250000000e-02, v21;
	v43 =	vshll.u32 v31, $0x2  }
0x176: {  	v59 =	vld [tilespmem:$0x1FFF0];
	[tilespmem:$0x14CF0] =	vst v58;
	v13 =	vadd.f32 v51, v13;
	v10 =	vand.u32 $0x7, v31;
	v12 =	vand.u32 $0xFFFFFFE0, v43  }
0x177: {  	v35 =	vld [tilespmem:$0x14CA0];
	[tilespmem:$0x14C80] =	vst v3;
	v34 =	vadd.f32 v0, v32;
	v4 =	vadd.f32 v24, v4;
	v10 =	vor.u32 v10, v12  }
0x178: {  	v44 =	vmul.f32 $6.250000000e-02, v27;
	v40 =	vadd.f32 v28, v37;
	[tilespmem:$0x144E0] =	vst v13;
	v12 =	vperm.xlane v10, v50  }
0x179: {  	v51 =	vadd.f32 v39, v47;
	[tilespmem:$0x148F0] =	vst v4;
	v49 =	vmul.f32 $6.250000000e-02, v34  }
0x17a: {  	[tilespmem:$0x14C90] =	vst v40;
	v4 =	vadd.f32 v38, v44;
	v41 =	vmul.f32 $6.250000000e-02, v19;
	v56 =	vadd.s32 v55, v12  }
0x17b: {  	[tilespmem:$0x14CC0] =	vst v51;
	v53 =	vadd.f32 v42, v49  }
0x17c: {  	[tilespmem:$0x14CB0] =	vst v4;
	v46 =	vadd.f32 v35, v41;
	v60 =	vperm.xlane v10, v59  }
0x17d: {  	[tilespmem:$0x14CD0] =	vst v53  }
0x17e: {  	[tilespmem:$0x14CA0] =	vst v46;
	v61 =	vadd.s32 v55, v60  }
0x17f: {  	[tilespmem:s28], [sflag:$0x2] =	stream.indirect_vreg.gather [hbm4b:s1+s26], $0x80, v56, vm0, $0xb8;
	[tilespmem:$0x1C080] =	vst v63  }
0x180: {  	_ = 	snop  }
0x181: {  	[tilespmem:s29], [sflag:$0x2] =	stream.indirect_vreg.gather [hbm4b:s6+s26], $0x80, v56, vm0, $0xb8;
	[tilespmem:$0x1C080] =	vst v63  }
0x182: {  	_ = 	snop  }
0x183: {  	[tilespmem:s30], [sflag:$0x2] =	stream.indirect_vreg.gather [hbm4b:s1+s26], $0x80, v61, vm0, $0xb8;
	[tilespmem:$0x1C080] =	vst v63  }
0x184: {  	_ = 	snop  }
0x185: {  	[tilespmem:s31], [sflag:$0x2] =	stream.indirect_vreg.gather [hbm4b:s6+s26], $0x80, v61, vm0, $0xb8;
	[tilespmem:$0x1C080] =	vst v63  }
0x186: {  	v3 =	vld [tilespmem:$0x210];
	_ =	sdelay $0x4  }
0x187: {  	v62 =	vshll.u32 v3, $0x2  }
0x188: {  	v3 =	vand.u32 $0x7, v3;
	v4 =	vand.u32 $0xFFFFFFE0, v62  }
0x189: {  	v3 =	vor.u32 v3, v4  }
0x18a: {  	v4 =	vperm.xlane v3, v50;
	_ =	sdelay $0x1  }
0x18b: {  	v4 =	vadd.s32 v55, v4;
	_ =	sdelay $0x1  }
0x18c: {  	v3 =	vperm.xlane v3, v59;
	_ =	sdelay $0x1  }
0x18d: {  	v3 =	vadd.s32 v55, v3  }
0x18e: {  	[tilespmem:s0], [sflag:$0x2] =	stream.indirect_vreg.gather [hbm4b:s1+s26], $0x80, v4, vm0, $0xb8;
	[tilespmem:$0x1C080] =	vst v63  }
0x18f: {  	_ = 	snop  }
0x190: {  	[tilespmem:s2], [sflag:$0x2] =	stream.indirect_vreg.gather [hbm4b:s6+s26], $0x80, v4, vm0, $0xb8;
	[tilespmem:$0x1C080] =	vst v63  }
0x191: {  	_ = 	snop  }
0x192: {  	[tilespmem:s10], [sflag:$0x2] =	stream.indirect_vreg.gather [hbm4b:s1+s26], $0x80, v3, vm0, $0xb8;
	[tilespmem:$0x1C080] =	vst v63  }
0x193: {  	_ = 	snop  }
0x194: {  	[tilespmem:s12], [sflag:$0x2] =	stream.indirect_vreg.gather [hbm4b:s6+s26], $0x80, v3, vm0, $0xb8;
	[tilespmem:$0x1C080] =	vst v63  }
0x195: {  	v3 =	vld [tilespmem:$0x220];
	_ =	sdelay $0x4  }
0x196: {  	v63 =	vshll.u32 v3, $0x2  }
0x197: {  	v3 =	vand.u32 $0x7, v3;
	v4 =	vand.u32 $0xFFFFFFE0, v63  }
0x198: {  	v3 =	vor.u32 v3, v4  }
0x199: {  	v4 =	vperm.xlane v3, v50;
	_ =	sdelay $0x1  }
0x19a: {  	v4 =	vadd.s32 v55, v4;
	_ =	sdelay $0x1  }
0x19b: {  	v3 =	vperm.xlane v3, v59;
	_ =	sdelay $0x1  }
0x19c: {  	v3 =	vadd.s32 v55, v3  }
0x19d: {  	[tilespmem:s13], [sflag:$0x2] =	stream.indirect_vreg.gather [hbm4b:s1+s26], $0x80, v4, vm0, $0xb8;
	[tilespmem:$0x1C080] =	vst v63  }
0x19e: {  	_ = 	snop  }
0x19f: {  	[tilespmem:s14], [sflag:$0x2] =	stream.indirect_vreg.gather [hbm4b:s6+s26], $0x80, v4, vm0, $0xb8;
	[tilespmem:$0x1C080] =	vst v63  }
0x1a0: {  	_ = 	snop  }
0x1a1: {  	[tilespmem:s15], [sflag:$0x2] =	stream.indirect_vreg.gather [hbm4b:s1+s26], $0x80, v3, vm0, $0xb8;
	[tilespmem:$0x1C080] =	vst v63  }
0x1a2: {  	s17 =	simm.s32 $0x0  }
0x1a3: {  	[tilespmem:s16], [sflag:$0x2] =	stream.indirect_vreg.gather [hbm4b:s6+s26], $0x80, v3, vm0, $0xb8;
	[tilespmem:$0x1C080] =	vst v63  }
.LBB2_4:
0x1a4: {  	_ =	swait.ge [sflag:s23], $0x6000  }
0x1a5: {  	s4 =	sand.u32 $0x7000, s26;
	s5 =	sand.u32 $0x380, s26;
	[sflag:s23] =	ssyncset.done $0x0  }
0x1a6: {  	s18 =	sor.u32 s5, s4;
	[sflag:s23] =	ssyncadd.s32 $0xFFFFA000  }
0x1a7: {  	v3 =	vld [tilespmem:s18+$0x8CF0]  }
0x1a8: {  	v4 =	vld [tilespmem:s18+$0x8080]  }
0x1a9: {  	v5 =	vld [tilespmem:s18+$0x8090]  }
0x1aa: {  	v6 =	vld [tilespmem:s18+$0x80A0]  }
0x1ab: {  	v7 =	vld [tilespmem:s18+$0x80B0]  }
0x1ac: {  	v8 =	vld [tilespmem:s18+$0x80C0]  }
0x1ad: {  	v9 =	vld [tilespmem:s18+$0x80D0]  }
0x1ae: {  	v10 =	vld [tilespmem:s18+$0x80E0]  }
0x1af: {  	v11 =	vld [tilespmem:s18+$0x80F0]  }
0x1b0: {  	v12 =	vld [tilespmem:s18+$0x8480]  }
0x1b1: {  	v13 =	vld [tilespmem:s18+$0x8490]  }
0x1b2: {  	v14 =	vld [tilespmem:s18+$0x84A0]  }
0x1b3: {  	v15 =	vld [tilespmem:s18+$0x84B0]  }
0x1b4: {  	v16 =	vld [tilespmem:s18+$0x84C0]  }
0x1b5: {  	v29 =	vld [tilespmem:s18+$0x84D0]  }
0x1b6: {  	v31 =	vld [tilespmem:s18+$0x84E0]  }
0x1b7: {  	v32 =	vld [tilespmem:s18+$0x84F0]  }
0x1b8: {  	v26 =	vimm.f32 $0.0e+00;
	v33 =	vld [tilespmem:s18+$0x8880]  }
0x1b9: {  	v34 =	vld [tilespmem:s18+$0x88D0];
	v3 =	vadd.f32 v3, v26;
	v30 =	vadd.f32 v4, v26  }
0x1ba: {  	v35 =	vld [tilespmem:s18+$0x88E0];
	v28 =	vadd.f32 v5, v26;
	v27 =	vadd.f32 v6, v26  }
0x1bb: {  	v4 =	vld [tilespmem:s18+$0x8890];
	v25 =	vadd.f32 v7, v26;
	v24 =	vadd.f32 v8, v26  }
0x1bc: {  	v5 =	vld [tilespmem:s18+$0x88A0];
	v23 =	vadd.f32 v9, v26;
	v22 =	vadd.f32 v10, v26  }
0x1bd: {  	v6 =	vld [tilespmem:s18+$0x88B0];
	v21 =	vadd.f32 v11, v26;
	v20 =	vadd.f32 v12, v26  }
0x1be: {  	v7 =	vld [tilespmem:s18+$0x88C0];
	v19 =	vadd.f32 v13, v26;
	v18 =	vadd.f32 v14, v26  }
0x1bf: {  	v17 =	vadd.f32 v15, v26;
	v15 =	vadd.f32 v29, v26;
	v29 =	vld [tilespmem:s18+$0x88F0]  }
0x1c0: {  	v16 =	vadd.f32 v16, v26;
	v14 =	vadd.f32 v31, v26;
	v31 =	vld [tilespmem:s18+$0x8C80]  }
0x1c1: {  	v13 =	vadd.f32 v32, v26;
	v12 =	vadd.f32 v33, v26  }
0x1c2: {  	v40 =	vld [tilespmem:s18+$0x8C90];
	v11 =	vadd.f32 v4, v26;
	v10 =	vadd.f32 v5, v26  }
0x1c3: {  	v41 =	vld [tilespmem:s18+$0x8CA0];
	v9 =	vadd.f32 v6, v26;
	v8 =	vadd.f32 v7, v26  }
0x1c4: {  	v42 =	vld [tilespmem:s18+$0x8CB0];
	v32 =	vimm.f32 $0.0e+00;
	v7 =	vadd.f32 v34, v26;
	v6 =	vadd.f32 v35, v26  }
0x1c5: {  	s20 =	simm.s32 $0x200;
	s19 =	simm.s32 $0x80;
	v43 =	vld [tilespmem:s18+$0x8CC0];
	v33 =	vimm.f32 $0.0e+00;
	v5 =	vadd.f32 v29, v26;
	v4 =	vadd.f32 v31, v26  }
0x1c6: {  	s11 =	simm.s32 $0x400;
	s4 =	sand.u32 $0x7000, s20;
	s5 =	sand.u32 $0x380, s19;
	v44 =	vld [tilespmem:s18+$0x8CD0];
	v34 =	vimm.f32 $0.0e+00;
	v35 =	vimm.f32 $0.0e+00;
	v31 =	vimm.f32 $0.0e+00  }
.LBB2_5:
0x1c7: {  	p0 =	sne.s32 s11, $0x5E00;
	v26 =	vadd.f32 v40, v26;
	v29 =	vld [tilespmem:s18+$0x8CE0];
	s18 =	sor.u32 s5, s4  }
0x1c8: {  	v36 =	vld [tilespmem:s18+$0x8CF0];
	v34 =	vadd.f32 v41, v34  }
0x1c9: {  	v37 =	vld [tilespmem:s18+$0x8080];
	v32 =	vadd.f32 v42, v32  }
0x1ca: {  	v38 =	vld [tilespmem:s18+$0x8090];
	v35 =	vadd.f32 v43, v35  }
0x1cb: {  	v39 =	vld [tilespmem:s18+$0x80A0];
	v33 =	vadd.f32 v44, v33  }
0x1cc: {  	v40 =	vld [tilespmem:s18+$0x80B0];
	v31 =	vadd.f32 v29, v31  }
0x1cd: {  	v29 =	vld [tilespmem:s18+$0x80C0];
	v3 =	vadd.f32 v36, v3  }
0x1ce: {  	v30 =	vadd.f32 v37, v30;
	v36 =	vld [tilespmem:s18+$0x80D0]  }
0x1cf: {  	v28 =	vadd.f32 v38, v28;
	v37 =	vld [tilespmem:s18+$0x80E0]  }
0x1d0: {  	v27 =	vadd.f32 v39, v27;
	v38 =	vld [tilespmem:s18+$0x80F0]  }
0x1d1: {  	v25 =	vadd.f32 v40, v25;
	v39 =	vld [tilespmem:s18+$0x8480]  }
0x1d2: {  	v24 =	vadd.f32 v29, v24;
	v29 =	vld [tilespmem:s18+$0x8490]  }
0x1d3: {  	v23 =	vadd.f32 v36, v23;
	v36 =	vld [tilespmem:s18+$0x84A0]  }
0x1d4: {  	v22 =	vadd.f32 v37, v22;
	v37 =	vld [tilespmem:s18+$0x84B0]  }
0x1d5: {  	v21 =	vadd.f32 v38, v21;
	v38 =	vld [tilespmem:s18+$0x84C0]  }
0x1d6: {  	v20 =	vadd.f32 v39, v20;
	v39 =	vld [tilespmem:s18+$0x84D0]  }
0x1d7: {  	v19 =	vadd.f32 v29, v19;
	v29 =	vld [tilespmem:s18+$0x84E0]  }
0x1d8: {  	v18 =	vadd.f32 v36, v18;
	v36 =	vld [tilespmem:s18+$0x84F0]  }
0x1d9: {  	v17 =	vadd.f32 v37, v17;
	v37 =	vld [tilespmem:s18+$0x8880]  }
0x1da: {  	v16 =	vadd.f32 v38, v16;
	v38 =	vld [tilespmem:s18+$0x8890]  }
0x1db: {  	v15 =	vadd.f32 v39, v15;
	v39 =	vld [tilespmem:s18+$0x88A0]  }
0x1dc: {  	v14 =	vadd.f32 v29, v14;
	v29 =	vld [tilespmem:s18+$0x88B0]  }
0x1dd: {  	v13 =	vadd.f32 v36, v13;
	v36 =	vld [tilespmem:s18+$0x88C0]  }
0x1de: {  	v12 =	vadd.f32 v37, v12;
	v37 =	vld [tilespmem:s18+$0x88D0]  }
0x1df: {  	v11 =	vadd.f32 v38, v11;
	v38 =	vld [tilespmem:s18+$0x88E0]  }
0x1e0: {  	v10 =	vadd.f32 v39, v10;
	v39 =	vld [tilespmem:s18+$0x88F0]  }
0x1e1: {  	v9 =	vadd.f32 v29, v9;
	v29 =	vld [tilespmem:s18+$0x8C80]  }
.Ltmp3:
0x1e2: {  	v8 =	vadd.f32 v36, v8;
	v40 =	vld [tilespmem:s18+$0x8C90];
	(pc) =	sbr.rel @p0 .LBB2_5-.Ltmp3, $4  }
0x1e3: {  	v7 =	vadd.f32 v37, v7;
	v41 =	vld [tilespmem:s18+$0x8CA0]  }
0x1e4: {  	v6 =	vadd.f32 v38, v6;
	v42 =	vld [tilespmem:s18+$0x8CB0]  }
0x1e5: {  	s19 =	sadd.s32 $0x80, s19;
	v5 =	vadd.f32 v39, v5;
	v43 =	vld [tilespmem:s18+$0x8CC0]  }
0x1e6: {  	s4 =	sand.u32 $0x7000, s11;
	s11 =	sadd.s32 $0x200, s11;
	s5 =	sand.u32 $0x380, s19;
	v4 =	vadd.f32 v29, v4;
	v44 =	vld [tilespmem:s18+$0x8CD0]  }
0x1e7: {  	s4 =	sor.u32 s5, s4;
	v45 =	vld [tilespmem:s18+$0x8CE0]  }
0x1e8: {  	v0 =	vld [tilespmem:s4+$0x8CF0]  }
0x1e9: {  	v36 =	vld [tilespmem:s4+$0x8080]  }
0x1ea: {  	v46 =	vld [tilespmem:s4+$0x8090]  }
0x1eb: {  	v47 =	vld [tilespmem:s4+$0x80A0]  }
0x1ec: {  	v48 =	vld [tilespmem:s4+$0x80B0]  }
0x1ed: {  	v49 =	vld [tilespmem:s4+$0x80C0]  }
0x1ee: {  	v50 =	vld [tilespmem:s4+$0x80D0]  }
0x1ef: {  	v51 =	vld [tilespmem:s4+$0x80E0]  }
0x1f0: {  	v52 =	vld [tilespmem:s4+$0x80F0]  }
0x1f1: {  	v53 =	vld [tilespmem:s4+$0x8480]  }
0x1f2: {  	v54 =	vld [tilespmem:s4+$0x8490]  }
0x1f3: {  	v55 =	vld [tilespmem:s4+$0x84A0]  }
0x1f4: {  	v56 =	vld [tilespmem:s4+$0x84B0]  }
0x1f5: {  	v57 =	vld [tilespmem:s4+$0x84C0]  }
0x1f6: {  	[tilespmem:$0x1FF70] =	vst v0;
	v0 =	vld [tilespmem:s4+$0x8C80]  }
0x1f7: {  	s18 =	smul.u32 $0x3, s17;
	v58 =	vld [tilespmem:s4+$0x84D0]  }
0x1f8: {  	v59 =	vld [tilespmem:s4+$0x84E0]  }
0x1f9: {  	v60 =	vld [tilespmem:s4+$0x84F0];
	s20 =	sadd.s32 $0x1, s18  }
0x1fa: {  	v61 =	vld [tilespmem:s4+$0x8880];
	s7 =	sshll.u32 s20, $0x9;
	s5 =	sshll.u32 s20, $0x7  }
0x1fb: {  	s7 =	sand.u32 $0x1F000, s7;
	s5 =	sand.u32 $0x380, s5;
	[tilespmem:$0x1FF10] =	vst v0;
	v0 =	vld [tilespmem:s4+$0x8CA0]  }
0x1fc: {  	v62 =	vld [tilespmem:s4+$0x8890];
	s5 =	sor.u32 s5, s7  }
0x1fd: {  	v1 =	vld [tilespmem:s5+$0x14080]  }
0x1fe: {  	v63 =	vld [tilespmem:s4+$0x88A0];
	v36 =	vadd.f32 v36, v30  }
0x1ff: {  	v2 =	vld [tilespmem:s4+$0x88B0]  }
0x200: {  	v29 =	vld [tilespmem:s4+$0x88C0];
	[tilespmem:$0x1FF20] =	vst v0;
	v0 =	vmul.f32 $6.250000000e-02, v36  }
0x201: {  	v36 =	vld [tilespmem:s4+$0x8CB0]  }
0x202: {  	v0 =	vadd.f32 v1, v0;
	v1 =	vld [tilespmem:s4+$0x8CD0]  }
0x203: {  	v37 =	vld [tilespmem:s4+$0x88D0]  }
0x204: {  	v38 =	vld [tilespmem:s4+$0x88E0]  }
0x205: {  	v39 =	vld [tilespmem:s4+$0x88F0]  }
0x206: {  	v30 =	vld [tilespmem:s4+$0x8C90];
	[tilespmem:$0x1FF30] =	vst v36  }
0x207: {  	v36 =	vld [tilespmem:s4+$0x8CC0];
	[tilespmem:$0x1FF50] =	vst v1  }
0x208: {  	s19 =	sadd.s32 $0x14080, s5;
	v1 =	vld [tilespmem:s4+$0x8CE0];
	[tilespmem:s5+$0x14080] =	vst v0  }
0x209: {  	v0 =	vadd.f32 v40, v26;
	v26 =	vld [tilespmem:s19+$0x10]  }
0x20a: {  	v28 =	vadd.f32 v46, v28;
	v46 =	vld [tilespmem:s19+$0x20]  }
0x20b: {  	v27 =	vadd.f32 v47, v27;
	v47 =	vld [tilespmem:s19+$0x30]  }
0x20c: {  	v25 =	vadd.f32 v48, v25;
	v24 =	vadd.f32 v49, v24;
	v49 =	vld [tilespmem:s19+$0x50];
	v28 =	vmul.f32 $6.250000000e-02, v28  }
0x20d: {  	v23 =	vadd.f32 v50, v23;
	v48 =	vld [tilespmem:s19+$0x40];
	v27 =	vmul.f32 $6.250000000e-02, v27  }
0x20e: {  	v22 =	vadd.f32 v51, v22;
	v51 =	vld [tilespmem:s19+$0x70];
	v25 =	vmul.f32 $6.250000000e-02, v25;
	v26 =	vadd.f32 v26, v28  }
0x20f: {  	v21 =	vadd.f32 v52, v21;
	v23 =	vmul.f32 $6.250000000e-02, v23;
	v28 =	vld [tilespmem:s19+$0x60];
	v27 =	vadd.f32 v46, v27  }
0x210: {  	v24 =	vmul.f32 $6.250000000e-02, v24;
	v25 =	vadd.f32 v47, v25;
	[tilespmem:s19+$0x10] =	vst v26;
	v26 =	vld [tilespmem:s19+$0x400]  }
0x211: {  	v20 =	vadd.f32 v53, v20;
	v21 =	vmul.f32 $6.250000000e-02, v21;
	v23 =	vadd.f32 v49, v23;
	[tilespmem:s19+$0x20] =	vst v27;
	v27 =	vld [tilespmem:s19+$0x410]  }
0x212: {  	v19 =	vadd.f32 v54, v19;
	v22 =	vmul.f32 $6.250000000e-02, v22;
	v24 =	vadd.f32 v48, v24;
	[tilespmem:s19+$0x30] =	vst v25;
	v25 =	vld [tilespmem:s19+$0x420]  }
0x213: {  	v18 =	vadd.f32 v55, v18;
	v20 =	vmul.f32 $6.250000000e-02, v20;
	v21 =	vadd.f32 v51, v21;
	[tilespmem:s19+$0x50] =	vst v23;
	v23 =	vld [tilespmem:s19+$0x440]  }
0x214: {  	v16 =	vadd.f32 v57, v16;
	v19 =	vmul.f32 $6.250000000e-02, v19;
	[tilespmem:s19+$0x40] =	vst v24;
	v24 =	vld [tilespmem:s19+$0x430];
	v22 =	vadd.f32 v28, v22  }
0x215: {  	v17 =	vadd.f32 v56, v17;
	v18 =	vmul.f32 $6.250000000e-02, v18;
	[tilespmem:s19+$0x70] =	vst v21;
	v21 =	vld [tilespmem:s19+$0x460];
	v20 =	vadd.f32 v26, v20  }
0x216: {  	v15 =	vadd.f32 v58, v15;
	v16 =	vmul.f32 $6.250000000e-02, v16;
	[tilespmem:s19+$0x60] =	vst v22;
	v22 =	vld [tilespmem:s19+$0x450];
	v19 =	vadd.f32 v27, v19  }
0x217: {  	v14 =	vadd.f32 v59, v14;
	v18 =	vadd.f32 v25, v18;
	[tilespmem:s19+$0x400] =	vst v20;
	v20 =	vld [tilespmem:s19+$0x470]  }
0x218: {  	v13 =	vadd.f32 v60, v13;
	v17 =	vmul.f32 $6.250000000e-02, v17;
	v16 =	vadd.f32 v23, v16;
	[tilespmem:s19+$0x410] =	vst v19;
	v19 =	vld [tilespmem:s19+$0x800]  }
0x219: {  	v12 =	vadd.f32 v61, v12;
	v11 =	vadd.f32 v62, v11;
	v14 =	vmul.f32 $6.250000000e-02, v14;
	[tilespmem:s19+$0x420] =	vst v18;
	v18 =	vld [tilespmem:s19+$0x810]  }
0x21a: {  	v10 =	vadd.f32 v63, v10;
	v13 =	vmul.f32 $6.250000000e-02, v13;
	v17 =	vadd.f32 v24, v17;
	[tilespmem:s19+$0x440] =	vst v16;
	v16 =	vld [tilespmem:s19+$0x830]  }
0x21b: {  	v2 =	vadd.f32 v2, v9;
	v12 =	vmul.f32 $6.250000000e-02, v12;
	v14 =	vadd.f32 v21, v14  }
0x21c: {  	v15 =	vmul.f32 $6.250000000e-02, v15;
	v11 =	vmul.f32 $6.250000000e-02, v11;
	[tilespmem:s19+$0x430] =	vst v17;
	v17 =	vld [tilespmem:s19+$0x820];
	v9 =	vadd.f32 v20, v13  }
0x21d: {  	v7 =	vadd.f32 v37, v7;
	v2 =	vmul.f32 $6.250000000e-02, v2;
	[tilespmem:s19+$0x460] =	vst v14;
	v14 =	vld [tilespmem:s19+$0x850];
	v12 =	vadd.f32 v19, v12  }
0x21e: {  	v15 =	vadd.f32 v22, v15;
	[tilespmem:s19+$0x470] =	vst v9;
	v9 =	vadd.f32 v18, v11;
	v11 =	vld [tilespmem:s19+$0x860]  }
0x21f: {  	v6 =	vadd.f32 v38, v6;
	v2 =	vadd.f32 v16, v2;
	[tilespmem:s19+$0x800] =	vst v12;
	v12 =	vld [tilespmem:s19+$0x870]  }
0x220: {  	v5 =	vadd.f32 v39, v5;
	v7 =	vmul.f32 $6.250000000e-02, v7;
	[tilespmem:s19+$0x450] =	vst v15;
	v15 =	vld [tilespmem:$0x1FF10]  }
0x221: {  	v10 =	vmul.f32 $6.250000000e-02, v10;
	v6 =	vmul.f32 $6.250000000e-02, v6;
	[tilespmem:s19+$0x830] =	vst v2;
	v13 =	vld [tilespmem:s19+$0x840]  }
0x222: {  	v8 =	vadd.f32 v29, v8;
	v5 =	vmul.f32 $6.250000000e-02, v5;
	v2 =	vadd.f32 v14, v7;
	[tilespmem:s19+$0x810] =	vst v9;
	v9 =	vld [tilespmem:s19+$0xC00]  }
0x223: {  	[tilespmem:$0x1FF40] =	vst v36;
	v10 =	vadd.f32 v17, v10;
	v6 =	vadd.f32 v11, v6;
	v11 =	vld [tilespmem:$0x1FF30]  }
0x224: {  	v8 =	vmul.f32 $6.250000000e-02, v8;
	[tilespmem:s19+$0x850] =	vst v2;
	v2 =	vadd.f32 v12, v5;
	v12 =	vld [tilespmem:$0x1FF40]  }
0x225: {  	[tilespmem:s19+$0x820] =	vst v10;
	v10 =	vld [tilespmem:s19+$0xC10];
	v4 =	vadd.f32 v15, v4  }
0x226: {  	v32 =	vadd.f32 v42, v32;
	v8 =	vadd.f32 v13, v8;
	v13 =	vld [tilespmem:$0x1FF20]  }
0x227: {  	v35 =	vadd.f32 v43, v35;
	[tilespmem:$0x1FF60] =	vst v1;
	v7 =	vld [tilespmem:s19+$0xC20];
	v4 =	vmul.f32 $6.250000000e-02, v4  }
0x228: {  	v1 =	vadd.f32 v41, v34;
	[tilespmem:s19+$0x840] =	vst v8;
	v8 =	vld [tilespmem:s19+$0xC30];
	v11 =	vadd.f32 v11, v32  }
0x229: {  	v4 =	vadd.f32 v9, v4;
	v9 =	vld [tilespmem:$0x1FF50];
	v12 =	vadd.f32 v12, v35  }
0x22a: {  	v0 =	vadd.f32 v30, v0;
	[tilespmem:s19+$0x870] =	vst v2;
	v2 =	vmul.f32 $6.250000000e-02, v11;
	v11 =	vld [tilespmem:$0x1FF60]  }
0x22b: {  	v1 =	vadd.f32 v13, v1;
	[tilespmem:s19+$0xC00] =	vst v4;
	v4 =	vmul.f32 $6.250000000e-02, v12;
	v12 =	vld [tilespmem:$0x1FF70]  }
0x22c: {  	v33 =	vadd.f32 v44, v33;
	v0 =	vmul.f32 $6.250000000e-02, v0;
	v5 =	vld [tilespmem:s19+$0xC40]  }
0x22d: {  	v31 =	vadd.f32 v45, v31;
	[tilespmem:s19+$0x860] =	vst v6;
	v6 =	vld [tilespmem:s19+$0xC50];
	v1 =	vmul.f32 $6.250000000e-02, v1  }
0x22e: {  	v0 =	vadd.f32 v10, v0;
	v10 =	vld [tilespmem:s19+$0xC60];
	v9 =	vadd.f32 v9, v33  }
0x22f: {  	v1 =	vadd.f32 v7, v1;
	v7 =	vld [tilespmem:s19+$0xC70];
	v11 =	vadd.f32 v11, v31  }
0x230: {  	[tilespmem:s19+$0xC10] =	vst v0;
	v0 =	vadd.f32 v8, v2;
	v2 =	vmul.f32 $6.250000000e-02, v9;
	v3 =	vadd.f32 v12, v3  }
0x231: {  	[tilespmem:s19+$0xC20] =	vst v1;
	v1 =	vadd.f32 v5, v4;
	v4 =	vmul.f32 $6.250000000e-02, v11  }
0x232: {  	[tilespmem:s19+$0xC30] =	vst v0;
	v0 =	vadd.f32 v6, v2;
	v2 =	vmul.f32 $6.250000000e-02, v3  }
0x233: {  	p0 =	seq.s32 s17, $0x14;
	[tilespmem:s19+$0xC40] =	vst v1;
	v1 =	vadd.f32 v10, v4  }
0x234: {  	s4 =	smul.u32 @!p0 $0x600, s17;
	[tilespmem:s19+$0xC50] =	vst v0;
	v0 =	vadd.f32 v7, v2  }
0x235: {  	[tilespmem:s19+$0xC60] =	vst v1  }
0x236: {  	[tilespmem:s19+$0xC70] =	vst v0;
	s19 =	sshra.s32 @!p0 s4, $0x2  }
0x237: {  	v0 =	vld @!p0 [tilespmem:s19+$0x280];
	_ =	sdelay $0x4  }
0x238: {  	v1 =	vshll.u32 @!p0 v0, $0x2  }
0x239: {  	v2 =	vlaneseq.u32 @!p0;
	v0 =	vand.u32 @!p0 $0x7, v0;
	v1 =	vand.u32 @!p0 $0xFFFFFFE0, v1  }
0x23a: {  	v3 =	vshrl.u32 @!p0 v2, $0x3;
	v0 =	vor.u32 @!p0 v0, v1;
	v1 =	vand.u32 @!p0 $0x7, v2  }
0x23b: {  	v3 =	vmul.u32 @!p0 $0x8, v3;
	v4 =	vperm.xlane @!p0 v0, v1;
	_ =	sdelay $0x1  }
0x23c: {  	v4 =	vadd.s32 @!p0 v3, v4  }
0x23d: {  	v2 =	vor.u32 @!p0 $0x8, v2  }
0x23e: {  	v0 =	vperm.xlane @!p0 v0, v2;
	_ =	sdelay $0x1  }
0x23f: {  	vm1 =	vmmov @!p0 $0xffff;
	s5 =	simm.s32 @!p0 $0x8080;
	s4 =	simm.s32 @!p0 $0x0;
	v0 =	vadd.s32 @!p0 v3, v0  }
0x240: {  	[tilespmem:s5], [sflag:$0x3] =	stream.indirect_vreg.gather @!p0 [hbm4b:s1+s4], $0x80, v4, vm1, $0xb8;
	[tilespmem:$0x1C080] =	vst v63  }
0x241: {  	s5 =	simm.s32 @!p0 $0x8880  }
0x242: {  	[tilespmem:s5], [sflag:$0x3] =	stream.indirect_vreg.gather @!p0 [hbm4b:s6+s4], $0x80, v4, vm1, $0xb8;
	[tilespmem:$0x1C080] =	vst v63  }
0x243: {  	s5 =	simm.s32 @!p0 $0x9080  }
0x244: {  	[tilespmem:s5], [sflag:$0x3] =	stream.indirect_vreg.gather @!p0 [hbm4b:s1+s4], $0x80, v0, vm1, $0xb8;
	[tilespmem:$0x1C080] =	vst v63  }
0x245: {  	s5 =	simm.s32 @!p0 $0x9880  }
0x246: {  	[tilespmem:s5], [sflag:$0x3] =	stream.indirect_vreg.gather @!p0 [hbm4b:s6+s4], $0x80, v0, vm1, $0xb8;
	[tilespmem:$0x1C080] =	vst v63  }
0x247: {  	v0 =	vld @!p0 [tilespmem:s19+$0x290];
	_ =	sdelay $0x4  }
0x248: {  	v4 =	vshll.u32 @!p0 v0, $0x2  }
0x249: {  	v0 =	vand.u32 @!p0 $0x7, v0;
	v4 =	vand.u32 @!p0 $0xFFFFFFE0, v4  }
0x24a: {  	v0 =	vor.u32 @!p0 v0, v4  }
0x24b: {  	v4 =	vperm.xlane @!p0 v0, v1;
	_ =	sdelay $0x1  }
0x24c: {  	v4 =	vadd.s32 @!p0 v3, v4;
	_ =	sdelay $0x1  }
0x24d: {  	v0 =	vperm.xlane @!p0 v0, v2;
	_ =	sdelay $0x1  }
0x24e: {  	s5 =	simm.s32 @!p0 $0xA080;
	v0 =	vadd.s32 @!p0 v3, v0  }
0x24f: {  	[tilespmem:s5], [sflag:$0x3] =	stream.indirect_vreg.gather @!p0 [hbm4b:s1+s4], $0x80, v4, vm1, $0xb8;
	[tilespmem:$0x1C080] =	vst v63  }
0x250: {  	s5 =	simm.s32 @!p0 $0xA880  }
0x251: {  	[tilespmem:s5], [sflag:$0x3] =	stream.indirect_vreg.gather @!p0 [hbm4b:s6+s4], $0x80, v4, vm1, $0xb8;
	[tilespmem:$0x1C080] =	vst v63  }
0x252: {  	s5 =	simm.s32 @!p0 $0xB080  }
0x253: {  	[tilespmem:s5], [sflag:$0x3] =	stream.indirect_vreg.gather @!p0 [hbm4b:s1+s4], $0x80, v0, vm1, $0xb8;
	[tilespmem:$0x1C080] =	vst v63  }
0x254: {  	s5 =	simm.s32 @!p0 $0xB880  }
0x255: {  	[tilespmem:s5], [sflag:$0x3] =	stream.indirect_vreg.gather @!p0 [hbm4b:s6+s4], $0x80, v0, vm1, $0xb8;
	[tilespmem:$0x1C080] =	vst v63  }
0x256: {  	v0 =	vld @!p0 [tilespmem:s19+$0x2A0];
	_ =	sdelay $0x4  }
0x257: {  	v4 =	vshll.u32 @!p0 v0, $0x2  }
0x258: {  	v0 =	vand.u32 @!p0 $0x7, v0;
	v4 =	vand.u32 @!p0 $0xFFFFFFE0, v4  }
0x259: {  	v0 =	vor.u32 @!p0 v0, v4  }
0x25a: {  	v1 =	vperm.xlane @!p0 v0, v1;
	_ =	sdelay $0x1  }
0x25b: {  	v1 =	vadd.s32 @!p0 v3, v1;
	_ =	sdelay $0x1  }
0x25c: {  	v0 =	vperm.xlane @!p0 v0, v2;
	_ =	sdelay $0x1  }
0x25d: {  	s5 =	simm.s32 @!p0 $0xC080;
	v0 =	vadd.s32 @!p0 v3, v0  }
0x25e: {  	[tilespmem:s5], [sflag:$0x3] =	stream.indirect_vreg.gather @!p0 [hbm4b:s1+s4], $0x80, v1, vm1, $0xb8;
	[tilespmem:$0x1C080] =	vst v63  }
0x25f: {  	s5 =	simm.s32 @!p0 $0xC880  }
0x260: {  	[tilespmem:s5], [sflag:$0x3] =	stream.indirect_vreg.gather @!p0 [hbm4b:s6+s4], $0x80, v1, vm1, $0xb8;
	[tilespmem:$0x1C080] =	vst v63  }
0x261: {  	s5 =	simm.s32 @!p0 $0xD080  }
0x262: {  	[tilespmem:s5], [sflag:$0x3] =	stream.indirect_vreg.gather @!p0 [hbm4b:s1+s4], $0x80, v0, vm1, $0xb8;
	[tilespmem:$0x1C080] =	vst v63  }
0x263: {  	s5 =	simm.s32 @!p0 $0xD880  }
0x264: {  	[tilespmem:s5], [sflag:$0x3] =	stream.indirect_vreg.gather @!p0 [hbm4b:s6+s4], $0x80, v0, vm1, $0xb8;
	[tilespmem:$0x1C080] =	vst v63  }
0x265: {  	s11 =	simm.s32 $0x0;
	_ =	swait.ge [sflag:s24], $0x6000  }
0x266: {  	s20 =	sand.u32 $0x7000, s11;
	s4 =	sand.u32 $0x380, s11;
	[sflag:s24] =	ssyncset.done $0x0  }
0x267: {  	s20 =	sor.u32 s4, s20;
	[sflag:s24] =	ssyncadd.s32 $0xFFFFA000  }
0x268: {  	v0 =	vld [tilespmem:s20+$0xECF0]  }
0x269: {  	v1 =	vld [tilespmem:s20+$0xE080]  }
0x26a: {  	v2 =	vld [tilespmem:s20+$0xE090]  }
0x26b: {  	v4 =	vld [tilespmem:s20+$0xE0A0]  }
0x26c: {  	v5 =	vld [tilespmem:s20+$0xE0B0]  }
0x26d: {  	v6 =	vld [tilespmem:s20+$0xE0C0]  }
0x26e: {  	v7 =	vld [tilespmem:s20+$0xE0D0]  }
0x26f: {  	v8 =	vld [tilespmem:s20+$0xE0E0]  }
0x270: {  	v9 =	vld [tilespmem:s20+$0xE0F0]  }
0x271: {  	v10 =	vld [tilespmem:s20+$0xE480]  }
0x272: {  	v11 =	vld [tilespmem:s20+$0xE490]  }
0x273: {  	v12 =	vld [tilespmem:s20+$0xE4A0]  }
0x274: {  	v13 =	vld [tilespmem:s20+$0xE4B0]  }
0x275: {  	v14 =	vld [tilespmem:s20+$0xE4C0]  }
0x276: {  	v15 =	vld [tilespmem:s20+$0xE4D0]  }
0x277: {  	v29 =	vld [tilespmem:s20+$0xE4E0]  }
0x278: {  	v31 =	vld [tilespmem:s20+$0xE4F0]  }
0x279: {  	v26 =	vimm.f32 $0.0e+00;
	v62 =	vld [tilespmem:s20+$0xE8E0]  }
0x27a: {  	v63 =	vld [tilespmem:s20+$0xE8F0];
	v3 =	vadd.f32 v0, v26;
	v30 =	vadd.f32 v1, v26  }
0x27b: {  	v0 =	vld [tilespmem:s20+$0xE880];
	v28 =	vadd.f32 v2, v26;
	v27 =	vadd.f32 v4, v26  }
0x27c: {  	v1 =	vld [tilespmem:s20+$0xE890];
	v25 =	vadd.f32 v5, v26;
	v24 =	vadd.f32 v6, v26  }
0x27d: {  	v2 =	vld [tilespmem:s20+$0xE8A0];
	v23 =	vadd.f32 v7, v26;
	v22 =	vadd.f32 v8, v26  }
0x27e: {  	v4 =	vld [tilespmem:s20+$0xE8B0];
	v21 =	vadd.f32 v9, v26;
	v20 =	vadd.f32 v10, v26  }
0x27f: {  	v5 =	vld [tilespmem:s20+$0xE8C0];
	v19 =	vadd.f32 v11, v26;
	v18 =	vadd.f32 v12, v26  }
0x280: {  	v6 =	vld [tilespmem:s20+$0xE8D0];
	v17 =	vadd.f32 v13, v26;
	v16 =	vadd.f32 v14, v26  }
0x281: {  	v15 =	vadd.f32 v15, v26;
	v14 =	vadd.f32 v29, v26;
	v29 =	vld [tilespmem:s20+$0xEC80]  }
0x282: {  	v34 =	vimm.f32 $0.0e+00;
	v40 =	vld [tilespmem:s20+$0xEC90];
	v13 =	vadd.f32 v31, v26;
	v12 =	vadd.f32 v0, v26  }
0x283: {  	v32 =	vimm.f32 $0.0e+00;
	v41 =	vld [tilespmem:s20+$0xECA0];
	v11 =	vadd.f32 v1, v26;
	v10 =	vadd.f32 v2, v26  }
0x284: {  	v35 =	vimm.f32 $0.0e+00;
	v42 =	vld [tilespmem:s20+$0xECB0];
	v9 =	vadd.f32 v4, v26;
	v8 =	vadd.f32 v5, v26  }
0x285: {  	s7 =	simm.s32 $0x200;
	v33 =	vimm.f32 $0.0e+00;
	s11 =	simm.s32 $0x80;
	v43 =	vld [tilespmem:s20+$0xECC0];
	v7 =	vadd.f32 v6, v26;
	v6 =	vadd.f32 v62, v26  }
0x286: {  	s5 =	sand.u32 $0x7000, s7;
	s7 =	sand.u32 $0x380, s11;
	s4 =	simm.s32 $0x400;
	v44 =	vld [tilespmem:s20+$0xECD0];
	v31 =	vimm.f32 $0.0e+00;
	v5 =	vadd.f32 v63, v26;
	v4 =	vadd.f32 v29, v26  }
.LBB2_7:
0x287: {  	p1 =	sne.s32 s4, $0x5E00;
	v26 =	vadd.f32 v40, v26;
	v0 =	vld [tilespmem:s20+$0xECE0];
	s20 =	sor.u32 s7, s5  }
0x288: {  	v1 =	vld [tilespmem:s20+$0xECF0];
	v34 =	vadd.f32 v41, v34  }
0x289: {  	v2 =	vld [tilespmem:s20+$0xE080];
	v32 =	vadd.f32 v42, v32  }
0x28a: {  	v29 =	vld [tilespmem:s20+$0xE090];
	v35 =	vadd.f32 v43, v35  }
0x28b: {  	v36 =	vld [tilespmem:s20+$0xE0A0];
	v33 =	vadd.f32 v44, v33  }
0x28c: {  	v37 =	vld [tilespmem:s20+$0xE0B0];
	v31 =	vadd.f32 v0, v31  }
0x28d: {  	v0 =	vld [tilespmem:s20+$0xE0C0];
	v3 =	vadd.f32 v1, v3  }
0x28e: {  	v30 =	vadd.f32 v2, v30;
	v1 =	vld [tilespmem:s20+$0xE0D0]  }
0x28f: {  	v28 =	vadd.f32 v29, v28;
	v2 =	vld [tilespmem:s20+$0xE0E0]  }
0x290: {  	v27 =	vadd.f32 v36, v27;
	v29 =	vld [tilespmem:s20+$0xE0F0]  }
0x291: {  	v25 =	vadd.f32 v37, v25;
	v36 =	vld [tilespmem:s20+$0xE480]  }
0x292: {  	v24 =	vadd.f32 v0, v24;
	v0 =	vld [tilespmem:s20+$0xE490]  }
0x293: {  	v23 =	vadd.f32 v1, v23;
	v1 =	vld [tilespmem:s20+$0xE4A0]  }
0x294: {  	v22 =	vadd.f32 v2, v22;
	v2 =	vld [tilespmem:s20+$0xE4B0]  }
0x295: {  	v21 =	vadd.f32 v29, v21;
	v29 =	vld [tilespmem:s20+$0xE4C0]  }
0x296: {  	v20 =	vadd.f32 v36, v20;
	v36 =	vld [tilespmem:s20+$0xE4D0]  }
0x297: {  	v19 =	vadd.f32 v0, v19;
	v0 =	vld [tilespmem:s20+$0xE4E0]  }
0x298: {  	v18 =	vadd.f32 v1, v18;
	v1 =	vld [tilespmem:s20+$0xE4F0]  }
0x299: {  	v17 =	vadd.f32 v2, v17;
	v2 =	vld [tilespmem:s20+$0xE880]  }
0x29a: {  	v16 =	vadd.f32 v29, v16;
	v29 =	vld [tilespmem:s20+$0xE890]  }
0x29b: {  	v15 =	vadd.f32 v36, v15;
	v36 =	vld [tilespmem:s20+$0xE8A0]  }
0x29c: {  	v14 =	vadd.f32 v0, v14;
	v0 =	vld [tilespmem:s20+$0xE8B0]  }
0x29d: {  	v13 =	vadd.f32 v1, v13;
	v1 =	vld [tilespmem:s20+$0xE8C0]  }
0x29e: {  	v12 =	vadd.f32 v2, v12;
	v2 =	vld [tilespmem:s20+$0xE8D0]  }
0x29f: {  	v11 =	vadd.f32 v29, v11;
	v29 =	vld [tilespmem:s20+$0xE8E0]  }
0x2a0: {  	v10 =	vadd.f32 v36, v10;
	v36 =	vld [tilespmem:s20+$0xE8F0]  }
0x2a1: {  	v9 =	vadd.f32 v0, v9;
	v0 =	vld [tilespmem:s20+$0xEC80]  }
.Ltmp4:
0x2a2: {  	v8 =	vadd.f32 v1, v8;
	v40 =	vld [tilespmem:s20+$0xEC90];
	(pc) =	sbr.rel @p1 .LBB2_7-.Ltmp4, $4  }
0x2a3: {  	v7 =	vadd.f32 v2, v7;
	v41 =	vld [tilespmem:s20+$0xECA0]  }
0x2a4: {  	v6 =	vadd.f32 v29, v6;
	v42 =	vld [tilespmem:s20+$0xECB0]  }
0x2a5: {  	s11 =	sadd.s32 $0x80, s11;
	v5 =	vadd.f32 v36, v5;
	v43 =	vld [tilespmem:s20+$0xECC0]  }
0x2a6: {  	s5 =	sand.u32 $0x7000, s4;
	s4 =	sadd.s32 $0x200, s4;
	s7 =	sand.u32 $0x380, s11;
	v4 =	vadd.f32 v0, v4;
	v44 =	vld [tilespmem:s20+$0xECD0]  }
0x2a7: {  	s4 =	sor.u32 s7, s5;
	v29 =	vld [tilespmem:s20+$0xECE0]  }
0x2a8: {  	v0 =	vld [tilespmem:s4+$0xECF0]  }
0x2a9: {  	v2 =	vld [tilespmem:s4+$0xE090]  }
0x2aa: {  	v45 =	vld [tilespmem:s4+$0xE0A0]  }
0x2ab: {  	v46 =	vld [tilespmem:s4+$0xE0B0]  }
0x2ac: {  	v47 =	vld [tilespmem:s4+$0xE0C0]  }
0x2ad: {  	v48 =	vld [tilespmem:s4+$0xE0D0]  }
0x2ae: {  	v49 =	vld [tilespmem:s4+$0xE0E0]  }
0x2af: {  	v50 =	vld [tilespmem:s4+$0xE0F0]  }
0x2b0: {  	v51 =	vld [tilespmem:s4+$0xE480]  }
0x2b1: {  	[tilespmem:$0x1FF00] =	vst v0;
	v0 =	vld [tilespmem:s4+$0xE080]  }
0x2b2: {  	v52 =	vld [tilespmem:s4+$0xE490]  }
0x2b3: {  	v53 =	vld [tilespmem:s4+$0xE4A0]  }
0x2b4: {  	v54 =	vld [tilespmem:s4+$0xE4B0]  }
0x2b5: {  	v55 =	vld [tilespmem:s4+$0xE4C0]  }
0x2b6: {  	v30 =	vadd.f32 v0, v30;
	v0 =	vld [tilespmem:s4+$0xEC90]  }
0x2b7: {  	v56 =	vld [tilespmem:s4+$0xE4D0]  }
0x2b8: {  	v57 =	vld [tilespmem:s4+$0xE4E0]  }
0x2b9: {  	s11 =	sadd.s32 $0x2, s18;
	v58 =	vld [tilespmem:s4+$0xE4F0]  }
0x2ba: {  	v59 =	vld [tilespmem:s4+$0xE880];
	s20 =	sshll.u32 s11, $0x9;
	s5 =	sshll.u32 s11, $0x7  }
0x2bb: {  	s7 =	sand.u32 $0x1F000, s20;
	s5 =	sand.u32 $0x380, s5;
	[tilespmem:$0x1FEA0] =	vst v0;
	v0 =	vld [tilespmem:s4+$0xECA0]  }
0x2bc: {  	v60 =	vld [tilespmem:s4+$0xE890];
	s5 =	sor.u32 s5, s7  }
0x2bd: {  	v1 =	vld [tilespmem:s5+$0x14080]  }
0x2be: {  	v61 =	vld [tilespmem:s4+$0xE8A0]  }
0x2bf: {  	v62 =	vld [tilespmem:s4+$0xE8B0]  }
0x2c0: {  	v63 =	vld [tilespmem:s4+$0xE8C0];
	[tilespmem:$0x1FEB0] =	vst v0;
	v0 =	vmul.f32 $6.250000000e-02, v30  }
0x2c1: {  	v30 =	vld [tilespmem:s4+$0xECB0]  }
0x2c2: {  	v0 =	vadd.f32 v1, v0;
	v1 =	vld [tilespmem:s4+$0xECD0]  }
0x2c3: {  	v36 =	vld [tilespmem:s4+$0xE8D0]  }
0x2c4: {  	v37 =	vld [tilespmem:s4+$0xE8E0]  }
0x2c5: {  	v38 =	vld [tilespmem:s4+$0xE8F0]  }
0x2c6: {  	v39 =	vld [tilespmem:s4+$0xEC80];
	[tilespmem:$0x1FEC0] =	vst v30  }
0x2c7: {  	v30 =	vld [tilespmem:s4+$0xECC0];
	[tilespmem:$0x1FEE0] =	vst v1  }
0x2c8: {  	s7 =	sadd.s32 $0x14080, s5;
	v1 =	vld [tilespmem:s4+$0xECE0];
	[tilespmem:s5+$0x14080] =	vst v0  }
0x2c9: {  	v0 =	vadd.f32 v40, v26;
	v26 =	vld [tilespmem:s7+$0x10]  }
0x2ca: {  	v2 =	vadd.f32 v2, v28;
	v28 =	vld [tilespmem:s7+$0x20]  }
0x2cb: {  	v27 =	vadd.f32 v45, v27;
	v45 =	vld [tilespmem:s7+$0x30]  }
0x2cc: {  	v25 =	vadd.f32 v46, v25;
	v46 =	vld [tilespmem:s7+$0x40];
	v2 =	vmul.f32 $6.250000000e-02, v2  }
0x2cd: {  	v29 =	vadd.f32 v29, v31;
	v31 =	vld [tilespmem:s7+$0x50];
	v24 =	vadd.f32 v47, v24;
	v27 =	vmul.f32 $6.250000000e-02, v27  }
0x2ce: {  	v23 =	vadd.f32 v48, v23;
	v25 =	vmul.f32 $6.250000000e-02, v25;
	v2 =	vadd.f32 v26, v2;
	v26 =	vld [tilespmem:s7+$0x60]  }
0x2cf: {  	v22 =	vadd.f32 v49, v22;
	v24 =	vmul.f32 $6.250000000e-02, v24;
	v27 =	vadd.f32 v28, v27;
	v28 =	vld [tilespmem:s7+$0x70]  }
0x2d0: {  	v21 =	vadd.f32 v50, v21;
	v23 =	vmul.f32 $6.250000000e-02, v23;
	[tilespmem:s7+$0x10] =	vst v2;
	v2 =	vadd.f32 v45, v25;
	v25 =	vld [tilespmem:s7+$0x400]  }
0x2d1: {  	v20 =	vadd.f32 v51, v20;
	v22 =	vmul.f32 $6.250000000e-02, v22;
	v24 =	vadd.f32 v46, v24;
	[tilespmem:s7+$0x20] =	vst v27;
	v27 =	vld [tilespmem:s7+$0x410]  }
0x2d2: {  	v19 =	vadd.f32 v52, v19;
	v21 =	vmul.f32 $6.250000000e-02, v21;
	[tilespmem:s7+$0x30] =	vst v2;
	v2 =	vadd.f32 v31, v23;
	v23 =	vld [tilespmem:s7+$0x420]  }
0x2d3: {  	v18 =	vadd.f32 v53, v18;
	v20 =	vmul.f32 $6.250000000e-02, v20;
	[tilespmem:s7+$0x40] =	vst v24;
	v24 =	vld [tilespmem:s7+$0x430];
	v22 =	vadd.f32 v26, v22  }
0x2d4: {  	v17 =	vadd.f32 v54, v17;
	v19 =	vmul.f32 $6.250000000e-02, v19;
	[tilespmem:s7+$0x50] =	vst v2;
	v2 =	vadd.f32 v28, v21;
	v21 =	vld [tilespmem:s7+$0x440]  }
0x2d5: {  	v16 =	vadd.f32 v55, v16;
	v18 =	vmul.f32 $6.250000000e-02, v18;
	[tilespmem:s7+$0x60] =	vst v22;
	v20 =	vadd.f32 v25, v20;
	v22 =	vld [tilespmem:s7+$0x450]  }
0x2d6: {  	v15 =	vadd.f32 v56, v15;
	v17 =	vmul.f32 $6.250000000e-02, v17;
	[tilespmem:s7+$0x70] =	vst v2;
	v2 =	vadd.f32 v27, v19;
	v19 =	vld [tilespmem:s7+$0x460]  }
0x2d7: {  	v14 =	vadd.f32 v57, v14;
	v16 =	vmul.f32 $6.250000000e-02, v16;
	[tilespmem:s7+$0x400] =	vst v20;
	v18 =	vadd.f32 v23, v18;
	v20 =	vld [tilespmem:s7+$0x470]  }
0x2d8: {  	v13 =	vadd.f32 v58, v13;
	v15 =	vmul.f32 $6.250000000e-02, v15;
	[tilespmem:s7+$0x410] =	vst v2;
	v2 =	vadd.f32 v24, v17;
	v17 =	vld [tilespmem:s7+$0x800]  }
0x2d9: {  	v12 =	vadd.f32 v59, v12;
	v14 =	vmul.f32 $6.250000000e-02, v14;
	[tilespmem:s7+$0x420] =	vst v18;
	v16 =	vadd.f32 v21, v16;
	v18 =	vld [tilespmem:s7+$0x810]  }
0x2da: {  	v11 =	vadd.f32 v60, v11;
	v13 =	vmul.f32 $6.250000000e-02, v13;
	[tilespmem:s7+$0x430] =	vst v2;
	v2 =	vadd.f32 v22, v15;
	v15 =	vld [tilespmem:s7+$0x820]  }
0x2db: {  	v12 =	vmul.f32 $6.250000000e-02, v12;
	[tilespmem:s7+$0x440] =	vst v16;
	v14 =	vadd.f32 v19, v14;
	v16 =	vld [tilespmem:s7+$0x830]  }
0x2dc: {  	v9 =	vadd.f32 v62, v9;
	v11 =	vmul.f32 $6.250000000e-02, v11;
	[tilespmem:s7+$0x450] =	vst v2;
	v2 =	vadd.f32 v20, v13;
	v13 =	vld [tilespmem:s7+$0x840]  }
0x2dd: {  	v8 =	vadd.f32 v63, v8;
	[tilespmem:s7+$0x460] =	vst v14;
	v12 =	vadd.f32 v17, v12;
	v14 =	vld [tilespmem:s7+$0x850]  }
0x2de: {  	v7 =	vadd.f32 v36, v7;
	v9 =	vmul.f32 $6.250000000e-02, v9;
	[tilespmem:s7+$0x470] =	vst v2;
	v2 =	vadd.f32 v18, v11;
	v11 =	vld [tilespmem:s7+$0x860]  }
0x2df: {  	v10 =	vadd.f32 v61, v10;
	v6 =	vadd.f32 v37, v6;
	v8 =	vmul.f32 $6.250000000e-02, v8;
	[tilespmem:s7+$0x800] =	vst v12;
	v12 =	vld [tilespmem:s7+$0x870]  }
0x2e0: {  	v5 =	vadd.f32 v38, v5;
	v7 =	vmul.f32 $6.250000000e-02, v7;
	[tilespmem:s7+$0x810] =	vst v2;
	v2 =	vadd.f32 v16, v9  }
0x2e1: {  	v10 =	vmul.f32 $6.250000000e-02, v10;
	v6 =	vmul.f32 $6.250000000e-02, v6;
	v8 =	vadd.f32 v13, v8;
	v13 =	vld [tilespmem:$0x1FEA0]  }
0x2e2: {  	v5 =	vmul.f32 $6.250000000e-02, v5;
	v9 =	vld [tilespmem:s7+$0xC00];
	[tilespmem:s7+$0x830] =	vst v2;
	v2 =	vadd.f32 v14, v7  }
0x2e3: {  	[tilespmem:$0x1FED0] =	vst v30;
	v10 =	vadd.f32 v15, v10;
	v6 =	vadd.f32 v11, v6;
	v11 =	vld [tilespmem:$0x1FEC0]  }
0x2e4: {  	[tilespmem:s7+$0x850] =	vst v2;
	v2 =	vadd.f32 v12, v5;
	v12 =	vld [tilespmem:$0x1FED0]  }
0x2e5: {  	v4 =	vadd.f32 v39, v4;
	[tilespmem:s7+$0x820] =	vst v10;
	v10 =	vld [tilespmem:s7+$0xC10]  }
0x2e6: {  	v32 =	vadd.f32 v42, v32;
	v0 =	vadd.f32 v13, v0;
	v13 =	vld [tilespmem:$0x1FEB0]  }
0x2e7: {  	v4 =	vmul.f32 $6.250000000e-02, v4;
	[tilespmem:$0x1FEF0] =	vst v1;
	v1 =	vadd.f32 v41, v34;
	v34 =	vadd.f32 v43, v35;
	v7 =	vld [tilespmem:s7+$0xC20]  }
0x2e8: {  	[tilespmem:s7+$0x840] =	vst v8;
	v8 =	vld [tilespmem:s7+$0xC30];
	v11 =	vadd.f32 v11, v32  }
0x2e9: {  	v4 =	vadd.f32 v9, v4;
	v9 =	vld [tilespmem:$0x1FEE0];
	v12 =	vadd.f32 v12, v34  }
0x2ea: {  	[tilespmem:s7+$0x870] =	vst v2;
	v2 =	vmul.f32 $6.250000000e-02, v11;
	v11 =	vld [tilespmem:$0x1FEF0]  }
0x2eb: {  	[tilespmem:s7+$0xC00] =	vst v4;
	v1 =	vadd.f32 v13, v1;
	v4 =	vmul.f32 $6.250000000e-02, v12;
	v12 =	vld [tilespmem:$0x1FF00]  }
0x2ec: {  	v33 =	vadd.f32 v44, v33;
	v5 =	vld [tilespmem:s7+$0xC40];
	v0 =	vmul.f32 $6.250000000e-02, v0  }
0x2ed: {  	[tilespmem:s7+$0x860] =	vst v6;
	v6 =	vld [tilespmem:s7+$0xC50];
	v1 =	vmul.f32 $6.250000000e-02, v1  }
0x2ee: {  	v9 =	vadd.f32 v9, v33;
	v0 =	vadd.f32 v10, v0;
	v10 =	vld [tilespmem:s7+$0xC60]  }
0x2ef: {  	v11 =	vadd.f32 v11, v29;
	v1 =	vadd.f32 v7, v1;
	v7 =	vld [tilespmem:s7+$0xC70]  }
0x2f0: {  	[tilespmem:s7+$0xC10] =	vst v0;
	v0 =	vadd.f32 v8, v2;
	v2 =	vmul.f32 $6.250000000e-02, v9;
	v3 =	vadd.f32 v12, v3  }
0x2f1: {  	[tilespmem:s7+$0xC20] =	vst v1;
	v1 =	vadd.f32 v5, v4;
	v4 =	vmul.f32 $6.250000000e-02, v11  }
0x2f2: {  	[tilespmem:s7+$0xC30] =	vst v0;
	v0 =	vadd.f32 v6, v2;
	v2 =	vmul.f32 $6.250000000e-02, v3  }
0x2f3: {  	[tilespmem:s7+$0xC40] =	vst v1;
	v1 =	vadd.f32 v10, v4  }
0x2f4: {  	[tilespmem:s7+$0xC50] =	vst v0;
	v0 =	vadd.f32 v7, v2  }
0x2f5: {  	[tilespmem:s7+$0xC60] =	vst v1  }
0x2f6: {  	[tilespmem:s7+$0xC70] =	vst v0  }
0x2f7: {  	v0 =	vld @!p0 [tilespmem:s19+$0x300];
	_ =	sdelay $0x4  }
0x2f8: {  	v1 =	vshll.u32 @!p0 v0, $0x2  }
0x2f9: {  	v2 =	vlaneseq.u32 @!p0;
	v0 =	vand.u32 @!p0 $0x7, v0;
	v1 =	vand.u32 @!p0 $0xFFFFFFE0, v1  }
0x2fa: {  	v3 =	vshrl.u32 @!p0 v2, $0x3;
	v0 =	vor.u32 @!p0 v0, v1;
	v1 =	vand.u32 @!p0 $0x7, v2  }
0x2fb: {  	v3 =	vmul.u32 @!p0 $0x8, v3;
	v4 =	vperm.xlane @!p0 v0, v1;
	_ =	sdelay $0x1  }
0x2fc: {  	v4 =	vadd.s32 @!p0 v3, v4  }
0x2fd: {  	v2 =	vor.u32 @!p0 $0x8, v2  }
0x2fe: {  	v0 =	vperm.xlane @!p0 v0, v2;
	_ =	sdelay $0x1  }
0x2ff: {  	s4 =	simm.s32 @!p0 $0x0;
	s5 =	simm.s32 @!p0 $0xE080;
	v0 =	vadd.s32 @!p0 v3, v0  }
0x300: {  	[tilespmem:s5], [sflag:$0x4] =	stream.indirect_vreg.gather @!p0 [hbm4b:s1+s4], $0x80, v4, vm1, $0xb8;
	[tilespmem:$0x1C080] =	vst v63  }
0x301: {  	s5 =	simm.s32 @!p0 $0xE880  }
0x302: {  	[tilespmem:s5], [sflag:$0x4] =	stream.indirect_vreg.gather @!p0 [hbm4b:s6+s4], $0x80, v4, vm1, $0xb8;
	[tilespmem:$0x1C080] =	vst v63  }
0x303: {  	s5 =	simm.s32 @!p0 $0xF080  }
0x304: {  	[tilespmem:s5], [sflag:$0x4] =	stream.indirect_vreg.gather @!p0 [hbm4b:s1+s4], $0x80, v0, vm1, $0xb8;
	[tilespmem:$0x1C080] =	vst v63  }
0x305: {  	s5 =	simm.s32 @!p0 $0xF880  }
0x306: {  	[tilespmem:s5], [sflag:$0x4] =	stream.indirect_vreg.gather @!p0 [hbm4b:s6+s4], $0x80, v0, vm1, $0xb8;
	[tilespmem:$0x1C080] =	vst v63  }
0x307: {  	v0 =	vld @!p0 [tilespmem:s19+$0x310];
	_ =	sdelay $0x4  }
0x308: {  	v4 =	vshll.u32 @!p0 v0, $0x2  }
0x309: {  	v0 =	vand.u32 @!p0 $0x7, v0;
	v4 =	vand.u32 @!p0 $0xFFFFFFE0, v4  }
0x30a: {  	v0 =	vor.u32 @!p0 v0, v4  }
0x30b: {  	v4 =	vperm.xlane @!p0 v0, v1;
	_ =	sdelay $0x1  }
0x30c: {  	v4 =	vadd.s32 @!p0 v3, v4;
	_ =	sdelay $0x1  }
0x30d: {  	v0 =	vperm.xlane @!p0 v0, v2;
	_ =	sdelay $0x1  }
0x30e: {  	s5 =	simm.s32 @!p0 $0x10080;
	v0 =	vadd.s32 @!p0 v3, v0  }
0x30f: {  	[tilespmem:s5], [sflag:$0x4] =	stream.indirect_vreg.gather @!p0 [hbm4b:s1+s4], $0x80, v4, vm1, $0xb8;
	[tilespmem:$0x1C080] =	vst v63  }
0x310: {  	s5 =	simm.s32 @!p0 $0x10880  }
0x311: {  	[tilespmem:s5], [sflag:$0x4] =	stream.indirect_vreg.gather @!p0 [hbm4b:s6+s4], $0x80, v4, vm1, $0xb8;
	[tilespmem:$0x1C080] =	vst v63  }
0x312: {  	s5 =	simm.s32 @!p0 $0x11080  }
0x313: {  	[tilespmem:s5], [sflag:$0x4] =	stream.indirect_vreg.gather @!p0 [hbm4b:s1+s4], $0x80, v0, vm1, $0xb8;
	[tilespmem:$0x1C080] =	vst v63  }
0x314: {  	s5 =	simm.s32 @!p0 $0x11880  }
0x315: {  	[tilespmem:s5], [sflag:$0x4] =	stream.indirect_vreg.gather @!p0 [hbm4b:s6+s4], $0x80, v0, vm1, $0xb8;
	[tilespmem:$0x1C080] =	vst v63  }
0x316: {  	v0 =	vld @!p0 [tilespmem:s19+$0x320];
	_ =	sdelay $0x4  }
0x317: {  	v4 =	vshll.u32 @!p0 v0, $0x2  }
0x318: {  	v0 =	vand.u32 @!p0 $0x7, v0;
	v4 =	vand.u32 @!p0 $0xFFFFFFE0, v4  }
0x319: {  	v0 =	vor.u32 @!p0 v0, v4  }
0x31a: {  	v1 =	vperm.xlane @!p0 v0, v1;
	_ =	sdelay $0x1  }
0x31b: {  	v1 =	vadd.s32 @!p0 v3, v1;
	_ =	sdelay $0x1  }
0x31c: {  	v0 =	vperm.xlane @!p0 v0, v2;
	_ =	sdelay $0x1  }
0x31d: {  	s5 =	simm.s32 @!p0 $0x12080;
	v0 =	vadd.s32 @!p0 v3, v0  }
0x31e: {  	[tilespmem:s5], [sflag:$0x4] =	stream.indirect_vreg.gather @!p0 [hbm4b:s1+s4], $0x80, v1, vm1, $0xb8;
	[tilespmem:$0x1C080] =	vst v63  }
0x31f: {  	s5 =	simm.s32 @!p0 $0x12880  }
0x320: {  	[tilespmem:s5], [sflag:$0x4] =	stream.indirect_vreg.gather @!p0 [hbm4b:s6+s4], $0x80, v1, vm1, $0xb8;
	[tilespmem:$0x1C080] =	vst v63  }
0x321: {  	s5 =	simm.s32 @!p0 $0x13080  }
0x322: {  	[tilespmem:s5], [sflag:$0x4] =	stream.indirect_vreg.gather @!p0 [hbm4b:s1+s4], $0x80, v0, vm1, $0xb8;
	[tilespmem:$0x1C080] =	vst v63  }
0x323: {  	s5 =	simm.s32 @!p0 $0x13880  }
0x324: {  	[tilespmem:s5], [sflag:$0x4] =	stream.indirect_vreg.gather @!p0 [hbm4b:s6+s4], $0x80, v0, vm1, $0xb8;
	[tilespmem:$0x1C080] =	vst v63  }
0x325: {  	s11 =	simm.s32 $0x0;
	_ =	swait.ge [sflag:s22], $0x6000  }
0x326: {  	s19 =	sand.u32 $0x7000, s11;
	s4 =	sand.u32 $0x380, s11;
	[sflag:s22] =	ssyncset.done $0x0  }
0x327: {  	s19 =	sor.u32 s4, s19;
	[sflag:s22] =	ssyncadd.s32 $0xFFFFA000  }
0x328: {  	v0 =	vld [tilespmem:s19+$0x2CF0]  }
0x329: {  	v1 =	vld [tilespmem:s19+$0x2080]  }
0x32a: {  	v2 =	vld [tilespmem:s19+$0x2090]  }
0x32b: {  	v4 =	vld [tilespmem:s19+$0x20A0]  }
0x32c: {  	v5 =	vld [tilespmem:s19+$0x20B0]  }
0x32d: {  	v6 =	vld [tilespmem:s19+$0x20C0]  }
0x32e: {  	v7 =	vld [tilespmem:s19+$0x20D0]  }
0x32f: {  	v8 =	vld [tilespmem:s19+$0x20E0]  }
0x330: {  	v9 =	vld [tilespmem:s19+$0x20F0]  }
0x331: {  	v10 =	vld [tilespmem:s19+$0x2480]  }
0x332: {  	v11 =	vld [tilespmem:s19+$0x2490]  }
0x333: {  	v12 =	vld [tilespmem:s19+$0x24A0]  }
0x334: {  	v13 =	vld [tilespmem:s19+$0x24B0]  }
0x335: {  	v14 =	vld [tilespmem:s19+$0x24C0]  }
0x336: {  	v15 =	vld [tilespmem:s19+$0x24D0]  }
0x337: {  	v29 =	vld [tilespmem:s19+$0x24E0]  }
0x338: {  	v31 =	vld [tilespmem:s19+$0x24F0]  }
0x339: {  	v26 =	vimm.f32 $0.0e+00;
	v62 =	vld [tilespmem:s19+$0x28E0]  }
0x33a: {  	v63 =	vld [tilespmem:s19+$0x28F0];
	v3 =	vadd.f32 v0, v26;
	v30 =	vadd.f32 v1, v26  }
0x33b: {  	v0 =	vld [tilespmem:s19+$0x2880];
	v28 =	vadd.f32 v2, v26;
	v27 =	vadd.f32 v4, v26  }
0x33c: {  	v1 =	vld [tilespmem:s19+$0x2890];
	v25 =	vadd.f32 v5, v26;
	v24 =	vadd.f32 v6, v26  }
0x33d: {  	v2 =	vld [tilespmem:s19+$0x28A0];
	v23 =	vadd.f32 v7, v26;
	v22 =	vadd.f32 v8, v26  }
0x33e: {  	v4 =	vld [tilespmem:s19+$0x28B0];
	v21 =	vadd.f32 v9, v26;
	v20 =	vadd.f32 v10, v26  }
0x33f: {  	v5 =	vld [tilespmem:s19+$0x28C0];
	v19 =	vadd.f32 v11, v26;
	v18 =	vadd.f32 v12, v26  }
0x340: {  	v6 =	vld [tilespmem:s19+$0x28D0];
	v17 =	vadd.f32 v13, v26;
	v16 =	vadd.f32 v14, v26  }
0x341: {  	v15 =	vadd.f32 v15, v26;
	v14 =	vadd.f32 v29, v26;
	v29 =	vld [tilespmem:s19+$0x2C80]  }
0x342: {  	v35 =	vimm.f32 $0.0e+00;
	v40 =	vld [tilespmem:s19+$0x2C90];
	v13 =	vadd.f32 v31, v26;
	v12 =	vadd.f32 v0, v26  }
0x343: {  	v32 =	vimm.f32 $0.0e+00;
	v41 =	vld [tilespmem:s19+$0x2CA0];
	v11 =	vadd.f32 v1, v26;
	v10 =	vadd.f32 v2, v26  }
0x344: {  	v34 =	vimm.f32 $0.0e+00;
	v42 =	vld [tilespmem:s19+$0x2CB0];
	v9 =	vadd.f32 v4, v26;
	v8 =	vadd.f32 v5, v26  }
0x345: {  	s20 =	simm.s32 $0x200;
	v33 =	vimm.f32 $0.0e+00;
	s11 =	simm.s32 $0x80;
	v43 =	vld [tilespmem:s19+$0x2CC0];
	v7 =	vadd.f32 v6, v26;
	v6 =	vadd.f32 v62, v26  }
0x346: {  	s5 =	sand.u32 $0x7000, s20;
	s7 =	sand.u32 $0x380, s11;
	s4 =	simm.s32 $0x400;
	v44 =	vld [tilespmem:s19+$0x2CD0];
	v31 =	vimm.f32 $0.0e+00;
	v5 =	vadd.f32 v63, v26;
	v4 =	vadd.f32 v29, v26  }
.LBB2_9:
0x347: {  	p1 =	sne.s32 s4, $0x5E00;
	v26 =	vadd.f32 v40, v26;
	v0 =	vld [tilespmem:s19+$0x2CE0];
	s19 =	sor.u32 s7, s5  }
0x348: {  	v1 =	vld [tilespmem:s19+$0x2CF0];
	v34 =	vadd.f32 v41, v34  }
0x349: {  	v2 =	vld [tilespmem:s19+$0x2080];
	v32 =	vadd.f32 v42, v32  }
0x34a: {  	v29 =	vld [tilespmem:s19+$0x2090];
	v35 =	vadd.f32 v43, v35  }
0x34b: {  	v36 =	vld [tilespmem:s19+$0x20A0];
	v33 =	vadd.f32 v44, v33  }
0x34c: {  	v37 =	vld [tilespmem:s19+$0x20B0];
	v31 =	vadd.f32 v0, v31  }
0x34d: {  	v0 =	vld [tilespmem:s19+$0x20C0];
	v3 =	vadd.f32 v1, v3  }
0x34e: {  	v30 =	vadd.f32 v2, v30;
	v1 =	vld [tilespmem:s19+$0x20D0]  }
0x34f: {  	v28 =	vadd.f32 v29, v28;
	v2 =	vld [tilespmem:s19+$0x20E0]  }
0x350: {  	v27 =	vadd.f32 v36, v27;
	v29 =	vld [tilespmem:s19+$0x20F0]  }
0x351: {  	v25 =	vadd.f32 v37, v25;
	v36 =	vld [tilespmem:s19+$0x2480]  }
0x352: {  	v24 =	vadd.f32 v0, v24;
	v0 =	vld [tilespmem:s19+$0x2490]  }
0x353: {  	v23 =	vadd.f32 v1, v23;
	v1 =	vld [tilespmem:s19+$0x24A0]  }
0x354: {  	v22 =	vadd.f32 v2, v22;
	v2 =	vld [tilespmem:s19+$0x24B0]  }
0x355: {  	v21 =	vadd.f32 v29, v21;
	v29 =	vld [tilespmem:s19+$0x24C0]  }
0x356: {  	v20 =	vadd.f32 v36, v20;
	v36 =	vld [tilespmem:s19+$0x24D0]  }
0x357: {  	v19 =	vadd.f32 v0, v19;
	v0 =	vld [tilespmem:s19+$0x24E0]  }
0x358: {  	v18 =	vadd.f32 v1, v18;
	v1 =	vld [tilespmem:s19+$0x24F0]  }
0x359: {  	v17 =	vadd.f32 v2, v17;
	v2 =	vld [tilespmem:s19+$0x2880]  }
0x35a: {  	v16 =	vadd.f32 v29, v16;
	v29 =	vld [tilespmem:s19+$0x2890]  }
0x35b: {  	v15 =	vadd.f32 v36, v15;
	v36 =	vld [tilespmem:s19+$0x28A0]  }
0x35c: {  	v14 =	vadd.f32 v0, v14;
	v0 =	vld [tilespmem:s19+$0x28B0]  }
0x35d: {  	v13 =	vadd.f32 v1, v13;
	v1 =	vld [tilespmem:s19+$0x28C0]  }
0x35e: {  	v12 =	vadd.f32 v2, v12;
	v2 =	vld [tilespmem:s19+$0x28D0]  }
0x35f: {  	v11 =	vadd.f32 v29, v11;
	v29 =	vld [tilespmem:s19+$0x28E0]  }
0x360: {  	v10 =	vadd.f32 v36, v10;
	v36 =	vld [tilespmem:s19+$0x28F0]  }
0x361: {  	v9 =	vadd.f32 v0, v9;
	v0 =	vld [tilespmem:s19+$0x2C80]  }
.Ltmp5:
0x362: {  	v8 =	vadd.f32 v1, v8;
	v40 =	vld [tilespmem:s19+$0x2C90];
	(pc) =	sbr.rel @p1 .LBB2_9-.Ltmp5, $4  }
0x363: {  	v7 =	vadd.f32 v2, v7;
	v41 =	vld [tilespmem:s19+$0x2CA0]  }
0x364: {  	v6 =	vadd.f32 v29, v6;
	v42 =	vld [tilespmem:s19+$0x2CB0]  }
0x365: {  	s11 =	sadd.s32 $0x80, s11;
	v5 =	vadd.f32 v36, v5;
	v43 =	vld [tilespmem:s19+$0x2CC0]  }
0x366: {  	s5 =	sand.u32 $0x7000, s4;
	s4 =	sadd.s32 $0x200, s4;
	s7 =	sand.u32 $0x380, s11;
	v4 =	vadd.f32 v0, v4;
	v44 =	vld [tilespmem:s19+$0x2CD0]  }
0x367: {  	s4 =	sor.u32 s7, s5;
	v29 =	vld [tilespmem:s19+$0x2CE0]  }
0x368: {  	v0 =	vld [tilespmem:s4+$0x2CF0]  }
0x369: {  	v2 =	vld [tilespmem:s4+$0x2090]  }
0x36a: {  	v45 =	vld [tilespmem:s4+$0x20A0]  }
0x36b: {  	v46 =	vld [tilespmem:s4+$0x20B0]  }
0x36c: {  	v47 =	vld [tilespmem:s4+$0x20C0]  }
0x36d: {  	v48 =	vld [tilespmem:s4+$0x20D0]  }
0x36e: {  	v49 =	vld [tilespmem:s4+$0x20E0]  }
0x36f: {  	v50 =	vld [tilespmem:s4+$0x20F0]  }
0x370: {  	v51 =	vld [tilespmem:s4+$0x2480]  }
0x371: {  	v52 =	vld [tilespmem:s4+$0x2490]  }
0x372: {  	v53 =	vld [tilespmem:s4+$0x24A0]  }
0x373: {  	v54 =	vld [tilespmem:s4+$0x24B0]  }
0x374: {  	v55 =	vld [tilespmem:s4+$0x24C0]  }
0x375: {  	v56 =	vld [tilespmem:s4+$0x24D0]  }
0x376: {  	[tilespmem:$0x1FE90] =	vst v0;
	v0 =	vld [tilespmem:s4+$0x2080]  }
0x377: {  	v57 =	vld [tilespmem:s4+$0x24E0]  }
0x378: {  	v58 =	vld [tilespmem:s4+$0x24F0]  }
0x379: {  	v59 =	vld [tilespmem:s4+$0x2880]  }
0x37a: {  	v60 =	vld [tilespmem:s4+$0x2890]  }
0x37b: {  	v30 =	vadd.f32 v0, v30;
	v0 =	vld [tilespmem:s4+$0x2C90]  }
0x37c: {  	v61 =	vld [tilespmem:s4+$0x28A0]  }
0x37d: {  	v62 =	vld [tilespmem:s4+$0x28B0]  }
0x37e: {  	v63 =	vld [tilespmem:s4+$0x28C0]  }
0x37f: {  	v36 =	vld [tilespmem:s4+$0x28D0]  }
0x380: {  	s18 =	sadd.s32 $0x3, s18;
	[tilespmem:$0x1FE30] =	vst v0;
	v0 =	vld [tilespmem:s4+$0x2CA0]  }
0x381: {  	v37 =	vld [tilespmem:s4+$0x28E0];
	s19 =	sshll.u32 s18, $0x9;
	s5 =	sshll.u32 s18, $0x7  }
0x382: {  	v38 =	vld [tilespmem:s4+$0x28F0];
	s7 =	sand.u32 $0x1F000, s19;
	s5 =	sand.u32 $0x380, s5  }
0x383: {  	v39 =	vld [tilespmem:s4+$0x2C80];
	s5 =	sor.u32 s5, s7  }
0x384: {  	v1 =	vld [tilespmem:s5+$0x14080]  }
0x385: {  	s20 =	sadd.s32 $0x14080, s5;
	[tilespmem:$0x1FE40] =	vst v0;
	v0 =	vmul.f32 $6.250000000e-02, v30;
	v30 =	vld [tilespmem:s4+$0x2CB0]  }
0x386: {  	v32 =	vadd.f32 v42, v32;
	v42 =	vld [tilespmem:s20+$0x50]  }
0x387: {  	v33 =	vadd.f32 v44, v33;
	v44 =	vld [tilespmem:s20+$0x70]  }
0x388: {  	v29 =	vadd.f32 v29, v31;
	v31 =	vld [tilespmem:s20+$0x860]  }
0x389: {  	v25 =	vadd.f32 v46, v25;
	v46 =	vld [tilespmem:s20+$0x400]  }
0x38a: {  	[tilespmem:$0x1FE50] =	vst v30;
	v30 =	vld [tilespmem:s4+$0x2CC0]  }
0x38b: {  	v24 =	vadd.f32 v47, v24;
	v47 =	vld [tilespmem:s20+$0x410]  }
0x38c: {  	v22 =	vadd.f32 v49, v22;
	v49 =	vld [tilespmem:s20+$0x420]  }
0x38d: {  	v21 =	vadd.f32 v50, v21;
	v50 =	vld [tilespmem:s20+$0x430]  }
0x38e: {  	v19 =	vadd.f32 v52, v19;
	v52 =	vld [tilespmem:s20+$0x440]  }
0x38f: {  	v23 =	vadd.f32 v48, v23;
	v0 =	vadd.f32 v1, v0;
	[tilespmem:$0x1FE60] =	vst v30;
	v30 =	vld [tilespmem:s4+$0x2CD0]  }
0x390: {  	v1 =	vadd.f32 v41, v34;
	v34 =	vadd.f32 v43, v35;
	v43 =	vld [tilespmem:s20+$0x60]  }
0x391: {  	v18 =	vadd.f32 v53, v18;
	v53 =	vld [tilespmem:s20+$0x450]  }
0x392: {  	v16 =	vadd.f32 v55, v16;
	v55 =	vld [tilespmem:s20+$0x460];
	v23 =	vmul.f32 $6.250000000e-02, v23  }
0x393: {  	v20 =	vadd.f32 v51, v20;
	v15 =	vadd.f32 v56, v15;
	v56 =	vld [tilespmem:s20+$0x470];
	v22 =	vmul.f32 $6.250000000e-02, v22  }
0x394: {  	v13 =	vadd.f32 v58, v13;
	v58 =	vld [tilespmem:s20+$0x800];
	v21 =	vmul.f32 $6.250000000e-02, v21;
	v48 =	vadd.f32 v42, v23;
	[tilespmem:$0x1FE70] =	vst v30  }
0x395: {  	v17 =	vadd.f32 v54, v17;
	v20 =	vmul.f32 $6.250000000e-02, v20;
	v22 =	vadd.f32 v43, v22;
	v30 =	vld [tilespmem:s4+$0x2CE0];
	[tilespmem:s5+$0x14080] =	vst v0  }
0x396: {  	v6 =	vadd.f32 v37, v6;
	v37 =	vld [tilespmem:s20+$0xC00];
	v19 =	vmul.f32 $6.250000000e-02, v19;
	v51 =	vadd.f32 v44, v21;
	[tilespmem:s20+$0x50] =	vst v48  }
0x397: {  	v5 =	vadd.f32 v38, v5;
	v38 =	vld [tilespmem:s20+$0xC10];
	v18 =	vmul.f32 $6.250000000e-02, v18;
	v20 =	vadd.f32 v46, v20;
	[tilespmem:s20+$0x60] =	vst v22  }
0x398: {  	v17 =	vmul.f32 $6.250000000e-02, v17;
	v54 =	vadd.f32 v47, v19;
	v42 =	vld [tilespmem:$0x1FE40];
	[tilespmem:s20+$0x70] =	vst v51  }
0x399: {  	v14 =	vadd.f32 v57, v14;
	v16 =	vmul.f32 $6.250000000e-02, v16;
	v21 =	vld [tilespmem:s20+$0x810];
	v18 =	vadd.f32 v49, v18;
	[tilespmem:s20+$0x400] =	vst v20  }
0x39a: {  	v12 =	vadd.f32 v59, v12;
	v15 =	vmul.f32 $6.250000000e-02, v15;
	v57 =	vadd.f32 v50, v17;
	v46 =	vld [tilespmem:s20+$0xC40];
	[tilespmem:s20+$0x410] =	vst v54  }
0x39b: {  	v14 =	vmul.f32 $6.250000000e-02, v14;
	v16 =	vadd.f32 v52, v16;
	v41 =	vld [tilespmem:s20+$0xC20];
	[tilespmem:s20+$0x420] =	vst v18  }
0x39c: {  	v4 =	vadd.f32 v39, v4;
	v12 =	vmul.f32 $6.250000000e-02, v12;
	v23 =	vadd.f32 v53, v15;
	v47 =	vld [tilespmem:$0x1FE60];
	[tilespmem:s20+$0x430] =	vst v57  }
0x39d: {  	v6 =	vmul.f32 $6.250000000e-02, v6;
	v14 =	vadd.f32 v55, v14;
	v55 =	vld [tilespmem:$0x1FE90];
	v1 =	vadd.f32 v42, v1;
	[tilespmem:s20+$0x440] =	vst v16  }
0x39e: {  	v4 =	vmul.f32 $6.250000000e-02, v4;
	v12 =	vadd.f32 v58, v12;
	v0 =	vadd.f32 v40, v26;
	v40 =	vld [tilespmem:s20+$0x40];
	[tilespmem:s20+$0x450] =	vst v23  }
0x39f: {  	v6 =	vadd.f32 v31, v6;
	v39 =	vld [tilespmem:$0x1FE30];
	v1 =	vmul.f32 $6.250000000e-02, v1;
	[tilespmem:s20+$0x460] =	vst v14  }
0x3a0: {  	v11 =	vadd.f32 v60, v11;
	v4 =	vadd.f32 v37, v4;
	[tilespmem:s20+$0x800] =	vst v12;
	v54 =	vld [tilespmem:s20+$0xC70]  }
0x3a1: {  	v24 =	vmul.f32 $6.250000000e-02, v24;
	v1 =	vadd.f32 v41, v1;
	[tilespmem:s20+$0x860] =	vst v6;
	v26 =	vld [tilespmem:s20+$0x10];
	v12 =	vadd.f32 v47, v34  }
0x3a2: {  	v2 =	vadd.f32 v2, v28;
	v11 =	vmul.f32 $6.250000000e-02, v11;
	v3 =	vadd.f32 v55, v3;
	[tilespmem:s20+$0xC00] =	vst v4;
	v28 =	vld [tilespmem:s20+$0x20]  }
0x3a3: {  	v27 =	vadd.f32 v45, v27;
	[tilespmem:s20+$0xC20] =	vst v1;
	v45 =	vld [tilespmem:s20+$0x30];
	v53 =	vmul.f32 $6.250000000e-02, v12;
	v24 =	vadd.f32 v40, v24  }
0x3a4: {  	v10 =	vadd.f32 v61, v10;
	v61 =	vmul.f32 $6.250000000e-02, v3;
	v44 =	vld [tilespmem:$0x1FE50];
	[tilespmem:$0x1FE80] =	vst v30;
	v30 =	vadd.f32 v21, v11  }
0x3a5: {  	v8 =	vadd.f32 v63, v8;
	v2 =	vmul.f32 $6.250000000e-02, v2;
	v35 =	vld [tilespmem:s20+$0x870];
	v58 =	vadd.f32 v46, v53;
	[tilespmem:s20+$0x40] =	vst v24  }
0x3a6: {  	v27 =	vmul.f32 $6.250000000e-02, v27;
	v25 =	vmul.f32 $6.250000000e-02, v25;
	v43 =	vld [tilespmem:s20+$0xC30];
	v63 =	vadd.f32 v54, v61;
	[tilespmem:s20+$0x810] =	vst v30  }
0x3a7: {  	v49 =	vld [tilespmem:$0x1FE70];
	v0 =	vadd.f32 v39, v0;
	v2 =	vadd.f32 v26, v2;
	[tilespmem:s20+$0xC40] =	vst v58  }
0x3a8: {  	v13 =	vmul.f32 $6.250000000e-02, v13;
	v27 =	vadd.f32 v28, v27;
	v45 =	vadd.f32 v45, v25;
	v25 =	vld [tilespmem:s20+$0x830];
	[tilespmem:s20+$0xC70] =	vst v63  }
0x3a9: {  	v0 =	vmul.f32 $6.250000000e-02, v0;
	v11 =	vadd.f32 v44, v32;
	v28 =	vld [tilespmem:s20+$0x850];
	[tilespmem:s20+$0x10] =	vst v2  }
0x3aa: {  	v9 =	vadd.f32 v62, v9;
	v5 =	vmul.f32 $6.250000000e-02, v5;
	v26 =	vadd.f32 v56, v13;
	v52 =	vld [tilespmem:$0x1FE80];
	[tilespmem:s20+$0x20] =	vst v27  }
0x3ab: {  	v7 =	vadd.f32 v36, v7;
	v0 =	vadd.f32 v38, v0;
	v24 =	vld [tilespmem:s20+$0x820];
	v50 =	vmul.f32 $6.250000000e-02, v11;
	[tilespmem:s20+$0x30] =	vst v45  }
0x3ac: {  	v9 =	vmul.f32 $6.250000000e-02, v9;
	v27 =	vld [tilespmem:s20+$0x840];
	[tilespmem:s20+$0x470] =	vst v26;
	v45 =	vadd.f32 v35, v5  }
0x3ad: {  	v7 =	vmul.f32 $6.250000000e-02, v7;
	v48 =	vld [tilespmem:s20+$0xC50];
	[tilespmem:s20+$0xC10] =	vst v0;
	v56 =	vadd.f32 v43, v50  }
0x3ae: {  	v10 =	vmul.f32 $6.250000000e-02, v10;
	v51 =	vld [tilespmem:s20+$0xC60];
	[tilespmem:s20+$0x870] =	vst v45;
	v36 =	vadd.f32 v25, v9;
	v9 =	vadd.f32 v49, v33  }
0x3af: {  	v8 =	vmul.f32 $6.250000000e-02, v8;
	v40 =	vadd.f32 v28, v7;
	v11 =	vadd.f32 v52, v29;
	[tilespmem:s20+$0xC30] =	vst v56  }
0x3b0: {  	v10 =	vadd.f32 v24, v10;
	[tilespmem:s20+$0x830] =	vst v36;
	v57 =	vmul.f32 $6.250000000e-02, v9  }
.Ltmp6:
0x3b1: {  	v8 =	vadd.f32 v27, v8;
	[tilespmem:s20+$0x850] =	vst v40;
	v59 =	vmul.f32 $6.250000000e-02, v11;
	(pc) =	sbr.rel @p0 .LBB2_12-.Ltmp6, $4  }
0x3b2: {  	[tilespmem:s20+$0x820] =	vst v10;
	v60 =	vadd.f32 v48, v57  }
0x3b3: {  	[tilespmem:s20+$0x840] =	vst v8;
	v62 =	vadd.f32 v51, v59  }
0x3b4: {  	[tilespmem:s20+$0xC50] =	vst v60  }
0x3b5: {  	[tilespmem:s20+$0xC60] =	vst v62  }
0x3b6: {  	s4 =	smul.u32 $0x600, s17;
	_ =	sdelay $0x1  }
0x3b7: {  	s4 =	sshra.s32 s4, $0x2  }
0x3b8: {  	v0 =	vld [tilespmem:s4+$0x380];
	_ =	sdelay $0x2  }
0x3b9: {  	v2 =	vld [tilespmem:$0x1FFD0];
	_ =	sdelay $0x1  }
0x3ba: {  	v3 =	vld [tilespmem:$0x1FFE0];
	v1 =	vshll.u32 v0, $0x2  }
0x3bb: {  	v0 =	vand.u32 $0x7, v0;
	v1 =	vand.u32 $0xFFFFFFE0, v1  }
0x3bc: {  	v4 =	vld [tilespmem:$0x1FFF0];
	v0 =	vor.u32 v0, v1  }
0x3bd: {  	v1 =	vperm.xlane v0, v2;
	_ =	sdelay $0x1  }
0x3be: {  	v1 =	vadd.s32 v3, v1;
	_ =	sdelay $0x1  }
0x3bf: {  	v0 =	vperm.xlane v0, v4;
	_ =	sdelay $0x1  }
0x3c0: {  	v0 =	vadd.s32 v3, v0  }
0x3c1: {  	[tilespmem:s28], [sflag:$0x2] =	stream.indirect_vreg.gather [hbm4b:s1+s3], $0x80, v1, vm0, $0xb8;
	[tilespmem:$0x1C080] =	vst v63  }
0x3c2: {  	_ = 	snop  }
0x3c3: {  	[tilespmem:s29], [sflag:$0x2] =	stream.indirect_vreg.gather [hbm4b:s6+s3], $0x80, v1, vm0, $0xb8;
	[tilespmem:$0x1C080] =	vst v63  }
0x3c4: {  	_ = 	snop  }
0x3c5: {  	[tilespmem:s30], [sflag:$0x2] =	stream.indirect_vreg.gather [hbm4b:s1+s3], $0x80, v0, vm0, $0xb8;
	[tilespmem:$0x1C080] =	vst v63  }
0x3c6: {  	_ = 	snop  }
0x3c7: {  	[tilespmem:s31], [sflag:$0x2] =	stream.indirect_vreg.gather [hbm4b:s6+s3], $0x80, v0, vm0, $0xb8;
	[tilespmem:$0x1C080] =	vst v63  }
0x3c8: {  	v0 =	vld [tilespmem:s4+$0x390];
	_ =	sdelay $0x4  }
0x3c9: {  	v62 =	vshll.u32 v0, $0x2  }
0x3ca: {  	v0 =	vand.u32 $0x7, v0;
	v1 =	vand.u32 $0xFFFFFFE0, v62  }
0x3cb: {  	v0 =	vor.u32 v0, v1  }
0x3cc: {  	v1 =	vperm.xlane v0, v2;
	_ =	sdelay $0x1  }
0x3cd: {  	v1 =	vadd.s32 v3, v1;
	_ =	sdelay $0x1  }
0x3ce: {  	v0 =	vperm.xlane v0, v4;
	_ =	sdelay $0x1  }
0x3cf: {  	v0 =	vadd.s32 v3, v0  }
0x3d0: {  	[tilespmem:s0], [sflag:$0x2] =	stream.indirect_vreg.gather [hbm4b:s1+s3], $0x80, v1, vm0, $0xb8;
	[tilespmem:$0x1C080] =	vst v63  }
0x3d1: {  	_ = 	snop  }
0x3d2: {  	[tilespmem:s2], [sflag:$0x2] =	stream.indirect_vreg.gather [hbm4b:s6+s3], $0x80, v1, vm0, $0xb8;
	[tilespmem:$0x1C080] =	vst v63  }
0x3d3: {  	_ = 	snop  }
0x3d4: {  	[tilespmem:s10], [sflag:$0x2] =	stream.indirect_vreg.gather [hbm4b:s1+s3], $0x80, v0, vm0, $0xb8;
	[tilespmem:$0x1C080] =	vst v63  }
0x3d5: {  	_ = 	snop  }
0x3d6: {  	[tilespmem:s12], [sflag:$0x2] =	stream.indirect_vreg.gather [hbm4b:s6+s3], $0x80, v0, vm0, $0xb8;
	[tilespmem:$0x1C080] =	vst v63  }
0x3d7: {  	v0 =	vld [tilespmem:s4+$0x3A0];
	_ =	sdelay $0x4  }
0x3d8: {  	v63 =	vshll.u32 v0, $0x2  }
0x3d9: {  	v0 =	vand.u32 $0x7, v0;
	v1 =	vand.u32 $0xFFFFFFE0, v63  }
0x3da: {  	v0 =	vor.u32 v0, v1  }
0x3db: {  	v1 =	vperm.xlane v0, v2;
	_ =	sdelay $0x1  }
0x3dc: {  	v1 =	vadd.s32 v3, v1;
	_ =	sdelay $0x2  }
0x3dd: {  	v0 =	vperm.xlane v0, v4;
	_ =	sdelay $0x1  }
0x3de: {  	v0 =	vadd.s32 v3, v0;
	[tilespmem:s13], [sflag:$0x2] =	stream.indirect_vreg.gather [hbm4b:s1+s3], $0x80, v1, vm0, $0xb8;
	[tilespmem:$0x1C080] =	vst v63  }
0x3df: {  	_ = 	snop  }
0x3e0: {  	[tilespmem:s14], [sflag:$0x2] =	stream.indirect_vreg.gather [hbm4b:s6+s3], $0x80, v1, vm0, $0xb8;
	[tilespmem:$0x1C080] =	vst v63  }
.Ltmp7:
0x3e1: {  	_ = 	snop;
	(pc) =	sbr.rel .LBB2_4-.Ltmp7, $4  }
0x3e2: {  	_ = 	snop  }
0x3e3: {  	[tilespmem:s15], [sflag:$0x2] =	stream.indirect_vreg.gather [hbm4b:s1+s3], $0x80, v0, vm0, $0xb8;
	[tilespmem:$0x1C080] =	vst v63  }
0x3e4: {  	s17 =	sadd.s32 $0x1, s17  }
0x3e5: {  	[tilespmem:s16], [sflag:$0x2] =	stream.indirect_vreg.gather [hbm4b:s6+s3], $0x80, v0, vm0, $0xb8;
	[tilespmem:$0x1C080] =	vst v63  }
.LBB2_13:
0x3e6: {  	_ =	sfence.sel $0x180000  }
0x3e7: {  	[bflag:$0x0] =	sbarrier.arrive $0xFFFF  }
0x3e8: {  	_ =	strace $0x90000047  }
0x3e9: {  	s0 =	stileid.u32;
	[bflag:$0x2] =	sbarrier.arrive $0xFFFF  }
0x3ea: {  	p0 =	sne.s32 s0, $0x0;
	s0 =	rddreg [dreg:$0x4]  }
0x3eb: {  	s0 =	sadd.s32 @!p0 $0x100000, s0  }
0x3ec: {  	[sflag:s0] =	ssyncadd.tile.s32 @!p0 $0x1;
	_ =	shalt  }
.Lfunc_end2:
_tile_overlayer_lowered:
.L_overlay_start_2:
0x3ed: {  	(tag) =	ssettag $0x2  }
0x3ee: {  	s0 =	rddreg [dreg:$0x0];
	s2 =	stileid.u32  }
0x3ef: {  	s1 =	rddreg [dreg:$0x1];
	p0 =	sne.s32 s2, $0x0  }
0x3f0: {  	s3 =	rddreg [dreg:$0x2];
	[bflag:$0x3] =	sbarrier.arrive $0xFFFF;
	s2 =	simm.s32 @!p0 $0x1C05  }
0x3f1: {  	[timem:s3], [sflag:s2] =	dma.local @!p0 [hbm:s0], s1  }
0x3f2: {  	s0 =	simm.s32 @!p0 $0x5  }
0x3f3: {  	_ =	swait.ge @!p0 [sflag:s0], s1  }
0x3f4: {  	s1 =	ssub.s32 @!p0 $0x0, s1;
	[sflag:s0] =	ssyncset.done @!p0 $0x0  }
0x3f5: {  	[sflag:s0] =	ssyncadd.s32 @!p0 s1  }
0x3f6: {  	[bflag:$0x3] =	sbarrier.arrive $0xFFFF  }
0x3f7: {  	_ =	shalt  }

</sc_bundles>
